<compile_context>
chip_gen: v7x
topology: tpu7x:2x2x1
jax: 0.10.2.dev20260603
libtpu: 0.0.44.dev20260713+nightly
codegen_flags: <defaults>
</compile_context>

<pallas_src>
import functools

import jax
import jax.numpy as jnp
from jax import lax
from jax.experimental import pallas as pl
from jax.experimental.pallas import tpu as pltpu
from jax.experimental.pallas import tpu_sc as plsc

HASH_SIZE = 1000000
DIM = 32
OUT_DIM = 128
BATCH = 4
SEQ = 4096
TOT = BATCH * SEQ
NW = 32
CHUNK = TOT // NW
LANES = 16
IDX_ROWS = CHUNK // 128

_mesh = plsc.VectorSubcoreMesh(core_axis_name="c", subcore_axis_name="s")


@functools.partial(
    pl.kernel,
    mesh=_mesh,
    out_type=jax.ShapeDtypeStruct((TOT, DIM), jnp.float32),
    compiler_params=pltpu.CompilerParams(use_tc_tiling_on_sc=False),
    scratch_types=[
        pltpu.VMEM((CHUNK + 8,), jnp.int32),
        pltpu.VMEM((IDX_ROWS, 128), jnp.int32),
        pltpu.VMEM((CHUNK, DIM), jnp.float32),
        pltpu.SemaphoreType.DMA,
    ],
)
def _sc_hash_gather(tok_hbm, table_hbm, out_hbm, ext_v, idx_v, rows_v, sem):
    wid = lax.axis_index("s") * 2 + lax.axis_index("c")
    base = wid * CHUNK
    col = base % SEQ

    @pl.when(wid == 0)
    def _():
        pltpu.sync_copy(tok_hbm.at[pl.ds(0, CHUNK)], ext_v.at[pl.ds(8, CHUNK)])

    @pl.when(wid != 0)
    def _():
        pltpu.sync_copy(tok_hbm.at[pl.ds(base - 8, CHUNK + 8)], ext_v)

    lane = lax.iota(jnp.int32, 16)
    nz = jnp.minimum(col, 1)
    for q in range(CHUNK // LANES):
        prev = ext_v[pl.ds(7 + q * LANES, LANES)]
        cur = ext_v[pl.ds(8 + q * LANES, LANES)]
        h = (prev * 31 + cur) % HASH_SIZE
        if q == 0:
            h = h * jnp.minimum(lane + nz, 1)
        idx_v[q // 8, pl.ds((q % 8) * LANES, LANES)] = h

    copies = [
        pltpu.async_copy(
            table_hbm.at[idx_v.at[j]], rows_v.at[pl.ds(j * 128, 128)], sem
        )
        for j in range(IDX_ROWS)
    ]
    for cp in copies:
        cp.wait()

    pltpu.sync_copy(rows_v, out_hbm.at[pl.ds(base, CHUNK)])


def _mm_body(e_ref, wt_ref, o_ref):
    o_ref[...] = jnp.dot(
        e_ref[...], wt_ref[...], preferred_element_type=jnp.float32
    )


_MM_BLK = 2048
_mm = pl.pallas_call(
    _mm_body,
    grid=(TOT // _MM_BLK,),
    in_specs=[
        pl.BlockSpec((_MM_BLK, DIM), lambda i: (i, 0)),
        pl.BlockSpec((DIM, OUT_DIM), lambda i: (0, 0)),
    ],
    out_specs=pl.BlockSpec((_MM_BLK, OUT_DIM), lambda i: (i, 0)),
    out_shape=jax.ShapeDtypeStruct((TOT, OUT_DIM), jnp.float32),
)


def kernel(tokens, emb_table, W):
    tok32 = tokens.astype(jnp.int32).reshape(TOT)
    e = _sc_hash_gather(tok32, emb_table)
    out = _mm(e, W.T)
    return out.reshape(BATCH, SEQ, OUT_DIM)

# --- scband reference (transcript-rebuilt; emitter-appended) ---
"""Pipeline reference for scband-engram-memory-49417893708049 (READ-ONLY COPY).

The authoritative reference and input builder live on the scoring server;
editing this copy changes nothing except your own understanding.
"""

import jax, jax.numpy as jnp
import numpy as np

SIZE = 1000000
DIM = 32
OUT_DIM = 128


def setup_inputs(seed: int = 0) -> dict:
    key = jax.random.key(seed)
    k1, k2, k3 = jax.random.split(key, 3)
    tokens = jax.random.randint(k1, (4, 4096), 0, 50257, dtype=jnp.int64)
    emb_table = jax.random.normal(k2, (SIZE, DIM), dtype=jnp.float32)
    W = jax.random.normal(k3, (OUT_DIM, DIM), dtype=jnp.float32) * (1.0 / np.sqrt(DIM))
    return {"tokens": tokens, "emb_table": emb_table, "W": W}


def reference(tokens, emb_table, W):
    # h = (tokens[:, :-1] * 31 + tokens[:, 1:]) % size
    h = (tokens[:, :-1] * 31 + tokens[:, 1:]) % SIZE
    zeros_col = jnp.zeros((tokens.shape[0], 1), dtype=tokens.dtype)
    h = jnp.concatenate([zeros_col, h], axis=1)
    # embedding lookup (gather)
    e = jnp.take(emb_table, h, axis=0)  # [B, S, DIM]
    # CastedLinear: F.linear(x, W) == x @ W.T
    out = jnp.einsum("bsd,od->bso", e, W)
    return out

if __name__ == "__main__":
    import jax
    _d = setup_inputs()
    print(jax.jit(kernel)(*tuple(_d.values())))

</pallas_src>

<mosaic_0001>
#map = affine_map<(d0, d1) -> (0)>
#map1 = affine_map<(d0, d1) -> (0, 0)>
module attributes {stable_mosaic.version = 14 : i64} {
  func.func @_sc_hash_gather(%arg0: i32, %arg1: i32, %arg2: memref<16384xi32, #tpu.memory_space<hbm>>, %arg3: memref<1000000x32xf32, #tpu.memory_space<hbm>>, %arg4: memref<16384x32xf32, #tpu.memory_space<hbm>>, %arg5: memref<520xi32, #tpu.memory_space<vmem>>, %arg6: memref<4x128xi32, #tpu.memory_space<vmem>>, %arg7: memref<512x32xf32, #tpu.memory_space<vmem>>, %arg8: memref<!tpu.dma_semaphore, #tpu.memory_space<semaphore_mem>>) attributes {dimension_semantics = [#tpu.dimension_semantics<core_parallel>, #tpu.dimension_semantics<subcore_parallel>], iteration_bounds = array<i64: 2, 16>, scalar_prefetch = 0 : i64, scratch_operands = 4 : i64, tpu.core_type = #tpu.core_type<sc_vector_subcore>, window_params = [{transform_indices = #map}, {transform_indices = #map1}, {transform_indices = #map1}]} {
    %mul3A = arith.constant 2 : i32
    %mul3A_0 = arith.muli %arg1, %mul3A : i32
    %add3A = arith.addi %mul3A_0, %arg0 : i32
    %mul3A_1 = arith.constant 512 : i32
    %mul3A_2 = arith.muli %add3A, %mul3A_1 : i32
    %jit3A = arith.constant 4096 : i32
    %eq3A = arith.constant 0 : i32
    %eq3A_3 = arith.cmpi eq, %jit3A, %eq3A : i32
    %jit3A_4 = arith.constant 1 : i32
    %select_n3A = arith.select %eq3A_3, %jit3A_4, %jit3A : i32
    %rem3A = arith.remsi %mul3A_2, %select_n3A : i32
    %ne3A = arith.constant 0 : i32
    %ne3A_5 = arith.cmpi ne, %rem3A, %ne3A : i32
    %lt3A = arith.constant 0 : i32
    %lt3A_6 = arith.cmpi slt, %rem3A, %lt3A : i32
    %lt3A_7 = arith.constant 0 : i32
    %lt3A_8 = arith.cmpi slt, %select_n3A, %lt3A_7 : i32
    %ne3A_9 = arith.xori %lt3A_6, %lt3A_8 : i1
    %and3A = arith.andi %ne3A_9, %ne3A_5 : i1
    %add3A_10 = arith.addi %rem3A, %select_n3A : i32
    %select_n3A_11 = arith.select %and3A, %add3A_10, %rem3A : i32
    %eq3A_12 = arith.constant 0 : i32
    %eq3A_13 = arith.cmpi eq, %add3A, %eq3A_12 : i32
    %convert_element_type3A = arith.extui %eq3A_13 : i1 to i32
    %cond3A = arith.constant 0 : i32
    %cond3A_14 = arith.cmpi ne, %convert_element_type3A, %cond3A : i32
    scf.if %cond3A_14 {
      "tpu.region"() ({
        %run_scoped3A = tpu.sem_alloc : memref<!tpu.dma_semaphore, #tpu.memory_space<semaphore_mem>>
        %dma_start3A_1319 = arith.constant 8 : i32
        %dma_start3A_1320 = tpu.memref_slice %arg5[%dma_start3A_1319] : memref<520xi32, #tpu.memory_space<vmem>> -> memref<512xi32, #tpu.memory_space<vmem>>
        %dma_start3A_1321 = arith.constant 0 : i32
        %dma_start3A_1322 = tpu.memref_slice %arg2[%dma_start3A_1321] : memref<16384xi32, #tpu.memory_space<hbm>> -> memref<512xi32, #tpu.memory_space<hbm>>
        %dma_start3A_1323 = arith.constant 8 : i32
        %dma_start3A_1324 = tpu.memref_slice %arg5[%dma_start3A_1323] : memref<520xi32, #tpu.memory_space<vmem>> -> memref<512xi32, #tpu.memory_space<vmem>>
        %dma_start3A_1325 = arith.constant 0 : i32
        %dma_start3A_1326 = tpu.memref_slice %arg2[%dma_start3A_1325] : memref<16384xi32, #tpu.memory_space<hbm>> -> memref<512xi32, #tpu.memory_space<hbm>>
        tpu.enqueue_dma source(%dma_start3A_1326 : memref<512xi32, #tpu.memory_space<hbm>>) target(%dma_start3A_1324 : memref<512xi32, #tpu.memory_space<vmem>>) target_semaphore(%run_scoped3A : memref<!tpu.dma_semaphore, #tpu.memory_space<semaphore_mem>>)
        %dma_wait3A_1327 = arith.constant 8 : i32
        %dma_wait3A_1328 = tpu.memref_slice %arg5[%dma_wait3A_1327] : memref<520xi32, #tpu.memory_space<vmem>> -> memref<512xi32, #tpu.memory_space<vmem>>
        %dma_wait3A_1329 = arith.constant 0 : i32
        %dma_wait3A_1330 = tpu.memref_slice %arg2[%dma_wait3A_1329] : memref<16384xi32, #tpu.memory_space<hbm>> -> memref<512xi32, #tpu.memory_space<hbm>>
        %dma_wait3A_1331 = arith.constant 8 : i32
        %dma_wait3A_1332 = tpu.memref_slice %arg5[%dma_wait3A_1331] : memref<520xi32, #tpu.memory_space<vmem>> -> memref<512xi32, #tpu.memory_space<vmem>>
        %dma_wait3A_1333 = arith.constant 0 : i32
        %dma_wait3A_1334 = tpu.memref_slice %arg2[%dma_wait3A_1333] : memref<16384xi32, #tpu.memory_space<hbm>> -> memref<512xi32, #tpu.memory_space<hbm>>
        tpu.wait_dma2 semaphore(%run_scoped3A : memref<!tpu.dma_semaphore, #tpu.memory_space<semaphore_mem>>) src(%dma_wait3A_1334 : memref<512xi32, #tpu.memory_space<hbm>>) dst(%dma_wait3A_1332 : memref<512xi32, #tpu.memory_space<vmem>>)
        tpu.yield
      }) : () -> ()
    } else {
    }
    %ne3A_15 = arith.constant 0 : i32
    %ne3A_16 = arith.cmpi ne, %add3A, %ne3A_15 : i32
    %convert_element_type3A_17 = arith.extui %ne3A_16 : i1 to i32
    %cond3A_18 = arith.constant 0 : i32
    %cond3A_19 = arith.cmpi ne, %convert_element_type3A_17, %cond3A_18 : i32
    scf.if %cond3A_19 {
      %sub3A = arith.constant 8 : i32
      %sub3A_1319 = arith.subi %mul3A_2, %sub3A : i32
      "tpu.region"() ({
        %run_scoped3A = tpu.sem_alloc : memref<!tpu.dma_semaphore, #tpu.memory_space<semaphore_mem>>
        %dma_start3A_1320 = tpu.memref_slice %arg2[%sub3A_1319] : memref<16384xi32, #tpu.memory_space<hbm>> -> memref<520xi32, #tpu.memory_space<hbm>>
        %dma_start3A_1321 = tpu.memref_slice %arg2[%sub3A_1319] : memref<16384xi32, #tpu.memory_space<hbm>> -> memref<520xi32, #tpu.memory_space<hbm>>
        tpu.enqueue_dma source(%dma_start3A_1321 : memref<520xi32, #tpu.memory_space<hbm>>) target(%arg5 : memref<520xi32, #tpu.memory_space<vmem>>) target_semaphore(%run_scoped3A : memref<!tpu.dma_semaphore, #tpu.memory_space<semaphore_mem>>)
        %dma_wait3A_1322 = tpu.memref_slice %arg2[%sub3A_1319] : memref<16384xi32, #tpu.memory_space<hbm>> -> memref<520xi32, #tpu.memory_space<hbm>>
        %dma_wait3A_1323 = tpu.memref_slice %arg2[%sub3A_1319] : memref<16384xi32, #tpu.memory_space<hbm>> -> memref<520xi32, #tpu.memory_space<hbm>>
        tpu.wait_dma2 semaphore(%run_scoped3A : memref<!tpu.dma_semaphore, #tpu.memory_space<semaphore_mem>>) src(%dma_wait3A_1323 : memref<520xi32, #tpu.memory_space<hbm>>) dst(%arg5 : memref<520xi32, #tpu.memory_space<vmem>>)
        tpu.yield
      }) : () -> ()
    } else {
    }
    %iota3A = tpu.iota {dimensions = array<i32: 0>} : vector<16xi32>
    %min3A = arith.constant 1 : i32
    %min3A_20 = arith.minsi %select_n3A_11, %min3A : i32
    %get3A = arith.constant 7 : index
    %get3A_21 = tpu.vector_load %arg5[%get3A] {strides = array<i32>} : memref<520xi32, #tpu.memory_space<vmem>>, vector<16xi32>,
    %get3A_22 = vector.shape_cast %get3A_21 : vector<16xi32> to vector<16xi32>
    %get3A_23 = arith.constant 8 : index
    %get3A_24 = tpu.vector_load %arg5[%get3A_23] {strides = array<i32>} : memref<520xi32, #tpu.memory_space<vmem>>, vector<16xi32>,
    %get3A_25 = vector.shape_cast %get3A_24 : vector<16xi32> to vector<16xi32>
    %mul3A_26 = arith.constant 31 : i32
    %mul3A_27 = vector.broadcast %mul3A_26 : i32 to vector<16xi32>
    %mul3A_28 = arith.muli %get3A_22, %mul3A_27 : vector<16xi32>
    %add3A_29 = arith.addi %mul3A_28, %get3A_25 : vector<16xi32>
    %jit3A_30 = arith.constant 1000000 : i32
    %eq3A_31 = arith.constant 0 : i32
    %eq3A_32 = arith.cmpi eq, %jit3A_30, %eq3A_31 : i32
    %jit3A_33 = arith.constant 1 : i32
    %select_n3A_34 = arith.select %eq3A_32, %jit3A_33, %jit3A_30 : i32
    %rem3A_35 = vector.broadcast %select_n3A_34 : i32 to vector<16xi32>
    %rem3A_36 = arith.remsi %add3A_29, %rem3A_35 : vector<16xi32>
    %ne3A_37 = arith.constant 0 : i32
    %ne3A_38 = vector.broadcast %ne3A_37 : i32 to vector<16xi32>
    %ne3A_39 = arith.cmpi ne, %rem3A_36, %ne3A_38 : vector<16xi32>
    %lt3A_40 = arith.constant 0 : i32
    %lt3A_41 = vector.broadcast %lt3A_40 : i32 to vector<16xi32>
    %lt3A_42 = arith.cmpi slt, %rem3A_36, %lt3A_41 : vector<16xi32>
    %lt3A_43 = arith.constant 0 : i32
    %lt3A_44 = arith.cmpi slt, %select_n3A_34, %lt3A_43 : i32
    %ne3A_45 = vector.broadcast %lt3A_44 : i1 to vector<16xi1>
    %ne3A_46 = vector.broadcast %ne3A_45 : vector<16xi1> to vector<16xi1>
    %ne3A_47 = arith.xori %lt3A_42, %ne3A_46 : vector<16xi1>
    %and3A_48 = arith.andi %ne3A_47, %ne3A_39 : vector<16xi1>
    %add3A_49 = vector.broadcast %select_n3A_34 : i32 to vector<16xi32>
    %add3A_50 = arith.addi %rem3A_36, %add3A_49 : vector<16xi32>
    %select_n3A_51 = arith.select %and3A_48, %add3A_50, %rem3A_36 : vector<16xi1>, vector<16xi32>
    %add3A_52 = vector.broadcast %min3A_20 : i32 to vector<16xi32>
    %add3A_53 = arith.addi %iota3A, %add3A_52 : vector<16xi32>
    %min3A_54 = arith.constant 1 : i32
    %min3A_55 = vector.broadcast %min3A_54 : i32 to vector<16xi32>
    %min3A_56 = arith.minsi %add3A_53, %min3A_55 : vector<16xi32>
    %mul3A_57 = arith.muli %select_n3A_51, %min3A_56 : vector<16xi32>
    %swap3A = arith.constant 0 : i32
    %swap3A_58 = arith.index_cast %swap3A : i32 to index
    %swap3A_59 = arith.constant 0 : index
    %swap3A_60 = tpu.vector_load %arg6[%swap3A_58, %swap3A_59] {strides = array<i32>} : memref<4x128xi32, #tpu.memory_space<vmem>>, vector<1x16xi32>,
    %swap3A_61 = vector.shape_cast %swap3A_60 : vector<1x16xi32> to vector<16xi32>
    %swap3A_62 = vector.shape_cast %mul3A_57 : vector<16xi32> to vector<1x16xi32>
    tpu.vector_store %arg6[%swap3A_58, %swap3A_59], %swap3A_62 {strides = array<i32>} : memref<4x128xi32, #tpu.memory_space<vmem>>, vector<1x16xi32>,
    %get3A_63 = arith.constant 23 : index
    %get3A_64 = tpu.vector_load %arg5[%get3A_63] {strides = array<i32>} : memref<520xi32, #tpu.memory_space<vmem>>, vector<16xi32>,
    %get3A_65 = vector.shape_cast %get3A_64 : vector<16xi32> to vector<16xi32>
    %get3A_66 = arith.constant 24 : index
    %get3A_67 = tpu.vector_load %arg5[%get3A_66] {strides = array<i32>} : memref<520xi32, #tpu.memory_space<vmem>>, vector<16xi32>,
    %get3A_68 = vector.shape_cast %get3A_67 : vector<16xi32> to vector<16xi32>
    %mul3A_69 = arith.constant 31 : i32
    %mul3A_70 = vector.broadcast %mul3A_69 : i32 to vector<16xi32>
    %mul3A_71 = arith.muli %get3A_65, %mul3A_70 : vector<16xi32>
    %add3A_72 = arith.addi %mul3A_71, %get3A_68 : vector<16xi32>
    %jit3A_73 = arith.constant 1000000 : i32
    %eq3A_74 = arith.constant 0 : i32
    %eq3A_75 = arith.cmpi eq, %jit3A_73, %eq3A_74 : i32
    %jit3A_76 = arith.constant 1 : i32
    %select_n3A_77 = arith.select %eq3A_75, %jit3A_76, %jit3A_73 : i32
    %rem3A_78 = vector.broadcast %select_n3A_77 : i32 to vector<16xi32>
    %rem3A_79 = arith.remsi %add3A_72, %rem3A_78 : vector<16xi32>
    %ne3A_80 = arith.constant 0 : i32
    %ne3A_81 = vector.broadcast %ne3A_80 : i32 to vector<16xi32>
    %ne3A_82 = arith.cmpi ne, %rem3A_79, %ne3A_81 : vector<16xi32>
    %lt3A_83 = arith.constant 0 : i32
    %lt3A_84 = vector.broadcast %lt3A_83 : i32 to vector<16xi32>
    %lt3A_85 = arith.cmpi slt, %rem3A_79, %lt3A_84 : vector<16xi32>
    %lt3A_86 = arith.constant 0 : i32
    %lt3A_87 = arith.cmpi slt, %select_n3A_77, %lt3A_86 : i32
    %ne3A_88 = vector.broadcast %lt3A_87 : i1 to vector<16xi1>
    %ne3A_89 = vector.broadcast %ne3A_88 : vector<16xi1> to vector<16xi1>
    %ne3A_90 = arith.xori %lt3A_85, %ne3A_89 : vector<16xi1>
    %and3A_91 = arith.andi %ne3A_90, %ne3A_82 : vector<16xi1>
    %add3A_92 = vector.broadcast %select_n3A_77 : i32 to vector<16xi32>
    %add3A_93 = arith.addi %rem3A_79, %add3A_92 : vector<16xi32>
    %select_n3A_94 = arith.select %and3A_91, %add3A_93, %rem3A_79 : vector<16xi1>, vector<16xi32>
    %swap3A_95 = arith.constant 0 : i32
    %swap3A_96 = arith.index_cast %swap3A_95 : i32 to index
    %swap3A_97 = arith.constant 16 : index
    %swap3A_98 = tpu.vector_load %arg6[%swap3A_96, %swap3A_97] {strides = array<i32>} : memref<4x128xi32, #tpu.memory_space<vmem>>, vector<1x16xi32>,
    %swap3A_99 = vector.shape_cast %swap3A_98 : vector<1x16xi32> to vector<16xi32>
    %swap3A_100 = vector.shape_cast %select_n3A_94 : vector<16xi32> to vector<1x16xi32>
    tpu.vector_store %arg6[%swap3A_96, %swap3A_97], %swap3A_100 {strides = array<i32>} : memref<4x128xi32, #tpu.memory_space<vmem>>, vector<1x16xi32>,
    %get3A_101 = arith.constant 39 : index
    %get3A_102 = tpu.vector_load %arg5[%get3A_101] {strides = array<i32>} : memref<520xi32, #tpu.memory_space<vmem>>, vector<16xi32>,
    %get3A_103 = vector.shape_cast %get3A_102 : vector<16xi32> to vector<16xi32>
    %get3A_104 = arith.constant 40 : index
    %get3A_105 = tpu.vector_load %arg5[%get3A_104] {strides = array<i32>} : memref<520xi32, #tpu.memory_space<vmem>>, vector<16xi32>,
    %get3A_106 = vector.shape_cast %get3A_105 : vector<16xi32> to vector<16xi32>
    %mul3A_107 = arith.constant 31 : i32
    %mul3A_108 = vector.broadcast %mul3A_107 : i32 to vector<16xi32>
    %mul3A_109 = arith.muli %get3A_103, %mul3A_108 : vector<16xi32>
    %add3A_110 = arith.addi %mul3A_109, %get3A_106 : vector<16xi32>
    %jit3A_111 = arith.constant 1000000 : i32
    %eq3A_112 = arith.constant 0 : i32
    %eq3A_113 = arith.cmpi eq, %jit3A_111, %eq3A_112 : i32
    %jit3A_114 = arith.constant 1 : i32
    %select_n3A_115 = arith.select %eq3A_113, %jit3A_114, %jit3A_111 : i32
    %rem3A_116 = vector.broadcast %select_n3A_115 : i32 to vector<16xi32>
    %rem3A_117 = arith.remsi %add3A_110, %rem3A_116 : vector<16xi32>
    %ne3A_118 = arith.constant 0 : i32
    %ne3A_119 = vector.broadcast %ne3A_118 : i32 to vector<16xi32>
    %ne3A_120 = arith.cmpi ne, %rem3A_117, %ne3A_119 : vector<16xi32>
    %lt3A_121 = arith.constant 0 : i32
    %lt3A_122 = vector.broadcast %lt3A_121 : i32 to vector<16xi32>
    %lt3A_123 = arith.cmpi slt, %rem3A_117, %lt3A_122 : vector<16xi32>
    %lt3A_124 = arith.constant 0 : i32
    %lt3A_125 = arith.cmpi slt, %select_n3A_115, %lt3A_124 : i32
    %ne3A_126 = vector.broadcast %lt3A_125 : i1 to vector<16xi1>
    %ne3A_127 = vector.broadcast %ne3A_126 : vector<16xi1> to vector<16xi1>
    %ne3A_128 = arith.xori %lt3A_123, %ne3A_127 : vector<16xi1>
    %and3A_129 = arith.andi %ne3A_128, %ne3A_120 : vector<16xi1>
    %add3A_130 = vector.broadcast %select_n3A_115 : i32 to vector<16xi32>
    %add3A_131 = arith.addi %rem3A_117, %add3A_130 : vector<16xi32>
    %select_n3A_132 = arith.select %and3A_129, %add3A_131, %rem3A_117 : vector<16xi1>, vector<16xi32>
    %swap3A_133 = arith.constant 0 : i32
    %swap3A_134 = arith.index_cast %swap3A_133 : i32 to index
    %swap3A_135 = arith.constant 32 : index
    %swap3A_136 = tpu.vector_load %arg6[%swap3A_134, %swap3A_135] {strides = array<i32>} : memref<4x128xi32, #tpu.memory_space<vmem>>, vector<1x16xi32>,
    %swap3A_137 = vector.shape_cast %swap3A_136 : vector<1x16xi32> to vector<16xi32>
    %swap3A_138 = vector.shape_cast %select_n3A_132 : vector<16xi32> to vector<1x16xi32>
    tpu.vector_store %arg6[%swap3A_134, %swap3A_135], %swap3A_138 {strides = array<i32>} : memref<4x128xi32, #tpu.memory_space<vmem>>, vector<1x16xi32>,
    %get3A_139 = arith.constant 55 : index
    %get3A_140 = tpu.vector_load %arg5[%get3A_139] {strides = array<i32>} : memref<520xi32, #tpu.memory_space<vmem>>, vector<16xi32>,
    %get3A_141 = vector.shape_cast %get3A_140 : vector<16xi32> to vector<16xi32>
    %get3A_142 = arith.constant 56 : index
    %get3A_143 = tpu.vector_load %arg5[%get3A_142] {strides = array<i32>} : memref<520xi32, #tpu.memory_space<vmem>>, vector<16xi32>,
    %get3A_144 = vector.shape_cast %get3A_143 : vector<16xi32> to vector<16xi32>
    %mul3A_145 = arith.constant 31 : i32
    %mul3A_146 = vector.broadcast %mul3A_145 : i32 to vector<16xi32>
    %mul3A_147 = arith.muli %get3A_141, %mul3A_146 : vector<16xi32>
    %add3A_148 = arith.addi %mul3A_147, %get3A_144 : vector<16xi32>
    %jit3A_149 = arith.constant 1000000 : i32
    %eq3A_150 = arith.constant 0 : i32
    %eq3A_151 = arith.cmpi eq, %jit3A_149, %eq3A_150 : i32
    %jit3A_152 = arith.constant 1 : i32
    %select_n3A_153 = arith.select %eq3A_151, %jit3A_152, %jit3A_149 : i32
    %rem3A_154 = vector.broadcast %select_n3A_153 : i32 to vector<16xi32>
    %rem3A_155 = arith.remsi %add3A_148, %rem3A_154 : vector<16xi32>
    %ne3A_156 = arith.constant 0 : i32
    %ne3A_157 = vector.broadcast %ne3A_156 : i32 to vector<16xi32>
    %ne3A_158 = arith.cmpi ne, %rem3A_155, %ne3A_157 : vector<16xi32>
    %lt3A_159 = arith.constant 0 : i32
    %lt3A_160 = vector.broadcast %lt3A_159 : i32 to vector<16xi32>
    %lt3A_161 = arith.cmpi slt, %rem3A_155, %lt3A_160 : vector<16xi32>
    %lt3A_162 = arith.constant 0 : i32
    %lt3A_163 = arith.cmpi slt, %select_n3A_153, %lt3A_162 : i32
    %ne3A_164 = vector.broadcast %lt3A_163 : i1 to vector<16xi1>
    %ne3A_165 = vector.broadcast %ne3A_164 : vector<16xi1> to vector<16xi1>
    %ne3A_166 = arith.xori %lt3A_161, %ne3A_165 : vector<16xi1>
    %and3A_167 = arith.andi %ne3A_166, %ne3A_158 : vector<16xi1>
    %add3A_168 = vector.broadcast %select_n3A_153 : i32 to vector<16xi32>
    %add3A_169 = arith.addi %rem3A_155, %add3A_168 : vector<16xi32>
    %select_n3A_170 = arith.select %and3A_167, %add3A_169, %rem3A_155 : vector<16xi1>, vector<16xi32>
    %swap3A_171 = arith.constant 0 : i32
    %swap3A_172 = arith.index_cast %swap3A_171 : i32 to index
    %swap3A_173 = arith.constant 48 : index
    %swap3A_174 = tpu.vector_load %arg6[%swap3A_172, %swap3A_173] {strides = array<i32>} : memref<4x128xi32, #tpu.memory_space<vmem>>, vector<1x16xi32>,
    %swap3A_175 = vector.shape_cast %swap3A_174 : vector<1x16xi32> to vector<16xi32>
    %swap3A_176 = vector.shape_cast %select_n3A_170 : vector<16xi32> to vector<1x16xi32>
    tpu.vector_store %arg6[%swap3A_172, %swap3A_173], %swap3A_176 {strides = array<i32>} : memref<4x128xi32, #tpu.memory_space<vmem>>, vector<1x16xi32>,
    %get3A_177 = arith.constant 71 : index
    %get3A_178 = tpu.vector_load %arg5[%get3A_177] {strides = array<i32>} : memref<520xi32, #tpu.memory_space<vmem>>, vector<16xi32>,
    %get3A_179 = vector.shape_cast %get3A_178 : vector<16xi32> to vector<16xi32>
    %get3A_180 = arith.constant 72 : index
    %get3A_181 = tpu.vector_load %arg5[%get3A_180] {strides = array<i32>} : memref<520xi32, #tpu.memory_space<vmem>>, vector<16xi32>,
    %get3A_182 = vector.shape_cast %get3A_181 : vector<16xi32> to vector<16xi32>
    %mul3A_183 = arith.constant 31 : i32
    %mul3A_184 = vector.broadcast %mul3A_183 : i32 to vector<16xi32>
    %mul3A_185 = arith.muli %get3A_179, %mul3A_184 : vector<16xi32>
    %add3A_186 = arith.addi %mul3A_185, %get3A_182 : vector<16xi32>
    %jit3A_187 = arith.constant 1000000 : i32
    %eq3A_188 = arith.constant 0 : i32
    %eq3A_189 = arith.cmpi eq, %jit3A_187, %eq3A_188 : i32
    %jit3A_190 = arith.constant 1 : i32
    %select_n3A_191 = arith.select %eq3A_189, %jit3A_190, %jit3A_187 : i32
    %rem3A_192 = vector.broadcast %select_n3A_191 : i32 to vector<16xi32>
    %rem3A_193 = arith.remsi %add3A_186, %rem3A_192 : vector<16xi32>
    %ne3A_194 = arith.constant 0 : i32
    %ne3A_195 = vector.broadcast %ne3A_194 : i32 to vector<16xi32>
    %ne3A_196 = arith.cmpi ne, %rem3A_193, %ne3A_195 : vector<16xi32>
    %lt3A_197 = arith.constant 0 : i32
    %lt3A_198 = vector.broadcast %lt3A_197 : i32 to vector<16xi32>
    %lt3A_199 = arith.cmpi slt, %rem3A_193, %lt3A_198 : vector<16xi32>
    %lt3A_200 = arith.constant 0 : i32
    %lt3A_201 = arith.cmpi slt, %select_n3A_191, %lt3A_200 : i32
    %ne3A_202 = vector.broadcast %lt3A_201 : i1 to vector<16xi1>
    %ne3A_203 = vector.broadcast %ne3A_202 : vector<16xi1> to vector<16xi1>
    %ne3A_204 = arith.xori %lt3A_199, %ne3A_203 : vector<16xi1>
    %and3A_205 = arith.andi %ne3A_204, %ne3A_196 : vector<16xi1>
    %add3A_206 = vector.broadcast %select_n3A_191 : i32 to vector<16xi32>
    %add3A_207 = arith.addi %rem3A_193, %add3A_206 : vector<16xi32>
    %select_n3A_208 = arith.select %and3A_205, %add3A_207, %rem3A_193 : vector<16xi1>, vector<16xi32>
    %swap3A_209 = arith.constant 0 : i32
    %swap3A_210 = arith.index_cast %swap3A_209 : i32 to index
    %swap3A_211 = arith.constant 64 : index
    %swap3A_212 = tpu.vector_load %arg6[%swap3A_210, %swap3A_211] {strides = array<i32>} : memref<4x128xi32, #tpu.memory_space<vmem>>, vector<1x16xi32>,
    %swap3A_213 = vector.shape_cast %swap3A_212 : vector<1x16xi32> to vector<16xi32>
    %swap3A_214 = vector.shape_cast %select_n3A_208 : vector<16xi32> to vector<1x16xi32>
    tpu.vector_store %arg6[%swap3A_210, %swap3A_211], %swap3A_214 {strides = array<i32>} : memref<4x128xi32, #tpu.memory_space<vmem>>, vector<1x16xi32>,
    %get3A_215 = arith.constant 87 : index
    %get3A_216 = tpu.vector_load %arg5[%get3A_215] {strides = array<i32>} : memref<520xi32, #tpu.memory_space<vmem>>, vector<16xi32>,
    %get3A_217 = vector.shape_cast %get3A_216 : vector<16xi32> to vector<16xi32>
    %get3A_218 = arith.constant 88 : index
    %get3A_219 = tpu.vector_load %arg5[%get3A_218] {strides = array<i32>} : memref<520xi32, #tpu.memory_space<vmem>>, vector<16xi32>,
    %get3A_220 = vector.shape_cast %get3A_219 : vector<16xi32> to vector<16xi32>
    %mul3A_221 = arith.constant 31 : i32
    %mul3A_222 = vector.broadcast %mul3A_221 : i32 to vector<16xi32>
    %mul3A_223 = arith.muli %get3A_217, %mul3A_222 : vector<16xi32>
    %add3A_224 = arith.addi %mul3A_223, %get3A_220 : vector<16xi32>
    %jit3A_225 = arith.constant 1000000 : i32
    %eq3A_226 = arith.constant 0 : i32
    %eq3A_227 = arith.cmpi eq, %jit3A_225, %eq3A_226 : i32
    %jit3A_228 = arith.constant 1 : i32
    %select_n3A_229 = arith.select %eq3A_227, %jit3A_228, %jit3A_225 : i32
    %rem3A_230 = vector.broadcast %select_n3A_229 : i32 to vector<16xi32>
    %rem3A_231 = arith.remsi %add3A_224, %rem3A_230 : vector<16xi32>
    %ne3A_232 = arith.constant 0 : i32
    %ne3A_233 = vector.broadcast %ne3A_232 : i32 to vector<16xi32>
    %ne3A_234 = arith.cmpi ne, %rem3A_231, %ne3A_233 : vector<16xi32>
    %lt3A_235 = arith.constant 0 : i32
    %lt3A_236 = vector.broadcast %lt3A_235 : i32 to vector<16xi32>
    %lt3A_237 = arith.cmpi slt, %rem3A_231, %lt3A_236 : vector<16xi32>
    %lt3A_238 = arith.constant 0 : i32
    %lt3A_239 = arith.cmpi slt, %select_n3A_229, %lt3A_238 : i32
    %ne3A_240 = vector.broadcast %lt3A_239 : i1 to vector<16xi1>
    %ne3A_241 = vector.broadcast %ne3A_240 : vector<16xi1> to vector<16xi1>
    %ne3A_242 = arith.xori %lt3A_237, %ne3A_241 : vector<16xi1>
    %and3A_243 = arith.andi %ne3A_242, %ne3A_234 : vector<16xi1>
    %add3A_244 = vector.broadcast %select_n3A_229 : i32 to vector<16xi32>
    %add3A_245 = arith.addi %rem3A_231, %add3A_244 : vector<16xi32>
    %select_n3A_246 = arith.select %and3A_243, %add3A_245, %rem3A_231 : vector<16xi1>, vector<16xi32>
    %swap3A_247 = arith.constant 0 : i32
    %swap3A_248 = arith.index_cast %swap3A_247 : i32 to index
    %swap3A_249 = arith.constant 80 : index
    %swap3A_250 = tpu.vector_load %arg6[%swap3A_248, %swap3A_249] {strides = array<i32>} : memref<4x128xi32, #tpu.memory_space<vmem>>, vector<1x16xi32>,
    %swap3A_251 = vector.shape_cast %swap3A_250 : vector<1x16xi32> to vector<16xi32>
    %swap3A_252 = vector.shape_cast %select_n3A_246 : vector<16xi32> to vector<1x16xi32>
    tpu.vector_store %arg6[%swap3A_248, %swap3A_249], %swap3A_252 {strides = array<i32>} : memref<4x128xi32, #tpu.memory_space<vmem>>, vector<1x16xi32>,
    %get3A_253 = arith.constant 103 : index
    %get3A_254 = tpu.vector_load %arg5[%get3A_253] {strides = array<i32>} : memref<520xi32, #tpu.memory_space<vmem>>, vector<16xi32>,
    %get3A_255 = vector.shape_cast %get3A_254 : vector<16xi32> to vector<16xi32>
    %get3A_256 = arith.constant 104 : index
    %get3A_257 = tpu.vector_load %arg5[%get3A_256] {strides = array<i32>} : memref<520xi32, #tpu.memory_space<vmem>>, vector<16xi32>,
    %get3A_258 = vector.shape_cast %get3A_257 : vector<16xi32> to vector<16xi32>
    %mul3A_259 = arith.constant 31 : i32
    %mul3A_260 = vector.broadcast %mul3A_259 : i32 to vector<16xi32>
    %mul3A_261 = arith.muli %get3A_255, %mul3A_260 : vector<16xi32>
    %add3A_262 = arith.addi %mul3A_261, %get3A_258 : vector<16xi32>
    %jit3A_263 = arith.constant 1000000 : i32
    %eq3A_264 = arith.constant 0 : i32
    %eq3A_265 = arith.cmpi eq, %jit3A_263, %eq3A_264 : i32
    %jit3A_266 = arith.constant 1 : i32
    %select_n3A_267 = arith.select %eq3A_265, %jit3A_266, %jit3A_263 : i32
    %rem3A_268 = vector.broadcast %select_n3A_267 : i32 to vector<16xi32>
    %rem3A_269 = arith.remsi %add3A_262, %rem3A_268 : vector<16xi32>
    %ne3A_270 = arith.constant 0 : i32
    %ne3A_271 = vector.broadcast %ne3A_270 : i32 to vector<16xi32>
    %ne3A_272 = arith.cmpi ne, %rem3A_269, %ne3A_271 : vector<16xi32>
    %lt3A_273 = arith.constant 0 : i32
    %lt3A_274 = vector.broadcast %lt3A_273 : i32 to vector<16xi32>
    %lt3A_275 = arith.cmpi slt, %rem3A_269, %lt3A_274 : vector<16xi32>
    %lt3A_276 = arith.constant 0 : i32
    %lt3A_277 = arith.cmpi slt, %select_n3A_267, %lt3A_276 : i32
    %ne3A_278 = vector.broadcast %lt3A_277 : i1 to vector<16xi1>
    %ne3A_279 = vector.broadcast %ne3A_278 : vector<16xi1> to vector<16xi1>
    %ne3A_280 = arith.xori %lt3A_275, %ne3A_279 : vector<16xi1>
    %and3A_281 = arith.andi %ne3A_280, %ne3A_272 : vector<16xi1>
    %add3A_282 = vector.broadcast %select_n3A_267 : i32 to vector<16xi32>
    %add3A_283 = arith.addi %rem3A_269, %add3A_282 : vector<16xi32>
    %select_n3A_284 = arith.select %and3A_281, %add3A_283, %rem3A_269 : vector<16xi1>, vector<16xi32>
    %swap3A_285 = arith.constant 0 : i32
    %swap3A_286 = arith.index_cast %swap3A_285 : i32 to index
    %swap3A_287 = arith.constant 96 : index
    %swap3A_288 = tpu.vector_load %arg6[%swap3A_286, %swap3A_287] {strides = array<i32>} : memref<4x128xi32, #tpu.memory_space<vmem>>, vector<1x16xi32>,
    %swap3A_289 = vector.shape_cast %swap3A_288 : vector<1x16xi32> to vector<16xi32>
    %swap3A_290 = vector.shape_cast %select_n3A_284 : vector<16xi32> to vector<1x16xi32>
    tpu.vector_store %arg6[%swap3A_286, %swap3A_287], %swap3A_290 {strides = array<i32>} : memref<4x128xi32, #tpu.memory_space<vmem>>, vector<1x16xi32>,
    %get3A_291 = arith.constant 119 : index
    %get3A_292 = tpu.vector_load %arg5[%get3A_291] {strides = array<i32>} : memref<520xi32, #tpu.memory_space<vmem>>, vector<16xi32>,
    %get3A_293 = vector.shape_cast %get3A_292 : vector<16xi32> to vector<16xi32>
    %get3A_294 = arith.constant 120 : index
    %get3A_295 = tpu.vector_load %arg5[%get3A_294] {strides = array<i32>} : memref<520xi32, #tpu.memory_space<vmem>>, vector<16xi32>,
    %get3A_296 = vector.shape_cast %get3A_295 : vector<16xi32> to vector<16xi32>
    %mul3A_297 = arith.constant 31 : i32
    %mul3A_298 = vector.broadcast %mul3A_297 : i32 to vector<16xi32>
    %mul3A_299 = arith.muli %get3A_293, %mul3A_298 : vector<16xi32>
    %add3A_300 = arith.addi %mul3A_299, %get3A_296 : vector<16xi32>
    %jit3A_301 = arith.constant 1000000 : i32
    %eq3A_302 = arith.constant 0 : i32
    %eq3A_303 = arith.cmpi eq, %jit3A_301, %eq3A_302 : i32
    %jit3A_304 = arith.constant 1 : i32
    %select_n3A_305 = arith.select %eq3A_303, %jit3A_304, %jit3A_301 : i32
    %rem3A_306 = vector.broadcast %select_n3A_305 : i32 to vector<16xi32>
    %rem3A_307 = arith.remsi %add3A_300, %rem3A_306 : vector<16xi32>
    %ne3A_308 = arith.constant 0 : i32
    %ne3A_309 = vector.broadcast %ne3A_308 : i32 to vector<16xi32>
    %ne3A_310 = arith.cmpi ne, %rem3A_307, %ne3A_309 : vector<16xi32>
    %lt3A_311 = arith.constant 0 : i32
    %lt3A_312 = vector.broadcast %lt3A_311 : i32 to vector<16xi32>
    %lt3A_313 = arith.cmpi slt, %rem3A_307, %lt3A_312 : vector<16xi32>
    %lt3A_314 = arith.constant 0 : i32
    %lt3A_315 = arith.cmpi slt, %select_n3A_305, %lt3A_314 : i32
    %ne3A_316 = vector.broadcast %lt3A_315 : i1 to vector<16xi1>
    %ne3A_317 = vector.broadcast %ne3A_316 : vector<16xi1> to vector<16xi1>
    %ne3A_318 = arith.xori %lt3A_313, %ne3A_317 : vector<16xi1>
    %and3A_319 = arith.andi %ne3A_318, %ne3A_310 : vector<16xi1>
    %add3A_320 = vector.broadcast %select_n3A_305 : i32 to vector<16xi32>
    %add3A_321 = arith.addi %rem3A_307, %add3A_320 : vector<16xi32>
    %select_n3A_322 = arith.select %and3A_319, %add3A_321, %rem3A_307 : vector<16xi1>, vector<16xi32>
    %swap3A_323 = arith.constant 0 : i32
    %swap3A_324 = arith.index_cast %swap3A_323 : i32 to index
    %swap3A_325 = arith.constant 112 : index
    %swap3A_326 = tpu.vector_load %arg6[%swap3A_324, %swap3A_325] {strides = array<i32>} : memref<4x128xi32, #tpu.memory_space<vmem>>, vector<1x16xi32>,
    %swap3A_327 = vector.shape_cast %swap3A_326 : vector<1x16xi32> to vector<16xi32>
    %swap3A_328 = vector.shape_cast %select_n3A_322 : vector<16xi32> to vector<1x16xi32>
    tpu.vector_store %arg6[%swap3A_324, %swap3A_325], %swap3A_328 {strides = array<i32>} : memref<4x128xi32, #tpu.memory_space<vmem>>, vector<1x16xi32>,
    %get3A_329 = arith.constant 135 : index
    %get3A_330 = tpu.vector_load %arg5[%get3A_329] {strides = array<i32>} : memref<520xi32, #tpu.memory_space<vmem>>, vector<16xi32>,
    %get3A_331 = vector.shape_cast %get3A_330 : vector<16xi32> to vector<16xi32>
    %get3A_332 = arith.constant 136 : index
    %get3A_333 = tpu.vector_load %arg5[%get3A_332] {strides = array<i32>} : memref<520xi32, #tpu.memory_space<vmem>>, vector<16xi32>,
    %get3A_334 = vector.shape_cast %get3A_333 : vector<16xi32> to vector<16xi32>
    %mul3A_335 = arith.constant 31 : i32
    %mul3A_336 = vector.broadcast %mul3A_335 : i32 to vector<16xi32>
    %mul3A_337 = arith.muli %get3A_331, %mul3A_336 : vector<16xi32>
    %add3A_338 = arith.addi %mul3A_337, %get3A_334 : vector<16xi32>
    %jit3A_339 = arith.constant 1000000 : i32
    %eq3A_340 = arith.constant 0 : i32
    %eq3A_341 = arith.cmpi eq, %jit3A_339, %eq3A_340 : i32
    %jit3A_342 = arith.constant 1 : i32
    %select_n3A_343 = arith.select %eq3A_341, %jit3A_342, %jit3A_339 : i32
    %rem3A_344 = vector.broadcast %select_n3A_343 : i32 to vector<16xi32>
    %rem3A_345 = arith.remsi %add3A_338, %rem3A_344 : vector<16xi32>
    %ne3A_346 = arith.constant 0 : i32
    %ne3A_347 = vector.broadcast %ne3A_346 : i32 to vector<16xi32>
    %ne3A_348 = arith.cmpi ne, %rem3A_345, %ne3A_347 : vector<16xi32>
    %lt3A_349 = arith.constant 0 : i32
    %lt3A_350 = vector.broadcast %lt3A_349 : i32 to vector<16xi32>
    %lt3A_351 = arith.cmpi slt, %rem3A_345, %lt3A_350 : vector<16xi32>
    %lt3A_352 = arith.constant 0 : i32
    %lt3A_353 = arith.cmpi slt, %select_n3A_343, %lt3A_352 : i32
    %ne3A_354 = vector.broadcast %lt3A_353 : i1 to vector<16xi1>
    %ne3A_355 = vector.broadcast %ne3A_354 : vector<16xi1> to vector<16xi1>
    %ne3A_356 = arith.xori %lt3A_351, %ne3A_355 : vector<16xi1>
    %and3A_357 = arith.andi %ne3A_356, %ne3A_348 : vector<16xi1>
    %add3A_358 = vector.broadcast %select_n3A_343 : i32 to vector<16xi32>
    %add3A_359 = arith.addi %rem3A_345, %add3A_358 : vector<16xi32>
    %select_n3A_360 = arith.select %and3A_357, %add3A_359, %rem3A_345 : vector<16xi1>, vector<16xi32>
    %swap3A_361 = arith.constant 1 : i32
    %swap3A_362 = arith.index_cast %swap3A_361 : i32 to index
    %swap3A_363 = arith.constant 0 : index
    %swap3A_364 = tpu.vector_load %arg6[%swap3A_362, %swap3A_363] {strides = array<i32>} : memref<4x128xi32, #tpu.memory_space<vmem>>, vector<1x16xi32>,
    %swap3A_365 = vector.shape_cast %swap3A_364 : vector<1x16xi32> to vector<16xi32>
    %swap3A_366 = vector.shape_cast %select_n3A_360 : vector<16xi32> to vector<1x16xi32>
    tpu.vector_store %arg6[%swap3A_362, %swap3A_363], %swap3A_366 {strides = array<i32>} : memref<4x128xi32, #tpu.memory_space<vmem>>, vector<1x16xi32>,
    %get3A_367 = arith.constant 151 : index
    %get3A_368 = tpu.vector_load %arg5[%get3A_367] {strides = array<i32>} : memref<520xi32, #tpu.memory_space<vmem>>, vector<16xi32>,
    %get3A_369 = vector.shape_cast %get3A_368 : vector<16xi32> to vector<16xi32>
    %get3A_370 = arith.constant 152 : index
    %get3A_371 = tpu.vector_load %arg5[%get3A_370] {strides = array<i32>} : memref<520xi32, #tpu.memory_space<vmem>>, vector<16xi32>,
    %get3A_372 = vector.shape_cast %get3A_371 : vector<16xi32> to vector<16xi32>
    %mul3A_373 = arith.constant 31 : i32
    %mul3A_374 = vector.broadcast %mul3A_373 : i32 to vector<16xi32>
    %mul3A_375 = arith.muli %get3A_369, %mul3A_374 : vector<16xi32>
    %add3A_376 = arith.addi %mul3A_375, %get3A_372 : vector<16xi32>
    %jit3A_377 = arith.constant 1000000 : i32
    %eq3A_378 = arith.constant 0 : i32
    %eq3A_379 = arith.cmpi eq, %jit3A_377, %eq3A_378 : i32
    %jit3A_380 = arith.constant 1 : i32
    %select_n3A_381 = arith.select %eq3A_379, %jit3A_380, %jit3A_377 : i32
    %rem3A_382 = vector.broadcast %select_n3A_381 : i32 to vector<16xi32>
    %rem3A_383 = arith.remsi %add3A_376, %rem3A_382 : vector<16xi32>
    %ne3A_384 = arith.constant 0 : i32
    %ne3A_385 = vector.broadcast %ne3A_384 : i32 to vector<16xi32>
    %ne3A_386 = arith.cmpi ne, %rem3A_383, %ne3A_385 : vector<16xi32>
    %lt3A_387 = arith.constant 0 : i32
    %lt3A_388 = vector.broadcast %lt3A_387 : i32 to vector<16xi32>
    %lt3A_389 = arith.cmpi slt, %rem3A_383, %lt3A_388 : vector<16xi32>
    %lt3A_390 = arith.constant 0 : i32
    %lt3A_391 = arith.cmpi slt, %select_n3A_381, %lt3A_390 : i32
    %ne3A_392 = vector.broadcast %lt3A_391 : i1 to vector<16xi1>
    %ne3A_393 = vector.broadcast %ne3A_392 : vector<16xi1> to vector<16xi1>
    %ne3A_394 = arith.xori %lt3A_389, %ne3A_393 : vector<16xi1>
    %and3A_395 = arith.andi %ne3A_394, %ne3A_386 : vector<16xi1>
    %add3A_396 = vector.broadcast %select_n3A_381 : i32 to vector<16xi32>
    %add3A_397 = arith.addi %rem3A_383, %add3A_396 : vector<16xi32>
    %select_n3A_398 = arith.select %and3A_395, %add3A_397, %rem3A_383 : vector<16xi1>, vector<16xi32>
    %swap3A_399 = arith.constant 1 : i32
    %swap3A_400 = arith.index_cast %swap3A_399 : i32 to index
    %swap3A_401 = arith.constant 16 : index
    %swap3A_402 = tpu.vector_load %arg6[%swap3A_400, %swap3A_401] {strides = array<i32>} : memref<4x128xi32, #tpu.memory_space<vmem>>, vector<1x16xi32>,
    %swap3A_403 = vector.shape_cast %swap3A_402 : vector<1x16xi32> to vector<16xi32>
    %swap3A_404 = vector.shape_cast %select_n3A_398 : vector<16xi32> to vector<1x16xi32>
    tpu.vector_store %arg6[%swap3A_400, %swap3A_401], %swap3A_404 {strides = array<i32>} : memref<4x128xi32, #tpu.memory_space<vmem>>, vector<1x16xi32>,
    %get3A_405 = arith.constant 167 : index
    %get3A_406 = tpu.vector_load %arg5[%get3A_405] {strides = array<i32>} : memref<520xi32, #tpu.memory_space<vmem>>, vector<16xi32>,
    %get3A_407 = vector.shape_cast %get3A_406 : vector<16xi32> to vector<16xi32>
    %get3A_408 = arith.constant 168 : index
    %get3A_409 = tpu.vector_load %arg5[%get3A_408] {strides = array<i32>} : memref<520xi32, #tpu.memory_space<vmem>>, vector<16xi32>,
    %get3A_410 = vector.shape_cast %get3A_409 : vector<16xi32> to vector<16xi32>
    %mul3A_411 = arith.constant 31 : i32
    %mul3A_412 = vector.broadcast %mul3A_411 : i32 to vector<16xi32>
    %mul3A_413 = arith.muli %get3A_407, %mul3A_412 : vector<16xi32>
    %add3A_414 = arith.addi %mul3A_413, %get3A_410 : vector<16xi32>
    %jit3A_415 = arith.constant 1000000 : i32
    %eq3A_416 = arith.constant 0 : i32
    %eq3A_417 = arith.cmpi eq, %jit3A_415, %eq3A_416 : i32
    %jit3A_418 = arith.constant 1 : i32
    %select_n3A_419 = arith.select %eq3A_417, %jit3A_418, %jit3A_415 : i32
    %rem3A_420 = vector.broadcast %select_n3A_419 : i32 to vector<16xi32>
    %rem3A_421 = arith.remsi %add3A_414, %rem3A_420 : vector<16xi32>
    %ne3A_422 = arith.constant 0 : i32
    %ne3A_423 = vector.broadcast %ne3A_422 : i32 to vector<16xi32>
    %ne3A_424 = arith.cmpi ne, %rem3A_421, %ne3A_423 : vector<16xi32>
    %lt3A_425 = arith.constant 0 : i32
    %lt3A_426 = vector.broadcast %lt3A_425 : i32 to vector<16xi32>
    %lt3A_427 = arith.cmpi slt, %rem3A_421, %lt3A_426 : vector<16xi32>
    %lt3A_428 = arith.constant 0 : i32
    %lt3A_429 = arith.cmpi slt, %select_n3A_419, %lt3A_428 : i32
    %ne3A_430 = vector.broadcast %lt3A_429 : i1 to vector<16xi1>
    %ne3A_431 = vector.broadcast %ne3A_430 : vector<16xi1> to vector<16xi1>
    %ne3A_432 = arith.xori %lt3A_427, %ne3A_431 : vector<16xi1>
    %and3A_433 = arith.andi %ne3A_432, %ne3A_424 : vector<16xi1>
    %add3A_434 = vector.broadcast %select_n3A_419 : i32 to vector<16xi32>
    %add3A_435 = arith.addi %rem3A_421, %add3A_434 : vector<16xi32>
    %select_n3A_436 = arith.select %and3A_433, %add3A_435, %rem3A_421 : vector<16xi1>, vector<16xi32>
    %swap3A_437 = arith.constant 1 : i32
    %swap3A_438 = arith.index_cast %swap3A_437 : i32 to index
    %swap3A_439 = arith.constant 32 : index
    %swap3A_440 = tpu.vector_load %arg6[%swap3A_438, %swap3A_439] {strides = array<i32>} : memref<4x128xi32, #tpu.memory_space<vmem>>, vector<1x16xi32>,
    %swap3A_441 = vector.shape_cast %swap3A_440 : vector<1x16xi32> to vector<16xi32>
    %swap3A_442 = vector.shape_cast %select_n3A_436 : vector<16xi32> to vector<1x16xi32>
    tpu.vector_store %arg6[%swap3A_438, %swap3A_439], %swap3A_442 {strides = array<i32>} : memref<4x128xi32, #tpu.memory_space<vmem>>, vector<1x16xi32>,
    %get3A_443 = arith.constant 183 : index
    %get3A_444 = tpu.vector_load %arg5[%get3A_443] {strides = array<i32>} : memref<520xi32, #tpu.memory_space<vmem>>, vector<16xi32>,
    %get3A_445 = vector.shape_cast %get3A_444 : vector<16xi32> to vector<16xi32>
    %get3A_446 = arith.constant 184 : index
    %get3A_447 = tpu.vector_load %arg5[%get3A_446] {strides = array<i32>} : memref<520xi32, #tpu.memory_space<vmem>>, vector<16xi32>,
    %get3A_448 = vector.shape_cast %get3A_447 : vector<16xi32> to vector<16xi32>
    %mul3A_449 = arith.constant 31 : i32
    %mul3A_450 = vector.broadcast %mul3A_449 : i32 to vector<16xi32>
    %mul3A_451 = arith.muli %get3A_445, %mul3A_450 : vector<16xi32>
    %add3A_452 = arith.addi %mul3A_451, %get3A_448 : vector<16xi32>
    %jit3A_453 = arith.constant 1000000 : i32
    %eq3A_454 = arith.constant 0 : i32
    %eq3A_455 = arith.cmpi eq, %jit3A_453, %eq3A_454 : i32
    %jit3A_456 = arith.constant 1 : i32
    %select_n3A_457 = arith.select %eq3A_455, %jit3A_456, %jit3A_453 : i32
    %rem3A_458 = vector.broadcast %select_n3A_457 : i32 to vector<16xi32>
    %rem3A_459 = arith.remsi %add3A_452, %rem3A_458 : vector<16xi32>
    %ne3A_460 = arith.constant 0 : i32
    %ne3A_461 = vector.broadcast %ne3A_460 : i32 to vector<16xi32>
    %ne3A_462 = arith.cmpi ne, %rem3A_459, %ne3A_461 : vector<16xi32>
    %lt3A_463 = arith.constant 0 : i32
    %lt3A_464 = vector.broadcast %lt3A_463 : i32 to vector<16xi32>
    %lt3A_465 = arith.cmpi slt, %rem3A_459, %lt3A_464 : vector<16xi32>
    %lt3A_466 = arith.constant 0 : i32
    %lt3A_467 = arith.cmpi slt, %select_n3A_457, %lt3A_466 : i32
    %ne3A_468 = vector.broadcast %lt3A_467 : i1 to vector<16xi1>
    %ne3A_469 = vector.broadcast %ne3A_468 : vector<16xi1> to vector<16xi1>
    %ne3A_470 = arith.xori %lt3A_465, %ne3A_469 : vector<16xi1>
    %and3A_471 = arith.andi %ne3A_470, %ne3A_462 : vector<16xi1>
    %add3A_472 = vector.broadcast %select_n3A_457 : i32 to vector<16xi32>
    %add3A_473 = arith.addi %rem3A_459, %add3A_472 : vector<16xi32>
    %select_n3A_474 = arith.select %and3A_471, %add3A_473, %rem3A_459 : vector<16xi1>, vector<16xi32>
    %swap3A_475 = arith.constant 1 : i32
    %swap3A_476 = arith.index_cast %swap3A_475 : i32 to index
    %swap3A_477 = arith.constant 48 : index
    %swap3A_478 = tpu.vector_load %arg6[%swap3A_476, %swap3A_477] {strides = array<i32>} : memref<4x128xi32, #tpu.memory_space<vmem>>, vector<1x16xi32>,
    %swap3A_479 = vector.shape_cast %swap3A_478 : vector<1x16xi32> to vector<16xi32>
    %swap3A_480 = vector.shape_cast %select_n3A_474 : vector<16xi32> to vector<1x16xi32>
    tpu.vector_store %arg6[%swap3A_476, %swap3A_477], %swap3A_480 {strides = array<i32>} : memref<4x128xi32, #tpu.memory_space<vmem>>, vector<1x16xi32>,
    %get3A_481 = arith.constant 199 : index
    %get3A_482 = tpu.vector_load %arg5[%get3A_481] {strides = array<i32>} : memref<520xi32, #tpu.memory_space<vmem>>, vector<16xi32>,
    %get3A_483 = vector.shape_cast %get3A_482 : vector<16xi32> to vector<16xi32>
    %get3A_484 = arith.constant 200 : index
    %get3A_485 = tpu.vector_load %arg5[%get3A_484] {strides = array<i32>} : memref<520xi32, #tpu.memory_space<vmem>>, vector<16xi32>,
    %get3A_486 = vector.shape_cast %get3A_485 : vector<16xi32> to vector<16xi32>
    %mul3A_487 = arith.constant 31 : i32
    %mul3A_488 = vector.broadcast %mul3A_487 : i32 to vector<16xi32>
    %mul3A_489 = arith.muli %get3A_483, %mul3A_488 : vector<16xi32>
    %add3A_490 = arith.addi %mul3A_489, %get3A_486 : vector<16xi32>
    %jit3A_491 = arith.constant 1000000 : i32
    %eq3A_492 = arith.constant 0 : i32
    %eq3A_493 = arith.cmpi eq, %jit3A_491, %eq3A_492 : i32
    %jit3A_494 = arith.constant 1 : i32
    %select_n3A_495 = arith.select %eq3A_493, %jit3A_494, %jit3A_491 : i32
    %rem3A_496 = vector.broadcast %select_n3A_495 : i32 to vector<16xi32>
    %rem3A_497 = arith.remsi %add3A_490, %rem3A_496 : vector<16xi32>
    %ne3A_498 = arith.constant 0 : i32
    %ne3A_499 = vector.broadcast %ne3A_498 : i32 to vector<16xi32>
    %ne3A_500 = arith.cmpi ne, %rem3A_497, %ne3A_499 : vector<16xi32>
    %lt3A_501 = arith.constant 0 : i32
    %lt3A_502 = vector.broadcast %lt3A_501 : i32 to vector<16xi32>
    %lt3A_503 = arith.cmpi slt, %rem3A_497, %lt3A_502 : vector<16xi32>
    %lt3A_504 = arith.constant 0 : i32
    %lt3A_505 = arith.cmpi slt, %select_n3A_495, %lt3A_504 : i32
    %ne3A_506 = vector.broadcast %lt3A_505 : i1 to vector<16xi1>
    %ne3A_507 = vector.broadcast %ne3A_506 : vector<16xi1> to vector<16xi1>
    %ne3A_508 = arith.xori %lt3A_503, %ne3A_507 : vector<16xi1>
    %and3A_509 = arith.andi %ne3A_508, %ne3A_500 : vector<16xi1>
    %add3A_510 = vector.broadcast %select_n3A_495 : i32 to vector<16xi32>
    %add3A_511 = arith.addi %rem3A_497, %add3A_510 : vector<16xi32>
    %select_n3A_512 = arith.select %and3A_509, %add3A_511, %rem3A_497 : vector<16xi1>, vector<16xi32>
    %swap3A_513 = arith.constant 1 : i32
    %swap3A_514 = arith.index_cast %swap3A_513 : i32 to index
    %swap3A_515 = arith.constant 64 : index
    %swap3A_516 = tpu.vector_load %arg6[%swap3A_514, %swap3A_515] {strides = array<i32>} : memref<4x128xi32, #tpu.memory_space<vmem>>, vector<1x16xi32>,
    %swap3A_517 = vector.shape_cast %swap3A_516 : vector<1x16xi32> to vector<16xi32>
    %swap3A_518 = vector.shape_cast %select_n3A_512 : vector<16xi32> to vector<1x16xi32>
    tpu.vector_store %arg6[%swap3A_514, %swap3A_515], %swap3A_518 {strides = array<i32>} : memref<4x128xi32, #tpu.memory_space<vmem>>, vector<1x16xi32>,
    %get3A_519 = arith.constant 215 : index
    %get3A_520 = tpu.vector_load %arg5[%get3A_519] {strides = array<i32>} : memref<520xi32, #tpu.memory_space<vmem>>, vector<16xi32>,
    %get3A_521 = vector.shape_cast %get3A_520 : vector<16xi32> to vector<16xi32>
    %get3A_522 = arith.constant 216 : index
    %get3A_523 = tpu.vector_load %arg5[%get3A_522] {strides = array<i32>} : memref<520xi32, #tpu.memory_space<vmem>>, vector<16xi32>,
    %get3A_524 = vector.shape_cast %get3A_523 : vector<16xi32> to vector<16xi32>
    %mul3A_525 = arith.constant 31 : i32
    %mul3A_526 = vector.broadcast %mul3A_525 : i32 to vector<16xi32>
    %mul3A_527 = arith.muli %get3A_521, %mul3A_526 : vector<16xi32>
    %add3A_528 = arith.addi %mul3A_527, %get3A_524 : vector<16xi32>
    %jit3A_529 = arith.constant 1000000 : i32
    %eq3A_530 = arith.constant 0 : i32
    %eq3A_531 = arith.cmpi eq, %jit3A_529, %eq3A_530 : i32
    %jit3A_532 = arith.constant 1 : i32
    %select_n3A_533 = arith.select %eq3A_531, %jit3A_532, %jit3A_529 : i32
    %rem3A_534 = vector.broadcast %select_n3A_533 : i32 to vector<16xi32>
    %rem3A_535 = arith.remsi %add3A_528, %rem3A_534 : vector<16xi32>
    %ne3A_536 = arith.constant 0 : i32
    %ne3A_537 = vector.broadcast %ne3A_536 : i32 to vector<16xi32>
    %ne3A_538 = arith.cmpi ne, %rem3A_535, %ne3A_537 : vector<16xi32>
    %lt3A_539 = arith.constant 0 : i32
    %lt3A_540 = vector.broadcast %lt3A_539 : i32 to vector<16xi32>
    %lt3A_541 = arith.cmpi slt, %rem3A_535, %lt3A_540 : vector<16xi32>
    %lt3A_542 = arith.constant 0 : i32
    %lt3A_543 = arith.cmpi slt, %select_n3A_533, %lt3A_542 : i32
    %ne3A_544 = vector.broadcast %lt3A_543 : i1 to vector<16xi1>
    %ne3A_545 = vector.broadcast %ne3A_544 : vector<16xi1> to vector<16xi1>
    %ne3A_546 = arith.xori %lt3A_541, %ne3A_545 : vector<16xi1>
    %and3A_547 = arith.andi %ne3A_546, %ne3A_538 : vector<16xi1>
    %add3A_548 = vector.broadcast %select_n3A_533 : i32 to vector<16xi32>
    %add3A_549 = arith.addi %rem3A_535, %add3A_548 : vector<16xi32>
    %select_n3A_550 = arith.select %and3A_547, %add3A_549, %rem3A_535 : vector<16xi1>, vector<16xi32>
    %swap3A_551 = arith.constant 1 : i32
    %swap3A_552 = arith.index_cast %swap3A_551 : i32 to index
    %swap3A_553 = arith.constant 80 : index
    %swap3A_554 = tpu.vector_load %arg6[%swap3A_552, %swap3A_553] {strides = array<i32>} : memref<4x128xi32, #tpu.memory_space<vmem>>, vector<1x16xi32>,
    %swap3A_555 = vector.shape_cast %swap3A_554 : vector<1x16xi32> to vector<16xi32>
    %swap3A_556 = vector.shape_cast %select_n3A_550 : vector<16xi32> to vector<1x16xi32>
    tpu.vector_store %arg6[%swap3A_552, %swap3A_553], %swap3A_556 {strides = array<i32>} : memref<4x128xi32, #tpu.memory_space<vmem>>, vector<1x16xi32>,
    %get3A_557 = arith.constant 231 : index
    %get3A_558 = tpu.vector_load %arg5[%get3A_557] {strides = array<i32>} : memref<520xi32, #tpu.memory_space<vmem>>, vector<16xi32>,
    %get3A_559 = vector.shape_cast %get3A_558 : vector<16xi32> to vector<16xi32>
    %get3A_560 = arith.constant 232 : index
    %get3A_561 = tpu.vector_load %arg5[%get3A_560] {strides = array<i32>} : memref<520xi32, #tpu.memory_space<vmem>>, vector<16xi32>,
    %get3A_562 = vector.shape_cast %get3A_561 : vector<16xi32> to vector<16xi32>
    %mul3A_563 = arith.constant 31 : i32
    %mul3A_564 = vector.broadcast %mul3A_563 : i32 to vector<16xi32>
    %mul3A_565 = arith.muli %get3A_559, %mul3A_564 : vector<16xi32>
    %add3A_566 = arith.addi %mul3A_565, %get3A_562 : vector<16xi32>
    %jit3A_567 = arith.constant 1000000 : i32
    %eq3A_568 = arith.constant 0 : i32
    %eq3A_569 = arith.cmpi eq, %jit3A_567, %eq3A_568 : i32
    %jit3A_570 = arith.constant 1 : i32
    %select_n3A_571 = arith.select %eq3A_569, %jit3A_570, %jit3A_567 : i32
    %rem3A_572 = vector.broadcast %select_n3A_571 : i32 to vector<16xi32>
    %rem3A_573 = arith.remsi %add3A_566, %rem3A_572 : vector<16xi32>
    %ne3A_574 = arith.constant 0 : i32
    %ne3A_575 = vector.broadcast %ne3A_574 : i32 to vector<16xi32>
    %ne3A_576 = arith.cmpi ne, %rem3A_573, %ne3A_575 : vector<16xi32>
    %lt3A_577 = arith.constant 0 : i32
    %lt3A_578 = vector.broadcast %lt3A_577 : i32 to vector<16xi32>
    %lt3A_579 = arith.cmpi slt, %rem3A_573, %lt3A_578 : vector<16xi32>
    %lt3A_580 = arith.constant 0 : i32
    %lt3A_581 = arith.cmpi slt, %select_n3A_571, %lt3A_580 : i32
    %ne3A_582 = vector.broadcast %lt3A_581 : i1 to vector<16xi1>
    %ne3A_583 = vector.broadcast %ne3A_582 : vector<16xi1> to vector<16xi1>
    %ne3A_584 = arith.xori %lt3A_579, %ne3A_583 : vector<16xi1>
    %and3A_585 = arith.andi %ne3A_584, %ne3A_576 : vector<16xi1>
    %add3A_586 = vector.broadcast %select_n3A_571 : i32 to vector<16xi32>
    %add3A_587 = arith.addi %rem3A_573, %add3A_586 : vector<16xi32>
    %select_n3A_588 = arith.select %and3A_585, %add3A_587, %rem3A_573 : vector<16xi1>, vector<16xi32>
    %swap3A_589 = arith.constant 1 : i32
    %swap3A_590 = arith.index_cast %swap3A_589 : i32 to index
    %swap3A_591 = arith.constant 96 : index
    %swap3A_592 = tpu.vector_load %arg6[%swap3A_590, %swap3A_591] {strides = array<i32>} : memref<4x128xi32, #tpu.memory_space<vmem>>, vector<1x16xi32>,
    %swap3A_593 = vector.shape_cast %swap3A_592 : vector<1x16xi32> to vector<16xi32>
    %swap3A_594 = vector.shape_cast %select_n3A_588 : vector<16xi32> to vector<1x16xi32>
    tpu.vector_store %arg6[%swap3A_590, %swap3A_591], %swap3A_594 {strides = array<i32>} : memref<4x128xi32, #tpu.memory_space<vmem>>, vector<1x16xi32>,
    %get3A_595 = arith.constant 247 : index
    %get3A_596 = tpu.vector_load %arg5[%get3A_595] {strides = array<i32>} : memref<520xi32, #tpu.memory_space<vmem>>, vector<16xi32>,
    %get3A_597 = vector.shape_cast %get3A_596 : vector<16xi32> to vector<16xi32>
    %get3A_598 = arith.constant 248 : index
    %get3A_599 = tpu.vector_load %arg5[%get3A_598] {strides = array<i32>} : memref<520xi32, #tpu.memory_space<vmem>>, vector<16xi32>,
    %get3A_600 = vector.shape_cast %get3A_599 : vector<16xi32> to vector<16xi32>
    %mul3A_601 = arith.constant 31 : i32
    %mul3A_602 = vector.broadcast %mul3A_601 : i32 to vector<16xi32>
    %mul3A_603 = arith.muli %get3A_597, %mul3A_602 : vector<16xi32>
    %add3A_604 = arith.addi %mul3A_603, %get3A_600 : vector<16xi32>
    %jit3A_605 = arith.constant 1000000 : i32
    %eq3A_606 = arith.constant 0 : i32
    %eq3A_607 = arith.cmpi eq, %jit3A_605, %eq3A_606 : i32
    %jit3A_608 = arith.constant 1 : i32
    %select_n3A_609 = arith.select %eq3A_607, %jit3A_608, %jit3A_605 : i32
    %rem3A_610 = vector.broadcast %select_n3A_609 : i32 to vector<16xi32>
    %rem3A_611 = arith.remsi %add3A_604, %rem3A_610 : vector<16xi32>
    %ne3A_612 = arith.constant 0 : i32
    %ne3A_613 = vector.broadcast %ne3A_612 : i32 to vector<16xi32>
    %ne3A_614 = arith.cmpi ne, %rem3A_611, %ne3A_613 : vector<16xi32>
    %lt3A_615 = arith.constant 0 : i32
    %lt3A_616 = vector.broadcast %lt3A_615 : i32 to vector<16xi32>
    %lt3A_617 = arith.cmpi slt, %rem3A_611, %lt3A_616 : vector<16xi32>
    %lt3A_618 = arith.constant 0 : i32
    %lt3A_619 = arith.cmpi slt, %select_n3A_609, %lt3A_618 : i32
    %ne3A_620 = vector.broadcast %lt3A_619 : i1 to vector<16xi1>
    %ne3A_621 = vector.broadcast %ne3A_620 : vector<16xi1> to vector<16xi1>
    %ne3A_622 = arith.xori %lt3A_617, %ne3A_621 : vector<16xi1>
    %and3A_623 = arith.andi %ne3A_622, %ne3A_614 : vector<16xi1>
    %add3A_624 = vector.broadcast %select_n3A_609 : i32 to vector<16xi32>
    %add3A_625 = arith.addi %rem3A_611, %add3A_624 : vector<16xi32>
    %select_n3A_626 = arith.select %and3A_623, %add3A_625, %rem3A_611 : vector<16xi1>, vector<16xi32>
    %swap3A_627 = arith.constant 1 : i32
    %swap3A_628 = arith.index_cast %swap3A_627 : i32 to index
    %swap3A_629 = arith.constant 112 : index
    %swap3A_630 = tpu.vector_load %arg6[%swap3A_628, %swap3A_629] {strides = array<i32>} : memref<4x128xi32, #tpu.memory_space<vmem>>, vector<1x16xi32>,
    %swap3A_631 = vector.shape_cast %swap3A_630 : vector<1x16xi32> to vector<16xi32>
    %swap3A_632 = vector.shape_cast %select_n3A_626 : vector<16xi32> to vector<1x16xi32>
    tpu.vector_store %arg6[%swap3A_628, %swap3A_629], %swap3A_632 {strides = array<i32>} : memref<4x128xi32, #tpu.memory_space<vmem>>, vector<1x16xi32>,
    %get3A_633 = arith.constant 263 : index
    %get3A_634 = tpu.vector_load %arg5[%get3A_633] {strides = array<i32>} : memref<520xi32, #tpu.memory_space<vmem>>, vector<16xi32>,
    %get3A_635 = vector.shape_cast %get3A_634 : vector<16xi32> to vector<16xi32>
    %get3A_636 = arith.constant 264 : index
    %get3A_637 = tpu.vector_load %arg5[%get3A_636] {strides = array<i32>} : memref<520xi32, #tpu.memory_space<vmem>>, vector<16xi32>,
    %get3A_638 = vector.shape_cast %get3A_637 : vector<16xi32> to vector<16xi32>
    %mul3A_639 = arith.constant 31 : i32
    %mul3A_640 = vector.broadcast %mul3A_639 : i32 to vector<16xi32>
    %mul3A_641 = arith.muli %get3A_635, %mul3A_640 : vector<16xi32>
    %add3A_642 = arith.addi %mul3A_641, %get3A_638 : vector<16xi32>
    %jit3A_643 = arith.constant 1000000 : i32
    %eq3A_644 = arith.constant 0 : i32
    %eq3A_645 = arith.cmpi eq, %jit3A_643, %eq3A_644 : i32
    %jit3A_646 = arith.constant 1 : i32
    %select_n3A_647 = arith.select %eq3A_645, %jit3A_646, %jit3A_643 : i32
    %rem3A_648 = vector.broadcast %select_n3A_647 : i32 to vector<16xi32>
    %rem3A_649 = arith.remsi %add3A_642, %rem3A_648 : vector<16xi32>
    %ne3A_650 = arith.constant 0 : i32
    %ne3A_651 = vector.broadcast %ne3A_650 : i32 to vector<16xi32>
    %ne3A_652 = arith.cmpi ne, %rem3A_649, %ne3A_651 : vector<16xi32>
    %lt3A_653 = arith.constant 0 : i32
    %lt3A_654 = vector.broadcast %lt3A_653 : i32 to vector<16xi32>
    %lt3A_655 = arith.cmpi slt, %rem3A_649, %lt3A_654 : vector<16xi32>
    %lt3A_656 = arith.constant 0 : i32
    %lt3A_657 = arith.cmpi slt, %select_n3A_647, %lt3A_656 : i32
    %ne3A_658 = vector.broadcast %lt3A_657 : i1 to vector<16xi1>
    %ne3A_659 = vector.broadcast %ne3A_658 : vector<16xi1> to vector<16xi1>
    %ne3A_660 = arith.xori %lt3A_655, %ne3A_659 : vector<16xi1>
    %and3A_661 = arith.andi %ne3A_660, %ne3A_652 : vector<16xi1>
    %add3A_662 = vector.broadcast %select_n3A_647 : i32 to vector<16xi32>
    %add3A_663 = arith.addi %rem3A_649, %add3A_662 : vector<16xi32>
    %select_n3A_664 = arith.select %and3A_661, %add3A_663, %rem3A_649 : vector<16xi1>, vector<16xi32>
    %swap3A_665 = arith.constant 2 : i32
    %swap3A_666 = arith.index_cast %swap3A_665 : i32 to index
    %swap3A_667 = arith.constant 0 : index
    %swap3A_668 = tpu.vector_load %arg6[%swap3A_666, %swap3A_667] {strides = array<i32>} : memref<4x128xi32, #tpu.memory_space<vmem>>, vector<1x16xi32>,
    %swap3A_669 = vector.shape_cast %swap3A_668 : vector<1x16xi32> to vector<16xi32>
    %swap3A_670 = vector.shape_cast %select_n3A_664 : vector<16xi32> to vector<1x16xi32>
    tpu.vector_store %arg6[%swap3A_666, %swap3A_667], %swap3A_670 {strides = array<i32>} : memref<4x128xi32, #tpu.memory_space<vmem>>, vector<1x16xi32>,
    %get3A_671 = arith.constant 279 : index
    %get3A_672 = tpu.vector_load %arg5[%get3A_671] {strides = array<i32>} : memref<520xi32, #tpu.memory_space<vmem>>, vector<16xi32>,
    %get3A_673 = vector.shape_cast %get3A_672 : vector<16xi32> to vector<16xi32>
    %get3A_674 = arith.constant 280 : index
    %get3A_675 = tpu.vector_load %arg5[%get3A_674] {strides = array<i32>} : memref<520xi32, #tpu.memory_space<vmem>>, vector<16xi32>,
    %get3A_676 = vector.shape_cast %get3A_675 : vector<16xi32> to vector<16xi32>
    %mul3A_677 = arith.constant 31 : i32
    %mul3A_678 = vector.broadcast %mul3A_677 : i32 to vector<16xi32>
    %mul3A_679 = arith.muli %get3A_673, %mul3A_678 : vector<16xi32>
    %add3A_680 = arith.addi %mul3A_679, %get3A_676 : vector<16xi32>
    %jit3A_681 = arith.constant 1000000 : i32
    %eq3A_682 = arith.constant 0 : i32
    %eq3A_683 = arith.cmpi eq, %jit3A_681, %eq3A_682 : i32
    %jit3A_684 = arith.constant 1 : i32
    %select_n3A_685 = arith.select %eq3A_683, %jit3A_684, %jit3A_681 : i32
    %rem3A_686 = vector.broadcast %select_n3A_685 : i32 to vector<16xi32>
    %rem3A_687 = arith.remsi %add3A_680, %rem3A_686 : vector<16xi32>
    %ne3A_688 = arith.constant 0 : i32
    %ne3A_689 = vector.broadcast %ne3A_688 : i32 to vector<16xi32>
    %ne3A_690 = arith.cmpi ne, %rem3A_687, %ne3A_689 : vector<16xi32>
    %lt3A_691 = arith.constant 0 : i32
    %lt3A_692 = vector.broadcast %lt3A_691 : i32 to vector<16xi32>
    %lt3A_693 = arith.cmpi slt, %rem3A_687, %lt3A_692 : vector<16xi32>
    %lt3A_694 = arith.constant 0 : i32
    %lt3A_695 = arith.cmpi slt, %select_n3A_685, %lt3A_694 : i32
    %ne3A_696 = vector.broadcast %lt3A_695 : i1 to vector<16xi1>
    %ne3A_697 = vector.broadcast %ne3A_696 : vector<16xi1> to vector<16xi1>
    %ne3A_698 = arith.xori %lt3A_693, %ne3A_697 : vector<16xi1>
    %and3A_699 = arith.andi %ne3A_698, %ne3A_690 : vector<16xi1>
    %add3A_700 = vector.broadcast %select_n3A_685 : i32 to vector<16xi32>
    %add3A_701 = arith.addi %rem3A_687, %add3A_700 : vector<16xi32>
    %select_n3A_702 = arith.select %and3A_699, %add3A_701, %rem3A_687 : vector<16xi1>, vector<16xi32>
    %swap3A_703 = arith.constant 2 : i32
    %swap3A_704 = arith.index_cast %swap3A_703 : i32 to index
    %swap3A_705 = arith.constant 16 : index
    %swap3A_706 = tpu.vector_load %arg6[%swap3A_704, %swap3A_705] {strides = array<i32>} : memref<4x128xi32, #tpu.memory_space<vmem>>, vector<1x16xi32>,
    %swap3A_707 = vector.shape_cast %swap3A_706 : vector<1x16xi32> to vector<16xi32>
    %swap3A_708 = vector.shape_cast %select_n3A_702 : vector<16xi32> to vector<1x16xi32>
    tpu.vector_store %arg6[%swap3A_704, %swap3A_705], %swap3A_708 {strides = array<i32>} : memref<4x128xi32, #tpu.memory_space<vmem>>, vector<1x16xi32>,
    %get3A_709 = arith.constant 295 : index
    %get3A_710 = tpu.vector_load %arg5[%get3A_709] {strides = array<i32>} : memref<520xi32, #tpu.memory_space<vmem>>, vector<16xi32>,
    %get3A_711 = vector.shape_cast %get3A_710 : vector<16xi32> to vector<16xi32>
    %get3A_712 = arith.constant 296 : index
    %get3A_713 = tpu.vector_load %arg5[%get3A_712] {strides = array<i32>} : memref<520xi32, #tpu.memory_space<vmem>>, vector<16xi32>,
    %get3A_714 = vector.shape_cast %get3A_713 : vector<16xi32> to vector<16xi32>
    %mul3A_715 = arith.constant 31 : i32
    %mul3A_716 = vector.broadcast %mul3A_715 : i32 to vector<16xi32>
    %mul3A_717 = arith.muli %get3A_711, %mul3A_716 : vector<16xi32>
    %add3A_718 = arith.addi %mul3A_717, %get3A_714 : vector<16xi32>
    %jit3A_719 = arith.constant 1000000 : i32
    %eq3A_720 = arith.constant 0 : i32
    %eq3A_721 = arith.cmpi eq, %jit3A_719, %eq3A_720 : i32
    %jit3A_722 = arith.constant 1 : i32
    %select_n3A_723 = arith.select %eq3A_721, %jit3A_722, %jit3A_719 : i32
    %rem3A_724 = vector.broadcast %select_n3A_723 : i32 to vector<16xi32>
    %rem3A_725 = arith.remsi %add3A_718, %rem3A_724 : vector<16xi32>
    %ne3A_726 = arith.constant 0 : i32
    %ne3A_727 = vector.broadcast %ne3A_726 : i32 to vector<16xi32>
    %ne3A_728 = arith.cmpi ne, %rem3A_725, %ne3A_727 : vector<16xi32>
    %lt3A_729 = arith.constant 0 : i32
    %lt3A_730 = vector.broadcast %lt3A_729 : i32 to vector<16xi32>
    %lt3A_731 = arith.cmpi slt, %rem3A_725, %lt3A_730 : vector<16xi32>
    %lt3A_732 = arith.constant 0 : i32
    %lt3A_733 = arith.cmpi slt, %select_n3A_723, %lt3A_732 : i32
    %ne3A_734 = vector.broadcast %lt3A_733 : i1 to vector<16xi1>
    %ne3A_735 = vector.broadcast %ne3A_734 : vector<16xi1> to vector<16xi1>
    %ne3A_736 = arith.xori %lt3A_731, %ne3A_735 : vector<16xi1>
    %and3A_737 = arith.andi %ne3A_736, %ne3A_728 : vector<16xi1>
    %add3A_738 = vector.broadcast %select_n3A_723 : i32 to vector<16xi32>
    %add3A_739 = arith.addi %rem3A_725, %add3A_738 : vector<16xi32>
    %select_n3A_740 = arith.select %and3A_737, %add3A_739, %rem3A_725 : vector<16xi1>, vector<16xi32>
    %swap3A_741 = arith.constant 2 : i32
    %swap3A_742 = arith.index_cast %swap3A_741 : i32 to index
    %swap3A_743 = arith.constant 32 : index
    %swap3A_744 = tpu.vector_load %arg6[%swap3A_742, %swap3A_743] {strides = array<i32>} : memref<4x128xi32, #tpu.memory_space<vmem>>, vector<1x16xi32>,
    %swap3A_745 = vector.shape_cast %swap3A_744 : vector<1x16xi32> to vector<16xi32>
    %swap3A_746 = vector.shape_cast %select_n3A_740 : vector<16xi32> to vector<1x16xi32>
    tpu.vector_store %arg6[%swap3A_742, %swap3A_743], %swap3A_746 {strides = array<i32>} : memref<4x128xi32, #tpu.memory_space<vmem>>, vector<1x16xi32>,
    %get3A_747 = arith.constant 311 : index
    %get3A_748 = tpu.vector_load %arg5[%get3A_747] {strides = array<i32>} : memref<520xi32, #tpu.memory_space<vmem>>, vector<16xi32>,
    %get3A_749 = vector.shape_cast %get3A_748 : vector<16xi32> to vector<16xi32>
    %get3A_750 = arith.constant 312 : index
    %get3A_751 = tpu.vector_load %arg5[%get3A_750] {strides = array<i32>} : memref<520xi32, #tpu.memory_space<vmem>>, vector<16xi32>,
    %get3A_752 = vector.shape_cast %get3A_751 : vector<16xi32> to vector<16xi32>
    %mul3A_753 = arith.constant 31 : i32
    %mul3A_754 = vector.broadcast %mul3A_753 : i32 to vector<16xi32>
    %mul3A_755 = arith.muli %get3A_749, %mul3A_754 : vector<16xi32>
    %add3A_756 = arith.addi %mul3A_755, %get3A_752 : vector<16xi32>
    %jit3A_757 = arith.constant 1000000 : i32
    %eq3A_758 = arith.constant 0 : i32
    %eq3A_759 = arith.cmpi eq, %jit3A_757, %eq3A_758 : i32
    %jit3A_760 = arith.constant 1 : i32
    %select_n3A_761 = arith.select %eq3A_759, %jit3A_760, %jit3A_757 : i32
    %rem3A_762 = vector.broadcast %select_n3A_761 : i32 to vector<16xi32>
    %rem3A_763 = arith.remsi %add3A_756, %rem3A_762 : vector<16xi32>
    %ne3A_764 = arith.constant 0 : i32
    %ne3A_765 = vector.broadcast %ne3A_764 : i32 to vector<16xi32>
    %ne3A_766 = arith.cmpi ne, %rem3A_763, %ne3A_765 : vector<16xi32>
    %lt3A_767 = arith.constant 0 : i32
    %lt3A_768 = vector.broadcast %lt3A_767 : i32 to vector<16xi32>
    %lt3A_769 = arith.cmpi slt, %rem3A_763, %lt3A_768 : vector<16xi32>
    %lt3A_770 = arith.constant 0 : i32
    %lt3A_771 = arith.cmpi slt, %select_n3A_761, %lt3A_770 : i32
    %ne3A_772 = vector.broadcast %lt3A_771 : i1 to vector<16xi1>
    %ne3A_773 = vector.broadcast %ne3A_772 : vector<16xi1> to vector<16xi1>
    %ne3A_774 = arith.xori %lt3A_769, %ne3A_773 : vector<16xi1>
    %and3A_775 = arith.andi %ne3A_774, %ne3A_766 : vector<16xi1>
    %add3A_776 = vector.broadcast %select_n3A_761 : i32 to vector<16xi32>
    %add3A_777 = arith.addi %rem3A_763, %add3A_776 : vector<16xi32>
    %select_n3A_778 = arith.select %and3A_775, %add3A_777, %rem3A_763 : vector<16xi1>, vector<16xi32>
    %swap3A_779 = arith.constant 2 : i32
    %swap3A_780 = arith.index_cast %swap3A_779 : i32 to index
    %swap3A_781 = arith.constant 48 : index
    %swap3A_782 = tpu.vector_load %arg6[%swap3A_780, %swap3A_781] {strides = array<i32>} : memref<4x128xi32, #tpu.memory_space<vmem>>, vector<1x16xi32>,
    %swap3A_783 = vector.shape_cast %swap3A_782 : vector<1x16xi32> to vector<16xi32>
    %swap3A_784 = vector.shape_cast %select_n3A_778 : vector<16xi32> to vector<1x16xi32>
    tpu.vector_store %arg6[%swap3A_780, %swap3A_781], %swap3A_784 {strides = array<i32>} : memref<4x128xi32, #tpu.memory_space<vmem>>, vector<1x16xi32>,
    %get3A_785 = arith.constant 327 : index
    %get3A_786 = tpu.vector_load %arg5[%get3A_785] {strides = array<i32>} : memref<520xi32, #tpu.memory_space<vmem>>, vector<16xi32>,
    %get3A_787 = vector.shape_cast %get3A_786 : vector<16xi32> to vector<16xi32>
    %get3A_788 = arith.constant 328 : index
    %get3A_789 = tpu.vector_load %arg5[%get3A_788] {strides = array<i32>} : memref<520xi32, #tpu.memory_space<vmem>>, vector<16xi32>,
    %get3A_790 = vector.shape_cast %get3A_789 : vector<16xi32> to vector<16xi32>
    %mul3A_791 = arith.constant 31 : i32
    %mul3A_792 = vector.broadcast %mul3A_791 : i32 to vector<16xi32>
    %mul3A_793 = arith.muli %get3A_787, %mul3A_792 : vector<16xi32>
    %add3A_794 = arith.addi %mul3A_793, %get3A_790 : vector<16xi32>
    %jit3A_795 = arith.constant 1000000 : i32
    %eq3A_796 = arith.constant 0 : i32
    %eq3A_797 = arith.cmpi eq, %jit3A_795, %eq3A_796 : i32
    %jit3A_798 = arith.constant 1 : i32
    %select_n3A_799 = arith.select %eq3A_797, %jit3A_798, %jit3A_795 : i32
    %rem3A_800 = vector.broadcast %select_n3A_799 : i32 to vector<16xi32>
    %rem3A_801 = arith.remsi %add3A_794, %rem3A_800 : vector<16xi32>
    %ne3A_802 = arith.constant 0 : i32
    %ne3A_803 = vector.broadcast %ne3A_802 : i32 to vector<16xi32>
    %ne3A_804 = arith.cmpi ne, %rem3A_801, %ne3A_803 : vector<16xi32>
    %lt3A_805 = arith.constant 0 : i32
    %lt3A_806 = vector.broadcast %lt3A_805 : i32 to vector<16xi32>
    %lt3A_807 = arith.cmpi slt, %rem3A_801, %lt3A_806 : vector<16xi32>
    %lt3A_808 = arith.constant 0 : i32
    %lt3A_809 = arith.cmpi slt, %select_n3A_799, %lt3A_808 : i32
    %ne3A_810 = vector.broadcast %lt3A_809 : i1 to vector<16xi1>
    %ne3A_811 = vector.broadcast %ne3A_810 : vector<16xi1> to vector<16xi1>
    %ne3A_812 = arith.xori %lt3A_807, %ne3A_811 : vector<16xi1>
    %and3A_813 = arith.andi %ne3A_812, %ne3A_804 : vector<16xi1>
    %add3A_814 = vector.broadcast %select_n3A_799 : i32 to vector<16xi32>
    %add3A_815 = arith.addi %rem3A_801, %add3A_814 : vector<16xi32>
    %select_n3A_816 = arith.select %and3A_813, %add3A_815, %rem3A_801 : vector<16xi1>, vector<16xi32>
    %swap3A_817 = arith.constant 2 : i32
    %swap3A_818 = arith.index_cast %swap3A_817 : i32 to index
    %swap3A_819 = arith.constant 64 : index
    %swap3A_820 = tpu.vector_load %arg6[%swap3A_818, %swap3A_819] {strides = array<i32>} : memref<4x128xi32, #tpu.memory_space<vmem>>, vector<1x16xi32>,
    %swap3A_821 = vector.shape_cast %swap3A_820 : vector<1x16xi32> to vector<16xi32>
    %swap3A_822 = vector.shape_cast %select_n3A_816 : vector<16xi32> to vector<1x16xi32>
    tpu.vector_store %arg6[%swap3A_818, %swap3A_819], %swap3A_822 {strides = array<i32>} : memref<4x128xi32, #tpu.memory_space<vmem>>, vector<1x16xi32>,
    %get3A_823 = arith.constant 343 : index
    %get3A_824 = tpu.vector_load %arg5[%get3A_823] {strides = array<i32>} : memref<520xi32, #tpu.memory_space<vmem>>, vector<16xi32>,
    %get3A_825 = vector.shape_cast %get3A_824 : vector<16xi32> to vector<16xi32>
    %get3A_826 = arith.constant 344 : index
    %get3A_827 = tpu.vector_load %arg5[%get3A_826] {strides = array<i32>} : memref<520xi32, #tpu.memory_space<vmem>>, vector<16xi32>,
    %get3A_828 = vector.shape_cast %get3A_827 : vector<16xi32> to vector<16xi32>
    %mul3A_829 = arith.constant 31 : i32
    %mul3A_830 = vector.broadcast %mul3A_829 : i32 to vector<16xi32>
    %mul3A_831 = arith.muli %get3A_825, %mul3A_830 : vector<16xi32>
    %add3A_832 = arith.addi %mul3A_831, %get3A_828 : vector<16xi32>
    %jit3A_833 = arith.constant 1000000 : i32
    %eq3A_834 = arith.constant 0 : i32
    %eq3A_835 = arith.cmpi eq, %jit3A_833, %eq3A_834 : i32
    %jit3A_836 = arith.constant 1 : i32
    %select_n3A_837 = arith.select %eq3A_835, %jit3A_836, %jit3A_833 : i32
    %rem3A_838 = vector.broadcast %select_n3A_837 : i32 to vector<16xi32>
    %rem3A_839 = arith.remsi %add3A_832, %rem3A_838 : vector<16xi32>
    %ne3A_840 = arith.constant 0 : i32
    %ne3A_841 = vector.broadcast %ne3A_840 : i32 to vector<16xi32>
    %ne3A_842 = arith.cmpi ne, %rem3A_839, %ne3A_841 : vector<16xi32>
    %lt3A_843 = arith.constant 0 : i32
    %lt3A_844 = vector.broadcast %lt3A_843 : i32 to vector<16xi32>
    %lt3A_845 = arith.cmpi slt, %rem3A_839, %lt3A_844 : vector<16xi32>
    %lt3A_846 = arith.constant 0 : i32
    %lt3A_847 = arith.cmpi slt, %select_n3A_837, %lt3A_846 : i32
    %ne3A_848 = vector.broadcast %lt3A_847 : i1 to vector<16xi1>
    %ne3A_849 = vector.broadcast %ne3A_848 : vector<16xi1> to vector<16xi1>
    %ne3A_850 = arith.xori %lt3A_845, %ne3A_849 : vector<16xi1>
    %and3A_851 = arith.andi %ne3A_850, %ne3A_842 : vector<16xi1>
    %add3A_852 = vector.broadcast %select_n3A_837 : i32 to vector<16xi32>
    %add3A_853 = arith.addi %rem3A_839, %add3A_852 : vector<16xi32>
    %select_n3A_854 = arith.select %and3A_851, %add3A_853, %rem3A_839 : vector<16xi1>, vector<16xi32>
    %swap3A_855 = arith.constant 2 : i32
    %swap3A_856 = arith.index_cast %swap3A_855 : i32 to index
    %swap3A_857 = arith.constant 80 : index
    %swap3A_858 = tpu.vector_load %arg6[%swap3A_856, %swap3A_857] {strides = array<i32>} : memref<4x128xi32, #tpu.memory_space<vmem>>, vector<1x16xi32>,
    %swap3A_859 = vector.shape_cast %swap3A_858 : vector<1x16xi32> to vector<16xi32>
    %swap3A_860 = vector.shape_cast %select_n3A_854 : vector<16xi32> to vector<1x16xi32>
    tpu.vector_store %arg6[%swap3A_856, %swap3A_857], %swap3A_860 {strides = array<i32>} : memref<4x128xi32, #tpu.memory_space<vmem>>, vector<1x16xi32>,
    %get3A_861 = arith.constant 359 : index
    %get3A_862 = tpu.vector_load %arg5[%get3A_861] {strides = array<i32>} : memref<520xi32, #tpu.memory_space<vmem>>, vector<16xi32>,
    %get3A_863 = vector.shape_cast %get3A_862 : vector<16xi32> to vector<16xi32>
    %get3A_864 = arith.constant 360 : index
    %get3A_865 = tpu.vector_load %arg5[%get3A_864] {strides = array<i32>} : memref<520xi32, #tpu.memory_space<vmem>>, vector<16xi32>,
    %get3A_866 = vector.shape_cast %get3A_865 : vector<16xi32> to vector<16xi32>
    %mul3A_867 = arith.constant 31 : i32
    %mul3A_868 = vector.broadcast %mul3A_867 : i32 to vector<16xi32>
    %mul3A_869 = arith.muli %get3A_863, %mul3A_868 : vector<16xi32>
    %add3A_870 = arith.addi %mul3A_869, %get3A_866 : vector<16xi32>
    %jit3A_871 = arith.constant 1000000 : i32
    %eq3A_872 = arith.constant 0 : i32
    %eq3A_873 = arith.cmpi eq, %jit3A_871, %eq3A_872 : i32
    %jit3A_874 = arith.constant 1 : i32
    %select_n3A_875 = arith.select %eq3A_873, %jit3A_874, %jit3A_871 : i32
    %rem3A_876 = vector.broadcast %select_n3A_875 : i32 to vector<16xi32>
    %rem3A_877 = arith.remsi %add3A_870, %rem3A_876 : vector<16xi32>
    %ne3A_878 = arith.constant 0 : i32
    %ne3A_879 = vector.broadcast %ne3A_878 : i32 to vector<16xi32>
    %ne3A_880 = arith.cmpi ne, %rem3A_877, %ne3A_879 : vector<16xi32>
    %lt3A_881 = arith.constant 0 : i32
    %lt3A_882 = vector.broadcast %lt3A_881 : i32 to vector<16xi32>
    %lt3A_883 = arith.cmpi slt, %rem3A_877, %lt3A_882 : vector<16xi32>
    %lt3A_884 = arith.constant 0 : i32
    %lt3A_885 = arith.cmpi slt, %select_n3A_875, %lt3A_884 : i32
    %ne3A_886 = vector.broadcast %lt3A_885 : i1 to vector<16xi1>
    %ne3A_887 = vector.broadcast %ne3A_886 : vector<16xi1> to vector<16xi1>
    %ne3A_888 = arith.xori %lt3A_883, %ne3A_887 : vector<16xi1>
    %and3A_889 = arith.andi %ne3A_888, %ne3A_880 : vector<16xi1>
    %add3A_890 = vector.broadcast %select_n3A_875 : i32 to vector<16xi32>
    %add3A_891 = arith.addi %rem3A_877, %add3A_890 : vector<16xi32>
    %select_n3A_892 = arith.select %and3A_889, %add3A_891, %rem3A_877 : vector<16xi1>, vector<16xi32>
    %swap3A_893 = arith.constant 2 : i32
    %swap3A_894 = arith.index_cast %swap3A_893 : i32 to index
    %swap3A_895 = arith.constant 96 : index
    %swap3A_896 = tpu.vector_load %arg6[%swap3A_894, %swap3A_895] {strides = array<i32>} : memref<4x128xi32, #tpu.memory_space<vmem>>, vector<1x16xi32>,
    %swap3A_897 = vector.shape_cast %swap3A_896 : vector<1x16xi32> to vector<16xi32>
    %swap3A_898 = vector.shape_cast %select_n3A_892 : vector<16xi32> to vector<1x16xi32>
    tpu.vector_store %arg6[%swap3A_894, %swap3A_895], %swap3A_898 {strides = array<i32>} : memref<4x128xi32, #tpu.memory_space<vmem>>, vector<1x16xi32>,
    %get3A_899 = arith.constant 375 : index
    %get3A_900 = tpu.vector_load %arg5[%get3A_899] {strides = array<i32>} : memref<520xi32, #tpu.memory_space<vmem>>, vector<16xi32>,
    %get3A_901 = vector.shape_cast %get3A_900 : vector<16xi32> to vector<16xi32>
    %get3A_902 = arith.constant 376 : index
    %get3A_903 = tpu.vector_load %arg5[%get3A_902] {strides = array<i32>} : memref<520xi32, #tpu.memory_space<vmem>>, vector<16xi32>,
    %get3A_904 = vector.shape_cast %get3A_903 : vector<16xi32> to vector<16xi32>
    %mul3A_905 = arith.constant 31 : i32
    %mul3A_906 = vector.broadcast %mul3A_905 : i32 to vector<16xi32>
    %mul3A_907 = arith.muli %get3A_901, %mul3A_906 : vector<16xi32>
    %add3A_908 = arith.addi %mul3A_907, %get3A_904 : vector<16xi32>
    %jit3A_909 = arith.constant 1000000 : i32
    %eq3A_910 = arith.constant 0 : i32
    %eq3A_911 = arith.cmpi eq, %jit3A_909, %eq3A_910 : i32
    %jit3A_912 = arith.constant 1 : i32
    %select_n3A_913 = arith.select %eq3A_911, %jit3A_912, %jit3A_909 : i32
    %rem3A_914 = vector.broadcast %select_n3A_913 : i32 to vector<16xi32>
    %rem3A_915 = arith.remsi %add3A_908, %rem3A_914 : vector<16xi32>
    %ne3A_916 = arith.constant 0 : i32
    %ne3A_917 = vector.broadcast %ne3A_916 : i32 to vector<16xi32>
    %ne3A_918 = arith.cmpi ne, %rem3A_915, %ne3A_917 : vector<16xi32>
    %lt3A_919 = arith.constant 0 : i32
    %lt3A_920 = vector.broadcast %lt3A_919 : i32 to vector<16xi32>
    %lt3A_921 = arith.cmpi slt, %rem3A_915, %lt3A_920 : vector<16xi32>
    %lt3A_922 = arith.constant 0 : i32
    %lt3A_923 = arith.cmpi slt, %select_n3A_913, %lt3A_922 : i32
    %ne3A_924 = vector.broadcast %lt3A_923 : i1 to vector<16xi1>
    %ne3A_925 = vector.broadcast %ne3A_924 : vector<16xi1> to vector<16xi1>
    %ne3A_926 = arith.xori %lt3A_921, %ne3A_925 : vector<16xi1>
    %and3A_927 = arith.andi %ne3A_926, %ne3A_918 : vector<16xi1>
    %add3A_928 = vector.broadcast %select_n3A_913 : i32 to vector<16xi32>
    %add3A_929 = arith.addi %rem3A_915, %add3A_928 : vector<16xi32>
    %select_n3A_930 = arith.select %and3A_927, %add3A_929, %rem3A_915 : vector<16xi1>, vector<16xi32>
    %swap3A_931 = arith.constant 2 : i32
    %swap3A_932 = arith.index_cast %swap3A_931 : i32 to index
    %swap3A_933 = arith.constant 112 : index
    %swap3A_934 = tpu.vector_load %arg6[%swap3A_932, %swap3A_933] {strides = array<i32>} : memref<4x128xi32, #tpu.memory_space<vmem>>, vector<1x16xi32>,
    %swap3A_935 = vector.shape_cast %swap3A_934 : vector<1x16xi32> to vector<16xi32>
    %swap3A_936 = vector.shape_cast %select_n3A_930 : vector<16xi32> to vector<1x16xi32>
    tpu.vector_store %arg6[%swap3A_932, %swap3A_933], %swap3A_936 {strides = array<i32>} : memref<4x128xi32, #tpu.memory_space<vmem>>, vector<1x16xi32>,
    %get3A_937 = arith.constant 391 : index
    %get3A_938 = tpu.vector_load %arg5[%get3A_937] {strides = array<i32>} : memref<520xi32, #tpu.memory_space<vmem>>, vector<16xi32>,
    %get3A_939 = vector.shape_cast %get3A_938 : vector<16xi32> to vector<16xi32>
    %get3A_940 = arith.constant 392 : index
    %get3A_941 = tpu.vector_load %arg5[%get3A_940] {strides = array<i32>} : memref<520xi32, #tpu.memory_space<vmem>>, vector<16xi32>,
    %get3A_942 = vector.shape_cast %get3A_941 : vector<16xi32> to vector<16xi32>
    %mul3A_943 = arith.constant 31 : i32
    %mul3A_944 = vector.broadcast %mul3A_943 : i32 to vector<16xi32>
    %mul3A_945 = arith.muli %get3A_939, %mul3A_944 : vector<16xi32>
    %add3A_946 = arith.addi %mul3A_945, %get3A_942 : vector<16xi32>
    %jit3A_947 = arith.constant 1000000 : i32
    %eq3A_948 = arith.constant 0 : i32
    %eq3A_949 = arith.cmpi eq, %jit3A_947, %eq3A_948 : i32
    %jit3A_950 = arith.constant 1 : i32
    %select_n3A_951 = arith.select %eq3A_949, %jit3A_950, %jit3A_947 : i32
    %rem3A_952 = vector.broadcast %select_n3A_951 : i32 to vector<16xi32>
    %rem3A_953 = arith.remsi %add3A_946, %rem3A_952 : vector<16xi32>
    %ne3A_954 = arith.constant 0 : i32
    %ne3A_955 = vector.broadcast %ne3A_954 : i32 to vector<16xi32>
    %ne3A_956 = arith.cmpi ne, %rem3A_953, %ne3A_955 : vector<16xi32>
    %lt3A_957 = arith.constant 0 : i32
    %lt3A_958 = vector.broadcast %lt3A_957 : i32 to vector<16xi32>
    %lt3A_959 = arith.cmpi slt, %rem3A_953, %lt3A_958 : vector<16xi32>
    %lt3A_960 = arith.constant 0 : i32
    %lt3A_961 = arith.cmpi slt, %select_n3A_951, %lt3A_960 : i32
    %ne3A_962 = vector.broadcast %lt3A_961 : i1 to vector<16xi1>
    %ne3A_963 = vector.broadcast %ne3A_962 : vector<16xi1> to vector<16xi1>
    %ne3A_964 = arith.xori %lt3A_959, %ne3A_963 : vector<16xi1>
    %and3A_965 = arith.andi %ne3A_964, %ne3A_956 : vector<16xi1>
    %add3A_966 = vector.broadcast %select_n3A_951 : i32 to vector<16xi32>
    %add3A_967 = arith.addi %rem3A_953, %add3A_966 : vector<16xi32>
    %select_n3A_968 = arith.select %and3A_965, %add3A_967, %rem3A_953 : vector<16xi1>, vector<16xi32>
    %swap3A_969 = arith.constant 3 : i32
    %swap3A_970 = arith.index_cast %swap3A_969 : i32 to index
    %swap3A_971 = arith.constant 0 : index
    %swap3A_972 = tpu.vector_load %arg6[%swap3A_970, %swap3A_971] {strides = array<i32>} : memref<4x128xi32, #tpu.memory_space<vmem>>, vector<1x16xi32>,
    %swap3A_973 = vector.shape_cast %swap3A_972 : vector<1x16xi32> to vector<16xi32>
    %swap3A_974 = vector.shape_cast %select_n3A_968 : vector<16xi32> to vector<1x16xi32>
    tpu.vector_store %arg6[%swap3A_970, %swap3A_971], %swap3A_974 {strides = array<i32>} : memref<4x128xi32, #tpu.memory_space<vmem>>, vector<1x16xi32>,
    %get3A_975 = arith.constant 407 : index
    %get3A_976 = tpu.vector_load %arg5[%get3A_975] {strides = array<i32>} : memref<520xi32, #tpu.memory_space<vmem>>, vector<16xi32>,
    %get3A_977 = vector.shape_cast %get3A_976 : vector<16xi32> to vector<16xi32>
    %get3A_978 = arith.constant 408 : index
    %get3A_979 = tpu.vector_load %arg5[%get3A_978] {strides = array<i32>} : memref<520xi32, #tpu.memory_space<vmem>>, vector<16xi32>,
    %get3A_980 = vector.shape_cast %get3A_979 : vector<16xi32> to vector<16xi32>
    %mul3A_981 = arith.constant 31 : i32
    %mul3A_982 = vector.broadcast %mul3A_981 : i32 to vector<16xi32>
    %mul3A_983 = arith.muli %get3A_977, %mul3A_982 : vector<16xi32>
    %add3A_984 = arith.addi %mul3A_983, %get3A_980 : vector<16xi32>
    %jit3A_985 = arith.constant 1000000 : i32
    %eq3A_986 = arith.constant 0 : i32
    %eq3A_987 = arith.cmpi eq, %jit3A_985, %eq3A_986 : i32
    %jit3A_988 = arith.constant 1 : i32
    %select_n3A_989 = arith.select %eq3A_987, %jit3A_988, %jit3A_985 : i32
    %rem3A_990 = vector.broadcast %select_n3A_989 : i32 to vector<16xi32>
    %rem3A_991 = arith.remsi %add3A_984, %rem3A_990 : vector<16xi32>
    %ne3A_992 = arith.constant 0 : i32
    %ne3A_993 = vector.broadcast %ne3A_992 : i32 to vector<16xi32>
    %ne3A_994 = arith.cmpi ne, %rem3A_991, %ne3A_993 : vector<16xi32>
    %lt3A_995 = arith.constant 0 : i32
    %lt3A_996 = vector.broadcast %lt3A_995 : i32 to vector<16xi32>
    %lt3A_997 = arith.cmpi slt, %rem3A_991, %lt3A_996 : vector<16xi32>
    %lt3A_998 = arith.constant 0 : i32
    %lt3A_999 = arith.cmpi slt, %select_n3A_989, %lt3A_998 : i32
    %ne3A_1000 = vector.broadcast %lt3A_999 : i1 to vector<16xi1>
    %ne3A_1001 = vector.broadcast %ne3A_1000 : vector<16xi1> to vector<16xi1>
    %ne3A_1002 = arith.xori %lt3A_997, %ne3A_1001 : vector<16xi1>
    %and3A_1003 = arith.andi %ne3A_1002, %ne3A_994 : vector<16xi1>
    %add3A_1004 = vector.broadcast %select_n3A_989 : i32 to vector<16xi32>
    %add3A_1005 = arith.addi %rem3A_991, %add3A_1004 : vector<16xi32>
    %select_n3A_1006 = arith.select %and3A_1003, %add3A_1005, %rem3A_991 : vector<16xi1>, vector<16xi32>
    %swap3A_1007 = arith.constant 3 : i32
    %swap3A_1008 = arith.index_cast %swap3A_1007 : i32 to index
    %swap3A_1009 = arith.constant 16 : index
    %swap3A_1010 = tpu.vector_load %arg6[%swap3A_1008, %swap3A_1009] {strides = array<i32>} : memref<4x128xi32, #tpu.memory_space<vmem>>, vector<1x16xi32>,
    %swap3A_1011 = vector.shape_cast %swap3A_1010 : vector<1x16xi32> to vector<16xi32>
    %swap3A_1012 = vector.shape_cast %select_n3A_1006 : vector<16xi32> to vector<1x16xi32>
    tpu.vector_store %arg6[%swap3A_1008, %swap3A_1009], %swap3A_1012 {strides = array<i32>} : memref<4x128xi32, #tpu.memory_space<vmem>>, vector<1x16xi32>,
    %get3A_1013 = arith.constant 423 : index
    %get3A_1014 = tpu.vector_load %arg5[%get3A_1013] {strides = array<i32>} : memref<520xi32, #tpu.memory_space<vmem>>, vector<16xi32>,
    %get3A_1015 = vector.shape_cast %get3A_1014 : vector<16xi32> to vector<16xi32>
    %get3A_1016 = arith.constant 424 : index
    %get3A_1017 = tpu.vector_load %arg5[%get3A_1016] {strides = array<i32>} : memref<520xi32, #tpu.memory_space<vmem>>, vector<16xi32>,
    %get3A_1018 = vector.shape_cast %get3A_1017 : vector<16xi32> to vector<16xi32>
    %mul3A_1019 = arith.constant 31 : i32
    %mul3A_1020 = vector.broadcast %mul3A_1019 : i32 to vector<16xi32>
    %mul3A_1021 = arith.muli %get3A_1015, %mul3A_1020 : vector<16xi32>
    %add3A_1022 = arith.addi %mul3A_1021, %get3A_1018 : vector<16xi32>
    %jit3A_1023 = arith.constant 1000000 : i32
    %eq3A_1024 = arith.constant 0 : i32
    %eq3A_1025 = arith.cmpi eq, %jit3A_1023, %eq3A_1024 : i32
    %jit3A_1026 = arith.constant 1 : i32
    %select_n3A_1027 = arith.select %eq3A_1025, %jit3A_1026, %jit3A_1023 : i32
    %rem3A_1028 = vector.broadcast %select_n3A_1027 : i32 to vector<16xi32>
    %rem3A_1029 = arith.remsi %add3A_1022, %rem3A_1028 : vector<16xi32>
    %ne3A_1030 = arith.constant 0 : i32
    %ne3A_1031 = vector.broadcast %ne3A_1030 : i32 to vector<16xi32>
    %ne3A_1032 = arith.cmpi ne, %rem3A_1029, %ne3A_1031 : vector<16xi32>
    %lt3A_1033 = arith.constant 0 : i32
    %lt3A_1034 = vector.broadcast %lt3A_1033 : i32 to vector<16xi32>
    %lt3A_1035 = arith.cmpi slt, %rem3A_1029, %lt3A_1034 : vector<16xi32>
    %lt3A_1036 = arith.constant 0 : i32
    %lt3A_1037 = arith.cmpi slt, %select_n3A_1027, %lt3A_1036 : i32
    %ne3A_1038 = vector.broadcast %lt3A_1037 : i1 to vector<16xi1>
    %ne3A_1039 = vector.broadcast %ne3A_1038 : vector<16xi1> to vector<16xi1>
    %ne3A_1040 = arith.xori %lt3A_1035, %ne3A_1039 : vector<16xi1>
    %and3A_1041 = arith.andi %ne3A_1040, %ne3A_1032 : vector<16xi1>
    %add3A_1042 = vector.broadcast %select_n3A_1027 : i32 to vector<16xi32>
    %add3A_1043 = arith.addi %rem3A_1029, %add3A_1042 : vector<16xi32>
    %select_n3A_1044 = arith.select %and3A_1041, %add3A_1043, %rem3A_1029 : vector<16xi1>, vector<16xi32>
    %swap3A_1045 = arith.constant 3 : i32
    %swap3A_1046 = arith.index_cast %swap3A_1045 : i32 to index
    %swap3A_1047 = arith.constant 32 : index
    %swap3A_1048 = tpu.vector_load %arg6[%swap3A_1046, %swap3A_1047] {strides = array<i32>} : memref<4x128xi32, #tpu.memory_space<vmem>>, vector<1x16xi32>,
    %swap3A_1049 = vector.shape_cast %swap3A_1048 : vector<1x16xi32> to vector<16xi32>
    %swap3A_1050 = vector.shape_cast %select_n3A_1044 : vector<16xi32> to vector<1x16xi32>
    tpu.vector_store %arg6[%swap3A_1046, %swap3A_1047], %swap3A_1050 {strides = array<i32>} : memref<4x128xi32, #tpu.memory_space<vmem>>, vector<1x16xi32>,
    %get3A_1051 = arith.constant 439 : index
    %get3A_1052 = tpu.vector_load %arg5[%get3A_1051] {strides = array<i32>} : memref<520xi32, #tpu.memory_space<vmem>>, vector<16xi32>,
    %get3A_1053 = vector.shape_cast %get3A_1052 : vector<16xi32> to vector<16xi32>
    %get3A_1054 = arith.constant 440 : index
    %get3A_1055 = tpu.vector_load %arg5[%get3A_1054] {strides = array<i32>} : memref<520xi32, #tpu.memory_space<vmem>>, vector<16xi32>,
    %get3A_1056 = vector.shape_cast %get3A_1055 : vector<16xi32> to vector<16xi32>
    %mul3A_1057 = arith.constant 31 : i32
    %mul3A_1058 = vector.broadcast %mul3A_1057 : i32 to vector<16xi32>
    %mul3A_1059 = arith.muli %get3A_1053, %mul3A_1058 : vector<16xi32>
    %add3A_1060 = arith.addi %mul3A_1059, %get3A_1056 : vector<16xi32>
    %jit3A_1061 = arith.constant 1000000 : i32
    %eq3A_1062 = arith.constant 0 : i32
    %eq3A_1063 = arith.cmpi eq, %jit3A_1061, %eq3A_1062 : i32
    %jit3A_1064 = arith.constant 1 : i32
    %select_n3A_1065 = arith.select %eq3A_1063, %jit3A_1064, %jit3A_1061 : i32
    %rem3A_1066 = vector.broadcast %select_n3A_1065 : i32 to vector<16xi32>
    %rem3A_1067 = arith.remsi %add3A_1060, %rem3A_1066 : vector<16xi32>
    %ne3A_1068 = arith.constant 0 : i32
    %ne3A_1069 = vector.broadcast %ne3A_1068 : i32 to vector<16xi32>
    %ne3A_1070 = arith.cmpi ne, %rem3A_1067, %ne3A_1069 : vector<16xi32>
    %lt3A_1071 = arith.constant 0 : i32
    %lt3A_1072 = vector.broadcast %lt3A_1071 : i32 to vector<16xi32>
    %lt3A_1073 = arith.cmpi slt, %rem3A_1067, %lt3A_1072 : vector<16xi32>
    %lt3A_1074 = arith.constant 0 : i32
    %lt3A_1075 = arith.cmpi slt, %select_n3A_1065, %lt3A_1074 : i32
    %ne3A_1076 = vector.broadcast %lt3A_1075 : i1 to vector<16xi1>
    %ne3A_1077 = vector.broadcast %ne3A_1076 : vector<16xi1> to vector<16xi1>
    %ne3A_1078 = arith.xori %lt3A_1073, %ne3A_1077 : vector<16xi1>
    %and3A_1079 = arith.andi %ne3A_1078, %ne3A_1070 : vector<16xi1>
    %add3A_1080 = vector.broadcast %select_n3A_1065 : i32 to vector<16xi32>
    %add3A_1081 = arith.addi %rem3A_1067, %add3A_1080 : vector<16xi32>
    %select_n3A_1082 = arith.select %and3A_1079, %add3A_1081, %rem3A_1067 : vector<16xi1>, vector<16xi32>
    %swap3A_1083 = arith.constant 3 : i32
    %swap3A_1084 = arith.index_cast %swap3A_1083 : i32 to index
    %swap3A_1085 = arith.constant 48 : index
    %swap3A_1086 = tpu.vector_load %arg6[%swap3A_1084, %swap3A_1085] {strides = array<i32>} : memref<4x128xi32, #tpu.memory_space<vmem>>, vector<1x16xi32>,
    %swap3A_1087 = vector.shape_cast %swap3A_1086 : vector<1x16xi32> to vector<16xi32>
    %swap3A_1088 = vector.shape_cast %select_n3A_1082 : vector<16xi32> to vector<1x16xi32>
    tpu.vector_store %arg6[%swap3A_1084, %swap3A_1085], %swap3A_1088 {strides = array<i32>} : memref<4x128xi32, #tpu.memory_space<vmem>>, vector<1x16xi32>,
    %get3A_1089 = arith.constant 455 : index
    %get3A_1090 = tpu.vector_load %arg5[%get3A_1089] {strides = array<i32>} : memref<520xi32, #tpu.memory_space<vmem>>, vector<16xi32>,
    %get3A_1091 = vector.shape_cast %get3A_1090 : vector<16xi32> to vector<16xi32>
    %get3A_1092 = arith.constant 456 : index
    %get3A_1093 = tpu.vector_load %arg5[%get3A_1092] {strides = array<i32>} : memref<520xi32, #tpu.memory_space<vmem>>, vector<16xi32>,
    %get3A_1094 = vector.shape_cast %get3A_1093 : vector<16xi32> to vector<16xi32>
    %mul3A_1095 = arith.constant 31 : i32
    %mul3A_1096 = vector.broadcast %mul3A_1095 : i32 to vector<16xi32>
    %mul3A_1097 = arith.muli %get3A_1091, %mul3A_1096 : vector<16xi32>
    %add3A_1098 = arith.addi %mul3A_1097, %get3A_1094 : vector<16xi32>
    %jit3A_1099 = arith.constant 1000000 : i32
    %eq3A_1100 = arith.constant 0 : i32
    %eq3A_1101 = arith.cmpi eq, %jit3A_1099, %eq3A_1100 : i32
    %jit3A_1102 = arith.constant 1 : i32
    %select_n3A_1103 = arith.select %eq3A_1101, %jit3A_1102, %jit3A_1099 : i32
    %rem3A_1104 = vector.broadcast %select_n3A_1103 : i32 to vector<16xi32>
    %rem3A_1105 = arith.remsi %add3A_1098, %rem3A_1104 : vector<16xi32>
    %ne3A_1106 = arith.constant 0 : i32
    %ne3A_1107 = vector.broadcast %ne3A_1106 : i32 to vector<16xi32>
    %ne3A_1108 = arith.cmpi ne, %rem3A_1105, %ne3A_1107 : vector<16xi32>
    %lt3A_1109 = arith.constant 0 : i32
    %lt3A_1110 = vector.broadcast %lt3A_1109 : i32 to vector<16xi32>
    %lt3A_1111 = arith.cmpi slt, %rem3A_1105, %lt3A_1110 : vector<16xi32>
    %lt3A_1112 = arith.constant 0 : i32
    %lt3A_1113 = arith.cmpi slt, %select_n3A_1103, %lt3A_1112 : i32
    %ne3A_1114 = vector.broadcast %lt3A_1113 : i1 to vector<16xi1>
    %ne3A_1115 = vector.broadcast %ne3A_1114 : vector<16xi1> to vector<16xi1>
    %ne3A_1116 = arith.xori %lt3A_1111, %ne3A_1115 : vector<16xi1>
    %and3A_1117 = arith.andi %ne3A_1116, %ne3A_1108 : vector<16xi1>
    %add3A_1118 = vector.broadcast %select_n3A_1103 : i32 to vector<16xi32>
    %add3A_1119 = arith.addi %rem3A_1105, %add3A_1118 : vector<16xi32>
    %select_n3A_1120 = arith.select %and3A_1117, %add3A_1119, %rem3A_1105 : vector<16xi1>, vector<16xi32>
    %swap3A_1121 = arith.constant 3 : i32
    %swap3A_1122 = arith.index_cast %swap3A_1121 : i32 to index
    %swap3A_1123 = arith.constant 64 : index
    %swap3A_1124 = tpu.vector_load %arg6[%swap3A_1122, %swap3A_1123] {strides = array<i32>} : memref<4x128xi32, #tpu.memory_space<vmem>>, vector<1x16xi32>,
    %swap3A_1125 = vector.shape_cast %swap3A_1124 : vector<1x16xi32> to vector<16xi32>
    %swap3A_1126 = vector.shape_cast %select_n3A_1120 : vector<16xi32> to vector<1x16xi32>
    tpu.vector_store %arg6[%swap3A_1122, %swap3A_1123], %swap3A_1126 {strides = array<i32>} : memref<4x128xi32, #tpu.memory_space<vmem>>, vector<1x16xi32>,
    %get3A_1127 = arith.constant 471 : index
    %get3A_1128 = tpu.vector_load %arg5[%get3A_1127] {strides = array<i32>} : memref<520xi32, #tpu.memory_space<vmem>>, vector<16xi32>,
    %get3A_1129 = vector.shape_cast %get3A_1128 : vector<16xi32> to vector<16xi32>
    %get3A_1130 = arith.constant 472 : index
    %get3A_1131 = tpu.vector_load %arg5[%get3A_1130] {strides = array<i32>} : memref<520xi32, #tpu.memory_space<vmem>>, vector<16xi32>,
    %get3A_1132 = vector.shape_cast %get3A_1131 : vector<16xi32> to vector<16xi32>
    %mul3A_1133 = arith.constant 31 : i32
    %mul3A_1134 = vector.broadcast %mul3A_1133 : i32 to vector<16xi32>
    %mul3A_1135 = arith.muli %get3A_1129, %mul3A_1134 : vector<16xi32>
    %add3A_1136 = arith.addi %mul3A_1135, %get3A_1132 : vector<16xi32>
    %jit3A_1137 = arith.constant 1000000 : i32
    %eq3A_1138 = arith.constant 0 : i32
    %eq3A_1139 = arith.cmpi eq, %jit3A_1137, %eq3A_1138 : i32
    %jit3A_1140 = arith.constant 1 : i32
    %select_n3A_1141 = arith.select %eq3A_1139, %jit3A_1140, %jit3A_1137 : i32
    %rem3A_1142 = vector.broadcast %select_n3A_1141 : i32 to vector<16xi32>
    %rem3A_1143 = arith.remsi %add3A_1136, %rem3A_1142 : vector<16xi32>
    %ne3A_1144 = arith.constant 0 : i32
    %ne3A_1145 = vector.broadcast %ne3A_1144 : i32 to vector<16xi32>
    %ne3A_1146 = arith.cmpi ne, %rem3A_1143, %ne3A_1145 : vector<16xi32>
    %lt3A_1147 = arith.constant 0 : i32
    %lt3A_1148 = vector.broadcast %lt3A_1147 : i32 to vector<16xi32>
    %lt3A_1149 = arith.cmpi slt, %rem3A_1143, %lt3A_1148 : vector<16xi32>
    %lt3A_1150 = arith.constant 0 : i32
    %lt3A_1151 = arith.cmpi slt, %select_n3A_1141, %lt3A_1150 : i32
    %ne3A_1152 = vector.broadcast %lt3A_1151 : i1 to vector<16xi1>
    %ne3A_1153 = vector.broadcast %ne3A_1152 : vector<16xi1> to vector<16xi1>
    %ne3A_1154 = arith.xori %lt3A_1149, %ne3A_1153 : vector<16xi1>
    %and3A_1155 = arith.andi %ne3A_1154, %ne3A_1146 : vector<16xi1>
    %add3A_1156 = vector.broadcast %select_n3A_1141 : i32 to vector<16xi32>
    %add3A_1157 = arith.addi %rem3A_1143, %add3A_1156 : vector<16xi32>
    %select_n3A_1158 = arith.select %and3A_1155, %add3A_1157, %rem3A_1143 : vector<16xi1>, vector<16xi32>
    %swap3A_1159 = arith.constant 3 : i32
    %swap3A_1160 = arith.index_cast %swap3A_1159 : i32 to index
    %swap3A_1161 = arith.constant 80 : index
    %swap3A_1162 = tpu.vector_load %arg6[%swap3A_1160, %swap3A_1161] {strides = array<i32>} : memref<4x128xi32, #tpu.memory_space<vmem>>, vector<1x16xi32>,
    %swap3A_1163 = vector.shape_cast %swap3A_1162 : vector<1x16xi32> to vector<16xi32>
    %swap3A_1164 = vector.shape_cast %select_n3A_1158 : vector<16xi32> to vector<1x16xi32>
    tpu.vector_store %arg6[%swap3A_1160, %swap3A_1161], %swap3A_1164 {strides = array<i32>} : memref<4x128xi32, #tpu.memory_space<vmem>>, vector<1x16xi32>,
    %get3A_1165 = arith.constant 487 : index
    %get3A_1166 = tpu.vector_load %arg5[%get3A_1165] {strides = array<i32>} : memref<520xi32, #tpu.memory_space<vmem>>, vector<16xi32>,
    %get3A_1167 = vector.shape_cast %get3A_1166 : vector<16xi32> to vector<16xi32>
    %get3A_1168 = arith.constant 488 : index
    %get3A_1169 = tpu.vector_load %arg5[%get3A_1168] {strides = array<i32>} : memref<520xi32, #tpu.memory_space<vmem>>, vector<16xi32>,
    %get3A_1170 = vector.shape_cast %get3A_1169 : vector<16xi32> to vector<16xi32>
    %mul3A_1171 = arith.constant 31 : i32
    %mul3A_1172 = vector.broadcast %mul3A_1171 : i32 to vector<16xi32>
    %mul3A_1173 = arith.muli %get3A_1167, %mul3A_1172 : vector<16xi32>
    %add3A_1174 = arith.addi %mul3A_1173, %get3A_1170 : vector<16xi32>
    %jit3A_1175 = arith.constant 1000000 : i32
    %eq3A_1176 = arith.constant 0 : i32
    %eq3A_1177 = arith.cmpi eq, %jit3A_1175, %eq3A_1176 : i32
    %jit3A_1178 = arith.constant 1 : i32
    %select_n3A_1179 = arith.select %eq3A_1177, %jit3A_1178, %jit3A_1175 : i32
    %rem3A_1180 = vector.broadcast %select_n3A_1179 : i32 to vector<16xi32>
    %rem3A_1181 = arith.remsi %add3A_1174, %rem3A_1180 : vector<16xi32>
    %ne3A_1182 = arith.constant 0 : i32
    %ne3A_1183 = vector.broadcast %ne3A_1182 : i32 to vector<16xi32>
    %ne3A_1184 = arith.cmpi ne, %rem3A_1181, %ne3A_1183 : vector<16xi32>
    %lt3A_1185 = arith.constant 0 : i32
    %lt3A_1186 = vector.broadcast %lt3A_1185 : i32 to vector<16xi32>
    %lt3A_1187 = arith.cmpi slt, %rem3A_1181, %lt3A_1186 : vector<16xi32>
    %lt3A_1188 = arith.constant 0 : i32
    %lt3A_1189 = arith.cmpi slt, %select_n3A_1179, %lt3A_1188 : i32
    %ne3A_1190 = vector.broadcast %lt3A_1189 : i1 to vector<16xi1>
    %ne3A_1191 = vector.broadcast %ne3A_1190 : vector<16xi1> to vector<16xi1>
    %ne3A_1192 = arith.xori %lt3A_1187, %ne3A_1191 : vector<16xi1>
    %and3A_1193 = arith.andi %ne3A_1192, %ne3A_1184 : vector<16xi1>
    %add3A_1194 = vector.broadcast %select_n3A_1179 : i32 to vector<16xi32>
    %add3A_1195 = arith.addi %rem3A_1181, %add3A_1194 : vector<16xi32>
    %select_n3A_1196 = arith.select %and3A_1193, %add3A_1195, %rem3A_1181 : vector<16xi1>, vector<16xi32>
    %swap3A_1197 = arith.constant 3 : i32
    %swap3A_1198 = arith.index_cast %swap3A_1197 : i32 to index
    %swap3A_1199 = arith.constant 96 : index
    %swap3A_1200 = tpu.vector_load %arg6[%swap3A_1198, %swap3A_1199] {strides = array<i32>} : memref<4x128xi32, #tpu.memory_space<vmem>>, vector<1x16xi32>,
    %swap3A_1201 = vector.shape_cast %swap3A_1200 : vector<1x16xi32> to vector<16xi32>
    %swap3A_1202 = vector.shape_cast %select_n3A_1196 : vector<16xi32> to vector<1x16xi32>
    tpu.vector_store %arg6[%swap3A_1198, %swap3A_1199], %swap3A_1202 {strides = array<i32>} : memref<4x128xi32, #tpu.memory_space<vmem>>, vector<1x16xi32>,
    %get3A_1203 = arith.constant 503 : index
    %get3A_1204 = tpu.vector_load %arg5[%get3A_1203] {strides = array<i32>} : memref<520xi32, #tpu.memory_space<vmem>>, vector<16xi32>,
    %get3A_1205 = vector.shape_cast %get3A_1204 : vector<16xi32> to vector<16xi32>
    %get3A_1206 = arith.constant 504 : index
    %get3A_1207 = tpu.vector_load %arg5[%get3A_1206] {strides = array<i32>} : memref<520xi32, #tpu.memory_space<vmem>>, vector<16xi32>,
    %get3A_1208 = vector.shape_cast %get3A_1207 : vector<16xi32> to vector<16xi32>
    %mul3A_1209 = arith.constant 31 : i32
    %mul3A_1210 = vector.broadcast %mul3A_1209 : i32 to vector<16xi32>
    %mul3A_1211 = arith.muli %get3A_1205, %mul3A_1210 : vector<16xi32>
    %add3A_1212 = arith.addi %mul3A_1211, %get3A_1208 : vector<16xi32>
    %jit3A_1213 = arith.constant 1000000 : i32
    %eq3A_1214 = arith.constant 0 : i32
    %eq3A_1215 = arith.cmpi eq, %jit3A_1213, %eq3A_1214 : i32
    %jit3A_1216 = arith.constant 1 : i32
    %select_n3A_1217 = arith.select %eq3A_1215, %jit3A_1216, %jit3A_1213 : i32
    %rem3A_1218 = vector.broadcast %select_n3A_1217 : i32 to vector<16xi32>
    %rem3A_1219 = arith.remsi %add3A_1212, %rem3A_1218 : vector<16xi32>
    %ne3A_1220 = arith.constant 0 : i32
    %ne3A_1221 = vector.broadcast %ne3A_1220 : i32 to vector<16xi32>
    %ne3A_1222 = arith.cmpi ne, %rem3A_1219, %ne3A_1221 : vector<16xi32>
    %lt3A_1223 = arith.constant 0 : i32
    %lt3A_1224 = vector.broadcast %lt3A_1223 : i32 to vector<16xi32>
    %lt3A_1225 = arith.cmpi slt, %rem3A_1219, %lt3A_1224 : vector<16xi32>
    %lt3A_1226 = arith.constant 0 : i32
    %lt3A_1227 = arith.cmpi slt, %select_n3A_1217, %lt3A_1226 : i32
    %ne3A_1228 = vector.broadcast %lt3A_1227 : i1 to vector<16xi1>
    %ne3A_1229 = vector.broadcast %ne3A_1228 : vector<16xi1> to vector<16xi1>
    %ne3A_1230 = arith.xori %lt3A_1225, %ne3A_1229 : vector<16xi1>
    %and3A_1231 = arith.andi %ne3A_1230, %ne3A_1222 : vector<16xi1>
    %add3A_1232 = vector.broadcast %select_n3A_1217 : i32 to vector<16xi32>
    %add3A_1233 = arith.addi %rem3A_1219, %add3A_1232 : vector<16xi32>
    %select_n3A_1234 = arith.select %and3A_1231, %add3A_1233, %rem3A_1219 : vector<16xi1>, vector<16xi32>
    %swap3A_1235 = arith.constant 3 : i32
    %swap3A_1236 = arith.index_cast %swap3A_1235 : i32 to index
    %swap3A_1237 = arith.constant 112 : index
    %swap3A_1238 = tpu.vector_load %arg6[%swap3A_1236, %swap3A_1237] {strides = array<i32>} : memref<4x128xi32, #tpu.memory_space<vmem>>, vector<1x16xi32>,
    %swap3A_1239 = vector.shape_cast %swap3A_1238 : vector<1x16xi32> to vector<16xi32>
    %swap3A_1240 = vector.shape_cast %select_n3A_1234 : vector<16xi32> to vector<1x16xi32>
    tpu.vector_store %arg6[%swap3A_1236, %swap3A_1237], %swap3A_1240 {strides = array<i32>} : memref<4x128xi32, #tpu.memory_space<vmem>>, vector<1x16xi32>,
    %dma_start3A = arith.constant 0 : i32
    %dma_start3A_1241 = arith.constant 0 : i32
    %dma_start3A_1242 = arith.constant 0 : i32
    %dma_start3A_1243 = tpu.memref_slice %arg7[%dma_start3A_1241, %dma_start3A_1242] : memref<512x32xf32, #tpu.memory_space<vmem>> -> memref<128x32xf32, #tpu.memory_space<vmem>>
    %dma_start3A_1244 = arith.constant 0 : i32
    %dma_start3A_1245 = tpu.memref_slice %arg6[%dma_start3A, %dma_start3A_1244] : memref<4x128xi32, #tpu.memory_space<vmem>> -> memref<1x128xi32, #tpu.memory_space<vmem>>
    %dma_start3A_1246 = tpu.memref_squeeze %dma_start3A_1245 : memref<1x128xi32, #tpu.memory_space<vmem>> -> memref<128xi32, #tpu.memory_space<vmem>>
    %dma_start3A_1247 = arith.constant 0 : i32
    %dma_start3A_1248 = arith.constant 0 : i32
    %dma_start3A_1249 = tpu.memref_slice %arg3[%dma_start3A_1247, %dma_start3A_1248] : memref<1000000x32xf32, #tpu.memory_space<hbm>> -> memref<1000000x32xf32, #tpu.memory_space<hbm>>
    tpu.enqueue_indirect_dma source(%dma_start3A_1249 : memref<1000000x32xf32, #tpu.memory_space<hbm>>) target(%dma_start3A_1243 : memref<128x32xf32, #tpu.memory_space<vmem>>) offsets(%dma_start3A_1246 : memref<128xi32, #tpu.memory_space<vmem>>) semaphore(%arg8 : memref<!tpu.dma_semaphore, #tpu.memory_space<semaphore_mem>>)
    %dma_start3A_1250 = arith.constant 1 : i32
    %dma_start3A_1251 = arith.constant 128 : i32
    %dma_start3A_1252 = arith.constant 0 : i32
    %dma_start3A_1253 = tpu.memref_slice %arg7[%dma_start3A_1251, %dma_start3A_1252] : memref<512x32xf32, #tpu.memory_space<vmem>> -> memref<128x32xf32, #tpu.memory_space<vmem>>
    %dma_start3A_1254 = arith.constant 0 : i32
    %dma_start3A_1255 = tpu.memref_slice %arg6[%dma_start3A_1250, %dma_start3A_1254] : memref<4x128xi32, #tpu.memory_space<vmem>> -> memref<1x128xi32, #tpu.memory_space<vmem>>
    %dma_start3A_1256 = tpu.memref_squeeze %dma_start3A_1255 : memref<1x128xi32, #tpu.memory_space<vmem>> -> memref<128xi32, #tpu.memory_space<vmem>>
    %dma_start3A_1257 = arith.constant 0 : i32
    %dma_start3A_1258 = arith.constant 0 : i32
    %dma_start3A_1259 = tpu.memref_slice %arg3[%dma_start3A_1257, %dma_start3A_1258] : memref<1000000x32xf32, #tpu.memory_space<hbm>> -> memref<1000000x32xf32, #tpu.memory_space<hbm>>
    tpu.enqueue_indirect_dma source(%dma_start3A_1259 : memref<1000000x32xf32, #tpu.memory_space<hbm>>) target(%dma_start3A_1253 : memref<128x32xf32, #tpu.memory_space<vmem>>) offsets(%dma_start3A_1256 : memref<128xi32, #tpu.memory_space<vmem>>) semaphore(%arg8 : memref<!tpu.dma_semaphore, #tpu.memory_space<semaphore_mem>>)
    %dma_start3A_1260 = arith.constant 2 : i32
    %dma_start3A_1261 = arith.constant 256 : i32
    %dma_start3A_1262 = arith.constant 0 : i32
    %dma_start3A_1263 = tpu.memref_slice %arg7[%dma_start3A_1261, %dma_start3A_1262] : memref<512x32xf32, #tpu.memory_space<vmem>> -> memref<128x32xf32, #tpu.memory_space<vmem>>
    %dma_start3A_1264 = arith.constant 0 : i32
    %dma_start3A_1265 = tpu.memref_slice %arg6[%dma_start3A_1260, %dma_start3A_1264] : memref<4x128xi32, #tpu.memory_space<vmem>> -> memref<1x128xi32, #tpu.memory_space<vmem>>
    %dma_start3A_1266 = tpu.memref_squeeze %dma_start3A_1265 : memref<1x128xi32, #tpu.memory_space<vmem>> -> memref<128xi32, #tpu.memory_space<vmem>>
    %dma_start3A_1267 = arith.constant 0 : i32
    %dma_start3A_1268 = arith.constant 0 : i32
    %dma_start3A_1269 = tpu.memref_slice %arg3[%dma_start3A_1267, %dma_start3A_1268] : memref<1000000x32xf32, #tpu.memory_space<hbm>> -> memref<1000000x32xf32, #tpu.memory_space<hbm>>
    tpu.enqueue_indirect_dma source(%dma_start3A_1269 : memref<1000000x32xf32, #tpu.memory_space<hbm>>) target(%dma_start3A_1263 : memref<128x32xf32, #tpu.memory_space<vmem>>) offsets(%dma_start3A_1266 : memref<128xi32, #tpu.memory_space<vmem>>) semaphore(%arg8 : memref<!tpu.dma_semaphore, #tpu.memory_space<semaphore_mem>>)
    %dma_start3A_1270 = arith.constant 3 : i32
    %dma_start3A_1271 = arith.constant 384 : i32
    %dma_start3A_1272 = arith.constant 0 : i32
    %dma_start3A_1273 = tpu.memref_slice %arg7[%dma_start3A_1271, %dma_start3A_1272] : memref<512x32xf32, #tpu.memory_space<vmem>> -> memref<128x32xf32, #tpu.memory_space<vmem>>
    %dma_start3A_1274 = arith.constant 0 : i32
    %dma_start3A_1275 = tpu.memref_slice %arg6[%dma_start3A_1270, %dma_start3A_1274] : memref<4x128xi32, #tpu.memory_space<vmem>> -> memref<1x128xi32, #tpu.memory_space<vmem>>
    %dma_start3A_1276 = tpu.memref_squeeze %dma_start3A_1275 : memref<1x128xi32, #tpu.memory_space<vmem>> -> memref<128xi32, #tpu.memory_space<vmem>>
    %dma_start3A_1277 = arith.constant 0 : i32
    %dma_start3A_1278 = arith.constant 0 : i32
    %dma_start3A_1279 = tpu.memref_slice %arg3[%dma_start3A_1277, %dma_start3A_1278] : memref<1000000x32xf32, #tpu.memory_space<hbm>> -> memref<1000000x32xf32, #tpu.memory_space<hbm>>
    tpu.enqueue_indirect_dma source(%dma_start3A_1279 : memref<1000000x32xf32, #tpu.memory_space<hbm>>) target(%dma_start3A_1273 : memref<128x32xf32, #tpu.memory_space<vmem>>) offsets(%dma_start3A_1276 : memref<128xi32, #tpu.memory_space<vmem>>) semaphore(%arg8 : memref<!tpu.dma_semaphore, #tpu.memory_space<semaphore_mem>>)
    %dma_wait3A = arith.constant 0 : i32
    %dma_wait3A_1280 = arith.constant 0 : i32
    %dma_wait3A_1281 = arith.constant 0 : i32
    %dma_wait3A_1282 = tpu.memref_slice %arg7[%dma_wait3A_1280, %dma_wait3A_1281] : memref<512x32xf32, #tpu.memory_space<vmem>> -> memref<128x32xf32, #tpu.memory_space<vmem>>
    %dma_wait3A_1283 = arith.constant 0 : i32
    %dma_wait3A_1284 = tpu.memref_slice %arg6[%dma_wait3A, %dma_wait3A_1283] : memref<4x128xi32, #tpu.memory_space<vmem>> -> memref<1x128xi32, #tpu.memory_space<vmem>>
    %dma_wait3A_1285 = tpu.memref_squeeze %dma_wait3A_1284 : memref<1x128xi32, #tpu.memory_space<vmem>> -> memref<128xi32, #tpu.memory_space<vmem>>
    %dma_wait3A_1286 = arith.constant 0 : i32
    %dma_wait3A_1287 = arith.constant 0 : i32
    %dma_wait3A_1288 = tpu.memref_slice %arg3[%dma_wait3A_1286, %dma_wait3A_1287] : memref<1000000x32xf32, #tpu.memory_space<hbm>> -> memref<1000000x32xf32, #tpu.memory_space<hbm>>
    tpu.wait_indirect_dma semaphore(%arg8 : memref<!tpu.dma_semaphore, #tpu.memory_space<semaphore_mem>>) src(%dma_wait3A_1288 : memref<1000000x32xf32, #tpu.memory_space<hbm>>) dst(%dma_wait3A_1282 : memref<128x32xf32, #tpu.memory_space<vmem>>)
    %dma_wait3A_1289 = arith.constant 1 : i32
    %dma_wait3A_1290 = arith.constant 128 : i32
    %dma_wait3A_1291 = arith.constant 0 : i32
    %dma_wait3A_1292 = tpu.memref_slice %arg7[%dma_wait3A_1290, %dma_wait3A_1291] : memref<512x32xf32, #tpu.memory_space<vmem>> -> memref<128x32xf32, #tpu.memory_space<vmem>>
    %dma_wait3A_1293 = arith.constant 0 : i32
    %dma_wait3A_1294 = tpu.memref_slice %arg6[%dma_wait3A_1289, %dma_wait3A_1293] : memref<4x128xi32, #tpu.memory_space<vmem>> -> memref<1x128xi32, #tpu.memory_space<vmem>>
    %dma_wait3A_1295 = tpu.memref_squeeze %dma_wait3A_1294 : memref<1x128xi32, #tpu.memory_space<vmem>> -> memref<128xi32, #tpu.memory_space<vmem>>
    %dma_wait3A_1296 = arith.constant 0 : i32
    %dma_wait3A_1297 = arith.constant 0 : i32
    %dma_wait3A_1298 = tpu.memref_slice %arg3[%dma_wait3A_1296, %dma_wait3A_1297] : memref<1000000x32xf32, #tpu.memory_space<hbm>> -> memref<1000000x32xf32, #tpu.memory_space<hbm>>
    tpu.wait_indirect_dma semaphore(%arg8 : memref<!tpu.dma_semaphore, #tpu.memory_space<semaphore_mem>>) src(%dma_wait3A_1298 : memref<1000000x32xf32, #tpu.memory_space<hbm>>) dst(%dma_wait3A_1292 : memref<128x32xf32, #tpu.memory_space<vmem>>)
    %dma_wait3A_1299 = arith.constant 2 : i32
    %dma_wait3A_1300 = arith.constant 256 : i32
    %dma_wait3A_1301 = arith.constant 0 : i32
    %dma_wait3A_1302 = tpu.memref_slice %arg7[%dma_wait3A_1300, %dma_wait3A_1301] : memref<512x32xf32, #tpu.memory_space<vmem>> -> memref<128x32xf32, #tpu.memory_space<vmem>>
    %dma_wait3A_1303 = arith.constant 0 : i32
    %dma_wait3A_1304 = tpu.memref_slice %arg6[%dma_wait3A_1299, %dma_wait3A_1303] : memref<4x128xi32, #tpu.memory_space<vmem>> -> memref<1x128xi32, #tpu.memory_space<vmem>>
    %dma_wait3A_1305 = tpu.memref_squeeze %dma_wait3A_1304 : memref<1x128xi32, #tpu.memory_space<vmem>> -> memref<128xi32, #tpu.memory_space<vmem>>
    %dma_wait3A_1306 = arith.constant 0 : i32
    %dma_wait3A_1307 = arith.constant 0 : i32
    %dma_wait3A_1308 = tpu.memref_slice %arg3[%dma_wait3A_1306, %dma_wait3A_1307] : memref<1000000x32xf32, #tpu.memory_space<hbm>> -> memref<1000000x32xf32, #tpu.memory_space<hbm>>
    tpu.wait_indirect_dma semaphore(%arg8 : memref<!tpu.dma_semaphore, #tpu.memory_space<semaphore_mem>>) src(%dma_wait3A_1308 : memref<1000000x32xf32, #tpu.memory_space<hbm>>) dst(%dma_wait3A_1302 : memref<128x32xf32, #tpu.memory_space<vmem>>)
    %dma_wait3A_1309 = arith.constant 3 : i32
    %dma_wait3A_1310 = arith.constant 384 : i32
    %dma_wait3A_1311 = arith.constant 0 : i32
    %dma_wait3A_1312 = tpu.memref_slice %arg7[%dma_wait3A_1310, %dma_wait3A_1311] : memref<512x32xf32, #tpu.memory_space<vmem>> -> memref<128x32xf32, #tpu.memory_space<vmem>>
    %dma_wait3A_1313 = arith.constant 0 : i32
    %dma_wait3A_1314 = tpu.memref_slice %arg6[%dma_wait3A_1309, %dma_wait3A_1313] : memref<4x128xi32, #tpu.memory_space<vmem>> -> memref<1x128xi32, #tpu.memory_space<vmem>>
    %dma_wait3A_1315 = tpu.memref_squeeze %dma_wait3A_1314 : memref<1x128xi32, #tpu.memory_space<vmem>> -> memref<128xi32, #tpu.memory_space<vmem>>
    %dma_wait3A_1316 = arith.constant 0 : i32
    %dma_wait3A_1317 = arith.constant 0 : i32
    %dma_wait3A_1318 = tpu.memref_slice %arg3[%dma_wait3A_1316, %dma_wait3A_1317] : memref<1000000x32xf32, #tpu.memory_space<hbm>> -> memref<1000000x32xf32, #tpu.memory_space<hbm>>
    tpu.wait_indirect_dma semaphore(%arg8 : memref<!tpu.dma_semaphore, #tpu.memory_space<semaphore_mem>>) src(%dma_wait3A_1318 : memref<1000000x32xf32, #tpu.memory_space<hbm>>) dst(%dma_wait3A_1312 : memref<128x32xf32, #tpu.memory_space<vmem>>)
    "tpu.region"() ({
      %run_scoped3A = tpu.sem_alloc : memref<!tpu.dma_semaphore, #tpu.memory_space<semaphore_mem>>
      %dma_start3A_1319 = arith.constant 0 : i32
      %dma_start3A_1320 = tpu.memref_slice %arg4[%mul3A_2, %dma_start3A_1319] : memref<16384x32xf32, #tpu.memory_space<hbm>> -> memref<512x32xf32, #tpu.memory_space<hbm>>
      %dma_start3A_1321 = arith.constant 0 : i32
      %dma_start3A_1322 = tpu.memref_slice %arg4[%mul3A_2, %dma_start3A_1321] : memref<16384x32xf32, #tpu.memory_space<hbm>> -> memref<512x32xf32, #tpu.memory_space<hbm>>
      tpu.enqueue_dma source(%arg7 : memref<512x32xf32, #tpu.memory_space<vmem>>) target(%dma_start3A_1322 : memref<512x32xf32, #tpu.memory_space<hbm>>) target_semaphore(%run_scoped3A : memref<!tpu.dma_semaphore, #tpu.memory_space<semaphore_mem>>)
      %dma_wait3A_1323 = arith.constant 0 : i32
      %dma_wait3A_1324 = tpu.memref_slice %arg4[%mul3A_2, %dma_wait3A_1323] : memref<16384x32xf32, #tpu.memory_space<hbm>> -> memref<512x32xf32, #tpu.memory_space<hbm>>
      %dma_wait3A_1325 = arith.constant 0 : i32
      %dma_wait3A_1326 = tpu.memref_slice %arg4[%mul3A_2, %dma_wait3A_1325] : memref<16384x32xf32, #tpu.memory_space<hbm>> -> memref<512x32xf32, #tpu.memory_space<hbm>>
      tpu.wait_dma2 semaphore(%run_scoped3A : memref<!tpu.dma_semaphore, #tpu.memory_space<semaphore_mem>>) src(%arg7 : memref<512x32xf32, #tpu.memory_space<vmem>>) dst(%dma_wait3A_1326 : memref<512x32xf32, #tpu.memory_space<hbm>>)
      tpu.yield
    }) : () -> ()
    return
  }
}

module attributes {stable_mosaic.version = 14 : i64} {
  func.func @_mm_body(%arg0: i32, %arg1: memref<2048x32xf32, #tpu.memory_space<vmem>>, %arg2: memref<32x128xf32, #tpu.memory_space<vmem>>, %arg3: memref<2048x128xf32, #tpu.memory_space<vmem>>) attributes {dimension_semantics = [#tpu.dimension_semantics<arbitrary>], iteration_bounds = array<i64: 8>, scalar_prefetch = 0 : i64, scratch_operands = 0 : i64, tpu.core_type = #tpu.core_type<tc>, window_params = [{transform_indices = @transform_0, window_bounds = array<i64: 2048, 32>}, {pipeline_mode = #tpu.pipeline_mode<synchronous>, transform_indices = @transform_1, window_bounds = array<i64: 32, 128>}, {transform_indices = @transform_2, window_bounds = array<i64: 2048, 128>}]} {
    %get3A = arith.constant 0 : index
    %get3A_0 = arith.constant 0 : index
    %get3A_1 = vector.load %arg1[%get3A, %get3A_0] : memref<2048x32xf32, #tpu.memory_space<vmem>>, vector<2048x32xf32>
    %get3A_2 = arith.constant 0 : index
    %get3A_3 = arith.constant 0 : index
    %get3A_4 = vector.load %arg2[%get3A_2, %get3A_3] : memref<32x128xf32, #tpu.memory_space<vmem>>, vector<32x128xf32>
    %dot_general3A = arith.constant dense<0.000000e+00> : vector<2048x128xf32>
    %dot_general3A_5 = tpu.matmul %get3A_1, %get3A_4, %dot_general3A {dimension_numbers = #tpu.dot_dimension_numbers<[1], [0], [0], [1], [0, 0, 1, 1], [], []>, transpose_lhs_hint = false} : vector<2048x32xf32>, vector<32x128xf32>, vector<2048x128xf32> -> vector<2048x128xf32>
    %swap3A = arith.constant 0 : index
    %swap3A_6 = arith.constant 0 : index
    %swap3A_7 = vector.load %arg3[%swap3A, %swap3A_6] : memref<2048x128xf32, #tpu.memory_space<vmem>>, vector<2048x128xf32>
    tpu.vector_store %arg3[%swap3A, %swap3A_6], %dot_general3A_5 {strides = array<i32>} : memref<2048x128xf32, #tpu.memory_space<vmem>>, vector<2048x128xf32>,
    return
  }
  func.func @transform_0(%arg0: i32) -> (i32, i32) {
    %c0_i32 = arith.constant 0 : i32
    %c0_i32_0 = arith.constant 0 : i32
    return %arg0, %c0_i32 : i32, i32
  }
  func.func @transform_1(%arg0: i32) -> (i32, i32) {
    %c0_i32 = arith.constant 0 : i32
    %c0_i32_0 = arith.constant 0 : i32
    %c0_i32_1 = arith.constant 0 : i32
    return %c0_i32, %c0_i32_0 : i32, i32
  }
  func.func @transform_2(%arg0: i32) -> (i32, i32) {
    %c0_i32 = arith.constant 0 : i32
    %c0_i32_0 = arith.constant 0 : i32
    return %arg0, %c0_i32 : i32, i32
  }
}

</mosaic_0001>

<sc_bundles>
// kernel: kernel.4.cloned.1.call-start
scs
__scs_entry_jumppad:
0x0: {  	(pc) =	sbr.rel $0x88, $3  }
0x1: {  	(tag) =	ssettag $0x0;
	lr =	simm.s32 $0x1  }
0x2: {  	[smem:$0x3F9E] =	sst lr;
	_ =	strace $0xD0000000  }
0x3: {  	_ = 	snop  }
0x4: {  	_ = 	snop  }
0x5: {  	_ = 	snop  }
0x6: {  	_ = 	snop  }
0x7: {  	_ = 	snop  }
__scs_overlays_trampoline_lowered:
0x8: {  	[smem:$0x3FAD] =	sst s0  }
0x9: {  	[smem:$0x3FAE] =	sst s1  }
0xa: {  	[smem:$0x3FAF] =	sst s2  }
0xb: {  	[smem:$0x3FB0] =	sst s3  }
0xc: {  	[smem:$0x3FB1] =	sst s4  }
0xd: {  	[smem:$0x3FB2] =	sst s5  }
0xe: {  	[smem:$0x3FB3] =	sst s6  }
0xf: {  	[smem:$0x3FB4] =	sst s7  }
0x10: {  	[smem:$0x3FB5] =	sst s8  }
0x11: {  	[smem:$0x3FB6] =	sst s9;
	s0 =	simm.s32 @!p0 $0x0  }
0x12: {  	s1 =	sld [smem:$0x3F9C];
	s0 =	simm.s32 @p0 $0x1  }
0x13: {  	[smem:$0x3FB7] =	sst s0;
	s0 =	simm.s32 @!p1 $0x0  }
0x14: {  	s2 =	sld [smem:$0x3F9B];
	s0 =	simm.s32 @p1 $0x1  }
0x15: {  	[smem:$0x3FB8] =	sst s0;
	s0 =	simm.s32 @!p2 $0x0  }
0x16: {  	s3 =	sld [smem:$0x3FDB];
	s0 =	simm.s32 @p2 $0x1  }
0x17: {  	s4 =	simm.s32 $0x1BF5;
	[smem:$0x3FBA] =	sst s0  }
0x18: {  	s0 =	sld [smem:$0x3F9D];
	_ =	swait.ge [sflag:s4], $0x0  }
0x19: {  	s7 =	sld [smem:$0x3F9E]  }
0x1a: {  	s8 =	sadd.s32 $0xFFFFE003, lr  }
0x1b: {  	s9 =	sadd.s32 $0xFFFFFEF7, lr;
	s5 =	simm.s32 $0xFFFFFFFF;
	p2 =	slt.u32 s8, $0xFFFFF086  }
0x1c: {  	p1 =	slt.u32 s9, $0xF7A;
	s5 =	simm.s32 @!p2 $0x0  }
0x1d: {  	s5 =	simm.s32 @p1 $0x1;
	p0 =	seq.s32 s7, s2  }
0x1e: {  	s7 =	smul.u32 @!p0 $0xF7A, s2;
	p2 =	seq.s32 @!p0 s5, $0x0  }
0x1f: {  	s9 =	smul.u32 $0xF7A, s1;
	s8 =	simm.s32 @!p0 $0x1BF5;
	p2 =	por !p2, p0  }
0x20: {  	[sflag:s8] =	ssyncset.s32 @!p0 $0xFFFFF086;
	s6 =	sadd.s32 @!p0 s3, s7;
	s7 =	simm.s32 @!p0 $0x108  }
0x21: {  	s3 =	sadd.s32 s3, s9;
	s6 =	sadd.s32 @!p0 $0x88, s6;
	s7 =	simm.s32 @p2 $0x1082  }
0x22: {  	[simem:s7], [sflag:s8] =	dma.local @!p0 [hbm:s6], $0xF7A  }
0x23: {  	s9 =	sor.u32 $0xD0000000, s2;
	s6 =	simm.s32 $0x108;
	_ =	swait.ge @!p0 [sflag:s8], $0x0  }
0x24: {  	s3 =	sadd.s32 $0x88, s3;
	s6 =	simm.s32 @!p1 $0x1082;
	[sflag:s4] =	ssyncset.s32 $0xFFFFF086  }
0x25: {  	[simem:s6], [sflag:s4] =	dma.local [hbm:s3], $0xF7A  }
0x26: {  	[smem:$0x3F9E] =	sst s1;
	(tag) =	ssettag s2;
	_ =	strace s9  }
0x27: {  	s1 =	sld [smem:$0x3FAE]  }
0x28: {  	s2 =	sld [smem:$0x3FAF]  }
0x29: {  	s4 =	sld [smem:$0x3FB1]  }
0x2a: {  	p0 =	seq.s32 s5, $0x0;
	s5 =	sld [smem:$0x3FB2]  }
0x2b: {  	s6 =	sld [smem:$0x3FB3]  }
0x2c: {  	s7 =	sld [smem:$0x3FB4]  }
0x2d: {  	s3 =	simm.s32 $0x108;
	s8 =	sld [smem:$0x3FB5]  }
0x2e: {  	s3 =	simm.s32 @!p0 $0x1082;
	s9 =	sld [smem:$0x3FB6]  }
0x2f: {  	lr =	sadd.s32 s0, s3;
	s0 =	sld [smem:$0x3FAD]  }
0x30: {  	s3 =	sld [smem:$0x3FB0]  }
0x31: {  	[smem:$0x3FB9] =	sst s10  }
0x32: {  	s10 =	sld [smem:$0x3FB7];
	_ =	sdelay $0x3  }
0x33: {  	p0 =	seq.s32 s10, $0x1;
	s10 =	sld [smem:$0x3FB9];
	_ =	sdelay $0x3  }
0x34: {  	[smem:$0x3FB9] =	sst s10  }
0x35: {  	s10 =	sld [smem:$0x3FB8];
	_ =	sdelay $0x3  }
0x36: {  	p1 =	seq.s32 s10, $0x1;
	s10 =	sld [smem:$0x3FB9];
	_ =	sdelay $0x3  }
0x37: {  	[smem:$0x3FB9] =	sst s10  }
0x38: {  	s10 =	sld [smem:$0x3FBA]  }
0x39: {  	_ = 	snop;
	(pc) =	sbr.ind lr, $3  }
0x3a: {  	_ = 	snop  }
0x3b: {  	_ = 	snop  }
0x3c: {  	p2 =	seq.s32 s10, $0x1;
	s10 =	sld [smem:$0x3FB9]  }
0x3d: {  	_ =	shalt  }
0x3e: {  	_ =	shalt  }
0x3f: {  	_ =	shalt  }
0x40: {  	_ =	shalt  }
0x41: {  	_ =	shalt  }
0x42: {  	_ =	shalt  }
0x43: {  	_ =	shalt  }
0x44: {  	_ =	shalt  }
0x45: {  	_ =	shalt  }
0x46: {  	_ =	shalt  }
0x47: {  	_ =	shalt  }
0x48: {  	_ =	shalt  }
0x49: {  	_ =	shalt  }
0x4a: {  	_ =	shalt  }
0x4b: {  	_ =	shalt  }
0x4c: {  	_ =	shalt  }
0x4d: {  	_ =	shalt  }
0x4e: {  	_ =	shalt  }
0x4f: {  	_ =	shalt  }
0x50: {  	_ =	shalt  }
0x51: {  	_ =	shalt  }
0x52: {  	_ =	shalt  }
0x53: {  	_ =	shalt  }
0x54: {  	_ =	shalt  }
0x55: {  	_ =	shalt  }
0x56: {  	_ =	shalt  }
0x57: {  	_ =	shalt  }
0x58: {  	_ =	shalt  }
0x59: {  	_ =	shalt  }
0x5a: {  	_ =	shalt  }
0x5b: {  	_ =	shalt  }
0x5c: {  	_ =	shalt  }
0x5d: {  	_ =	shalt  }
0x5e: {  	_ =	shalt  }
0x5f: {  	_ =	shalt  }
0x60: {  	_ =	shalt  }
0x61: {  	_ =	shalt  }
0x62: {  	_ =	shalt  }
0x63: {  	_ =	shalt  }
0x64: {  	_ =	shalt  }
0x65: {  	_ =	shalt  }
0x66: {  	_ =	shalt  }
0x67: {  	_ =	shalt  }
0x68: {  	_ =	shalt  }
0x69: {  	_ =	shalt  }
0x6a: {  	_ =	shalt  }
0x6b: {  	_ =	shalt  }
0x6c: {  	_ =	shalt  }
0x6d: {  	_ =	shalt  }
0x6e: {  	_ =	shalt  }
0x6f: {  	_ =	shalt  }
0x70: {  	_ =	shalt  }
0x71: {  	_ =	shalt  }
0x72: {  	_ =	shalt  }
0x73: {  	_ =	shalt  }
0x74: {  	_ =	shalt  }
0x75: {  	_ =	shalt  }
0x76: {  	_ =	shalt  }
0x77: {  	_ =	shalt  }
0x78: {  	_ =	shalt  }
0x79: {  	_ =	shalt  }
0x7a: {  	_ =	shalt  }
0x7b: {  	_ =	shalt  }
0x7c: {  	_ =	shalt  }
0x7d: {  	_ =	shalt  }
0x7e: {  	_ =	shalt  }
0x7f: {  	_ =	shalt  }
0x80: {  	_ =	shalt  }
0x81: {  	_ =	shalt  }
0x82: {  	_ =	shalt  }
0x83: {  	_ =	shalt  }
0x84: {  	_ =	shalt  }
0x85: {  	_ =	shalt  }
0x86: {  	_ =	shalt  }
0x87: {  	_ =	shalt  }
.Lfunc_end0:
.L_simem_size_0:
called_computation_lowered:
.L_overlay_start_0:
0x88: {  	s2 =	sld [smem:$0x3FD9]  }
0x89: {  	s3 =	sld [smem:$0x3FFE];
	_ =	sdelay $0x1  }
0x8a: {  	s1 =	srdreg.scid  }
0x8b: {  	s0 =	sand.u32 $0x1, s1  }
0x8c: {  	s17 =	sshll.u32 s0, $0xA;
	s2 =	sadd.s32 s3, s2  }
0x8d: {  	s2 =	sadd.s32 s2, s17  }
0x8e: {  	[smem:$0x3FC5] =	sst s2  }
0x8f: {  	_ = 	snop  }
0x90: {  	s2 =	sld [smem:$0x3FD0];
	(tm) =	ssettm $0x1  }
0x91: {  	s18 =	sld [smem:$0x3FFB];
	_ =	sdelay $0x3  }
0x92: {  	_ =	strace s18  }
0x93: {  	s3 =	sld [smem:$0x3FFC];
	_ =	sdelay $0x3  }
0x94: {  	_ =	strace s3  }
0x95: {  	s3 =	sld [smem:$0x3FFD];
	_ =	sdelay $0x3  }
0x96: {  	_ =	strace s3  }
0x97: {  	_ =	strace $0x8FFFFFFF  }
0x98: {  	s19 =	sld [smem:$0x3FDB];
	_ =	sdelay $0x1  }
0x99: {  	s4 =	simm.s32 $_scs_section_size  }
0x9a: {  	s5 =	simm.s32 $_size__tile_overlayer_lowered;
	s6 =	simm.s32 $_tile_overlayer_lowered  }
0x9b: {  	s22 =	simm.s32 $0x1BFF;
	s21 =	sshll.u32 s6, $0x1;
	s3 =	sadd.s32 s4, s19  }
0x9c: {  	s7 =	simm.s32 $0x0;
	s20 =	sshll.u32 s5, $0x1;
	s5 =	sadd.s32 s21, s3  }
0x9d: {  	[timem:s7], [sflag:s22] =	dma.local [hbm:s5], s20  }
0x9e: {  	_ =	swait.ge [sflag:s22], s20  }
0x9f: {  	s4 =	ssub.s32 $0x0, s20;
	[sflag:s22] =	ssyncset.done $0x0  }
0xa0: {  	[sflag:s22] =	ssyncadd.s32 s4;
	_ =	sdelay $0x1  }
0xa1: {  	s23 =	simm.s32 $0x1B8B  }
0xa2: {  	_ =	swait.ge [sflag:s23], $0x1  }
0xa3: {  	[sflag:s23] =	ssyncset.done $0x0  }
0xa4: {  	s25 =	simm.s32 $0x1B8E;
	s24 =	sld [smem:$0x3FFE];
	[sflag:s23] =	ssyncadd.s32 $0xFFFFFFFF  }
0xa5: {  	s26 =	simm.s32 $execute0_lowered;
	[smem:$0x3FD2] =	sst s25  }
0xa6: {  	s5 =	sshll.u32 s26, $0x1;
	_ =	strace $0x80000046;
	[dreg:$0x1] =	wrdreg $0xFFFFFFFF  }
0xa7: {  	s28 =	simm.s32 $_size_execute0_lowered;
	s3 =	sadd.s32 s3, s5;
	[dreg:$0x0] =	wrdreg $0x0  }
0xa8: {  	s5 =	sshll.u32 s28, $0x1;
	[dreg:$0x2] =	wrdreg s3  }
0xa9: {  	[dreg:$0x3] =	wrdreg s5  }
0xaa: {  	[dreg:$0x4] =	wrdreg $0xC0  }
0xab: {  	_ =	task [dreg:s7], $0x5FFFF  }
0xac: {  	[dreg:$0x1] =	wrdreg $0xFFFFFFFF  }
0xad: {  	[dreg:$0x0] =	wrdreg $0x60  }
0xae: {  	[dreg:$0x2] =	wrdreg s24  }
0xaf: {  	[dreg:$0x3] =	wrdreg s2  }
0xb0: {  	[dreg:$0x4] =	wrdreg $0x9  }
0xb1: {  	_ =	task.clear_ibuf [dreg:s7], $0x5FFFF;
	_ =	strace $0x90000046  }
0xb2: {  	s29 =	simm.s32 $0x9;
	_ =	strace $0x80000048  }
0xb3: {  	_ =	swait.ge [sflag:s29], $0x1  }
0xb4: {  	[sflag:s29] =	ssyncadd.s32 $0xFFFFFFFF  }
0xb5: {  	_ =	strace $0x90000048  }
0xb6: {  	_ =	sfence  }
0xb7: {  	s30 =	sld [smem:$0x0];
	_ =	sdelay $0x2  }
0xb8: {  	s31 =	sshll.u32 s1, $0xD;
	s1 =	sshrl.u32 s1, $0x2  }
0xb9: {  	s3 =	sand.u32 $0x4000, s31;
	s1 =	sadd.s32 s1, s30  }
0xba: {  	s0 =	sor.u32 s3, s0;
	s1 =	sshll.u32 s1, $0x11  }
0xbb: {  	s0 =	sor.u32 s1, s0  }
0xbc: {  	s0 =	sadd.s32 $0x8F2B, s0  }
0xbd: {  	[sflag:s0] =	ssyncadd.remote.s32 $0x1  }
0xbe: {  	_ =	sfence.sel $0xFFFF  }
0xbf: {  	[dreg:$0x0] =	wrdreg $0xFFFFFFFF;
	(pc) =	sbr.abs _section_cstart, $3  }
0xc0: {  	[dreg:$0x1] =	wrdreg $0xFFFFFFFF  }
0xc1: {  	_ =	task.clear_ibuf [dreg:s7], $0x2FFFF;
	_ =	strace $0x9FFFFFFF  }
0xc2: {  	(tm) =	ssettm $0x7FFFFFFF  }
0xc3: {  	_ =	shalt  }
tec
execute0_lowered:
.L_overlay_start_1:
0x0: {  	(tag) =	ssettag $0x1  }
0x1: {  	s0 =	srdreg.scid  }
0x2: {  	s1 =	stileid.u32;
	s2 =	rddreg [dreg:$0x0]  }
0x3: {  	s3 =	rddreg [dreg:$0x1];
	s5 =	simm.s32 $0x0;
	s23 =	simm.s32 $0x208  }
0x4: {  	s0 =	sand.u32 $0x1, s0;
	s1 =	sshll.u32 s1, $0x1;
	[smem:$0x7FF] =	sst s5  }
0x5: {  	s19 =	sadd.s32 $0x800, s2;
	s2 =	sadd.s32 $0xF42C00, s2;
	s1 =	sor.u32 s0, s1  }
0x6: {  	_ =	strace $0x80000047;
	[dreg:$0xc] =	wrdreg s19;
	s4 =	sshll.u32 s1, $0x9  }
0x7: {  	s25 =	simm.s32 $0x288;
	[dreg:$0xd] =	wrdreg s2;
	s4 =	sadd.s32 $0xFFFFFFF8, s4  }
0x8: {  	s26 =	simm.s32 $0x1408;
	[dreg:$0x4] =	wrdreg s23;
	s4 =	sshrl.u32 s4, $0x3  }
0x9: {  	[dreg:$0x6] =	wrdreg s25;
	s20 =	sand.u32 $0x7, s1;
	s4 =	sadd.s32 s19, s4  }
0xa: {  	p0 =	sne.s32 s20, $0x0;
	[dreg:$0x3] =	wrdreg s4;
	s4 =	simm.s32 $0x1  }
0xb: {  	v0 =	vlaneseq.u32;
	s28 =	simm.s32 $0x308;
	[dreg:$0x5] =	wrdreg s26;
	s4 =	simm.s32 @!p0 $0x0  }
0xc: {  	s29 =	simm.s32 $0x2408;
	s30 =	simm.s32 $0x388;
	[dreg:$0x8] =	wrdreg s28;
	v1 =	vadd.s32 s4, v0  }
0xd: {  	v2 =	vimm.s32 $0xECA86420;
	vm3 =	vmmov $0xff;
	s31 =	simm.s32 $0x3408;
	s0 =	ssub.s32 $0x2, s0;
	[dreg:$0x7] =	wrdreg s29;
	v1 =	vmin.u32 v1, $0x1  }
0xe: {  	[dreg:$0xa] =	wrdreg s30;
	s21 =	sshll.u32 s1, $0xB;
	s24 =	sshrl.u32 s0, $0x1;
	[tilespmem:$0x1FFE0] =	vst v1;
	v1 =	vunpack.c.l.s4.s8 v2;
	v2 =	vmul.u32 $0x2, v0;
	v0 =	vimm.s32 $0x0  }
0xf: {  	[dreg:$0x9] =	wrdreg s31;
	s22 =	sadd.s32 s3, s21;
	s0 =	ssub.s32 s0, s24;
	v0 =	vsel vm3, $0xFFFFFFFF, v0  }
0x10: {  	vm2 =	vcmask $0x1310;
	[dreg:$0xb] =	wrdreg s22;
	s3 =	smax.u32 s0, $0x1;
	p0 =	sne.s32 s1, $0x0;
	v55 =	vunpack.c.0.s8.s32 v1;
	[tilespmem:$0x1FFF0] =	vst v0  }
.LBB2_1:
0x11: {  	s0 =	rddreg [dreg:$0x3];
	s1 =	simm.s32 @p0 $0x0  }
0x12: {  	[tilespmem:s1], [sflag:$0x2] =	stream.linear.gather @p0 [hbm4b:s0+s1], $0x208, $0x38;
	[tilespmem:$0x4408] =	vst v63  }
0x13: {  	[dreg:$0xe] =	wrdreg s3;
	s0 =	simm.s32 @p0 $0x2  }
0x14: {  	_ =	swait.ge @p0 [sflag:s0], $0x208  }
0x15: {  	s1 =	simm.s32 @!p0 $0x8;
	[sflag:s0] =	ssyncset.done @p0 $0x0  }
0x16: {  	s2 =	rddreg [dreg:$0xc];
	[sflag:s0] =	ssyncadd.s32 @p0 $0xFFFFFDF8;
	s0 =	simm.s32 @!p0 $0x0  }
0x17: {  	[tilespmem:s1], [sflag:$0x2] =	stream.linear.gather @!p0 [hbm4b:s2+s0], $0x200, $0x38;
	[tilespmem:$0x4408] =	vst v63  }
0x18: {  	s0 =	simm.s32 @!p0 $0x2  }
0x19: {  	_ =	swait.ge @!p0 [sflag:s0], $0x200  }
0x1a: {  	[sflag:s0] =	ssyncset.done @!p0 $0x0  }
0x1b: {  	[sflag:s0] =	ssyncadd.s32 @!p0 $0xFFFFFE00  }
0x1c: {  	v0 =	vld [tilespmem:$0x7];
	_ =	sdelay $0x1  }
0x1d: {  	v3 =	vld [tilespmem:$0x8];
	_ =	sdelay $0x2  }
0x1e: {  	v0 =	vmul.u32 $0x1F, v0;
	_ =	sdelay $0x1  }
0x1f: {  	v0 =	vadd.s32 v3, v0  }
0x20: {  	(v2sf) =	vpush v0, $0xD;
	_ =	sdelay $0x1  }
0x21: {  	(v2sf) =	vpush v0, $0xC;
	_ =	sdelay $0x1  }
0x22: {  	(v2sf) =	vpush v0, $0xE;
	_ =	sdelay $0x1  }
0x23: {  	(v2sf) =	vpush v0, $0xF  }
0x24: {  	(v2sf) =	vpush v0, $0x9  }
0x25: {  	(v2sf) =	vpush v0, $0x8;
	_ =	sdelay $0x2  }
0x26: {  	(v2sf) =	vpush v0, $0xA  }
0x27: {  	(v2sf) =	vpush v0, $0xB;
	_ =	sdelay $0x2  }
0x28: {  	s24 =	spop (v2sf)  }
0x29: {  	(v2sf) =	vpush v0, $0x0;
	s25 =	smulhi.u32 $0x431BDE83, s24;
	s0 =	sshra.s32 s24, $0x1F  }
0x2a: {  	s26 =	spop (v2sf);
	(v2sf) =	vpush v0, $0x1;
	s4 =	smul.u32 $0x431BDE83, s0  }
0x2b: {  	s20 =	smulhi.u32 $0x431BDE83, s26;
	s0 =	sshra.s32 s26, $0x1F  }
0x2c: {  	s28 =	spop (v2sf);
	(v2sf) =	vpush v0, $0x2;
	s13 =	smul.u32 $0x431BDE83, s0  }
0x2d: {  	s21 =	smulhi.u32 $0x431BDE83, s28;
	s0 =	sshra.s32 s28, $0x1F;
	(v2sf) =	vpush v0, $0x3  }
0x2e: {  	s29 =	spop (v2sf);
	s14 =	smul.u32 $0x431BDE83, s0  }
0x2f: {  	s22 =	smulhi.u32 $0x431BDE83, s29;
	s0 =	sshra.s32 s29, $0x1F;
	s30 =	spop (v2sf);
	(v2sf) =	vpush v0, $0x4  }
0x30: {  	v3 =	vld [tilespmem:$0x17];
	s17 =	smul.u32 $0x431BDE83, s0;
	s31 =	spop (v2sf);
	(v2sf) =	vpush v0, $0x5  }
0x31: {  	s23 =	smulhi.u32 $0x431BDE83, s30;
	s0 =	sshra.s32 s30, $0x1F  }
0x32: {  	v4 =	vld [tilespmem:$0x18];
	s5 =	smul.u32 $0x431BDE83, s0  }
0x33: {  	s24 =	smulhi.u32 $0x431BDE83, s31;
	s0 =	sshra.s32 s31, $0x1F;
	s1 =	spop (v2sf);
	(v2sf) =	vpush v0, $0x6  }
0x34: {  	s9 =	smul.u32 $0x431BDE83, s0;
	s2 =	spop (v2sf);
	(v2sf) =	vpush v0, $0x7  }
0x35: {  	v3 =	vmul.u32 $0x1F, v3;
	[smem:$0x490] =	sst s25;
	s25 =	smulhi.u32 $0x431BDE83, s1;
	s0 =	sshra.s32 s1, $0x1F  }
0x36: {  	s10 =	smul.u32 $0x431BDE83, s0  }
0x37: {  	v4 =	vadd.s32 v4, v3;
	s26 =	smulhi.u32 $0x431BDE83, s2;
	s0 =	sshra.s32 s2, $0x1F  }
0x38: {  	s28 =	smul.u32 $0x431BDE83, s0;
	s3 =	spop (v2sf);
	(v2sf) =	vpush v4, $0xD  }
0x39: {  	s29 =	smulhi.u32 $0x431BDE83, s3;
	s6 =	spop (v2sf)  }
0x3a: {  	(v2sf) =	vpush v4, $0xC;
	s30 =	smulhi.u32 $0x431BDE83, s6;
	s1 =	sshra.s32 s6, $0x1F  }
0x3b: {  	s7 =	spop (v2sf);
	s11 =	smul.u32 $0x431BDE83, s1  }
0x3c: {  	(v2sf) =	vpush v4, $0xE;
	s31 =	smulhi.u32 $0x431BDE83, s7;
	s8 =	spop (v2sf)  }
0x3d: {  	s12 =	smulhi.u32 $0x431BDE83, s8;
	s2 =	sshra.s32 s8, $0x1F  }
0x3e: {  	s15 =	spop (v2sf);
	s8 =	smul.u32 $0x431BDE83, s2  }
0x3f: {  	(v2sf) =	vpush v4, $0xF;
	s16 =	smulhi.u32 $0x431BDE83, s15;
	s2 =	sshra.s32 s15, $0x1F;
	s18 =	spop (v2sf)  }
0x40: {  	[smem:$0x491] =	sst s12;
	s12 =	smul.u32 $0x431BDE83, s2  }
0x41: {  	s0 =	sshra.s32 s3, $0x1F;
	(v2sf) =	vpush v4, $0x9;
	s3 =	smulhi.u32 $0x431BDE83, s18  }
0x42: {  	s1 =	sshra.s32 s7, $0x1F;
	s6 =	spop (v2sf);
	[smem:$0x492] =	sst s16  }
0x43: {  	s2 =	sshra.s32 s18, $0x1F;
	s16 =	smulhi.u32 $0x431BDE83, s6;
	s7 =	spop (v2sf)  }
0x44: {  	(v2sf) =	vpush v4, $0x8;
	[smem:$0x493] =	sst s3;
	s3 =	smul.u32 $0x431BDE83, s2  }
0x45: {  	s2 =	sshra.s32 s6, $0x1F;
	s18 =	smulhi.u32 $0x431BDE83, s7  }
0x46: {  	(v2sf) =	vpush v4, $0xA;
	s15 =	smul.u32 $0x431BDE83, s2;
	s2 =	sshra.s32 s7, $0x1F  }
0x47: {  	s6 =	smul.u32 $0x431BDE83, s2;
	s7 =	spop (v2sf)  }
0x48: {  	[smem:$0x494] =	sst s18;
	s18 =	smulhi.u32 $0x431BDE83, s7  }
0x49: {  	(v2sf) =	vpush v4, $0xB;
	[smem:$0x495] =	sst s6;
	s2 =	sshra.s32 s7, $0x1F;
	s7 =	spop (v2sf)  }
0x4a: {  	s6 =	smul.u32 $0x431BDE83, s2;
	[smem:$0x496] =	sst s18  }
0x4b: {  	(v2sf) =	vpush v4, $0x0;
	s2 =	sshra.s32 s7, $0x1F;
	s18 =	smulhi.u32 $0x431BDE83, s7;
	s7 =	spop (v2sf)  }
0x4c: {  	[smem:$0x497] =	sst s6;
	s6 =	smul.u32 $0x431BDE83, s2  }
0x4d: {  	[smem:$0x498] =	sst s18;
	s18 =	smulhi.u32 $0x431BDE83, s7  }
0x4e: {  	s2 =	sshra.s32 s7, $0x1F;
	s7 =	spop (v2sf);
	[smem:$0x499] =	sst s6  }
0x4f: {  	(v2sf) =	vpush v4, $0x1;
	s6 =	smul.u32 $0x431BDE83, s2;
	[smem:$0x49A] =	sst s18  }
0x50: {  	(v2sf) =	vpush v4, $0x2;
	s2 =	sshra.s32 s7, $0x1F;
	s18 =	smulhi.u32 $0x431BDE83, s7;
	s7 =	spop (v2sf)  }
0x51: {  	[smem:$0x49B] =	sst s6;
	s6 =	smul.u32 $0x431BDE83, s2  }
0x52: {  	[smem:$0x49C] =	sst s18;
	s18 =	smulhi.u32 $0x431BDE83, s7  }
0x53: {  	s2 =	sshra.s32 s7, $0x1F;
	s7 =	spop (v2sf);
	[smem:$0x49D] =	sst s6  }
0x54: {  	(v2sf) =	vpush v4, $0x3;
	s6 =	smul.u32 $0x431BDE83, s2;
	[smem:$0x49E] =	sst s18  }
0x55: {  	s2 =	sshra.s32 s7, $0x1F;
	s18 =	smulhi.u32 $0x431BDE83, s7;
	s7 =	spop (v2sf)  }
0x56: {  	(v2sf) =	vpush v4, $0x4;
	[smem:$0x49F] =	sst s6;
	s6 =	smul.u32 $0x431BDE83, s2  }
0x57: {  	[smem:$0x4A0] =	sst s18;
	s18 =	smulhi.u32 $0x431BDE83, s7  }
0x58: {  	s2 =	sshra.s32 s7, $0x1F;
	s7 =	spop (v2sf);
	[smem:$0x4A1] =	sst s6  }
0x59: {  	s6 =	smul.u32 $0x431BDE83, s2;
	[smem:$0x4A2] =	sst s18  }
0x5a: {  	s2 =	sshra.s32 s7, $0x1F;
	s18 =	smulhi.u32 $0x431BDE83, s7;
	s7 =	spop (v2sf)  }
0x5b: {  	[smem:$0x4A3] =	sst s6;
	s6 =	smul.u32 $0x431BDE83, s2  }
0x5c: {  	(v2sf) =	vpush v4, $0x5;
	s2 =	sshra.s32 s7, $0x1F;
	[smem:$0x4A4] =	sst s18;
	s18 =	smulhi.u32 $0x431BDE83, s7  }
0x5d: {  	(v2sf) =	vpush v4, $0x6;
	s2 =	smul.u32 $0x431BDE83, s2;
	[smem:$0x4A5] =	sst s6  }
0x5e: {  	s6 =	spop (v2sf);
	[smem:$0x4A6] =	sst s18  }
0x5f: {  	s7 =	smulhi.u32 $0x431BDE83, s6;
	s18 =	spop (v2sf)  }
0x60: {  	[smem:$0x4A7] =	sst s2;
	s2 =	sshra.s32 s6, $0x1F;
	s6 =	smulhi.u32 $0x431BDE83, s18  }
0x61: {  	s19 =	smul.u32 $0x431BDE83, s1;
	[smem:$0x4A8] =	sst s7  }
0x62: {  	s7 =	smul.u32 $0x431BDE83, s2;
	s2 =	sshra.s32 s18, $0x1F;
	[smem:$0x4A9] =	sst s6  }
0x63: {  	s6 =	smul.u32 $0x431BDE83, s2;
	s2 =	spop (v2sf)  }
0x64: {  	v3 =	vld [tilespmem:$0x27];
	s18 =	smulhi.u32 $0x431BDE83, s2;
	s2 =	sshra.s32 s2, $0x1F  }
0x65: {  	s1 =	smul.u32 $0x431BDE83, s2;
	s2 =	spop (v2sf)  }
0x66: {  	v5 =	vld [tilespmem:$0x28];
	[smem:$0x4AA] =	sst s18;
	s18 =	smulhi.u32 $0x431BDE83, s2  }
0x67: {  	_ = 	snop  }
0x68: {  	s2 =	sshra.s32 s2, $0x1F;
	[smem:$0x4AB] =	sst s18  }
0x69: {  	v3 =	vmul.u32 $0x1F, v3;
	s20 =	sadd.s32 s13, s20;
	s2 =	smul.u32 $0x431BDE83, s2;
	s18 =	sld [smem:$0x490]  }
0x6a: {  	[smem:$0x4BB] =	sst s20;
	(v2sf) =	vpush v4, $0x7  }
0x6b: {  	v5 =	vadd.s32 v5, v3;
	s5 =	sadd.s32 s5, s23;
	[smem:$0x4AC] =	sst s2;
	s2 =	spop (v2sf)  }
0x6c: {  	[smem:$0x4BE] =	sst s5;
	(v2sf) =	vpush v5, $0xD;
	s13 =	spop (v2sf);
	s4 =	sadd.s32 s4, s18  }
0x6d: {  	s18 =	smulhi.u32 $0x431BDE83, s2;
	[smem:$0x4BA] =	sst s4  }
0x6e: {  	s20 =	smulhi.u32 $0x431BDE83, s13;
	s4 =	sld [smem:$0x493]  }
0x6f: {  	s2 =	sshra.s32 s2, $0x1F;
	[smem:$0x4AD] =	sst s18  }
0x70: {  	s2 =	smul.u32 $0x431BDE83, s2;
	[smem:$0x4AF] =	sst s20  }
0x71: {  	(v2sf) =	vpush v5, $0xC;
	s18 =	sadd.s32 s14, s21;
	s14 =	sadd.s32 s9, s24;
	s9 =	sld [smem:$0x494]  }
0x72: {  	[smem:$0x4AE] =	sst s2  }
0x73: {  	(v2sf) =	vpush v5, $0xE;
	s21 =	sadd.s32 s17, s22;
	[smem:$0x4BC] =	sst s18  }
0x74: {  	[smem:$0x4BD] =	sst s21  }
0x75: {  	[smem:$0x4BF] =	sst s14  }
0x76: {  	s21 =	sadd.s32 s28, s26;
	s28 =	sld [smem:$0x491]  }
0x77: {  	(v2sf) =	vpush v5, $0xF;
	s18 =	sadd.s32 s10, s25;
	s10 =	sld [smem:$0x495]  }
0x78: {  	s14 =	sld [smem:$0x498]  }
0x79: {  	s22 =	spop (v2sf);
	[smem:$0x4C0] =	sst s18  }
0x7a: {  	s2 =	sshra.s32 s13, $0x1F;
	s13 =	smulhi.u32 $0x431BDE83, s22;
	[smem:$0x4C1] =	sst s21  }
0x7b: {  	s17 =	spop (v2sf);
	s21 =	sadd.s32 s11, s30;
	s30 =	sld [smem:$0x492]  }
0x7c: {  	s2 =	smul.u32 $0x431BDE83, s2;
	[smem:$0x4B1] =	sst s13  }
0x7d: {  	s20 =	smulhi.u32 $0x431BDE83, s17;
	s13 =	sld [smem:$0x497]  }
0x7e: {  	[smem:$0x4B0] =	sst s2  }
0x7f: {  	s0 =	smul.u32 $0x431BDE83, s0;
	s2 =	sshra.s32 s22, $0x1F;
	[smem:$0x4B3] =	sst s20  }
0x80: {  	s22 =	spop (v2sf);
	s2 =	smul.u32 $0x431BDE83, s2  }
0x81: {  	(v2sf) =	vpush v5, $0x9;
	s20 =	sld [smem:$0x49B];
	s23 =	smulhi.u32 $0x431BDE83, s22  }
0x82: {  	(v2sf) =	vpush v5, $0x8;
	s24 =	sshra.s32 s22, $0x1F;
	s25 =	spop (v2sf);
	[smem:$0x4B2] =	sst s2  }
0x83: {  	s18 =	sadd.s32 s0, s29;
	s0 =	smul.u32 $0x431BDE83, s24;
	[smem:$0x4B5] =	sst s23  }
0x84: {  	s26 =	smulhi.u32 $0x431BDE83, s25;
	s2 =	sshra.s32 s17, $0x1F;
	s17 =	sld [smem:$0x49A]  }
0x85: {  	[smem:$0x4B6] =	sst s0  }
0x86: {  	s24 =	sadd.s32 s19, s31;
	s29 =	spop (v2sf);
	[smem:$0x4B7] =	sst s26  }
0x87: {  	s0 =	sshra.s32 s25, $0x1F;
	s26 =	sadd.s32 s12, s30;
	s12 =	sld [smem:$0x496]  }
0x88: {  	(v2sf) =	vpush v5, $0xA;
	s25 =	sadd.s32 s8, s28;
	s8 =	sadd.s32 s15, s16;
	s15 =	sld [smem:$0x499]  }
0x89: {  	s31 =	smulhi.u32 $0x431BDE83, s29;
	s28 =	sadd.s32 s10, s9;
	s9 =	sld [smem:$0x49F]  }
0x8a: {  	s10 =	sld [smem:$0x4A0]  }
0x8b: {  	[smem:$0x4B9] =	sst s31  }
0x8c: {  	(v2sf) =	vpush v5, $0xB;
	[smem:$0x4C2] =	sst s8  }
0x8d: {  	s31 =	sadd.s32 s3, s4;
	s3 =	sld [smem:$0x49C]  }
0x8e: {  	(v2sf) =	vpush v5, $0x0;
	s2 =	smul.u32 $0x431BDE83, s2;
	s4 =	sld [smem:$0x49D]  }
0x8f: {  	s0 =	smul.u32 $0x431BDE83, s0;
	s8 =	sld [smem:$0x49E]  }
0x90: {  	s5 =	spop (v2sf);
	[smem:$0x4B4] =	sst s2  }
0x91: {  	[smem:$0x4B8] =	sst s0;
	s0 =	sshra.s32 s29, $0x1F;
	s11 =	spop (v2sf)  }
0x92: {  	s2 =	sadd.s32 s13, s12;
	s29 =	smul.u32 $0x431BDE83, s0;
	s0 =	sshra.s32 s5, $0x1F  }
0x93: {  	[smem:$0x4C3] =	sst s2;
	s23 =	smulhi.u32 $0x431BDE83, s11;
	s2 =	sadd.s32 s15, s14  }
0x94: {  	s22 =	smul.u32 $0x431BDE83, s0;
	[smem:$0x4C4] =	sst s2  }
0x95: {  	s0 =	sshra.s32 s11, $0x1F;
	s2 =	sadd.s32 s20, s17;
	s11 =	sld [smem:$0x4A1]  }
0x96: {  	(v2sf) =	vpush v5, $0x1;
	s30 =	smulhi.u32 $0x431BDE83, s5;
	[smem:$0x4C5] =	sst s2  }
0x97: {  	s16 =	spop (v2sf);
	s2 =	sadd.s32 s4, s3;
	s3 =	sld [smem:$0x4A2]  }
0x98: {  	(v2sf) =	vpush v5, $0x2;
	s20 =	smulhi.u32 $0x431BDE83, s16;
	s4 =	sld [smem:$0x4A3]  }
0x99: {  	s19 =	smul.u32 $0x431BDE83, s0;
	s0 =	sshra.s32 s16, $0x1F;
	[smem:$0x4C6] =	sst s2  }
0x9a: {  	s17 =	smul.u32 $0x431BDE83, s0;
	s0 =	sadd.s32 s9, s8;
	s8 =	sld [smem:$0x4A5]  }
0x9b: {  	s5 =	spop (v2sf);
	[smem:$0x4C7] =	sst s0  }
0x9c: {  	s16 =	smulhi.u32 $0x431BDE83, s5;
	s15 =	sshra.s32 s5, $0x1F;
	s5 =	sld [smem:$0x4A4]  }
0x9d: {  	(v2sf) =	vpush v5, $0x3;
	s0 =	sadd.s32 s11, s10;
	s12 =	spop (v2sf);
	s10 =	sld [smem:$0x4A6]  }
0x9e: {  	[smem:$0x4C8] =	sst s0;
	s14 =	smul.u32 $0x431BDE83, s15  }
0x9f: {  	s13 =	smulhi.u32 $0x431BDE83, s12;
	s15 =	sshra.s32 s12, $0x1F;
	s12 =	sld [smem:$0x4A7]  }
0xa0: {  	s19 =	sadd.s32 s19, s23;
	s0 =	sadd.s32 s4, s3;
	s4 =	sld [smem:$0x4A9]  }
0xa1: {  	[smem:$0x4D7] =	sst s19  }
0xa2: {  	[smem:$0x4CA] =	sst s0  }
0xa3: {  	(v2sf) =	vpush v5, $0x4;
	s11 =	smul.u32 $0x431BDE83, s15;
	s15 =	sld [smem:$0x4A8]  }
0xa4: {  	s0 =	sadd.s32 s8, s5;
	s5 =	sld [smem:$0x4AA]  }
0xa5: {  	s9 =	spop (v2sf);
	s8 =	sld [smem:$0x4AB]  }
0xa6: {  	[smem:$0x4CC] =	sst s0;
	s2 =	sadd.s32 s12, s10;
	s12 =	smulhi.u32 $0x431BDE83, s9  }
0xa7: {  	s0 =	sshra.s32 s9, $0x1F;
	s3 =	spop (v2sf);
	[smem:$0x4CB] =	sst s2  }
0xa8: {  	s2 =	sadd.s32 s7, s15;
	s9 =	smul.u32 $0x431BDE83, s0;
	s15 =	sld [smem:$0x4AC]  }
0xa9: {  	s10 =	smulhi.u32 $0x431BDE83, s3;
	s0 =	sshra.s32 s3, $0x1F;
	s3 =	sld [smem:$0x4AE]  }
0xaa: {  	[smem:$0x4CD] =	sst s2;
	s2 =	sadd.s32 s6, s4  }
0xab: {  	s1 =	sadd.s32 s1, s5;
	[smem:$0x4CE] =	sst s2  }
0xac: {  	s6 =	spop (v2sf);
	[smem:$0x4CF] =	sst s1  }
0xad: {  	s7 =	smul.u32 $0x431BDE83, s0;
	s0 =	sshra.s32 s6, $0x1F;
	s2 =	sld [smem:$0x4AD]  }
0xae: {  	v3 =	vld [tilespmem:$0x37];
	s1 =	sadd.s32 s15, s8;
	s8 =	smulhi.u32 $0x431BDE83, s6;
	s6 =	sld [smem:$0x4AF]  }
0xaf: {  	(v2sf) =	vpush v5, $0x5;
	s15 =	sld [smem:$0x4B0]  }
0xb0: {  	v6 =	vld [tilespmem:$0x38];
	[smem:$0x4D0] =	sst s1  }
0xb1: {  	s1 =	sadd.s32 s3, s2;
	s2 =	sld [smem:$0x4B1]  }
0xb2: {  	(v2sf) =	vpush v5, $0x6;
	s4 =	spop (v2sf);
	s3 =	sld [smem:$0x4B2]  }
0xb3: {  	v3 =	vmul.u32 $0x1F, v3;
	s5 =	smul.u32 $0x431BDE83, s0;
	s0 =	sshra.s32 s4, $0x1F;
	[smem:$0x4D1] =	sst s1  }
0xb4: {  	(v2sf) =	vpush v5, $0x7;
	s1 =	sadd.s32 s15, s6;
	s6 =	smulhi.u32 $0x431BDE83, s4;
	s4 =	sld [smem:$0x4B3]  }
0xb5: {  	v6 =	vadd.s32 v6, v3;
	s15 =	sld [smem:$0x4B4]  }
0xb6: {  	(v2sf) =	vpush v6, $0xD;
	[smem:$0x4D2] =	sst s1  }
0xb7: {  	s1 =	sadd.s32 s3, s2;
	s2 =	sld [smem:$0x4B5]  }
0xb8: {  	(v2sf) =	vpush v6, $0xC;
	[smem:$0x4C9] =	sst s1  }
0xb9: {  	s17 =	sadd.s32 s17, s20;
	s1 =	sadd.s32 s15, s4;
	s15 =	sld [smem:$0x4B6]  }
0xba: {  	[smem:$0x4D8] =	sst s17;
	(v2sf) =	vpush v6, $0xE  }
0xbb: {  	[smem:$0x4D3] =	sst s1  }
0xbc: {  	(v2sf) =	vpush v6, $0xF;
	s1 =	sadd.s32 s15, s2;
	s2 =	sld [smem:$0x4B7]  }
0xbd: {  	s15 =	sld [smem:$0x4B8]  }
0xbe: {  	s3 =	smul.u32 $0x431BDE83, s0;
	s0 =	spop (v2sf)  }
0xbf: {  	s4 =	smulhi.u32 $0x431BDE83, s0;
	[smem:$0x4D4] =	sst s1  }
0xc0: {  	(v2sf) =	vpush v6, $0x9;
	s0 =	sshra.s32 s0, $0x1F;
	s2 =	sadd.s32 s15, s2;
	s15 =	sld [smem:$0x4B9]  }
0xc1: {  	s30 =	sadd.s32 s22, s30;
	s1 =	smul.u32 $0x431BDE83, s0;
	s0 =	spop (v2sf)  }
0xc2: {  	[smem:$0x4D5] =	sst s2;
	s2 =	smulhi.u32 $0x431BDE83, s0;
	s0 =	sshra.s32 s0, $0x1F  }
0xc3: {  	s0 =	smul.u32 $0x431BDE83, s0;
	s29 =	sadd.s32 s29, s15;
	s15 =	spop (v2sf)  }
0xc4: {  	[smem:$0x4D6] =	sst s29;
	s22 =	smulhi.u32 $0x431BDE83, s15;
	s29 =	sshra.s32 s15, $0x1F  }
0xc5: {  	s11 =	sadd.s32 s11, s13;
	s19 =	smul.u32 $0x431BDE83, s29;
	s29 =	spop (v2sf)  }
0xc6: {  	s12 =	sadd.s32 s9, s12;
	s17 =	smulhi.u32 $0x431BDE83, s29;
	s15 =	sshra.s32 s29, $0x1F  }
0xc7: {  	s29 =	sadd.s32 s14, s16;
	s16 =	spop (v2sf);
	s20 =	smul.u32 $0x431BDE83, s15  }
0xc8: {  	s10 =	sadd.s32 s7, s10;
	s23 =	smulhi.u32 $0x431BDE83, s16;
	s15 =	sshra.s32 s16, $0x1F  }
0xc9: {  	s0 =	sadd.s32 s0, s2;
	s16 =	spop (v2sf);
	s9 =	smul.u32 $0x431BDE83, s15  }
0xca: {  	[smem:$0x4DA] =	sst s0;
	s19 =	sadd.s32 s19, s22;
	s7 =	smulhi.u32 $0x431BDE83, s16  }
0xcb: {  	s13 =	sshra.s32 s16, $0x1F;
	s14 =	spop (v2sf);
	[smem:$0x4D9] =	sst s19  }
0xcc: {  	s16 =	sadd.s32 s5, s8;
	s19 =	sld [smem:$0x4BD];
	s5 =	smul.u32 $0x431BDE83, s13  }
0xcd: {  	s13 =	sadd.s32 s3, s6;
	s22 =	sadd.s32 s20, s17;
	s17 =	sld [smem:$0x4BC]  }
0xce: {  	s3 =	smulhi.u32 $0x431BDE83, s14;
	s15 =	sshra.s32 s14, $0x1F;
	s20 =	sld [smem:$0x4BE]  }
0xcf: {  	s14 =	sadd.s32 s1, s4;
	s8 =	spop (v2sf);
	[smem:$0x4DB] =	sst s22  }
0xd0: {  	s1 =	smul.u32 $0x431BDE83, s15;
	s6 =	sadd.s32 s9, s23;
	s9 =	sld [smem:$0x4BA]  }
0xd1: {  	s0 =	smulhi.u32 $0x431BDE83, s8;
	s15 =	sshra.s32 s8, $0x1F;
	[smem:$0x4DC] =	sst s6  }
0xd2: {  	s22 =	sshra.s32 s28, $0x1F;
	s2 =	smul.u32 $0x431BDE83, s15;
	s15 =	sld [smem:$0x4BB]  }
0xd3: {  	s23 =	sshrl.u32 s18, $0x1F;
	s8 =	sadd.s32 s5, s7;
	v3 =	vmov s22;
	s22 =	sld [smem:$0x4BF]  }
0xd4: {  	v8 =	vmov s23;
	s23 =	sshrl.u32 s21, $0x1F;
	[smem:$0x4DD] =	sst s8;
	s1 =	sadd.s32 s1, s3  }
0xd5: {  	vm8 =	vcmask $0x300;
	s7 =	sshrl.u32 s17, $0x1F;
	s4 =	sshra.s32 s17, $0x12;
	s8 =	sshrl.u32 s19, $0x1F  }
0xd6: {  	vm3 =	vcmask $0xB08;
	s3 =	sshra.s32 s19, $0x12;
	s5 =	sshra.s32 s20, $0x12;
	v8 =	vnsel vm8, $0x0, v8;
	[smem:$0x4DE] =	sst s1  }
0xd7: {  	s0 =	sadd.s32 s2, s0;
	s1 =	sshrl.u32 s9, $0x1F;
	v8 =	vsel vm3, s23, v8;
	s23 =	sld [smem:$0x4C1]  }
0xd8: {  	vm11 =	vcmask $0x704;
	vm1 =	vcmask $0x1B18;
	s2 =	sshrl.u32 s15, $0x1F;
	s6 =	sshra.s32 s15, $0x12;
	s17 =	sshrl.u32 s22, $0x1F  }
0xd9: {  	vm12 =	vcmask $0xF0C;
	vm5 =	vcmask $0x2320;
	s15 =	sshra.s32 s18, $0x12;
	v7 =	vmov s2;
	s2 =	sshra.s32 s22, $0x12;
	s22 =	sld [smem:$0x4C0]  }
0xda: {  	vm13 =	vcmask $0x1714;
	vm4 =	vcmask $0x1F1C;
	[smem:$0x4DF] =	sst s0;
	s0 =	sshra.s32 s9, $0x12;
	s18 =	sshra.s32 s18, $0x1F;
	v3 =	vsel vm8, s15, v3  }
0xdb: {  	vm15 =	vcmask $0x2724;
	s9 =	sshrl.u32 s20, $0x1F;
	s20 =	sld [smem:$0x4CE];
	s15 =	sshra.s32 s21, $0x12;
	v51 =	vmov s17;
	v3 =	vsel vm11, s18, v3  }
0xdc: {  	v54 =	vmov s6;
	v7 =	vsel vm3, s1, v7;
	v9 =	vsel vm3, s15, v3;
	s19 =	sshrl.u32 s22, $0x1F;
	s18 =	sshra.s32 s22, $0x12;
	s22 =	sshra.s32 s21, $0x1F  }
0xdd: {  	v11 =	vmov s2;
	v7 =	vsel vm2, s7, v7;
	s7 =	sshrl.u32 s23, $0x1F;
	s15 =	sshrl.u32 s24, $0x1F;
	v50 =	vsel vm12, s22, v9;
	s22 =	sshra.s32 s24, $0x12  }
0xde: {  	v3 =	vsel vm1, s8, v7;
	v49 =	vsel vm2, s15, v8;
	s8 =	sshra.s32 s23, $0x12;
	s21 =	sshrl.u32 s25, $0x1F;
	s23 =	sshra.s32 s24, $0x1F;
	v8 =	vsel vm2, s22, v50  }
0xdf: {  	s6 =	sld [smem:$0x4C3];
	v11 =	vsel vm3, s5, v11;
	s15 =	sshra.s32 s25, $0x12;
	v7 =	vsel vm1, s21, v49;
	v8 =	vsel vm13, s23, v8  }
0xe0: {  	s17 =	sshra.s32 s25, $0x1F;
	s24 =	sshrl.u32 s26, $0x1F;
	v9 =	vsel vm3, s9, v51;
	v11 =	vsel vm2, s18, v11;
	s18 =	sld [smem:$0x4CB];
	v10 =	vsel vm1, s15, v8  }
0xe1: {  	v7 =	vsel vm5, s24, v7;
	s22 =	sshra.s32 s26, $0x12;
	v9 =	vsel vm2, s19, v9;
	s24 =	sld [smem:$0x4C2];
	v53 =	vsel vm4, s17, v10  }
0xe2: {  	v11 =	vsel vm1, s8, v11;
	s8 =	sld [smem:$0x4C8];
	s23 =	sshra.s32 s26, $0x1F;
	v52 =	vsel vm1, s7, v9;
	v9 =	vsel vm5, s22, v53  }
0xe3: {  	vm6 =	vcmask $0x2B28;
	s21 =	sshrl.u32 s31, $0x1F;
	v9 =	vsel vm15, s23, v9;
	s23 =	sld [smem:$0x4C4]  }
0xe4: {  	v7 =	vsel vm6, s21, v7;
	s26 =	sshra.s32 s31, $0x12;
	s21 =	sshra.s32 s28, $0x12;
	s15 =	sshrl.u32 s28, $0x1F  }
0xe5: {  	vm7 =	vcmask $0x3330;
	vm14 =	vcmask $0x3B38;
	s28 =	sld [smem:$0x4C6];
	s25 =	sshrl.u32 s24, $0x1F;
	s19 =	sshra.s32 s24, $0x12  }
0xe6: {  	vm10 =	vcmask $0x2F2C;
	vm9 =	vcmask $0x3734;
	v7 =	vsel vm7, s25, v7;
	s22 =	sshra.s32 s24, $0x1F;
	s25 =	sld [smem:$0x4C5];
	s24 =	sshrl.u32 s23, $0x1F  }
0xe7: {  	s2 =	sshra.s32 s6, $0x12;
	s7 =	sshra.s32 s31, $0x1F;
	v10 =	vsel vm3, s0, v54;
	v9 =	vsel vm6, s26, v9;
	v12 =	vmov s24;
	s24 =	sld [smem:$0x4C9]  }
0xe8: {  	s0 =	sshrl.u32 s8, $0x1F;
	v10 =	vsel vm2, s4, v10;
	v7 =	vsel vm14, s15, v7;
	s15 =	sshrl.u32 s6, $0x1F;
	s31 =	sshrl.u32 s28, $0x1F;
	v9 =	vsel vm10, s7, v9  }
0xe9: {  	v10 =	vsel vm1, s3, v10;
	s3 =	sshra.s32 s28, $0x12;
	s26 =	sshrl.u32 s25, $0x1F;
	v9 =	vsel vm7, s19, v9;
	v13 =	vsel vm3, s15, v12;
	s15 =	sld [smem:$0x4CA]  }
0xea: {  	s4 =	sshra.s32 s25, $0x12;
	s25 =	sld [smem:$0x4CD];
	v9 =	vsel vm9, s22, v9;
	s9 =	sshra.s32 s24, $0x1F  }
0xeb: {  	s6 =	sld [smem:$0x4C7];
	s19 =	sshra.s32 s18, $0x12;
	v56 =	vsel vm14, s21, v9;
	s21 =	sshrl.u32 s18, $0x1F;
	v14 =	vmov s9  }
0xec: {  	vm0 =	vmmov vm8;
	v59 =	vmov s21;
	s17 =	sshrl.u32 s15, $0x1F;
	s9 =	sshra.s32 s15, $0x12;
	s15 =	sshra.s32 s18, $0x1F;
	v58 =	vsel vm8, s19, v14  }
0xed: {  	s1 =	sshra.s32 s23, $0x12;
	s28 =	sshra.s32 s25, $0x12;
	v57 =	vsel vm2, s26, v13;
	s26 =	sshrl.u32 s25, $0x1F;
	v14 =	vnsel vm0, $0x0, v59;
	v13 =	vsel vm11, s15, v58  }
0xee: {  	s7 =	sshrl.u32 s6, $0x1F;
	v9 =	vsel vm1, s31, v57;
	s31 =	sshra.s32 s25, $0x1F;
	v14 =	vsel vm3, s26, v14;
	s26 =	sld [smem:$0x4CF];
	v13 =	vsel vm3, s28, v13  }
0xef: {  	s5 =	sshra.s32 s6, $0x12;
	s23 =	sshra.s32 s20, $0x12;
	s22 =	sld [smem:$0x4CC];
	v13 =	vsel vm12, s31, v13  }
0xf0: {  	s21 =	sshrl.u32 s20, $0x1F;
	s25 =	sshra.s32 s20, $0x1F;
	s20 =	sld [smem:$0x4D0];
	v13 =	vsel vm2, s23, v13  }
0xf1: {  	s6 =	sshra.s32 s8, $0x12;
	v14 =	vsel vm2, s21, v14;
	s28 =	sshrl.u32 s26, $0x1F;
	v13 =	vsel vm13, s25, v13;
	s25 =	sld [smem:$0x4D1]  }
0xf2: {  	(v2sf) =	vpush v6, $0x8;
	s8 =	sshra.s32 s22, $0x12;
	s18 =	sshrl.u32 s22, $0x1F;
	v14 =	vsel vm1, s28, v14;
	s28 =	sld [smem:$0x4D2]  }
0xf3: {  	(v2sf) =	vpush v6, $0xA;
	v15 =	vmov s0;
	s15 =	sshra.s32 s20, $0x1F;
	s21 =	sshra.s32 s20, $0x12;
	s23 =	sshrl.u32 s20, $0x1F  }
0xf4: {  	(v2sf) =	vpush v6, $0xB;
	v15 =	vsel vm3, s7, v15;
	s31 =	sshra.s32 s26, $0x12;
	s7 =	sshra.s32 s26, $0x1F;
	v16 =	vsel vm5, s23, v14;
	s23 =	sshra.s32 s24, $0x12  }
0xf5: {  	(v2sf) =	vpush v6, $0x0;
	v15 =	vsel vm2, s17, v15;
	v13 =	vsel vm1, s31, v13;
	s26 =	sshrl.u32 s25, $0x1F;
	s22 =	sshra.s32 s25, $0x12;
	s31 =	sshrl.u32 s28, $0x1F  }
0xf6: {  	(v2sf) =	vpush v6, $0x1;
	v60 =	vsel vm1, s18, v15;
	s20 =	sshra.s32 s28, $0x12;
	s18 =	sshra.s32 s28, $0x1F;
	s28 =	sld [smem:$0x4D4]  }
0xf7: {  	(v2sf) =	vpush v6, $0x2;
	v13 =	vsel vm4, s7, v13;
	s17 =	sshra.s32 s25, $0x1F;
	s25 =	sshrl.u32 s24, $0x1F;
	s24 =	sld [smem:$0x4D6]  }
0xf8: {  	(v2sf) =	vpush v6, $0x3;
	v62 =	vsel vm5, s21, v13;
	v61 =	vsel vm6, s26, v16;
	s26 =	sld [smem:$0x4D3]  }
0xf9: {  	v24 =	vmov s1;
	v16 =	vsel vm15, s15, v62;
	v15 =	vsel vm7, s31, v61;
	s31 =	sld [smem:$0x4D5];
	s21 =	sshrl.u32 s28, $0x1F  }
0xfa: {  	v16 =	vsel vm6, s22, v16;
	v63 =	vsel vm14, s25, v15;
	s7 =	sshra.s32 s28, $0x12;
	v15 =	vsel vm3, s2, v24;
	s22 =	sshrl.u32 s24, $0x1F;
	s2 =	sshra.s32 s24, $0x12  }
0xfb: {  	(v2sf) =	vpush v6, $0x4;
	s24 =	sshrl.u32 s30, $0x1F;
	s25 =	sld [smem:$0x4D7];
	s28 =	sshrl.u32 s11, $0x1F  }
0xfc: {  	(v2sf) =	vpush v6, $0x5;
	v3 =	vcombine.low v52, v3;
	s19 =	sshrl.u32 s26, $0x1F;
	s0 =	sshra.s32 s26, $0x12;
	v15 =	vsel vm2, s4, v15;
	s4 =	sshra.s32 s30, $0x12  }
0xfd: {  	v17 =	vmov s6;
	v18 =	vsel vm10, s17, v16;
	s26 =	sld [smem:$0x4D8];
	v30 =	vmov s21;
	s30 =	sshrl.u32 s10, $0x1F;
	s21 =	sshra.s32 s10, $0x12  }
0xfe: {  	v26 =	vsel vm3, s5, v17;
	v27 =	vsel vm7, s20, v18;
	s15 =	sshrl.u32 s31, $0x1F;
	s1 =	sshra.s32 s31, $0x12;
	v25 =	vsel vm1, s3, v15;
	s3 =	sshra.s32 s29, $0x12  }
0xff: {  	v19 =	vmov s28;
	v15 =	vsel vm2, s9, v26;
	v17 =	vsel vm9, s18, v27;
	s18 =	sshra.s32 s11, $0x12;
	s9 =	sshra.s32 s12, $0x1F;
	s17 =	sshrl.u32 s25, $0x1F  }
0x100: {  	(v2sf) =	vpush v6, $0x6;
	v19 =	vnsel vm0, $0x0, v19;
	s6 =	sshra.s32 s25, $0x12;
	s25 =	sshrl.u32 s29, $0x1F;
	s29 =	sshrl.u32 s12, $0x1F  }
0x101: {  	v3 =	vperm.xlane v3, v55;
	s31 =	spop (v2sf);
	v28 =	vsel vm1, s8, v15;
	s8 =	sshra.s32 s11, $0x1F;
	v19 =	vsel vm3, s29, v19;
	s29 =	sld [smem:$0x4D9]  }
0x102: {  	v10 =	vcombine.low v11, v10;
	v29 =	vsel vm14, s23, v17;
	s23 =	sshra.s32 s12, $0x12;
	v17 =	vsel vm3, s19, v30;
	s19 =	sshrl.u32 s16, $0x1F;
	s11 =	sshra.s32 s16, $0x12  }
0x103: {  	v7 =	vperm.xlane v7, v2;
	vm8 =	vmmov vm11;
	s28 =	sshra.s32 s31, $0x1F;
	v17 =	vsel vm2, s15, v17;
	s15 =	sshra.s32 s16, $0x1F;
	s16 =	smulhi.u32 $0x431BDE83, s31  }
0x104: {  	vm11 =	vmmov vm6;
	vm4 =	vmmov vm0;
	(v2sf) =	vpush v6, $0x7;
	s12 =	smul.u32 $0x431BDE83, s28;
	s28 =	sld [smem:$0x4DA];
	s31 =	sshra.s32 s29, $0x1F  }
0x105: {  	s10 =	sshra.s32 s10, $0x1F;
	vm0 =	vmmov vm5;
	s20 =	sshrl.u32 s26, $0x1F;
	s5 =	sshra.s32 s26, $0x12;
	v21 =	vmov s17;
	v20 =	vmov s31  }
0x106: {  	s17 =	spop (v2sf);
	s26 =	sshrl.u32 s14, $0x1F;
	v19 =	vsel vm2, s30, v19;
	s30 =	sshrl.u32 s13, $0x1F;
	v21 =	vsel vm3, s24, v21;
	v20 =	vsel vm4, s18, v20  }
0x107: {  	s24 =	sshra.s32 s17, $0x1F;
	v19 =	vsel vm1, s19, v19;
	v21 =	vsel vm2, s20, v21;
	s20 =	sshra.s32 s28, $0x12;
	s31 =	sshrl.u32 s28, $0x1F;
	v20 =	vsel vm8, s8, v20  }
0x108: {  	v19 =	vsel vm5, s30, v19;
	vm5 =	vcmask $0xF0C;
	s18 =	smulhi.u32 $0x431BDE83, s17;
	s17 =	sshra.s32 s28, $0x1F;
	s28 =	spop (v2sf);
	v20 =	vsel vm3, s23, v20  }
0x109: {  	v17 =	vsel vm1, s22, v17;
	s22 =	sshra.s32 s14, $0x12;
	s14 =	sshra.s32 s14, $0x1F;
	v19 =	vsel vm11, s26, v19;
	s30 =	spop (v2sf);
	v20 =	vsel vm5, s9, v20  }
0x10a: {  	v1 =	vld [tilespmem:$0x1FFF0];
	v22 =	vmov s7;
	s26 =	sshrl.u32 s29, $0x1F;
	v19 =	vsel vm7, s31, v19;
	s8 =	smul.u32 $0x431BDE83, s24;
	s31 =	sshra.s32 s30, $0x1F;
	v20 =	vsel vm2, s21, v20  }
0x10b: {  	v31 =	vsel vm3, s0, v22;
	s0 =	sadd.s32 s12, s16;
	v19 =	vsel vm14, s26, v19;
	s26 =	sld [smem:$0x4DC];
	s16 =	smul.u32 $0x431BDE83, s31;
	v20 =	vsel vm13, s10, v20  }
0x10c: {  	vm6 =	vmmov vm7;
	vm7 =	vcmask $0x1F1C;
	s9 =	sshra.s32 s29, $0x12;
	s29 =	sshra.s32 s28, $0x1F;
	s21 =	smulhi.u32 $0x431BDE83, s28;
	v32 =	vsel vm1, s11, v20  }
0x10d: {  	v10 =	vperm.xlane v10, v55;
	v12 =	vperm.xlane v56, v2;
	s19 =	sshra.s32 s13, $0x12;
	s24 =	sld [smem:$0x4DF];
	s12 =	smul.u32 $0x431BDE83, s29;
	v11 =	vsel vm7, s15, v32  }
0x10e: {  	vm12 =	vmmov vm11;
	v8 =	vsel vm2, s1, v31;
	s13 =	sshra.s32 s13, $0x1F;
	s29 =	sld [smem:$0x4DB];
	v11 =	vsel vm0, s19, v11;
	s19 =	spop (v2sf)  }
0x10f: {  	vm11 =	vmmov vm8;
	vm8 =	vnez.u8 v1;
	s1 =	sadd.s32 s8, s18;
	s11 =	smulhi.u32 $0x431BDE83, s30;
	v35 =	vsel vm15, s13, v11;
	s18 =	spop (v2sf)  }
0x110: {  	v33 =	vmov s6;
	v34 =	vsel vm8, v12, v10;
	s13 =	smulhi.u32 $0x431BDE83, s19;
	s30 =	sshra.s32 s19, $0x1F;
	v10 =	vsel vm12, s22, v35;
	s19 =	spop (v2sf)  }
0x111: {  	v36 =	vsel vm3, s4, v33;
	s8 =	sshrl.u32 s0, $0x1F;
	s31 =	smul.u32 $0x431BDE83, s30;
	v10 =	vsel vm10, s14, v10;
	s22 =	spop (v2sf)  }
0x112: {  	v50 =	vld [tilespmem:$0x47];
	v37 =	vsel vm2, s5, v36;
	v3 =	vsel vm8, v7, v3;
	s5 =	sshra.s32 s18, $0x1F;
	v10 =	vsel vm6, s20, v10;
	s20 =	smulhi.u32 $0x431BDE83, s18;
	s18 =	spop (v2sf)  }
0x113: {  	v8 =	vsel vm1, s2, v8;
	v3 =	vadd.s32 v3, v34;
	s2 =	sadd.s32 s12, s21;
	s12 =	smul.u32 $0x431BDE83, s5;
	s5 =	spop (v2sf)  }
0x114: {  	s0 =	sshra.s32 s0, $0x12;
	s28 =	sld [smem:$0x4DD];
	v3 =	vmul.u32 $0xF4240, v3;
	v10 =	vsel vm9, s17, v10;
	s30 =	spop (v2sf)  }
0x115: {  	v7 =	vsel vm1, s3, v37;
	v10 =	vsel vm14, s9, v10;
	s9 =	sadd.s32 s31, s13;
	s31 =	smulhi.u32 $0x431BDE83, s30;
	s3 =	sshra.s32 s30, $0x1F  }
0x116: {  	s6 =	sshrl.u32 s24, $0x1F;
	v0 =	vsub.s32 v0, v3;
	v3 =	vcombine.low v60, v9;
	s15 =	sshrl.u32 s26, $0x1F;
	s3 =	smul.u32 $0x431BDE83, s3  }
0x117: {  	v16 =	vmul.u32 $0x1F, v50;
	v40 =	vperm.xlane v63, v2;
	s10 =	sshrl.u32 s29, $0x1F;
	s23 =	sshrl.u32 s28, $0x1F;
	s11 =	sadd.s32 s16, s11;
	v41 =	vmov s15  }
0x118: {  	v21 =	vsel vm1, s25, v21;
	v3 =	vperm.xlane v3, v55;
	v12 =	vsel vm3, s10, v41;
	s16 =	smulhi.u32 $0x431BDE83, s19;
	s19 =	sshra.s32 s19, $0x1F;
	s3 =	sadd.s32 s3, s31  }
0x119: {  	v39 =	vcombine.low v28, v25;
	v43 =	vcombine.low v21, v17;
	v12 =	vsel vm2, s23, v12;
	s15 =	smul.u32 $0x431BDE83, s19;
	s23 =	sshra.s32 s22, $0x1F;
	s30 =	sshra.s32 s3, $0x1F  }
0x11a: {  	v42 =	vperm.xlane v29, v2;
	s4 =	sshrl.u32 s1, $0x1F;
	v44 =	vsel vm8, v40, v3;
	s19 =	smul.u32 $0x431BDE83, s23;
	s31 =	sshra.s32 s11, $0x12;
	v3 =	vmov s30  }
0x11b: {  	v46 =	vperm.xlane v43, v55;
	v47 =	vperm.xlane v19, v2;
	s21 =	sshrl.u32 s11, $0x1F;
	s13 =	smulhi.u32 $0x431BDE83, s22;
	s11 =	sshra.s32 s11, $0x1F;
	v3 =	vsel vm4, s31, v3  }
0x11c: {  	v7 =	vcombine.low v7, v8;
	v49 =	vmov s8;
	s12 =	sadd.s32 s12, s20;
	s22 =	smulhi.u32 $0x431BDE83, s18;
	s23 =	sshra.s32 s9, $0x12;
	v3 =	vsel vm11, s11, v3  }
0x11d: {  	v53 =	vmov s0;
	v15 =	vsel vm3, s6, v49;
	s18 =	sshra.s32 s18, $0x1F;
	s17 =	sshrl.u32 s9, $0x1F;
	s9 =	sshra.s32 s9, $0x1F;
	v3 =	vsel vm3, s23, v3  }
0x11e: {  	v7 =	vperm.xlane v7, v55;
	v15 =	vsel vm2, s4, v15;
	s31 =	smul.u32 $0x431BDE83, s18;
	s18 =	sshra.s32 s12, $0x12;
	v3 =	vsel vm5, s9, v3  }
0x11f: {  	v51 =	vld [tilespmem:$0x48];
	s25 =	sld [smem:$0x4DE];
	v38 =	vadd.s32 $0xF4240, v0;
	vm0 =	vmmov vm6;
	s15 =	sadd.s32 s15, s16;
	s20 =	sshra.s32 s12, $0x1F;
	v3 =	vsel vm2, s18, v3  }
0x120: {  	v11 =	vperm.xlane v39, v55;
	vm12 =	vmmov vm10;
	s13 =	sadd.s32 s19, s13;
	s19 =	sadd.s32 s31, s22;
	s22 =	sshra.s32 s15, $0x12;
	v3 =	vsel vm13, s20, v3  }
0x121: {  	v48 =	vmov s21;
	vm6 =	vlt.s32 v0, $0x0;
	s23 =	sshra.s32 s26, $0x12;
	s26 =	sshra.s32 s15, $0x1F;
	v3 =	vsel vm1, s22, v3  }
0x122: {  	v0 =	vsel vm6, v38, v0;
	vm6 =	vcmask $0x2320;
	s10 =	sshra.s32 s13, $0x12;
	v3 =	vsel vm7, s26, v3  }
0x123: {  	s7 =	sshrl.u32 s25, $0x1F;
	v1 =	vld [tilespmem:$0x1FFE0];
	vm10 =	vmmov vm9;
	v45 =	vsel vm8, v42, v11;
	s11 =	sshra.s32 s13, $0x1F;
	v3 =	vsel vm6, s10, v3  }
0x124: {  	s14 =	sshrl.u32 s2, $0x1F;
	v12 =	vsel vm1, s7, v12;
	v54 =	vsel vm15, s11, v3;
	v3 =	vadd.s32 v51, v16  }
0x125: {  	v14 =	vnsel vm4, $0x0, v48;
	v15 =	vsel vm1, s14, v15;
	(v2sf) =	vpush v3, $0xD  }
0x126: {  	v11 =	vsel vm8, v47, v46;
	v8 =	vadd.s32 v44, v45;
	v12 =	vcombine.low v15, v12  }
0x127: {  	v8 =	vmul.u32 $0xF4240, v8;
	s16 =	sshrl.u32 s12, $0x1F;
	v14 =	vsel vm3, s17, v14;
	(v2sf) =	vpush v3, $0xC  }
0x128: {  	v0 =	vmul.u32 v1, v0;
	v10 =	vperm.xlane v10, v2;
	s21 =	sshrl.u32 s15, $0x1F;
	v14 =	vsel vm2, s16, v14  }
0x129: {  	v12 =	vperm.xlane v12, v55;
	s16 =	smulhi.u32 $0x431BDE83, s5;
	s5 =	sshra.s32 s5, $0x1F;
	v14 =	vsel vm1, s21, v14;
	s30 =	sshrl.u32 s13, $0x1F;
	(v2sf) =	vpush v3, $0xE  }
0x12a: {  	v7 =	vsel vm8, v10, v7;
	s5 =	smul.u32 $0x431BDE83, s5;
	v14 =	vsel vm6, s30, v14;
	s31 =	sshra.s32 s29, $0x12;
	v52 =	vmov s23  }
0x12b: {  	s14 =	sshra.s32 s28, $0x12;
	s12 =	sshra.s32 s24, $0x12;
	s21 =	sshrl.u32 s19, $0x1F;
	v15 =	vsel vm3, s31, v52;
	vm13 =	vcmask $0x2B28;
	(v2sf) =	vpush v3, $0xF  }
0x12c: {  	s5 =	sadd.s32 s5, s16;
	s16 =	sshra.s32 s25, $0x12;
	v56 =	vsel vm3, s12, v53;
	s13 =	sshra.s32 s19, $0x12;
	v15 =	vsel vm2, s14, v15;
	v14 =	vsel vm13, s21, v14  }
0x12d: {  	s1 =	sshra.s32 s1, $0x12;
	s30 =	sshrl.u32 s5, $0x1F;
	s15 =	sshra.s32 s19, $0x1F;
	v15 =	vsel vm1, s16, v15;
	v57 =	vsel vm13, s13, v54;
	(v2sf) =	vpush v3, $0x9  }
0x12e: {  	s17 =	sshra.s32 s2, $0x12;
	s18 =	sshra.s32 s5, $0x12;
	v14 =	vsel vm0, s30, v14;
	v16 =	vsel vm2, s1, v56;
	v17 =	vsel vm12, s15, v57  }
0x12f: {  	s19 =	sshrl.u32 s3, $0x1F;
	s20 =	sshra.s32 s5, $0x1F;
	v16 =	vsel vm1, s17, v16;
	v17 =	vsel vm0, s18, v17;
	(v2sf) =	vpush v3, $0x8  }
0x130: {  	s21 =	sshra.s32 s3, $0x12;
	v14 =	vsel vm14, s19, v14;
	v15 =	vcombine.low v16, v15;
	v58 =	vsel vm10, s20, v17  }
0x131: {  	v14 =	vperm.xlane v14, v2;
	v16 =	vsel vm14, s21, v58;
	(v2sf) =	vpush v3, $0xA  }
0x132: {  	v7 =	vadd.s32 v11, v7;
	v59 =	vperm.xlane v15, v55;
	v60 =	vperm.xlane v16, v2  }
0x133: {  	v4 =	vsub.s32 v4, v8;
	v7 =	vmul.u32 $0xF4240, v7;
	(v2sf) =	vpush v3, $0xB  }
0x134: {  	v61 =	vsel vm8, v14, v12;
	v9 =	vsel vm8, v60, v59;
	(v2sf) =	vpush v3, $0x0;
	s22 =	spop (v2sf)  }
0x135: {  	v63 =	vadd.s32 $0xF4240, v4;
	v5 =	vsub.s32 v5, v7;
	v62 =	vadd.s32 v61, v9;
	s23 =	smulhi.u32 $0x431BDE83, s22;
	s0 =	sshra.s32 s22, $0x1F  }
0x136: {  	[tilespmem:$0x208] =	vst v0;
	v0 =	vadd.s32 $0xF4240, v5;
	vm5 =	vlt.s32 v5, $0x0;
	v8 =	vmul.u32 $0xF4240, v62;
	s24 =	spop (v2sf);
	s16 =	smul.u32 $0x431BDE83, s0  }
0x137: {  	vm15 =	vmmov vm12;
	vm12 =	vlt.s32 v4, $0x0;
	(v2sf) =	vpush v3, $0x1;
	s15 =	smulhi.u32 $0x431BDE83, s24;
	s0 =	sshra.s32 s24, $0x1F  }
0x138: {  	v0 =	vsel vm5, v0, v5;
	v4 =	vsel vm12, v63, v4;
	v6 =	vsub.s32 v6, v8;
	s25 =	spop (v2sf);
	s18 =	smul.u32 $0x431BDE83, s0  }
0x139: {  	vm12 =	vlt.s32 v6, $0x0;
	v12 =	vadd.s32 $0xF4240, v6;
	(v2sf) =	vpush v3, $0x2;
	s17 =	smulhi.u32 $0x431BDE83, s25;
	s0 =	sshra.s32 s25, $0x1F  }
0x13a: {  	[tilespmem:$0x228] =	vst v0;
	v0 =	vsel vm12, v12, v6;
	s26 =	spop (v2sf);
	s20 =	smul.u32 $0x431BDE83, s0  }
0x13b: {  	[tilespmem:$0x238] =	vst v0;
	v0 =	vld [tilespmem:$0x57];
	(v2sf) =	vpush v3, $0x3;
	s19 =	smulhi.u32 $0x431BDE83, s26;
	s0 =	sshra.s32 s26, $0x1F  }
0x13c: {  	(v2sf) =	vpush v3, $0x4;
	s28 =	spop (v2sf);
	s22 =	smul.u32 $0x431BDE83, s0  }
0x13d: {  	v13 =	vld [tilespmem:$0x58];
	(v2sf) =	vpush v3, $0x5;
	s21 =	smulhi.u32 $0x431BDE83, s28;
	s0 =	sshra.s32 s28, $0x1F  }
0x13e: {  	s29 =	spop (v2sf);
	s24 =	smul.u32 $0x431BDE83, s0  }
0x13f: {  	[smem:$0x4E0] =	sst s23;
	s23 =	smulhi.u32 $0x431BDE83, s29;
	s0 =	sshra.s32 s29, $0x1F  }
0x140: {  	v0 =	vmul.u32 $0x1F, v0;
	s30 =	spop (v2sf);
	(v2sf) =	vpush v3, $0x6;
	s26 =	smul.u32 $0x431BDE83, s0  }
0x141: {  	s25 =	smulhi.u32 $0x431BDE83, s30;
	s0 =	sshra.s32 s30, $0x1F  }
0x142: {  	[tilespmem:$0x218] =	vst v4;
	v4 =	vadd.s32 v13, v0;
	s31 =	spop (v2sf);
	(v2sf) =	vpush v3, $0x7;
	s29 =	smul.u32 $0x431BDE83, s0  }
0x143: {  	s28 =	smulhi.u32 $0x431BDE83, s31;
	s0 =	sshra.s32 s31, $0x1F;
	s1 =	spop (v2sf);
	(v2sf) =	vpush v4, $0xD  }
0x144: {  	s30 =	smul.u32 $0x431BDE83, s0  }
0x145: {  	s31 =	smulhi.u32 $0x431BDE83, s1;
	s0 =	sshra.s32 s1, $0x1F  }
0x146: {  	s2 =	spop (v2sf);
	(v2sf) =	vpush v4, $0xC;
	s12 =	smul.u32 $0x431BDE83, s0  }
0x147: {  	s3 =	smulhi.u32 $0x431BDE83, s2;
	s0 =	sshra.s32 s2, $0x1F  }
0x148: {  	s2 =	smul.u32 $0x431BDE83, s0;
	s4 =	spop (v2sf)  }
0x149: {  	[smem:$0x4E1] =	sst s3;
	(v2sf) =	vpush v4, $0xE;
	s5 =	smulhi.u32 $0x431BDE83, s4;
	s0 =	sshra.s32 s4, $0x1F  }
0x14a: {  	s6 =	spop (v2sf);
	s4 =	smul.u32 $0x431BDE83, s0  }
0x14b: {  	s7 =	smulhi.u32 $0x431BDE83, s6;
	s8 =	spop (v2sf)  }
0x14c: {  	(v2sf) =	vpush v4, $0xF;
	s0 =	sshra.s32 s6, $0x1F;
	s9 =	smulhi.u32 $0x431BDE83, s8;
	s10 =	spop (v2sf)  }
0x14d: {  	[smem:$0x4E3] =	sst s7;
	s7 =	smul.u32 $0x431BDE83, s0  }
0x14e: {  	[smem:$0x4E2] =	sst s5;
	s0 =	sshra.s32 s8, $0x1F;
	s11 =	smulhi.u32 $0x431BDE83, s10  }
0x14f: {  	(v2sf) =	vpush v4, $0x9;
	s5 =	smul.u32 $0x431BDE83, s0;
	s0 =	sshra.s32 s10, $0x1F;
	s13 =	spop (v2sf)  }
0x150: {  	[smem:$0x4E4] =	sst s9;
	s3 =	smul.u32 $0x431BDE83, s0;
	s0 =	sshra.s32 s13, $0x1F  }
0x151: {  	s6 =	spop (v2sf);
	s10 =	smul.u32 $0x431BDE83, s0  }
0x152: {  	(v2sf) =	vpush v4, $0x8;
	s8 =	smulhi.u32 $0x431BDE83, s6;
	s0 =	sshra.s32 s6, $0x1F;
	s9 =	spop (v2sf)  }
0x153: {  	s6 =	smul.u32 $0x431BDE83, s0;
	s0 =	sshra.s32 s9, $0x1F  }
0x154: {  	[smem:$0x4E5] =	sst s11;
	(v2sf) =	vpush v4, $0xA;
	s0 =	smul.u32 $0x431BDE83, s0  }
0x155: {  	s14 =	smulhi.u32 $0x431BDE83, s13;
	s13 =	spop (v2sf)  }
0x156: {  	(v2sf) =	vpush v4, $0xB;
	s11 =	smulhi.u32 $0x431BDE83, s9;
	[smem:$0x4E9] =	sst s0;
	s0 =	sshra.s32 s13, $0x1F  }
0x157: {  	(v2sf) =	vpush v4, $0x0;
	[smem:$0x4E6] =	sst s14;
	s0 =	smul.u32 $0x431BDE83, s0  }
0x158: {  	[smem:$0x4E7] =	sst s8;
	s8 =	spop (v2sf)  }
0x159: {  	s14 =	smulhi.u32 $0x431BDE83, s13;
	[smem:$0x4EB] =	sst s0;
	s0 =	sshra.s32 s8, $0x1F  }
0x15a: {  	[smem:$0x4E8] =	sst s11;
	s0 =	smul.u32 $0x431BDE83, s0  }
0x15b: {  	(v2sf) =	vpush v4, $0x1;
	s9 =	smulhi.u32 $0x431BDE83, s8;
	s11 =	spop (v2sf)  }
0x15c: {  	s13 =	smulhi.u32 $0x431BDE83, s11;
	[smem:$0x4ED] =	sst s0;
	s0 =	sshra.s32 s11, $0x1F  }
0x15d: {  	[smem:$0x4EA] =	sst s14;
	(v2sf) =	vpush v4, $0x2;
	s0 =	smul.u32 $0x431BDE83, s0  }
0x15e: {  	s14 =	spop (v2sf);
	[smem:$0x4EC] =	sst s9  }
0x15f: {  	(v2sf) =	vpush v4, $0x3;
	s8 =	smulhi.u32 $0x431BDE83, s14;
	[smem:$0x4EF] =	sst s0;
	s0 =	sshra.s32 s14, $0x1F  }
0x160: {  	[smem:$0x4EE] =	sst s13;
	s0 =	smul.u32 $0x431BDE83, s0  }
0x161: {  	(v2sf) =	vpush v4, $0x4;
	s9 =	spop (v2sf);
	[smem:$0x4F0] =	sst s8  }
0x162: {  	s11 =	smulhi.u32 $0x431BDE83, s9;
	[smem:$0x4F1] =	sst s0;
	s0 =	sshra.s32 s9, $0x1F  }
0x163: {  	s13 =	spop (v2sf);
	s0 =	smul.u32 $0x431BDE83, s0  }
0x164: {  	[smem:$0x4F2] =	sst s11;
	s14 =	smulhi.u32 $0x431BDE83, s13  }
0x165: {  	(v2sf) =	vpush v4, $0x5;
	s8 =	spop (v2sf);
	[smem:$0x4F3] =	sst s0;
	s0 =	sshra.s32 s13, $0x1F  }
0x166: {  	s11 =	spop (v2sf);
	s0 =	smul.u32 $0x431BDE83, s0  }
0x167: {  	v0 =	vld [tilespmem:$0x67];
	[smem:$0x4F4] =	sst s14;
	s9 =	smulhi.u32 $0x431BDE83, s8  }
0x168: {  	s13 =	smulhi.u32 $0x431BDE83, s11;
	[smem:$0x4F5] =	sst s0;
	s0 =	sshra.s32 s8, $0x1F  }
0x169: {  	v14 =	vld [tilespmem:$0x68];
	(v2sf) =	vpush v4, $0x6;
	[smem:$0x4F6] =	sst s9;
	s0 =	smul.u32 $0x431BDE83, s0  }
0x16a: {  	s14 =	spop (v2sf);
	[smem:$0x4F8] =	sst s13  }
0x16b: {  	s8 =	smulhi.u32 $0x431BDE83, s14;
	[smem:$0x4F7] =	sst s0;
	s0 =	sshra.s32 s11, $0x1F  }
0x16c: {  	v0 =	vmul.u32 $0x1F, v0;
	s11 =	spop (v2sf);
	s9 =	smul.u32 $0x431BDE83, s0  }
0x16d: {  	(v2sf) =	vpush v4, $0x7;
	[smem:$0x4F9] =	sst s8;
	s13 =	smulhi.u32 $0x431BDE83, s11;
	s1 =	sshra.s32 s11, $0x1F  }
0x16e: {  	v5 =	vadd.s32 v14, v0;
	s0 =	sshra.s32 s14, $0x1F;
	s14 =	spop (v2sf);
	s11 =	smul.u32 $0x431BDE83, s1  }
0x16f: {  	(v2sf) =	vpush v5, $0xD;
	s1 =	sshra.s32 s14, $0x1F;
	[smem:$0x4FA] =	sst s13;
	s13 =	smulhi.u32 $0x431BDE83, s14  }
0x170: {  	s8 =	smul.u32 $0x431BDE83, s1;
	s1 =	spop (v2sf)  }
0x171: {  	s14 =	smulhi.u32 $0x431BDE83, s1;
	s1 =	sshra.s32 s1, $0x1F  }
0x172: {  	s1 =	smul.u32 $0x431BDE83, s1  }
0x173: {  	(v2sf) =	vpush v5, $0xC  }
0x174: {  	[smem:$0x4FD] =	sst s1;
	s1 =	spop (v2sf)  }
0x175: {  	[smem:$0x4FC] =	sst s14;
	s14 =	smulhi.u32 $0x431BDE83, s1;
	s1 =	sshra.s32 s1, $0x1F  }
0x176: {  	s1 =	smul.u32 $0x431BDE83, s1  }
0x177: {  	(v2sf) =	vpush v5, $0xE  }
0x178: {  	[smem:$0x4FF] =	sst s1;
	s1 =	spop (v2sf)  }
0x179: {  	[smem:$0x4FE] =	sst s14;
	s14 =	smulhi.u32 $0x431BDE83, s1;
	s1 =	sshra.s32 s1, $0x1F  }
0x17a: {  	s1 =	smul.u32 $0x431BDE83, s1  }
0x17b: {  	(v2sf) =	vpush v5, $0xF  }
0x17c: {  	[smem:$0x501] =	sst s1;
	s1 =	spop (v2sf)  }
0x17d: {  	[smem:$0x500] =	sst s14;
	s14 =	smulhi.u32 $0x431BDE83, s1  }
0x17e: {  	[smem:$0x4FB] =	sst s13;
	s13 =	spop (v2sf)  }
0x17f: {  	(v2sf) =	vpush v5, $0x9;
	[smem:$0x502] =	sst s14;
	s14 =	smulhi.u32 $0x431BDE83, s13;
	s13 =	sshra.s32 s13, $0x1F  }
0x180: {  	s13 =	smul.u32 $0x431BDE83, s13;
	_ =	sdelay $0x1  }
0x181: {  	[smem:$0x504] =	sst s13;
	s13 =	spop (v2sf)  }
0x182: {  	(v2sf) =	vpush v5, $0x8;
	[smem:$0x503] =	sst s14;
	s14 =	smulhi.u32 $0x431BDE83, s13;
	s13 =	sshra.s32 s13, $0x1F  }
0x183: {  	s13 =	smul.u32 $0x431BDE83, s13;
	_ =	sdelay $0x1  }
0x184: {  	[smem:$0x506] =	sst s13;
	s13 =	spop (v2sf)  }
0x185: {  	(v2sf) =	vpush v5, $0xA;
	[smem:$0x505] =	sst s14;
	s14 =	smulhi.u32 $0x431BDE83, s13;
	s13 =	sshra.s32 s13, $0x1F  }
0x186: {  	s13 =	smul.u32 $0x431BDE83, s13;
	_ =	sdelay $0x1  }
0x187: {  	[smem:$0x508] =	sst s13;
	s13 =	spop (v2sf)  }
0x188: {  	(v2sf) =	vpush v5, $0xB;
	[smem:$0x507] =	sst s14;
	s14 =	smulhi.u32 $0x431BDE83, s13;
	s13 =	sshra.s32 s13, $0x1F  }
0x189: {  	s13 =	smul.u32 $0x431BDE83, s13;
	_ =	sdelay $0x1  }
0x18a: {  	[smem:$0x50A] =	sst s13;
	s13 =	spop (v2sf)  }
0x18b: {  	(v2sf) =	vpush v5, $0x0;
	[smem:$0x509] =	sst s14;
	s14 =	smulhi.u32 $0x431BDE83, s13;
	s13 =	sshra.s32 s13, $0x1F  }
0x18c: {  	s13 =	smul.u32 $0x431BDE83, s13;
	_ =	sdelay $0x1  }
0x18d: {  	[smem:$0x50C] =	sst s13;
	s13 =	spop (v2sf)  }
0x18e: {  	(v2sf) =	vpush v5, $0x1;
	[smem:$0x50B] =	sst s14;
	s14 =	smulhi.u32 $0x431BDE83, s13;
	s13 =	sshra.s32 s13, $0x1F  }
0x18f: {  	s13 =	smul.u32 $0x431BDE83, s13;
	_ =	sdelay $0x1  }
0x190: {  	[smem:$0x50E] =	sst s13;
	s13 =	spop (v2sf)  }
0x191: {  	(v2sf) =	vpush v5, $0x2;
	[smem:$0x50D] =	sst s14;
	s14 =	smulhi.u32 $0x431BDE83, s13;
	s13 =	sshra.s32 s13, $0x1F  }
0x192: {  	s13 =	smul.u32 $0x431BDE83, s13;
	_ =	sdelay $0x1  }
0x193: {  	[smem:$0x510] =	sst s13;
	s13 =	spop (v2sf)  }
0x194: {  	(v2sf) =	vpush v5, $0x3;
	[smem:$0x50F] =	sst s14;
	s14 =	smulhi.u32 $0x431BDE83, s13;
	s13 =	sshra.s32 s13, $0x1F  }
0x195: {  	s13 =	smul.u32 $0x431BDE83, s13;
	_ =	sdelay $0x1  }
0x196: {  	[smem:$0x512] =	sst s13;
	s13 =	spop (v2sf)  }
0x197: {  	(v2sf) =	vpush v5, $0x4;
	[smem:$0x511] =	sst s14;
	s14 =	smulhi.u32 $0x431BDE83, s13;
	s13 =	sshra.s32 s13, $0x1F  }
0x198: {  	s13 =	smul.u32 $0x431BDE83, s13;
	_ =	sdelay $0x1  }
0x199: {  	[smem:$0x514] =	sst s13;
	s13 =	spop (v2sf)  }
0x19a: {  	(v2sf) =	vpush v5, $0x5;
	[smem:$0x513] =	sst s14;
	s14 =	smulhi.u32 $0x431BDE83, s13;
	s13 =	sshra.s32 s13, $0x1F  }
0x19b: {  	s13 =	smul.u32 $0x431BDE83, s13;
	_ =	sdelay $0x1  }
0x19c: {  	[smem:$0x516] =	sst s13;
	s13 =	spop (v2sf)  }
0x19d: {  	v0 =	vld [tilespmem:$0x77];
	(v2sf) =	vpush v5, $0x6;
	[smem:$0x515] =	sst s14;
	s14 =	smulhi.u32 $0x431BDE83, s13;
	s13 =	sshra.s32 s13, $0x1F  }
0x19e: {  	s13 =	smul.u32 $0x431BDE83, s13  }
0x19f: {  	v15 =	vld [tilespmem:$0x78]  }
0x1a0: {  	[smem:$0x518] =	sst s13;
	s13 =	spop (v2sf)  }
0x1a1: {  	(v2sf) =	vpush v5, $0x7;
	[smem:$0x517] =	sst s14;
	s14 =	smulhi.u32 $0x431BDE83, s13;
	s13 =	sshra.s32 s13, $0x1F  }
0x1a2: {  	v0 =	vmul.u32 $0x1F, v0;
	s13 =	smul.u32 $0x431BDE83, s13;
	_ =	sdelay $0x1  }
0x1a3: {  	v6 =	vadd.s32 v15, v0;
	[smem:$0x51A] =	sst s13;
	s13 =	spop (v2sf)  }
0x1a4: {  	(v2sf) =	vpush v6, $0xD;
	[smem:$0x519] =	sst s14;
	s14 =	smulhi.u32 $0x431BDE83, s13;
	s13 =	sshra.s32 s13, $0x1F  }
0x1a5: {  	s13 =	smul.u32 $0x431BDE83, s13;
	_ =	sdelay $0x1  }
0x1a6: {  	[smem:$0x51C] =	sst s13;
	s13 =	spop (v2sf)  }
0x1a7: {  	(v2sf) =	vpush v6, $0xC;
	[smem:$0x51B] =	sst s14;
	s14 =	smulhi.u32 $0x431BDE83, s13;
	s13 =	sshra.s32 s13, $0x1F  }
0x1a8: {  	s13 =	smul.u32 $0x431BDE83, s13;
	_ =	sdelay $0x1  }
0x1a9: {  	[smem:$0x51E] =	sst s13;
	s13 =	spop (v2sf)  }
0x1aa: {  	(v2sf) =	vpush v6, $0xE;
	[smem:$0x51D] =	sst s14;
	s14 =	smulhi.u32 $0x431BDE83, s13;
	s13 =	sshra.s32 s13, $0x1F  }
0x1ab: {  	s13 =	smul.u32 $0x431BDE83, s13;
	_ =	sdelay $0x1  }
0x1ac: {  	[smem:$0x520] =	sst s13;
	s13 =	spop (v2sf)  }
0x1ad: {  	(v2sf) =	vpush v6, $0xF;
	[smem:$0x51F] =	sst s14;
	s14 =	smulhi.u32 $0x431BDE83, s13;
	s13 =	sshra.s32 s13, $0x1F  }
0x1ae: {  	s13 =	smul.u32 $0x431BDE83, s13;
	_ =	sdelay $0x1  }
0x1af: {  	[smem:$0x522] =	sst s13;
	s13 =	spop (v2sf)  }
0x1b0: {  	(v2sf) =	vpush v6, $0x9;
	[smem:$0x521] =	sst s14;
	s14 =	smulhi.u32 $0x431BDE83, s13;
	s13 =	sshra.s32 s13, $0x1F  }
0x1b1: {  	s13 =	smul.u32 $0x431BDE83, s13;
	_ =	sdelay $0x1  }
0x1b2: {  	[smem:$0x524] =	sst s13;
	s13 =	spop (v2sf)  }
0x1b3: {  	(v2sf) =	vpush v6, $0x8;
	[smem:$0x523] =	sst s14;
	s14 =	smulhi.u32 $0x431BDE83, s13;
	s13 =	sshra.s32 s13, $0x1F  }
0x1b4: {  	s13 =	smul.u32 $0x431BDE83, s13;
	_ =	sdelay $0x1  }
0x1b5: {  	[smem:$0x526] =	sst s13;
	s13 =	spop (v2sf)  }
0x1b6: {  	(v2sf) =	vpush v6, $0xA;
	[smem:$0x525] =	sst s14;
	s14 =	smulhi.u32 $0x431BDE83, s13;
	s13 =	sshra.s32 s13, $0x1F  }
0x1b7: {  	s13 =	smul.u32 $0x431BDE83, s13;
	_ =	sdelay $0x1  }
0x1b8: {  	[smem:$0x528] =	sst s13;
	s13 =	spop (v2sf)  }
0x1b9: {  	(v2sf) =	vpush v6, $0xB;
	[smem:$0x527] =	sst s14;
	s14 =	smulhi.u32 $0x431BDE83, s13;
	s13 =	sshra.s32 s13, $0x1F  }
0x1ba: {  	s13 =	smul.u32 $0x431BDE83, s13;
	_ =	sdelay $0x1  }
0x1bb: {  	(v2sf) =	vpush v6, $0x0;
	[smem:$0x52A] =	sst s13;
	s13 =	spop (v2sf)  }
0x1bc: {  	(v2sf) =	vpush v6, $0x1;
	[smem:$0x529] =	sst s14;
	s14 =	smulhi.u32 $0x431BDE83, s13;
	s13 =	sshra.s32 s13, $0x1F  }
0x1bd: {  	(v2sf) =	vpush v6, $0x2;
	s13 =	smul.u32 $0x431BDE83, s13  }
0x1be: {  	(v2sf) =	vpush v6, $0x3;
	[smem:$0x52B] =	sst s14  }
0x1bf: {  	[smem:$0x52C] =	sst s13;
	s13 =	spop (v2sf)  }
0x1c0: {  	s14 =	smulhi.u32 $0x431BDE83, s13;
	s13 =	sshra.s32 s13, $0x1F  }
0x1c1: {  	s13 =	smul.u32 $0x431BDE83, s13;
	_ =	sdelay $0x1  }
0x1c2: {  	[smem:$0x52E] =	sst s13;
	s13 =	spop (v2sf)  }
0x1c3: {  	[smem:$0x52D] =	sst s14;
	s14 =	smulhi.u32 $0x431BDE83, s13;
	s13 =	sshra.s32 s13, $0x1F  }
0x1c4: {  	s13 =	smul.u32 $0x431BDE83, s13;
	_ =	sdelay $0x1  }
0x1c5: {  	[smem:$0x530] =	sst s13;
	s13 =	spop (v2sf)  }
0x1c6: {  	[smem:$0x52F] =	sst s14;
	s14 =	smulhi.u32 $0x431BDE83, s13;
	s13 =	sshra.s32 s13, $0x1F  }
0x1c7: {  	s13 =	smul.u32 $0x431BDE83, s13;
	_ =	sdelay $0x1  }
0x1c8: {  	[smem:$0x532] =	sst s13;
	s13 =	spop (v2sf)  }
0x1c9: {  	(v2sf) =	vpush v6, $0x4;
	[smem:$0x531] =	sst s14;
	s14 =	smulhi.u32 $0x431BDE83, s13;
	s13 =	sshra.s32 s13, $0x1F  }
0x1ca: {  	s13 =	smul.u32 $0x431BDE83, s13;
	_ =	sdelay $0x1  }
0x1cb: {  	[smem:$0x534] =	sst s13;
	s13 =	spop (v2sf)  }
0x1cc: {  	(v2sf) =	vpush v6, $0x5;
	[smem:$0x533] =	sst s14;
	s14 =	smulhi.u32 $0x431BDE83, s13;
	s13 =	sshra.s32 s13, $0x1F  }
0x1cd: {  	s13 =	smul.u32 $0x431BDE83, s13;
	_ =	sdelay $0x1  }
0x1ce: {  	[smem:$0x536] =	sst s13;
	s13 =	spop (v2sf)  }
0x1cf: {  	v0 =	vld [tilespmem:$0x87];
	(v2sf) =	vpush v6, $0x6;
	[smem:$0x535] =	sst s14;
	s14 =	smulhi.u32 $0x431BDE83, s13;
	s13 =	sshra.s32 s13, $0x1F  }
0x1d0: {  	s13 =	smul.u32 $0x431BDE83, s13  }
0x1d1: {  	v16 =	vld [tilespmem:$0x88]  }
0x1d2: {  	[smem:$0x538] =	sst s13;
	s13 =	spop (v2sf)  }
0x1d3: {  	(v2sf) =	vpush v6, $0x7;
	[smem:$0x537] =	sst s14;
	s14 =	smulhi.u32 $0x431BDE83, s13;
	s13 =	sshra.s32 s13, $0x1F  }
0x1d4: {  	v0 =	vmul.u32 $0x1F, v0;
	s13 =	smul.u32 $0x431BDE83, s13;
	_ =	sdelay $0x1  }
0x1d5: {  	v7 =	vadd.s32 v16, v0;
	[smem:$0x53A] =	sst s13;
	s13 =	spop (v2sf)  }
0x1d6: {  	(v2sf) =	vpush v7, $0xD;
	[smem:$0x539] =	sst s14;
	s14 =	smulhi.u32 $0x431BDE83, s13;
	s13 =	sshra.s32 s13, $0x1F  }
0x1d7: {  	s13 =	smul.u32 $0x431BDE83, s13;
	_ =	sdelay $0x1  }
0x1d8: {  	[smem:$0x53C] =	sst s13;
	s13 =	spop (v2sf)  }
0x1d9: {  	(v2sf) =	vpush v7, $0xC;
	[smem:$0x53B] =	sst s14;
	s14 =	smulhi.u32 $0x431BDE83, s13;
	s13 =	sshra.s32 s13, $0x1F  }
0x1da: {  	s13 =	smul.u32 $0x431BDE83, s13;
	_ =	sdelay $0x1  }
0x1db: {  	[smem:$0x53E] =	sst s13;
	s13 =	spop (v2sf)  }
0x1dc: {  	(v2sf) =	vpush v7, $0xE;
	[smem:$0x53D] =	sst s14;
	s14 =	smulhi.u32 $0x431BDE83, s13;
	s13 =	sshra.s32 s13, $0x1F  }
0x1dd: {  	s13 =	smul.u32 $0x431BDE83, s13;
	_ =	sdelay $0x1  }
0x1de: {  	[smem:$0x540] =	sst s13;
	s13 =	spop (v2sf)  }
0x1df: {  	(v2sf) =	vpush v7, $0xF;
	[smem:$0x53F] =	sst s14;
	s14 =	smulhi.u32 $0x431BDE83, s13;
	s13 =	sshra.s32 s13, $0x1F  }
0x1e0: {  	s13 =	smul.u32 $0x431BDE83, s13;
	_ =	sdelay $0x1  }
0x1e1: {  	[smem:$0x542] =	sst s13;
	s13 =	spop (v2sf)  }
0x1e2: {  	(v2sf) =	vpush v7, $0x9;
	[smem:$0x541] =	sst s14;
	s14 =	smulhi.u32 $0x431BDE83, s13;
	s13 =	sshra.s32 s13, $0x1F  }
0x1e3: {  	s13 =	smul.u32 $0x431BDE83, s13;
	_ =	sdelay $0x1  }
0x1e4: {  	[smem:$0x544] =	sst s13;
	s13 =	spop (v2sf)  }
0x1e5: {  	(v2sf) =	vpush v7, $0x8;
	[smem:$0x543] =	sst s14;
	s14 =	smulhi.u32 $0x431BDE83, s13;
	s13 =	sshra.s32 s13, $0x1F  }
0x1e6: {  	s13 =	smul.u32 $0x431BDE83, s13;
	_ =	sdelay $0x1  }
0x1e7: {  	[smem:$0x546] =	sst s13;
	s13 =	spop (v2sf)  }
0x1e8: {  	(v2sf) =	vpush v7, $0xA;
	[smem:$0x545] =	sst s14;
	s14 =	smulhi.u32 $0x431BDE83, s13;
	s13 =	sshra.s32 s13, $0x1F  }
0x1e9: {  	s13 =	smul.u32 $0x431BDE83, s13;
	_ =	sdelay $0x1  }
0x1ea: {  	[smem:$0x548] =	sst s13;
	s13 =	spop (v2sf)  }
0x1eb: {  	(v2sf) =	vpush v7, $0xB;
	[smem:$0x547] =	sst s14;
	s14 =	smulhi.u32 $0x431BDE83, s13;
	s13 =	sshra.s32 s13, $0x1F  }
0x1ec: {  	s13 =	smul.u32 $0x431BDE83, s13;
	_ =	sdelay $0x1  }
0x1ed: {  	[smem:$0x54A] =	sst s13;
	s13 =	spop (v2sf)  }
0x1ee: {  	(v2sf) =	vpush v7, $0x0;
	[smem:$0x549] =	sst s14;
	s14 =	smulhi.u32 $0x431BDE83, s13;
	s13 =	sshra.s32 s13, $0x1F  }
0x1ef: {  	s13 =	smul.u32 $0x431BDE83, s13;
	_ =	sdelay $0x1  }
0x1f0: {  	[smem:$0x54C] =	sst s13;
	s13 =	spop (v2sf)  }
0x1f1: {  	(v2sf) =	vpush v7, $0x1;
	[smem:$0x54B] =	sst s14;
	s14 =	smulhi.u32 $0x431BDE83, s13;
	s13 =	sshra.s32 s13, $0x1F  }
0x1f2: {  	s13 =	smul.u32 $0x431BDE83, s13;
	_ =	sdelay $0x1  }
0x1f3: {  	[smem:$0x54E] =	sst s13;
	s13 =	spop (v2sf)  }
0x1f4: {  	(v2sf) =	vpush v7, $0x2;
	[smem:$0x54D] =	sst s14;
	s14 =	smulhi.u32 $0x431BDE83, s13;
	s13 =	sshra.s32 s13, $0x1F  }
0x1f5: {  	s13 =	smul.u32 $0x431BDE83, s13;
	_ =	sdelay $0x1  }
0x1f6: {  	[smem:$0x550] =	sst s13;
	s13 =	spop (v2sf)  }
0x1f7: {  	(v2sf) =	vpush v7, $0x3;
	[smem:$0x54F] =	sst s14;
	s14 =	smulhi.u32 $0x431BDE83, s13;
	s13 =	sshra.s32 s13, $0x1F  }
0x1f8: {  	s13 =	smul.u32 $0x431BDE83, s13;
	_ =	sdelay $0x1  }
0x1f9: {  	[smem:$0x552] =	sst s13;
	s13 =	spop (v2sf)  }
0x1fa: {  	(v2sf) =	vpush v7, $0x4;
	[smem:$0x551] =	sst s14;
	s14 =	smulhi.u32 $0x431BDE83, s13;
	s13 =	sshra.s32 s13, $0x1F  }
0x1fb: {  	s13 =	smul.u32 $0x431BDE83, s13;
	_ =	sdelay $0x1  }
0x1fc: {  	[smem:$0x554] =	sst s13;
	s13 =	spop (v2sf)  }
0x1fd: {  	(v2sf) =	vpush v7, $0x5;
	[smem:$0x553] =	sst s14;
	s14 =	smulhi.u32 $0x431BDE83, s13;
	s13 =	sshra.s32 s13, $0x1F  }
0x1fe: {  	s13 =	smul.u32 $0x431BDE83, s13;
	_ =	sdelay $0x1  }
0x1ff: {  	[smem:$0x556] =	sst s13;
	s13 =	spop (v2sf)  }
0x200: {  	v0 =	vld [tilespmem:$0x97];
	(v2sf) =	vpush v7, $0x6;
	[smem:$0x555] =	sst s14;
	s14 =	smulhi.u32 $0x431BDE83, s13;
	s13 =	sshra.s32 s13, $0x1F  }
0x201: {  	s13 =	smul.u32 $0x431BDE83, s13  }
0x202: {  	v17 =	vld [tilespmem:$0x98]  }
0x203: {  	[smem:$0x558] =	sst s13;
	s13 =	spop (v2sf)  }
0x204: {  	(v2sf) =	vpush v7, $0x7;
	[smem:$0x557] =	sst s14;
	s14 =	smulhi.u32 $0x431BDE83, s13;
	s13 =	sshra.s32 s13, $0x1F  }
0x205: {  	v0 =	vmul.u32 $0x1F, v0;
	s13 =	smul.u32 $0x431BDE83, s13;
	_ =	sdelay $0x1  }
0x206: {  	v8 =	vadd.s32 v17, v0;
	[smem:$0x55A] =	sst s13;
	s13 =	spop (v2sf)  }
0x207: {  	(v2sf) =	vpush v8, $0xD;
	[smem:$0x559] =	sst s14;
	s14 =	smulhi.u32 $0x431BDE83, s13;
	s13 =	sshra.s32 s13, $0x1F  }
0x208: {  	s13 =	smul.u32 $0x431BDE83, s13;
	_ =	sdelay $0x1  }
0x209: {  	[smem:$0x55C] =	sst s13;
	s13 =	spop (v2sf)  }
0x20a: {  	(v2sf) =	vpush v8, $0xC;
	[smem:$0x55B] =	sst s14;
	s14 =	smulhi.u32 $0x431BDE83, s13;
	s13 =	sshra.s32 s13, $0x1F  }
0x20b: {  	s13 =	smul.u32 $0x431BDE83, s13;
	_ =	sdelay $0x1  }
0x20c: {  	[smem:$0x55E] =	sst s13;
	s13 =	spop (v2sf)  }
0x20d: {  	(v2sf) =	vpush v8, $0xE;
	[smem:$0x55D] =	sst s14;
	s14 =	smulhi.u32 $0x431BDE83, s13;
	s13 =	sshra.s32 s13, $0x1F  }
0x20e: {  	s13 =	smul.u32 $0x431BDE83, s13;
	_ =	sdelay $0x1  }
0x20f: {  	[smem:$0x560] =	sst s13;
	s13 =	spop (v2sf)  }
0x210: {  	(v2sf) =	vpush v8, $0xF;
	[smem:$0x55F] =	sst s14;
	s14 =	smulhi.u32 $0x431BDE83, s13;
	s13 =	sshra.s32 s13, $0x1F  }
0x211: {  	s13 =	smul.u32 $0x431BDE83, s13;
	_ =	sdelay $0x1  }
0x212: {  	[smem:$0x562] =	sst s13;
	s13 =	spop (v2sf)  }
0x213: {  	(v2sf) =	vpush v8, $0x9;
	[smem:$0x561] =	sst s14;
	s14 =	smulhi.u32 $0x431BDE83, s13;
	s13 =	sshra.s32 s13, $0x1F  }
0x214: {  	s13 =	smul.u32 $0x431BDE83, s13;
	_ =	sdelay $0x1  }
0x215: {  	[smem:$0x564] =	sst s13;
	s13 =	spop (v2sf)  }
0x216: {  	(v2sf) =	vpush v8, $0x8;
	[smem:$0x563] =	sst s14;
	s14 =	smulhi.u32 $0x431BDE83, s13;
	s13 =	sshra.s32 s13, $0x1F  }
0x217: {  	s13 =	smul.u32 $0x431BDE83, s13;
	_ =	sdelay $0x1  }
0x218: {  	[smem:$0x566] =	sst s13;
	s13 =	spop (v2sf)  }
0x219: {  	(v2sf) =	vpush v8, $0xA;
	[smem:$0x565] =	sst s14;
	s14 =	smulhi.u32 $0x431BDE83, s13;
	s13 =	sshra.s32 s13, $0x1F  }
0x21a: {  	s15 =	sadd.s32 s18, s15;
	s13 =	smul.u32 $0x431BDE83, s13  }
0x21b: {  	[smem:$0x5D2] =	sst s15  }
0x21c: {  	s18 =	sadd.s32 s20, s17;
	[smem:$0x568] =	sst s13;
	s13 =	spop (v2sf)  }
0x21d: {  	(v2sf) =	vpush v8, $0xB;
	[smem:$0x567] =	sst s14;
	s14 =	smulhi.u32 $0x431BDE83, s13;
	s13 =	sshra.s32 s13, $0x1F  }
0x21e: {  	s19 =	sadd.s32 s22, s19;
	[smem:$0x5D4] =	sst s18;
	s13 =	smul.u32 $0x431BDE83, s13  }
0x21f: {  	[smem:$0x5D6] =	sst s19  }
0x220: {  	s22 =	sadd.s32 s24, s21;
	[smem:$0x56A] =	sst s13;
	s13 =	spop (v2sf)  }
0x221: {  	(v2sf) =	vpush v8, $0x0;
	[smem:$0x569] =	sst s14;
	s14 =	smulhi.u32 $0x431BDE83, s13;
	s13 =	sshra.s32 s13, $0x1F  }
0x222: {  	s23 =	sadd.s32 s26, s23;
	[smem:$0x5D9] =	sst s22;
	s13 =	smul.u32 $0x431BDE83, s13  }
0x223: {  	[smem:$0x5D7] =	sst s23  }
0x224: {  	s26 =	sadd.s32 s29, s25;
	[smem:$0x56C] =	sst s13;
	s13 =	spop (v2sf)  }
0x225: {  	(v2sf) =	vpush v8, $0x1;
	[smem:$0x56B] =	sst s14;
	s14 =	smulhi.u32 $0x431BDE83, s13;
	s13 =	sshra.s32 s13, $0x1F  }
0x226: {  	s29 =	sadd.s32 s30, s28;
	[smem:$0x5DB] =	sst s26;
	s13 =	smul.u32 $0x431BDE83, s13  }
0x227: {  	[smem:$0x5DD] =	sst s29  }
0x228: {  	s12 =	sadd.s32 s12, s31;
	[smem:$0x56E] =	sst s13;
	s13 =	spop (v2sf)  }
0x229: {  	(v2sf) =	vpush v8, $0x2;
	[smem:$0x56D] =	sst s14;
	s14 =	smulhi.u32 $0x431BDE83, s13;
	s13 =	sshra.s32 s13, $0x1F  }
0x22a: {  	[smem:$0x5D3] =	sst s12;
	s13 =	smul.u32 $0x431BDE83, s13  }
0x22b: {  	s23 =	sld [smem:$0x4E1]  }
0x22c: {  	[smem:$0x570] =	sst s13;
	s13 =	spop (v2sf)  }
0x22d: {  	[smem:$0x56F] =	sst s14;
	s14 =	smulhi.u32 $0x431BDE83, s13;
	s13 =	sshra.s32 s13, $0x1F  }
0x22e: {  	s25 =	sld [smem:$0x4E2];
	s13 =	smul.u32 $0x431BDE83, s13  }
0x22f: {  	s26 =	sld [smem:$0x4E3];
	(v2sf) =	vpush v8, $0x3  }
0x230: {  	v0 =	vld [tilespmem:$0xA7];
	[smem:$0x572] =	sst s13;
	s13 =	spop (v2sf)  }
0x231: {  	(v2sf) =	vpush v8, $0x4;
	[smem:$0x571] =	sst s14;
	s14 =	smulhi.u32 $0x431BDE83, s13;
	s13 =	sshra.s32 s13, $0x1F  }
0x232: {  	v18 =	vld [tilespmem:$0xA8];
	s29 =	sld [smem:$0x4E4];
	s2 =	sadd.s32 s2, s23;
	s13 =	smul.u32 $0x431BDE83, s13  }
0x233: {  	[smem:$0x5D5] =	sst s2;
	(v2sf) =	vpush v8, $0x5  }
0x234: {  	s4 =	sadd.s32 s4, s25;
	[smem:$0x574] =	sst s13;
	s13 =	spop (v2sf)  }
0x235: {  	v0 =	vmul.u32 $0x1F, v0;
	(v2sf) =	vpush v8, $0x6;
	[smem:$0x573] =	sst s14;
	s14 =	smulhi.u32 $0x431BDE83, s13;
	s13 =	sshra.s32 s13, $0x1F  }
0x236: {  	[smem:$0x5D8] =	sst s4;
	(v2sf) =	vpush v8, $0x7;
	s13 =	smul.u32 $0x431BDE83, s13  }
0x237: {  	s4 =	sadd.s32 s7, s26;
	s26 =	sld [smem:$0x4E8];
	v9 =	vadd.s32 v18, v0  }
0x238: {  	(v2sf) =	vpush v9, $0xD;
	[smem:$0x576] =	sst s13;
	s13 =	spop (v2sf)  }
0x239: {  	(v2sf) =	vpush v9, $0xC;
	[smem:$0x575] =	sst s14;
	s14 =	smulhi.u32 $0x431BDE83, s13  }
0x23a: {  	[smem:$0x5DA] =	sst s4  }
0x23b: {  	s13 =	sshra.s32 s13, $0x1F;
	[smem:$0x577] =	sst s14  }
0x23c: {  	s13 =	smul.u32 $0x431BDE83, s13;
	s14 =	sld [smem:$0x4E0]  }
0x23d: {  	s4 =	sadd.s32 s5, s29;
	s29 =	sld [smem:$0x4EA]  }
0x23e: {  	[smem:$0x578] =	sst s13;
	s13 =	spop (v2sf)  }
0x23f: {  	s14 =	sadd.s32 s16, s14;
	s16 =	smulhi.u32 $0x431BDE83, s13;
	s13 =	sshra.s32 s13, $0x1F  }
0x240: {  	s15 =	smul.u32 $0x431BDE83, s13;
	s13 =	spop (v2sf)  }
0x241: {  	[smem:$0x5DC] =	sst s4;
	s17 =	smulhi.u32 $0x431BDE83, s13;
	s13 =	sshra.s32 s13, $0x1F  }
0x242: {  	(v2sf) =	vpush v9, $0xE;
	s20 =	spop (v2sf);
	s19 =	smul.u32 $0x431BDE83, s13  }
0x243: {  	s4 =	sld [smem:$0x4E6];
	s18 =	smulhi.u32 $0x431BDE83, s20;
	s13 =	sshra.s32 s20, $0x1F  }
0x244: {  	s24 =	spop (v2sf);
	s20 =	smul.u32 $0x431BDE83, s13  }
0x245: {  	(v2sf) =	vpush v9, $0xF;
	s21 =	smulhi.u32 $0x431BDE83, s24;
	s30 =	spop (v2sf)  }
0x246: {  	[smem:$0x5D1] =	sst s14;
	s13 =	sshra.s32 s24, $0x1F;
	s14 =	smulhi.u32 $0x431BDE83, s30  }
0x247: {  	s31 =	sshra.s32 s30, $0x1F;
	s24 =	spop (v2sf);
	s30 =	sld [smem:$0x4E5]  }
0x248: {  	s12 =	smulhi.u32 $0x431BDE83, s24;
	s2 =	sshra.s32 s24, $0x1F;
	s28 =	spop (v2sf)  }
0x249: {  	(v2sf) =	vpush v9, $0x9;
	s24 =	sld [smem:$0x4E7];
	s7 =	smul.u32 $0x431BDE83, s2  }
0x24a: {  	s5 =	smulhi.u32 $0x431BDE83, s28;
	s2 =	sshra.s32 s28, $0x1F;
	s28 =	sld [smem:$0x4E9]  }
0x24b: {  	(v2sf) =	vpush v9, $0x8;
	s3 =	sadd.s32 s3, s30;
	s30 =	sld [smem:$0x4EB]  }
0x24c: {  	[smem:$0x5DE] =	sst s3  }
0x24d: {  	s3 =	sadd.s32 s10, s4;
	s4 =	sld [smem:$0x4F0]  }
0x24e: {  	s22 =	smul.u32 $0x431BDE83, s13;
	[smem:$0x5DF] =	sst s3;
	s3 =	sadd.s32 s6, s24  }
0x24f: {  	s13 =	smul.u32 $0x431BDE83, s31;
	[smem:$0x5D0] =	sst s3  }
0x250: {  	s23 =	smul.u32 $0x431BDE83, s2;
	s3 =	sadd.s32 s28, s26;
	s26 =	sld [smem:$0x4EC]  }
0x251: {  	s31 =	spop (v2sf);
	s28 =	sld [smem:$0x4ED]  }
0x252: {  	s10 =	smulhi.u32 $0x431BDE83, s31;
	s2 =	sshra.s32 s31, $0x1F;
	[smem:$0x5E2] =	sst s3  }
0x253: {  	s24 =	smul.u32 $0x431BDE83, s2;
	s3 =	sadd.s32 s30, s29;
	s29 =	sld [smem:$0x4EE]  }
0x254: {  	s30 =	sld [smem:$0x4EF];
	s25 =	spop (v2sf)  }
0x255: {  	[smem:$0x5E3] =	sst s3;
	s6 =	smulhi.u32 $0x431BDE83, s25  }
0x256: {  	s2 =	sshra.s32 s25, $0x1F;
	s3 =	sadd.s32 s28, s26;
	s28 =	sld [smem:$0x4F1]  }
0x257: {  	s25 =	smul.u32 $0x431BDE83, s2;
	[smem:$0x5E5] =	sst s3  }
0x258: {  	s3 =	sadd.s32 s30, s29;
	s30 =	sld [smem:$0x4F2];
	s31 =	spop (v2sf)  }
0x259: {  	[smem:$0x5E6] =	sst s3;
	s26 =	smulhi.u32 $0x431BDE83, s31;
	s2 =	sshra.s32 s31, $0x1F  }
0x25a: {  	s31 =	spop (v2sf);
	s3 =	sadd.s32 s28, s4;
	s29 =	smul.u32 $0x431BDE83, s2  }
0x25b: {  	s28 =	smulhi.u32 $0x431BDE83, s31;
	s2 =	sshra.s32 s31, $0x1F;
	s31 =	sld [smem:$0x4F3]  }
0x25c: {  	s4 =	sld [smem:$0x4F4]  }
0x25d: {  	(v2sf) =	vpush v9, $0xA;
	[smem:$0x5E9] =	sst s3  }
0x25e: {  	s3 =	sadd.s32 s31, s30;
	s31 =	sld [smem:$0x4F5]  }
0x25f: {  	(v2sf) =	vpush v9, $0xB  }
0x260: {  	[smem:$0x5E8] =	sst s3  }
0x261: {  	s3 =	sadd.s32 s31, s4;
	s4 =	sld [smem:$0x4F7]  }
0x262: {  	[smem:$0x5EB] =	sst s3  }
0x263: {  	s3 =	sld [smem:$0x4F6];
	_ =	sdelay $0x2  }
0x264: {  	s3 =	sadd.s32 s4, s3  }
0x265: {  	[smem:$0x5ED] =	sst s3  }
0x266: {  	s3 =	sld [smem:$0x4F8];
	_ =	sdelay $0x1  }
0x267: {  	s0 =	smul.u32 $0x431BDE83, s0  }
0x268: {  	s30 =	smul.u32 $0x431BDE83, s2;
	s3 =	sadd.s32 s9, s3  }
0x269: {  	s2 =	spop (v2sf);
	[smem:$0x5E1] =	sst s3  }
0x26a: {  	s31 =	smulhi.u32 $0x431BDE83, s2;
	s2 =	sshra.s32 s2, $0x1F;
	s3 =	sld [smem:$0x4F9]  }
0x26b: {  	s4 =	smul.u32 $0x431BDE83, s2;
	s2 =	spop (v2sf)  }
0x26c: {  	s9 =	smulhi.u32 $0x431BDE83, s2;
	s2 =	sshra.s32 s2, $0x1F  }
0x26d: {  	s2 =	smul.u32 $0x431BDE83, s2;
	s0 =	sadd.s32 s0, s3;
	s3 =	sld [smem:$0x4FA]  }
0x26e: {  	(v2sf) =	vpush v9, $0x0  }
0x26f: {  	[smem:$0x579] =	sst s2  }
0x270: {  	s2 =	sadd.s32 s11, s3;
	s3 =	sld [smem:$0x4FB];
	_ =	sdelay $0x1  }
0x271: {  	(v2sf) =	vpush v9, $0x1;
	[smem:$0x5E7] =	sst s2  }
0x272: {  	s2 =	sadd.s32 s8, s3;
	s3 =	sld [smem:$0x4FC]  }
0x273: {  	s8 =	sld [smem:$0x4FD];
	_ =	sdelay $0x1  }
0x274: {  	[smem:$0x5EA] =	sst s2  }
0x275: {  	s2 =	sadd.s32 s8, s3;
	s3 =	sld [smem:$0x4FF]  }
0x276: {  	(v2sf) =	vpush v9, $0x2;
	[smem:$0x5EC] =	sst s2  }
0x277: {  	s2 =	sld [smem:$0x4FE];
	_ =	sdelay $0x1  }
0x278: {  	[smem:$0x5E4] =	sst s0  }
0x279: {  	(v2sf) =	vpush v9, $0x3;
	s2 =	sadd.s32 s3, s2;
	s3 =	sld [smem:$0x501]  }
0x27a: {  	s0 =	spop (v2sf);
	[smem:$0x5EE] =	sst s2  }
0x27b: {  	s11 =	smulhi.u32 $0x431BDE83, s0;
	s0 =	sshra.s32 s0, $0x1F;
	s2 =	sld [smem:$0x500]  }
0x27c: {  	s0 =	smul.u32 $0x431BDE83, s0;
	_ =	sdelay $0x1  }
0x27d: {  	[smem:$0x57A] =	sst s0;
	s0 =	spop (v2sf);
	s2 =	sadd.s32 s3, s2  }
0x27e: {  	s8 =	smulhi.u32 $0x431BDE83, s0;
	s0 =	sshra.s32 s0, $0x1F;
	[smem:$0x5EF] =	sst s2  }
0x27f: {  	s1 =	sshra.s32 s1, $0x1F;
	s0 =	smul.u32 $0x431BDE83, s0;
	s2 =	sld [smem:$0x502]  }
0x280: {  	s1 =	smul.u32 $0x431BDE83, s1  }
0x281: {  	[smem:$0x57B] =	sst s0  }
0x282: {  	s1 =	sadd.s32 s1, s2;
	s2 =	sld [smem:$0x504]  }
0x283: {  	s0 =	spop (v2sf);
	[smem:$0x5E0] =	sst s1  }
0x284: {  	(v2sf) =	vpush v9, $0x4;
	s3 =	smulhi.u32 $0x431BDE83, s0;
	s0 =	sshra.s32 s0, $0x1F;
	s1 =	sld [smem:$0x503]  }
0x285: {  	s0 =	smul.u32 $0x431BDE83, s0;
	_ =	sdelay $0x1  }
0x286: {  	[smem:$0x57C] =	sst s0;
	s0 =	spop (v2sf);
	s1 =	sadd.s32 s2, s1  }
0x287: {  	s2 =	smulhi.u32 $0x431BDE83, s0;
	[smem:$0x5F0] =	sst s1  }
0x288: {  	s1 =	sld [smem:$0x505]  }
0x289: {  	[smem:$0x57D] =	sst s2  }
0x28a: {  	s2 =	sld [smem:$0x506];
	_ =	sdelay $0x2  }
0x28b: {  	s1 =	sadd.s32 s2, s1;
	s2 =	sld [smem:$0x508]  }
0x28c: {  	[smem:$0x5F2] =	sst s1  }
0x28d: {  	(v2sf) =	vpush v9, $0x5;
	s0 =	sshra.s32 s0, $0x1F;
	s1 =	sld [smem:$0x507]  }
0x28e: {  	s0 =	smul.u32 $0x431BDE83, s0;
	_ =	sdelay $0x1  }
0x28f: {  	[smem:$0x57E] =	sst s0;
	s0 =	spop (v2sf);
	s1 =	sadd.s32 s2, s1  }
0x290: {  	s2 =	smulhi.u32 $0x431BDE83, s0;
	[smem:$0x5F4] =	sst s1  }
0x291: {  	s1 =	sld [smem:$0x509]  }
0x292: {  	[smem:$0x57F] =	sst s2  }
0x293: {  	s2 =	sld [smem:$0x50A];
	_ =	sdelay $0x2  }
0x294: {  	s1 =	sadd.s32 s2, s1;
	s2 =	sld [smem:$0x50C]  }
0x295: {  	[smem:$0x5F6] =	sst s1  }
0x296: {  	(v2sf) =	vpush v9, $0x6;
	s0 =	sshra.s32 s0, $0x1F;
	s1 =	sld [smem:$0x50B]  }
0x297: {  	s0 =	smul.u32 $0x431BDE83, s0;
	_ =	sdelay $0x1  }
0x298: {  	[smem:$0x580] =	sst s0;
	s0 =	spop (v2sf);
	s1 =	sadd.s32 s2, s1  }
0x299: {  	s2 =	smulhi.u32 $0x431BDE83, s0;
	[smem:$0x5FA] =	sst s1  }
0x29a: {  	s1 =	sld [smem:$0x50D]  }
0x29b: {  	[smem:$0x581] =	sst s2  }
0x29c: {  	s2 =	sld [smem:$0x50E];
	_ =	sdelay $0x2  }
0x29d: {  	s1 =	sadd.s32 s2, s1;
	s2 =	sld [smem:$0x510]  }
0x29e: {  	[smem:$0x5F8] =	sst s1  }
0x29f: {  	(v2sf) =	vpush v9, $0x7;
	s0 =	sshra.s32 s0, $0x1F;
	s1 =	sld [smem:$0x50F]  }
0x2a0: {  	s0 =	smul.u32 $0x431BDE83, s0;
	_ =	sdelay $0x1  }
0x2a1: {  	[smem:$0x582] =	sst s0;
	s0 =	spop (v2sf);
	s1 =	sadd.s32 s2, s1  }
0x2a2: {  	v0 =	vld [tilespmem:$0xB7];
	s2 =	smulhi.u32 $0x431BDE83, s0;
	[smem:$0x5FC] =	sst s1  }
0x2a3: {  	s1 =	sld [smem:$0x511]  }
0x2a4: {  	v19 =	vld [tilespmem:$0xB8];
	[smem:$0x583] =	sst s2  }
0x2a5: {  	s2 =	sld [smem:$0x512];
	_ =	sdelay $0x1  }
0x2a6: {  	v0 =	vmul.u32 $0x1F, v0  }
0x2a7: {  	s1 =	sadd.s32 s2, s1;
	s2 =	sld [smem:$0x514]  }
0x2a8: {  	v10 =	vadd.s32 v19, v0;
	[smem:$0x5FE] =	sst s1  }
0x2a9: {  	(v2sf) =	vpush v10, $0xD;
	s0 =	sshra.s32 s0, $0x1F;
	s1 =	sld [smem:$0x513]  }
0x2aa: {  	s0 =	smul.u32 $0x431BDE83, s0;
	_ =	sdelay $0x1  }
0x2ab: {  	[smem:$0x584] =	sst s0;
	s0 =	spop (v2sf);
	s1 =	sadd.s32 s2, s1  }
0x2ac: {  	s2 =	smulhi.u32 $0x431BDE83, s0;
	[smem:$0x5F3] =	sst s1  }
0x2ad: {  	s1 =	sld [smem:$0x515]  }
0x2ae: {  	[smem:$0x585] =	sst s2  }
0x2af: {  	s2 =	sld [smem:$0x516];
	_ =	sdelay $0x2  }
0x2b0: {  	s1 =	sadd.s32 s2, s1;
	s2 =	sld [smem:$0x518]  }
0x2b1: {  	[smem:$0x5F5] =	sst s1  }
0x2b2: {  	(v2sf) =	vpush v10, $0xC;
	s0 =	sshra.s32 s0, $0x1F;
	s1 =	sld [smem:$0x517]  }
0x2b3: {  	s0 =	smul.u32 $0x431BDE83, s0;
	_ =	sdelay $0x1  }
0x2b4: {  	[smem:$0x586] =	sst s0;
	s0 =	spop (v2sf);
	s1 =	sadd.s32 s2, s1  }
0x2b5: {  	s2 =	smulhi.u32 $0x431BDE83, s0;
	[smem:$0x5F7] =	sst s1  }
0x2b6: {  	s1 =	sld [smem:$0x519]  }
0x2b7: {  	[smem:$0x587] =	sst s2  }
0x2b8: {  	s2 =	sld [smem:$0x51A];
	_ =	sdelay $0x2  }
0x2b9: {  	s1 =	sadd.s32 s2, s1;
	s2 =	sld [smem:$0x51C]  }
0x2ba: {  	[smem:$0x5F9] =	sst s1  }
0x2bb: {  	(v2sf) =	vpush v10, $0xE;
	s0 =	sshra.s32 s0, $0x1F;
	s1 =	sld [smem:$0x51B]  }
0x2bc: {  	s0 =	smul.u32 $0x431BDE83, s0;
	_ =	sdelay $0x1  }
0x2bd: {  	[smem:$0x588] =	sst s0;
	s0 =	spop (v2sf);
	s1 =	sadd.s32 s2, s1  }
0x2be: {  	s2 =	smulhi.u32 $0x431BDE83, s0;
	[smem:$0x5FB] =	sst s1  }
0x2bf: {  	s1 =	sld [smem:$0x51D]  }
0x2c0: {  	[smem:$0x589] =	sst s2  }
0x2c1: {  	s2 =	sld [smem:$0x51E];
	_ =	sdelay $0x2  }
0x2c2: {  	s1 =	sadd.s32 s2, s1;
	s2 =	sld [smem:$0x520]  }
0x2c3: {  	[smem:$0x5FD] =	sst s1  }
0x2c4: {  	(v2sf) =	vpush v10, $0xF;
	s0 =	sshra.s32 s0, $0x1F;
	s1 =	sld [smem:$0x51F]  }
0x2c5: {  	s0 =	smul.u32 $0x431BDE83, s0;
	_ =	sdelay $0x1  }
0x2c6: {  	[smem:$0x58A] =	sst s0;
	s0 =	spop (v2sf);
	s1 =	sadd.s32 s2, s1  }
0x2c7: {  	s2 =	smulhi.u32 $0x431BDE83, s0;
	[smem:$0x5FF] =	sst s1  }
0x2c8: {  	s1 =	sld [smem:$0x521]  }
0x2c9: {  	[smem:$0x58B] =	sst s2  }
0x2ca: {  	s2 =	sld [smem:$0x522];
	_ =	sdelay $0x2  }
0x2cb: {  	s1 =	sadd.s32 s2, s1;
	s2 =	sld [smem:$0x524]  }
0x2cc: {  	[smem:$0x5F1] =	sst s1  }
0x2cd: {  	(v2sf) =	vpush v10, $0x9;
	s0 =	sshra.s32 s0, $0x1F;
	s1 =	sld [smem:$0x523]  }
0x2ce: {  	s0 =	smul.u32 $0x431BDE83, s0;
	_ =	sdelay $0x1  }
0x2cf: {  	[smem:$0x58C] =	sst s0;
	s0 =	spop (v2sf);
	s1 =	sadd.s32 s2, s1  }
0x2d0: {  	s2 =	smulhi.u32 $0x431BDE83, s0;
	[smem:$0x600] =	sst s1  }
0x2d1: {  	s1 =	sld [smem:$0x525]  }
0x2d2: {  	[smem:$0x58D] =	sst s2  }
0x2d3: {  	s2 =	sld [smem:$0x526];
	_ =	sdelay $0x2  }
0x2d4: {  	s1 =	sadd.s32 s2, s1;
	s2 =	sld [smem:$0x528]  }
0x2d5: {  	[smem:$0x601] =	sst s1  }
0x2d6: {  	(v2sf) =	vpush v10, $0x8;
	s0 =	sshra.s32 s0, $0x1F;
	s1 =	sld [smem:$0x527]  }
0x2d7: {  	s0 =	smul.u32 $0x431BDE83, s0;
	_ =	sdelay $0x1  }
0x2d8: {  	[smem:$0x58E] =	sst s0;
	s0 =	spop (v2sf);
	s1 =	sadd.s32 s2, s1  }
0x2d9: {  	s2 =	smulhi.u32 $0x431BDE83, s0;
	[smem:$0x603] =	sst s1  }
0x2da: {  	s1 =	sld [smem:$0x529]  }
0x2db: {  	[smem:$0x58F] =	sst s2  }
0x2dc: {  	s2 =	sld [smem:$0x52A];
	_ =	sdelay $0x2  }
0x2dd: {  	s1 =	sadd.s32 s2, s1;
	s2 =	sld [smem:$0x52C]  }
0x2de: {  	[smem:$0x605] =	sst s1  }
0x2df: {  	(v2sf) =	vpush v10, $0xA;
	s0 =	sshra.s32 s0, $0x1F;
	s1 =	sld [smem:$0x52B]  }
0x2e0: {  	s0 =	smul.u32 $0x431BDE83, s0;
	_ =	sdelay $0x1  }
0x2e1: {  	[smem:$0x590] =	sst s0;
	s0 =	spop (v2sf);
	s1 =	sadd.s32 s2, s1  }
0x2e2: {  	s2 =	smulhi.u32 $0x431BDE83, s0;
	[smem:$0x607] =	sst s1  }
0x2e3: {  	s1 =	sld [smem:$0x52D]  }
0x2e4: {  	[smem:$0x591] =	sst s2  }
0x2e5: {  	s2 =	sld [smem:$0x52E];
	_ =	sdelay $0x2  }
0x2e6: {  	s1 =	sadd.s32 s2, s1;
	s2 =	sld [smem:$0x530]  }
0x2e7: {  	[smem:$0x608] =	sst s1  }
0x2e8: {  	(v2sf) =	vpush v10, $0xB;
	s0 =	sshra.s32 s0, $0x1F;
	s1 =	sld [smem:$0x52F]  }
0x2e9: {  	s0 =	smul.u32 $0x431BDE83, s0;
	_ =	sdelay $0x1  }
0x2ea: {  	[smem:$0x592] =	sst s0;
	s0 =	spop (v2sf);
	s1 =	sadd.s32 s2, s1  }
0x2eb: {  	s2 =	smulhi.u32 $0x431BDE83, s0;
	[smem:$0x60B] =	sst s1  }
0x2ec: {  	s1 =	sld [smem:$0x531]  }
0x2ed: {  	[smem:$0x593] =	sst s2  }
0x2ee: {  	s2 =	sld [smem:$0x532];
	_ =	sdelay $0x2  }
0x2ef: {  	s1 =	sadd.s32 s2, s1;
	s2 =	sld [smem:$0x534]  }
0x2f0: {  	[smem:$0x60D] =	sst s1  }
0x2f1: {  	(v2sf) =	vpush v10, $0x0;
	s0 =	sshra.s32 s0, $0x1F;
	s1 =	sld [smem:$0x533]  }
0x2f2: {  	s0 =	smul.u32 $0x431BDE83, s0;
	_ =	sdelay $0x1  }
0x2f3: {  	[smem:$0x594] =	sst s0;
	s0 =	spop (v2sf);
	s1 =	sadd.s32 s2, s1  }
0x2f4: {  	s2 =	smulhi.u32 $0x431BDE83, s0;
	[smem:$0x604] =	sst s1  }
0x2f5: {  	s1 =	sld [smem:$0x535]  }
0x2f6: {  	[smem:$0x595] =	sst s2  }
0x2f7: {  	s2 =	sld [smem:$0x536];
	_ =	sdelay $0x2  }
0x2f8: {  	s1 =	sadd.s32 s2, s1;
	s2 =	sld [smem:$0x538]  }
0x2f9: {  	[smem:$0x606] =	sst s1  }
0x2fa: {  	(v2sf) =	vpush v10, $0x1;
	s0 =	sshra.s32 s0, $0x1F;
	s1 =	sld [smem:$0x537]  }
0x2fb: {  	s0 =	smul.u32 $0x431BDE83, s0;
	_ =	sdelay $0x1  }
0x2fc: {  	[smem:$0x596] =	sst s0;
	s0 =	spop (v2sf);
	s1 =	sadd.s32 s2, s1  }
0x2fd: {  	s2 =	smulhi.u32 $0x431BDE83, s0;
	[smem:$0x609] =	sst s1  }
0x2fe: {  	s1 =	sld [smem:$0x539]  }
0x2ff: {  	[smem:$0x597] =	sst s2  }
0x300: {  	s2 =	sld [smem:$0x53A];
	_ =	sdelay $0x2  }
0x301: {  	s1 =	sadd.s32 s2, s1;
	s2 =	sld [smem:$0x53C]  }
0x302: {  	[smem:$0x60A] =	sst s1  }
0x303: {  	(v2sf) =	vpush v10, $0x2;
	s0 =	sshra.s32 s0, $0x1F;
	s1 =	sld [smem:$0x53B]  }
0x304: {  	s0 =	smul.u32 $0x431BDE83, s0;
	_ =	sdelay $0x1  }
0x305: {  	[smem:$0x598] =	sst s0;
	s0 =	spop (v2sf);
	s1 =	sadd.s32 s2, s1  }
0x306: {  	s2 =	smulhi.u32 $0x431BDE83, s0;
	[smem:$0x60C] =	sst s1  }
0x307: {  	s1 =	sld [smem:$0x53D]  }
0x308: {  	[smem:$0x599] =	sst s2  }
0x309: {  	s2 =	sld [smem:$0x53E];
	_ =	sdelay $0x2  }
0x30a: {  	s1 =	sadd.s32 s2, s1;
	s2 =	sld [smem:$0x540]  }
0x30b: {  	[smem:$0x60E] =	sst s1  }
0x30c: {  	(v2sf) =	vpush v10, $0x3;
	s0 =	sshra.s32 s0, $0x1F;
	s1 =	sld [smem:$0x53F]  }
0x30d: {  	s0 =	smul.u32 $0x431BDE83, s0;
	_ =	sdelay $0x1  }
0x30e: {  	[smem:$0x59A] =	sst s0;
	s0 =	spop (v2sf);
	s1 =	sadd.s32 s2, s1  }
0x30f: {  	s2 =	smulhi.u32 $0x431BDE83, s0;
	[smem:$0x60F] =	sst s1  }
0x310: {  	s1 =	sld [smem:$0x541]  }
0x311: {  	[smem:$0x59B] =	sst s2  }
0x312: {  	s2 =	sld [smem:$0x542];
	_ =	sdelay $0x2  }
0x313: {  	s1 =	sadd.s32 s2, s1;
	s2 =	sld [smem:$0x544]  }
0x314: {  	[smem:$0x602] =	sst s1  }
0x315: {  	(v2sf) =	vpush v10, $0x4;
	s0 =	sshra.s32 s0, $0x1F;
	s1 =	sld [smem:$0x543]  }
0x316: {  	s0 =	smul.u32 $0x431BDE83, s0;
	_ =	sdelay $0x1  }
0x317: {  	[smem:$0x59C] =	sst s0;
	s0 =	spop (v2sf);
	s1 =	sadd.s32 s2, s1  }
0x318: {  	s2 =	smulhi.u32 $0x431BDE83, s0;
	[smem:$0x610] =	sst s1  }
0x319: {  	s1 =	sld [smem:$0x545]  }
0x31a: {  	[smem:$0x59D] =	sst s2  }
0x31b: {  	s2 =	sld [smem:$0x546];
	_ =	sdelay $0x2  }
0x31c: {  	s1 =	sadd.s32 s2, s1;
	s2 =	sld [smem:$0x548]  }
0x31d: {  	[smem:$0x612] =	sst s1  }
0x31e: {  	(v2sf) =	vpush v10, $0x5;
	s0 =	sshra.s32 s0, $0x1F;
	s1 =	sld [smem:$0x547]  }
0x31f: {  	s0 =	smul.u32 $0x431BDE83, s0;
	_ =	sdelay $0x1  }
0x320: {  	[smem:$0x59E] =	sst s0;
	s0 =	spop (v2sf);
	s1 =	sadd.s32 s2, s1  }
0x321: {  	s2 =	smulhi.u32 $0x431BDE83, s0;
	[smem:$0x614] =	sst s1  }
0x322: {  	s1 =	sld [smem:$0x549]  }
0x323: {  	[smem:$0x59F] =	sst s2  }
0x324: {  	s2 =	sld [smem:$0x54A];
	_ =	sdelay $0x2  }
0x325: {  	s1 =	sadd.s32 s2, s1;
	s2 =	sld [smem:$0x54C]  }
0x326: {  	[smem:$0x615] =	sst s1  }
0x327: {  	(v2sf) =	vpush v10, $0x6;
	s0 =	sshra.s32 s0, $0x1F;
	s1 =	sld [smem:$0x54B]  }
0x328: {  	s0 =	smul.u32 $0x431BDE83, s0;
	_ =	sdelay $0x1  }
0x329: {  	[smem:$0x5A0] =	sst s0;
	s0 =	spop (v2sf);
	s1 =	sadd.s32 s2, s1  }
0x32a: {  	s2 =	smulhi.u32 $0x431BDE83, s0;
	[smem:$0x617] =	sst s1  }
0x32b: {  	s1 =	sld [smem:$0x54D]  }
0x32c: {  	[smem:$0x5A1] =	sst s2  }
0x32d: {  	s2 =	sld [smem:$0x54E];
	_ =	sdelay $0x2  }
0x32e: {  	s1 =	sadd.s32 s2, s1;
	s2 =	sld [smem:$0x550]  }
0x32f: {  	[smem:$0x619] =	sst s1  }
0x330: {  	(v2sf) =	vpush v10, $0x7;
	s0 =	sshra.s32 s0, $0x1F;
	s1 =	sld [smem:$0x54F]  }
0x331: {  	s0 =	smul.u32 $0x431BDE83, s0;
	_ =	sdelay $0x1  }
0x332: {  	[smem:$0x5A2] =	sst s0;
	s0 =	spop (v2sf);
	s1 =	sadd.s32 s2, s1  }
0x333: {  	v0 =	vld [tilespmem:$0xC7];
	s2 =	smulhi.u32 $0x431BDE83, s0;
	[smem:$0x61B] =	sst s1  }
0x334: {  	s1 =	sld [smem:$0x551]  }
0x335: {  	v20 =	vld [tilespmem:$0xC8];
	[smem:$0x5A3] =	sst s2  }
0x336: {  	s2 =	sld [smem:$0x552];
	_ =	sdelay $0x1  }
0x337: {  	v0 =	vmul.u32 $0x1F, v0  }
0x338: {  	s1 =	sadd.s32 s2, s1;
	s2 =	sld [smem:$0x554]  }
0x339: {  	v11 =	vadd.s32 v20, v0;
	[smem:$0x61D] =	sst s1  }
0x33a: {  	(v2sf) =	vpush v11, $0xD;
	s0 =	sshra.s32 s0, $0x1F;
	s1 =	sld [smem:$0x553]  }
0x33b: {  	s0 =	smul.u32 $0x431BDE83, s0;
	_ =	sdelay $0x1  }
0x33c: {  	[smem:$0x5A4] =	sst s0;
	s0 =	spop (v2sf);
	s1 =	sadd.s32 s2, s1  }
0x33d: {  	s2 =	smulhi.u32 $0x431BDE83, s0;
	[smem:$0x613] =	sst s1  }
0x33e: {  	s1 =	sld [smem:$0x555]  }
0x33f: {  	[smem:$0x5A5] =	sst s2  }
0x340: {  	s2 =	sld [smem:$0x556];
	_ =	sdelay $0x2  }
0x341: {  	s1 =	sadd.s32 s2, s1;
	s2 =	sld [smem:$0x558]  }
0x342: {  	[smem:$0x616] =	sst s1  }
0x343: {  	(v2sf) =	vpush v11, $0xC;
	s0 =	sshra.s32 s0, $0x1F;
	s1 =	sld [smem:$0x557]  }
0x344: {  	s0 =	smul.u32 $0x431BDE83, s0;
	_ =	sdelay $0x1  }
0x345: {  	[smem:$0x5A6] =	sst s0;
	s0 =	spop (v2sf);
	s1 =	sadd.s32 s2, s1  }
0x346: {  	s2 =	smulhi.u32 $0x431BDE83, s0;
	[smem:$0x618] =	sst s1  }
0x347: {  	s1 =	sld [smem:$0x559]  }
0x348: {  	[smem:$0x5A7] =	sst s2  }
0x349: {  	s2 =	sld [smem:$0x55A];
	_ =	sdelay $0x1  }
0x34a: {  	(v2sf) =	vpush v11, $0xE  }
0x34b: {  	s1 =	sadd.s32 s2, s1;
	s2 =	sld [smem:$0x55C]  }
0x34c: {  	[smem:$0x61A] =	sst s1  }
0x34d: {  	s0 =	sshra.s32 s0, $0x1F;
	s1 =	sld [smem:$0x55B]  }
0x34e: {  	s0 =	smul.u32 $0x431BDE83, s0;
	_ =	sdelay $0x1  }
0x34f: {  	[smem:$0x5A8] =	sst s0;
	s0 =	spop (v2sf);
	s1 =	sadd.s32 s2, s1  }
0x350: {  	s2 =	smulhi.u32 $0x431BDE83, s0;
	[smem:$0x61C] =	sst s1  }
0x351: {  	s1 =	sld [smem:$0x55D]  }
0x352: {  	(v2sf) =	vpush v11, $0xF;
	[smem:$0x5A9] =	sst s2  }
0x353: {  	(v2sf) =	vpush v11, $0x9;
	s0 =	sshra.s32 s0, $0x1F;
	s2 =	sld [smem:$0x55E]  }
0x354: {  	(v2sf) =	vpush v11, $0x8;
	s0 =	smul.u32 $0x431BDE83, s0  }
0x355: {  	(v2sf) =	vpush v11, $0xA  }
0x356: {  	(v2sf) =	vpush v11, $0xB;
	[smem:$0x5AA] =	sst s0;
	s1 =	sadd.s32 s2, s1  }
0x357: {  	(v2sf) =	vpush v11, $0x0;
	[smem:$0x61E] =	sst s1  }
0x358: {  	(v2sf) =	vpush v11, $0x1;
	s0 =	spop (v2sf);
	s1 =	sld [smem:$0x55F]  }
0x359: {  	s2 =	sld [smem:$0x560];
	_ =	sdelay $0x2  }
0x35a: {  	s1 =	sadd.s32 s2, s1  }
0x35b: {  	s2 =	smulhi.u32 $0x431BDE83, s0;
	[smem:$0x61F] =	sst s1  }
0x35c: {  	s1 =	sld [smem:$0x561]  }
0x35d: {  	[smem:$0x5AB] =	sst s2  }
0x35e: {  	s2 =	sld [smem:$0x562];
	_ =	sdelay $0x2  }
0x35f: {  	s1 =	sadd.s32 s2, s1;
	s2 =	sld [smem:$0x564]  }
0x360: {  	[smem:$0x611] =	sst s1  }
0x361: {  	s0 =	sshra.s32 s0, $0x1F;
	s1 =	sld [smem:$0x563]  }
0x362: {  	s0 =	smul.u32 $0x431BDE83, s0;
	_ =	sdelay $0x1  }
0x363: {  	[smem:$0x5AC] =	sst s0;
	s0 =	spop (v2sf);
	s1 =	sadd.s32 s2, s1  }
0x364: {  	s2 =	smulhi.u32 $0x431BDE83, s0;
	[smem:$0x620] =	sst s1  }
0x365: {  	s1 =	sld [smem:$0x565]  }
0x366: {  	[smem:$0x5AD] =	sst s2  }
0x367: {  	s2 =	sld [smem:$0x566];
	_ =	sdelay $0x2  }
0x368: {  	s1 =	sadd.s32 s2, s1;
	s2 =	sld [smem:$0x568]  }
0x369: {  	[smem:$0x621] =	sst s1  }
0x36a: {  	s0 =	sshra.s32 s0, $0x1F;
	s1 =	sld [smem:$0x567]  }
0x36b: {  	s0 =	smul.u32 $0x431BDE83, s0;
	_ =	sdelay $0x1  }
0x36c: {  	[smem:$0x5AE] =	sst s0;
	s0 =	spop (v2sf);
	s1 =	sadd.s32 s2, s1  }
0x36d: {  	s2 =	smulhi.u32 $0x431BDE83, s0;
	[smem:$0x623] =	sst s1  }
0x36e: {  	s1 =	sld [smem:$0x569]  }
0x36f: {  	[smem:$0x5AF] =	sst s2  }
0x370: {  	s2 =	sld [smem:$0x56A];
	_ =	sdelay $0x2  }
0x371: {  	s1 =	sadd.s32 s2, s1;
	s2 =	sld [smem:$0x56C]  }
0x372: {  	[smem:$0x625] =	sst s1  }
0x373: {  	s0 =	sshra.s32 s0, $0x1F;
	s1 =	sld [smem:$0x56B]  }
0x374: {  	s0 =	smul.u32 $0x431BDE83, s0;
	_ =	sdelay $0x1  }
0x375: {  	[smem:$0x5B0] =	sst s0;
	s0 =	spop (v2sf);
	s1 =	sadd.s32 s2, s1  }
0x376: {  	s2 =	smulhi.u32 $0x431BDE83, s0;
	[smem:$0x626] =	sst s1  }
0x377: {  	s1 =	sld [smem:$0x56D]  }
0x378: {  	[smem:$0x5B1] =	sst s2  }
0x379: {  	s2 =	sld [smem:$0x56E]  }
0x37a: {  	s16 =	sadd.s32 s15, s16  }
0x37b: {  	[smem:$0x62A] =	sst s16  }
0x37c: {  	s1 =	sadd.s32 s2, s1;
	s2 =	sld [smem:$0x570]  }
0x37d: {  	[smem:$0x628] =	sst s1  }
0x37e: {  	s29 =	sadd.s32 s29, s26;
	s0 =	sshra.s32 s0, $0x1F;
	s1 =	sld [smem:$0x56F]  }
0x37f: {  	s16 =	sadd.s32 s19, s17;
	[smem:$0x636] =	sst s29;
	s0 =	smul.u32 $0x431BDE83, s0  }
0x380: {  	[smem:$0x62C] =	sst s16  }
0x381: {  	[smem:$0x5B2] =	sst s0;
	s0 =	spop (v2sf);
	s1 =	sadd.s32 s2, s1  }
0x382: {  	s2 =	smulhi.u32 $0x431BDE83, s0;
	[smem:$0x62B] =	sst s1  }
0x383: {  	s1 =	sld [smem:$0x571]  }
0x384: {  	[smem:$0x5B3] =	sst s2  }
0x385: {  	s19 =	sadd.s32 s20, s18;
	s2 =	sld [smem:$0x572]  }
0x386: {  	[smem:$0x62D] =	sst s19  }
0x387: {  	s26 =	sld [smem:$0x580]  }
0x388: {  	s1 =	sadd.s32 s2, s1;
	s2 =	sld [smem:$0x574]  }
0x389: {  	[smem:$0x62E] =	sst s1  }
0x38a: {  	s0 =	sshra.s32 s0, $0x1F;
	s1 =	sld [smem:$0x573]  }
0x38b: {  	s19 =	sadd.s32 s7, s12;
	s29 =	sld [smem:$0x581];
	s0 =	smul.u32 $0x431BDE83, s0  }
0x38c: {  	[smem:$0x630] =	sst s19  }
0x38d: {  	[smem:$0x5B4] =	sst s0;
	s0 =	spop (v2sf);
	s1 =	sadd.s32 s2, s1  }
0x38e: {  	s2 =	smulhi.u32 $0x431BDE83, s0;
	[smem:$0x624] =	sst s1  }
0x38f: {  	s1 =	sld [smem:$0x575]  }
0x390: {  	[smem:$0x5B5] =	sst s2  }
0x391: {  	s12 =	sadd.s32 s4, s31;
	s2 =	sld [smem:$0x576]  }
0x392: {  	[smem:$0x639] =	sst s12  }
0x393: {  	(v2sf) =	vpush v11, $0x2;
	s19 =	sld [smem:$0x57B]  }
0x394: {  	s1 =	sadd.s32 s2, s1;
	s2 =	sld [smem:$0x578]  }
0x395: {  	s0 =	sshra.s32 s0, $0x1F;
	[smem:$0x627] =	sst s1  }
0x396: {  	s0 =	smul.u32 $0x431BDE83, s0;
	s1 =	sld [smem:$0x577]  }
0x397: {  	s12 =	sld [smem:$0x585];
	(v2sf) =	vpush v11, $0x3  }
0x398: {  	(v2sf) =	vpush v11, $0x4;
	[smem:$0x5B6] =	sst s0;
	s0 =	spop (v2sf)  }
0x399: {  	s1 =	sadd.s32 s2, s1;
	s2 =	smulhi.u32 $0x431BDE83, s0;
	s0 =	sshra.s32 s0, $0x1F  }
0x39a: {  	[smem:$0x629] =	sst s1;
	s15 =	smul.u32 $0x431BDE83, s0  }
0x39b: {  	[smem:$0x5B7] =	sst s2;
	s2 =	spop (v2sf)  }
0x39c: {  	s17 =	smulhi.u32 $0x431BDE83, s2;
	s0 =	sshra.s32 s2, $0x1F;
	s2 =	sadd.s32 s22, s21  }
0x39d: {  	s22 =	sadd.s32 s24, s10;
	[smem:$0x62F] =	sst s2  }
0x39e: {  	(v2sf) =	vpush v11, $0x5;
	s24 =	sadd.s32 s25, s6;
	[smem:$0x632] =	sst s22  }
0x39f: {  	(v2sf) =	vpush v11, $0x6;
	[smem:$0x634] =	sst s24  }
0x3a0: {  	(v2sf) =	vpush v11, $0x7;
	s22 =	sld [smem:$0x57D]  }
0x3a1: {  	s2 =	sadd.s32 s30, s28;
	s30 =	sld [smem:$0x582]  }
0x3a2: {  	s20 =	spop (v2sf);
	[smem:$0x5B8] =	sst s17  }
0x3a3: {  	s0 =	smul.u32 $0x431BDE83, s0;
	[smem:$0x637] =	sst s2  }
0x3a4: {  	s16 =	smulhi.u32 $0x431BDE83, s20;
	s17 =	sadd.s32 s13, s14;
	s14 =	sld [smem:$0x579]  }
0x3a5: {  	[smem:$0x5B9] =	sst s0  }
0x3a6: {  	s18 =	spop (v2sf);
	[smem:$0x5BA] =	sst s16  }
0x3a7: {  	s21 =	spop (v2sf);
	s0 =	sshra.s32 s20, $0x1F;
	[smem:$0x622] =	sst s17  }
0x3a8: {  	s20 =	sadd.s32 s23, s5;
	s23 =	smulhi.u32 $0x431BDE83, s21;
	s17 =	sld [smem:$0x57A]  }
0x3a9: {  	[smem:$0x631] =	sst s20  }
0x3aa: {  	s13 =	smul.u32 $0x431BDE83, s0;
	s0 =	sshra.s32 s18, $0x1F;
	[smem:$0x5BB] =	sst s23  }
0x3ab: {  	s5 =	smul.u32 $0x431BDE83, s0;
	s0 =	sshra.s32 s21, $0x1F;
	s21 =	sld [smem:$0x57C]  }
0x3ac: {  	s7 =	smulhi.u32 $0x431BDE83, s18;
	s23 =	sld [smem:$0x57E]  }
0x3ad: {  	v0 =	vld [tilespmem:$0xD7];
	s25 =	spop (v2sf);
	s1 =	sadd.s32 s14, s9;
	s14 =	sld [smem:$0x586]  }
0x3ae: {  	s10 =	spop (v2sf);
	[smem:$0x63C] =	sst s1  }
0x3af: {  	v21 =	vld [tilespmem:$0xD8];
	s16 =	spop (v2sf);
	s1 =	sadd.s32 s17, s11;
	s17 =	sld [smem:$0x587]  }
0x3b0: {  	s0 =	smul.u32 $0x431BDE83, s0;
	[smem:$0x635] =	sst s1  }
0x3b1: {  	s18 =	smulhi.u32 $0x431BDE83, s16;
	s1 =	sadd.s32 s19, s8;
	s8 =	sld [smem:$0x583]  }
0x3b2: {  	v0 =	vmul.u32 $0x1F, v0;
	[smem:$0x5BC] =	sst s0  }
0x3b3: {  	[smem:$0x5BE] =	sst s18  }
0x3b4: {  	v12 =	vadd.s32 v21, v0;
	[smem:$0x638] =	sst s1  }
0x3b5: {  	(v2sf) =	vpush v12, $0xD;
	s6 =	smulhi.u32 $0x431BDE83, s25;
	s0 =	sshra.s32 s25, $0x1F;
	s25 =	sld [smem:$0x57F]  }
0x3b6: {  	s18 =	sld [smem:$0x588]  }
0x3b7: {  	s1 =	sadd.s32 s21, s3;
	s21 =	sld [smem:$0x58A]  }
0x3b8: {  	[smem:$0x63A] =	sst s1  }
0x3b9: {  	s0 =	smul.u32 $0x431BDE83, s0;
	s1 =	sadd.s32 s23, s22;
	s23 =	sld [smem:$0x58B]  }
0x3ba: {  	(v2sf) =	vpush v12, $0xC;
	[smem:$0x63B] =	sst s1  }
0x3bb: {  	[smem:$0x5BD] =	sst s0  }
0x3bc: {  	s4 =	smulhi.u32 $0x431BDE83, s10;
	s0 =	sshra.s32 s10, $0x1F;
	s10 =	sld [smem:$0x584]  }
0x3bd: {  	(v2sf) =	vpush v12, $0xE;
	s1 =	sadd.s32 s26, s25;
	s26 =	sld [smem:$0x58D]  }
0x3be: {  	[smem:$0x63D] =	sst s1  }
0x3bf: {  	s1 =	sadd.s32 s30, s29;
	s30 =	sld [smem:$0x58F]  }
0x3c0: {  	s9 =	smul.u32 $0x431BDE83, s0;
	s0 =	sshra.s32 s16, $0x1F;
	[smem:$0x63E] =	sst s1  }
0x3c1: {  	s0 =	smul.u32 $0x431BDE83, s0;
	s1 =	sadd.s32 s10, s8;
	s8 =	sld [smem:$0x591]  }
0x3c2: {  	s10 =	sld [smem:$0x592]  }
0x3c3: {  	(v2sf) =	vpush v12, $0xF;
	[smem:$0x5BF] =	sst s0  }
0x3c4: {  	s20 =	spop (v2sf);
	[smem:$0x63F] =	sst s1  }
0x3c5: {  	(v2sf) =	vpush v12, $0x9;
	s3 =	smulhi.u32 $0x431BDE83, s20;
	s0 =	sshra.s32 s20, $0x1F;
	s20 =	sld [smem:$0x589]  }
0x3c6: {  	s1 =	sadd.s32 s14, s12;
	s12 =	sld [smem:$0x593]  }
0x3c7: {  	s9 =	sadd.s32 s9, s4;
	s14 =	sld [smem:$0x594]  }
0x3c8: {  	(v2sf) =	vpush v12, $0x8;
	[smem:$0x65F] =	sst s9  }
0x3c9: {  	s24 =	spop (v2sf);
	[smem:$0x633] =	sst s1  }
0x3ca: {  	s28 =	smulhi.u32 $0x431BDE83, s24;
	s1 =	sadd.s32 s18, s17;
	s17 =	sld [smem:$0x595]  }
0x3cb: {  	s18 =	sld [smem:$0x596]  }
0x3cc: {  	s31 =	spop (v2sf);
	[smem:$0x5C1] =	sst s28  }
0x3cd: {  	s0 =	smul.u32 $0x431BDE83, s0;
	[smem:$0x640] =	sst s1  }
0x3ce: {  	s11 =	smulhi.u32 $0x431BDE83, s31;
	s28 =	sld [smem:$0x58E]  }
0x3cf: {  	[smem:$0x5C0] =	sst s0  }
0x3d0: {  	[smem:$0x5C3] =	sst s11  }
0x3d1: {  	s0 =	sshra.s32 s24, $0x1F;
	s24 =	sld [smem:$0x58C]  }
0x3d2: {  	s16 =	spop (v2sf);
	s1 =	sadd.s32 s21, s20;
	s20 =	sld [smem:$0x597]  }
0x3d3: {  	s19 =	smulhi.u32 $0x431BDE83, s16;
	s21 =	sld [smem:$0x598]  }
0x3d4: {  	s22 =	spop (v2sf);
	s4 =	sld [smem:$0x5C1]  }
0x3d5: {  	s25 =	smulhi.u32 $0x431BDE83, s22;
	[smem:$0x5C5] =	sst s19  }
0x3d6: {  	(v2sf) =	vpush v12, $0xA;
	s0 =	smul.u32 $0x431BDE83, s0;
	[smem:$0x641] =	sst s1  }
0x3d7: {  	s29 =	spop (v2sf);
	[smem:$0x5C7] =	sst s25  }
0x3d8: {  	s2 =	smulhi.u32 $0x431BDE83, s29;
	[smem:$0x5C2] =	sst s0  }
0x3d9: {  	s0 =	sshra.s32 s31, $0x1F;
	s31 =	sld [smem:$0x590]  }
0x3da: {  	[smem:$0x5C9] =	sst s2  }
0x3db: {  	s1 =	sadd.s32 s24, s23;
	s23 =	sld [smem:$0x599]  }
0x3dc: {  	s24 =	sld [smem:$0x59A]  }
0x3dd: {  	s2 =	sld [smem:$0x5B3]  }
0x3de: {  	[smem:$0x642] =	sst s1  }
0x3df: {  	s1 =	sadd.s32 s28, s26;
	s26 =	sld [smem:$0x59B]  }
0x3e0: {  	(v2sf) =	vpush v12, $0xB;
	s0 =	smul.u32 $0x431BDE83, s0;
	s28 =	sld [smem:$0x59C]  }
0x3e1: {  	[smem:$0x644] =	sst s1  }
0x3e2: {  	[smem:$0x5C4] =	sst s0  }
0x3e3: {  	s1 =	sadd.s32 s31, s30;
	s30 =	sld [smem:$0x59D]  }
0x3e4: {  	s31 =	sld [smem:$0x59E]  }
0x3e5: {  	s11 =	spop (v2sf);
	s0 =	sshra.s32 s16, $0x1F;
	[smem:$0x646] =	sst s1  }
0x3e6: {  	s16 =	smulhi.u32 $0x431BDE83, s11;
	s1 =	sadd.s32 s10, s8;
	s10 =	sld [smem:$0x59F]  }
0x3e7: {  	(v2sf) =	vpush v12, $0x0;
	[smem:$0x648] =	sst s1  }
0x3e8: {  	[smem:$0x5CB] =	sst s16  }
0x3e9: {  	s0 =	smul.u32 $0x431BDE83, s0;
	s1 =	sadd.s32 s14, s12;
	s12 =	sld [smem:$0x5A1]  }
0x3ea: {  	s14 =	sld [smem:$0x5A2]  }
0x3eb: {  	[smem:$0x5C6] =	sst s0  }
0x3ec: {  	[smem:$0x649] =	sst s1  }
0x3ed: {  	s1 =	sadd.s32 s18, s17;
	s17 =	sld [smem:$0x5A3]  }
0x3ee: {  	s18 =	sld [smem:$0x5A4]  }
0x3ef: {  	s19 =	spop (v2sf);
	s0 =	sshra.s32 s22, $0x1F;
	[smem:$0x64B] =	sst s1  }
0x3f0: {  	s22 =	smulhi.u32 $0x431BDE83, s19;
	s1 =	sadd.s32 s21, s20;
	s20 =	sld [smem:$0x5A6]  }
0x3f1: {  	[smem:$0x645] =	sst s1  }
0x3f2: {  	s0 =	smul.u32 $0x431BDE83, s0;
	[smem:$0x5CD] =	sst s22  }
0x3f3: {  	s1 =	sadd.s32 s24, s23;
	s23 =	sld [smem:$0x5A7]  }
0x3f4: {  	[smem:$0x5C8] =	sst s0  }
0x3f5: {  	(v2sf) =	vpush v12, $0x1;
	[smem:$0x647] =	sst s1;
	s1 =	sadd.s32 s28, s26  }
0x3f6: {  	s25 =	spop (v2sf);
	s0 =	sshra.s32 s29, $0x1F;
	[smem:$0x64A] =	sst s1  }
0x3f7: {  	s29 =	smulhi.u32 $0x431BDE83, s25;
	s1 =	sadd.s32 s31, s30;
	s30 =	sld [smem:$0x5A9]  }
0x3f8: {  	(v2sf) =	vpush v12, $0x2;
	s31 =	sld [smem:$0x5AA]  }
0x3f9: {  	(v2sf) =	vpush v12, $0x3;
	s0 =	smul.u32 $0x431BDE83, s0;
	[smem:$0x5CF] =	sst s29  }
0x3fa: {  	[smem:$0x64C] =	sst s1  }
0x3fb: {  	[smem:$0x5CA] =	sst s0;
	s0 =	sshra.s32 s11, $0x1F  }
0x3fc: {  	s29 =	sld [smem:$0x5A8];
	s0 =	smul.u32 $0x431BDE83, s0  }
0x3fd: {  	(v2sf) =	vpush v12, $0x4;
	s11 =	sld [smem:$0x5A0]  }
0x3fe: {  	[smem:$0x5CC] =	sst s0  }
0x3ff: {  	(v2sf) =	vpush v12, $0x5;
	s0 =	sshra.s32 s19, $0x1F;
	s19 =	sld [smem:$0x5A5]  }
0x400: {  	s1 =	sadd.s32 s11, s10;
	s10 =	sld [smem:$0x5AB]  }
0x401: {  	s11 =	sld [smem:$0x5AC]  }
0x402: {  	[smem:$0x64D] =	sst s1  }
0x403: {  	s1 =	sadd.s32 s14, s12;
	s12 =	sld [smem:$0x5AD]  }
0x404: {  	(v2sf) =	vpush v12, $0x6;
	s8 =	spop (v2sf);
	s14 =	sld [smem:$0x5AE]  }
0x405: {  	s0 =	smul.u32 $0x431BDE83, s0;
	[smem:$0x64E] =	sst s1  }
0x406: {  	s28 =	smulhi.u32 $0x431BDE83, s8;
	s1 =	sadd.s32 s18, s17;
	s17 =	sld [smem:$0x5AF]  }
0x407: {  	s16 =	spop (v2sf);
	[smem:$0x5CE] =	sst s0  }
0x408: {  	s21 =	spop (v2sf);
	s0 =	sshra.s32 s25, $0x1F;
	[smem:$0x64F] =	sst s1  }
0x409: {  	v0 =	vld [tilespmem:$0xE7];
	s25 =	smulhi.u32 $0x431BDE83, s16;
	s1 =	sadd.s32 s20, s19;
	s19 =	sld [smem:$0x5B0]  }
0x40a: {  	s26 =	smul.u32 $0x431BDE83, s0;
	[smem:$0x643] =	sst s1  }
0x40b: {  	v22 =	vld [tilespmem:$0xE8];
	s1 =	sadd.s32 s29, s23;
	s23 =	smulhi.u32 $0x431BDE83, s21;
	s29 =	sld [smem:$0x5B1]  }
0x40c: {  	s0 =	sshra.s32 s8, $0x1F;
	s8 =	spop (v2sf);
	[smem:$0x650] =	sst s1  }
0x40d: {  	s24 =	smul.u32 $0x431BDE83, s0;
	s1 =	sadd.s32 s31, s30;
	s30 =	sld [smem:$0x5B2]  }
0x40e: {  	v0 =	vmul.u32 $0x1F, v0;
	s0 =	sshra.s32 s16, $0x1F;
	s16 =	spop (v2sf);
	[smem:$0x651] =	sst s1  }
0x40f: {  	(v2sf) =	vpush v12, $0x7;
	s22 =	smul.u32 $0x431BDE83, s0;
	s1 =	sadd.s32 s11, s10;
	s10 =	sld [smem:$0x5B5]  }
0x410: {  	v13 =	vadd.s32 v22, v0;
	s0 =	sshra.s32 s21, $0x1F;
	s21 =	smulhi.u32 $0x431BDE83, s8;
	s11 =	sld [smem:$0x5B6]  }
0x411: {  	(v2sf) =	vpush v13, $0xD;
	s20 =	smul.u32 $0x431BDE83, s0;
	[smem:$0x652] =	sst s1  }
0x412: {  	s0 =	sshra.s32 s8, $0x1F;
	s1 =	sadd.s32 s14, s12;
	s8 =	sld [smem:$0x5B4]  }
0x413: {  	s31 =	spop (v2sf);
	s24 =	sadd.s32 s24, s28;
	[smem:$0x653] =	sst s1  }
0x414: {  	(v2sf) =	vpush v13, $0xC;
	s18 =	smul.u32 $0x431BDE83, s0;
	s1 =	sadd.s32 s19, s17;
	[smem:$0x669] =	sst s24  }
0x415: {  	s19 =	smulhi.u32 $0x431BDE83, s16;
	[smem:$0x655] =	sst s1  }
0x416: {  	s0 =	sshra.s32 s16, $0x1F;
	s1 =	sadd.s32 s30, s29;
	s29 =	sld [smem:$0x5B7]  }
0x417: {  	(v2sf) =	vpush v13, $0xE;
	s17 =	smulhi.u32 $0x431BDE83, s31;
	s22 =	sadd.s32 s22, s25;
	s30 =	sld [smem:$0x5B8]  }
0x418: {  	s16 =	smul.u32 $0x431BDE83, s0;
	s0 =	sshra.s32 s31, $0x1F;
	s31 =	sld [smem:$0x5B9]  }
0x419: {  	[smem:$0x66A] =	sst s22  }
0x41a: {  	[smem:$0x657] =	sst s1  }
0x41b: {  	s20 =	sadd.s32 s20, s23;
	s1 =	sadd.s32 s8, s2;
	s2 =	sld [smem:$0x5C0]  }
0x41c: {  	(v2sf) =	vpush v13, $0xF;
	[smem:$0x66B] =	sst s20  }
0x41d: {  	[smem:$0x659] =	sst s1  }
0x41e: {  	s12 =	spop (v2sf);
	s1 =	sadd.s32 s11, s10;
	s10 =	sld [smem:$0x5BA]  }
0x41f: {  	s14 =	smul.u32 $0x431BDE83, s0;
	s11 =	sadd.s32 s5, s7;
	s5 =	sld [smem:$0x5BD]  }
0x420: {  	s0 =	sshra.s32 s12, $0x1F;
	s8 =	spop (v2sf);
	[smem:$0x65B] =	sst s1  }
0x421: {  	s1 =	sadd.s32 s15, s29;
	s15 =	smulhi.u32 $0x431BDE83, s12;
	[smem:$0x65C] =	sst s11  }
0x422: {  	s12 =	smul.u32 $0x431BDE83, s0;
	[smem:$0x656] =	sst s1  }
0x423: {  	(v2sf) =	vpush v13, $0x9;
	s29 =	spop (v2sf);
	s1 =	sadd.s32 s31, s30;
	s30 =	sld [smem:$0x5BB]  }
0x424: {  	s0 =	sshra.s32 s8, $0x1F;
	s31 =	sld [smem:$0x5BC];
	s11 =	smulhi.u32 $0x431BDE83, s29  }
0x425: {  	[smem:$0x658] =	sst s1;
	s1 =	sadd.s32 s13, s10;
	s13 =	smulhi.u32 $0x431BDE83, s8  }
0x426: {  	(v2sf) =	vpush v13, $0x8;
	s7 =	spop (v2sf);
	s10 =	smul.u32 $0x431BDE83, s0  }
0x427: {  	s0 =	sshra.s32 s29, $0x1F;
	s9 =	smulhi.u32 $0x431BDE83, s7;
	s29 =	sld [smem:$0x5BE]  }
0x428: {  	[smem:$0x65A] =	sst s1;
	s8 =	smul.u32 $0x431BDE83, s0  }
0x429: {  	s0 =	sshra.s32 s7, $0x1F;
	s1 =	sadd.s32 s31, s30;
	s30 =	sld [smem:$0x5BF]  }
0x42a: {  	s7 =	smul.u32 $0x431BDE83, s0;
	[smem:$0x65D] =	sst s1  }
0x42b: {  	s31 =	spop (v2sf);
	s1 =	sadd.s32 s5, s6;
	s5 =	sld [smem:$0x5C2]  }
0x42c: {  	s6 =	smulhi.u32 $0x431BDE83, s31;
	s0 =	sshra.s32 s31, $0x1F;
	s31 =	sld [smem:$0x5C4]  }
0x42d: {  	[smem:$0x65E] =	sst s1  }
0x42e: {  	s1 =	sadd.s32 s30, s29;
	s30 =	sld [smem:$0x5C3]  }
0x42f: {  	[smem:$0x654] =	sst s1  }
0x430: {  	s1 =	sadd.s32 s2, s3;
	s2 =	sld [smem:$0x5C5]  }
0x431: {  	s3 =	sld [smem:$0x5C6]  }
0x432: {  	s29 =	spop (v2sf);
	[smem:$0x660] =	sst s1;
	s1 =	sadd.s32 s5, s4  }
0x433: {  	(v2sf) =	vpush v13, $0xA;
	s5 =	smul.u32 $0x431BDE83, s0;
	[smem:$0x661] =	sst s1  }
0x434: {  	s4 =	smulhi.u32 $0x431BDE83, s29;
	s1 =	sadd.s32 s31, s30;
	s30 =	sld [smem:$0x5C7]  }
0x435: {  	s0 =	sshra.s32 s29, $0x1F;
	s29 =	spop (v2sf);
	s31 =	sld [smem:$0x5C8]  }
0x436: {  	(v2sf) =	vpush v13, $0xB;
	[smem:$0x662] =	sst s1;
	s1 =	sadd.s32 s3, s2;
	s3 =	smul.u32 $0x431BDE83, s0  }
0x437: {  	s2 =	smulhi.u32 $0x431BDE83, s29;
	s0 =	sshra.s32 s29, $0x1F;
	s29 =	sld [smem:$0x5C9]  }
0x438: {  	(v2sf) =	vpush v13, $0x0;
	[smem:$0x663] =	sst s1  }
0x439: {  	s1 =	sadd.s32 s31, s30;
	s30 =	sld [smem:$0x5CA]  }
0x43a: {  	(v2sf) =	vpush v13, $0x1;
	s31 =	sld [smem:$0x5CB]  }
0x43b: {  	[smem:$0x664] =	sst s1  }
0x43c: {  	(v2sf) =	vpush v13, $0x2;
	s10 =	sadd.s32 s10, s13;
	s1 =	sadd.s32 s30, s29;
	s29 =	sld [smem:$0x5CC]  }
0x43d: {  	[smem:$0x66C] =	sst s10  }
0x43e: {  	(v2sf) =	vpush v13, $0x3;
	s30 =	sld [smem:$0x5CD]  }
0x43f: {  	s8 =	sadd.s32 s8, s11;
	s31 =	sadd.s32 s29, s31;
	s29 =	sld [smem:$0x5CE]  }
0x440: {  	s25 =	sadd.s32 s18, s21;
	s23 =	sadd.s32 s16, s19;
	[smem:$0x66D] =	sst s8;
	(v2sf) =	vpush v13, $0x4  }
0x441: {  	s7 =	sadd.s32 s7, s9;
	[smem:$0x665] =	sst s1;
	s1 =	smul.u32 $0x431BDE83, s0  }
0x442: {  	(v2sf) =	vpush v13, $0x5;
	s0 =	spop (v2sf);
	s30 =	sadd.s32 s29, s30;
	s29 =	sld [smem:$0x5CF]  }
0x443: {  	[smem:$0x666] =	sst s31;
	s31 =	smulhi.u32 $0x431BDE83, s0;
	s0 =	sshra.s32 s0, $0x1F  }
0x444: {  	s21 =	sadd.s32 s14, s17;
	[smem:$0x66E] =	sst s7;
	(v2sf) =	vpush v13, $0x6;
	s0 =	smul.u32 $0x431BDE83, s0  }
0x445: {  	[smem:$0x667] =	sst s30;
	s30 =	spop (v2sf);
	s26 =	sadd.s32 s26, s29  }
0x446: {  	[smem:$0x668] =	sst s26;
	s26 =	smulhi.u32 $0x431BDE83, s30;
	s30 =	sshra.s32 s30, $0x1F  }
0x447: {  	s5 =	sadd.s32 s5, s6;
	s24 =	smul.u32 $0x431BDE83, s30;
	s30 =	spop (v2sf)  }
0x448: {  	[dreg:$0x1e] =	wrdreg s5;
	s22 =	smulhi.u32 $0x431BDE83, s30;
	s28 =	sshra.s32 s30, $0x1F  }
0x449: {  	s19 =	sadd.s32 s12, s15;
	(v2sf) =	vpush v13, $0x7;
	s29 =	spop (v2sf);
	s20 =	smul.u32 $0x431BDE83, s28  }
0x44a: {  	s5 =	sld [smem:$0x5D9];
	s18 =	smulhi.u32 $0x431BDE83, s29;
	s30 =	sshra.s32 s29, $0x1F  }
0x44b: {  	s1 =	sadd.s32 s1, s2;
	s28 =	spop (v2sf);
	s16 =	smul.u32 $0x431BDE83, s30  }
0x44c: {  	[dreg:$0x1c] =	wrdreg s1;
	s14 =	smulhi.u32 $0x431BDE83, s28;
	s29 =	sshra.s32 s28, $0x1F  }
0x44d: {  	s0 =	sadd.s32 s0, s31;
	s30 =	spop (v2sf);
	s12 =	smul.u32 $0x431BDE83, s29  }
0x44e: {  	[dreg:$0x1a] =	wrdreg s0;
	s10 =	smulhi.u32 $0x431BDE83, s30;
	s17 =	sshra.s32 s30, $0x1F  }
0x44f: {  	s28 =	spop (v2sf);
	s9 =	sadd.s32 s20, s22;
	s8 =	smul.u32 $0x431BDE83, s17  }
0x450: {  	s22 =	sld [smem:$0x5D3];
	s7 =	smulhi.u32 $0x431BDE83, s28;
	s29 =	sshra.s32 s28, $0x1F  }
0x451: {  	s3 =	sadd.s32 s3, s4;
	s28 =	spop (v2sf);
	s30 =	smul.u32 $0x431BDE83, s29  }
0x452: {  	[dreg:$0x19] =	wrdreg s9;
	s29 =	smulhi.u32 $0x431BDE83, s28;
	s14 =	sadd.s32 s12, s14  }
0x453: {  	s13 =	sshra.s32 s28, $0x1F;
	s17 =	spop (v2sf);
	[dreg:$0x16] =	wrdreg s14  }
0x454: {  	s15 =	smul.u32 $0x431BDE83, s13;
	s13 =	sadd.s32 s16, s18;
	s16 =	sld [smem:$0x5D1]  }
0x455: {  	s24 =	sadd.s32 s24, s26;
	s28 =	smulhi.u32 $0x431BDE83, s17;
	s18 =	sld [smem:$0x5D2]  }
0x456: {  	s2 =	sshra.s32 s17, $0x1F;
	s6 =	sshra.s32 s22, $0x12;
	[dreg:$0x18] =	wrdreg s13  }
0x457: {  	s2 =	smul.u32 $0x431BDE83, s2;
	s30 =	sadd.s32 s30, s7;
	s13 =	sld [smem:$0x5D0]  }
0x458: {  	s7 =	sshrl.u32 s22, $0x1F;
	s29 =	sadd.s32 s15, s29;
	s31 =	spop (v2sf)  }
0x459: {  	s20 =	sshrl.u32 s18, $0x1F;
	s11 =	smulhi.u32 $0x431BDE83, s31;
	s4 =	sshra.s32 s31, $0x1F  }
0x45a: {  	s0 =	sshra.s32 s18, $0x12;
	s18 =	sld [smem:$0x5D8];
	s4 =	smul.u32 $0x431BDE83, s4  }
0x45b: {  	s15 =	sshra.s32 s13, $0x1F;
	s31 =	sadd.s32 s8, s10;
	s10 =	sld [smem:$0x5D4]  }
0x45c: {  	s26 =	sadd.s32 s2, s28;
	v0 =	vmov s15;
	s28 =	sadd.s32 s4, s11;
	s11 =	sld [smem:$0x5D5]  }
0x45d: {  	vm11 =	vcmask $0x704;
	v24 =	vmov s7;
	s7 =	sld [smem:$0x5D6];
	s8 =	sshra.s32 s22, $0x1F;
	v0 =	vsel vm4, s6, v0  }
0x45e: {  	s17 =	sshrl.u32 s16, $0x1F;
	v0 =	vsel vm11, s8, v0;
	s8 =	sld [smem:$0x5D7]  }
0x45f: {  	v23 =	vmov s20;
	s20 =	sshrl.u32 s18, $0x1F;
	s9 =	sshrl.u32 s10, $0x1F;
	s12 =	sshra.s32 s11, $0x12  }
0x460: {  	s14 =	sshrl.u32 s11, $0x1F;
	s15 =	sshra.s32 s11, $0x1F;
	s11 =	sld [smem:$0x5DA]  }
0x461: {  	vm12 =	vcmask $0xF0C;
	v15 =	vnsel vm4, $0x0, v24;
	v14 =	vsel vm3, s17, v23;
	s2 =	sshra.s32 s10, $0x12;
	s10 =	sld [smem:$0x5DF];
	s17 =	sshrl.u32 s8, $0x1F  }
0x462: {  	s22 =	sshra.s32 s18, $0x12;
	v14 =	vsel vm2, s9, v14;
	s9 =	sshrl.u32 s5, $0x1F;
	v26 =	vmov s17;
	v0 =	vsel vm3, s12, v0;
	s12 =	sld [smem:$0x5DC]  }
0x463: {  	s6 =	sshra.s32 s18, $0x1F;
	v25 =	vsel vm3, s14, v15;
	v15 =	vsel vm3, s9, v26;
	s9 =	sld [smem:$0x5DD];
	v0 =	vsel vm12, s15, v0;
	s14 =	sshrl.u32 s11, $0x1F  }
0x464: {  	vm7 =	vmmov vm0;
	vm8 =	vcmask $0x1714;
	v0 =	vsel vm2, s22, v0;
	s17 =	sshra.s32 s11, $0x12;
	s18 =	sshra.s32 s11, $0x1F;
	s11 =	sld [smem:$0x5DE]  }
0x465: {  	vm0 =	vmmov vm1;
	s1 =	sshra.s32 s16, $0x12;
	v27 =	vmov s0;
	s16 =	sshrl.u32 s7, $0x1F;
	v0 =	vsel vm8, s6, v0;
	s6 =	sld [smem:$0x5DB]  }
0x466: {  	[dreg:$0x1d] =	wrdreg s3;
	v1 =	vsel vm1, s16, v14;
	vm1 =	vmmov vm3;
	s4 =	sshra.s32 s8, $0x12;
	v14 =	vsel vm2, s20, v25  }
0x467: {  	vm9 =	vcmask $0x1F1C;
	v28 =	vsel vm1, s1, v27;
	v14 =	vsel vm0, s14, v14;
	s16 =	sshrl.u32 s12, $0x1F;
	s20 =	sshrl.u32 s9, $0x1F;
	s14 =	sshrl.u32 s10, $0x1F  }
0x468: {  	v29 =	vmov s4;
	v14 =	vsel vm6, s16, v14;
	v0 =	vsel vm0, s17, v0;
	s16 =	sshra.s32 s7, $0x12;
	s22 =	sshrl.u32 s11, $0x1F;
	s15 =	sshrl.u32 s6, $0x1F  }
0x469: {  	s17 =	sshra.s32 s12, $0x1F;
	v0 =	vsel vm9, s18, v0;
	s18 =	smov.u32 s13;
	v14 =	vsel vm13, s22, v14;
	s22 =	sshra.s32 s5, $0x12;
	v15 =	vsel vm2, s15, v15  }
0x46a: {  	vm3 =	vmmov vm6;
	s5 =	sshra.s32 s11, $0x12;
	v14 =	vsel vm7, s14, v14;
	v43 =	vsel vm0, s20, v15;
	s20 =	sshrl.u32 s13, $0x1F;
	s13 =	sld [smem:$0x5E0]  }
0x46b: {  	s8 =	sshra.s32 s6, $0x12;
	s18 =	sshra.s32 s18, $0x12;
	v30 =	vsel vm1, s22, v29;
	v44 =	vsel vm14, s20, v14;
	v14 =	vsel vm2, s2, v28;
	s20 =	sld [smem:$0x5E1]  }
0x46c: {  	vm6 =	vmmov vm7;
	s15 =	sshra.s32 s12, $0x12;
	s12 =	sshra.s32 s9, $0x12;
	v45 =	vsel vm0, s16, v14;
	v14 =	vsel vm2, s8, v30;
	s8 =	sld [smem:$0x5E2]  }
0x46d: {  	vm7 =	vmmov vm3;
	v0 =	vsel vm3, s15, v0;
	vm3 =	vcmask $0x2724;
	s15 =	sshra.s32 s10, $0x12;
	s16 =	sshra.s32 s10, $0x1F;
	s10 =	sld [smem:$0x5E3]  }
0x46e: {  	s14 =	sshra.s32 s11, $0x1F;
	v0 =	vsel vm3, s17, v0;
	s17 =	sshra.s32 s13, $0x1F;
	v14 =	vsel vm0, s12, v14;
	s12 =	sld [smem:$0x5E4]  }
0x46f: {  	v0 =	vsel vm13, s5, v0;
	v31 =	vmov s17;
	s22 =	sshrl.u32 s20, $0x1F;
	s6 =	sshra.s32 s20, $0x12;
	s17 =	sld [smem:$0x5E5]  }
0x470: {  	vm5 =	vmmov vm4;
	v0 =	vsel vm15, s14, v0;
	s11 =	sshrl.u32 s10, $0x1F;
	s1 =	sshra.s32 s10, $0x12;
	s10 =	sld [smem:$0x5E6]  }
0x471: {  	v0 =	vsel vm6, s15, v0;
	s7 =	sshra.s32 s20, $0x1F;
	v32 =	vsel vm5, s6, v31;
	s9 =	sshrl.u32 s8, $0x1F;
	v33 =	vmov s22;
	s22 =	sld [smem:$0x5E7]  }
0x472: {  	[tilespmem:$0x1FE00] =	vst v14;
	v0 =	vsel vm10, s16, v0;
	s6 =	sld [smem:$0x5E8];
	v14 =	vsel vm11, s7, v32;
	s14 =	sshra.s32 s12, $0x12;
	s16 =	sshra.s32 s12, $0x1F  }
0x473: {  	v46 =	vsel vm14, s18, v0;
	v0 =	vmov s11;
	v14 =	vsel vm1, s14, v14;
	s18 =	sshrl.u32 s17, $0x1F;
	s14 =	sld [smem:$0x5EA];
	s20 =	sshrl.u32 s10, $0x1F  }
0x474: {  	v0 =	vsel vm1, s9, v0;
	v14 =	vsel vm12, s16, v14;
	s7 =	sshra.s32 s22, $0x12;
	s2 =	sshra.s32 s10, $0x12;
	s10 =	sld [smem:$0x5EF]  }
0x475: {  	s0 =	sshra.s32 s8, $0x12;
	v0 =	vsel vm2, s18, v0;
	v14 =	vsel vm2, s7, v14;
	s7 =	sld [smem:$0x5E9]  }
0x476: {  	s15 =	sshrl.u32 s12, $0x1F;
	s11 =	sshrl.u32 s6, $0x1F;
	v47 =	vsel vm0, s20, v0;
	s20 =	sld [smem:$0x5EC]  }
0x477: {  	v15 =	vnsel vm5, $0x0, v33;
	s3 =	sshra.s32 s17, $0x12;
	s9 =	sshra.s32 s22, $0x1F;
	v34 =	vmov s11;
	s11 =	sld [smem:$0x5EE]  }
0x478: {  	s8 =	sshrl.u32 s22, $0x1F;
	v0 =	vsel vm1, s15, v15;
	v14 =	vsel vm8, s9, v14;
	s15 =	sshrl.u32 s14, $0x1F;
	s9 =	sld [smem:$0x5EB]  }
0x479: {  	v0 =	vsel vm2, s8, v0;
	s16 =	sshra.s32 s14, $0x12;
	s17 =	sshra.s32 s14, $0x1F;
	s8 =	sld [smem:$0x5ED]  }
0x47a: {  	v14 =	vsel vm0, s16, v14;
	s12 =	sshrl.u32 s7, $0x1F;
	s22 =	sshrl.u32 s20, $0x1F;
	s14 =	sshrl.u32 s11, $0x1F  }
0x47b: {  	v0 =	vsel vm0, s15, v0;
	v14 =	vsel vm9, s17, v14;
	s15 =	sshra.s32 s20, $0x12;
	s16 =	sshra.s32 s20, $0x1F;
	s17 =	sshrl.u32 s10, $0x1F  }
0x47c: {  	s20 =	sshrl.u32 s13, $0x1F;
	s18 =	sshrl.u32 s9, $0x1F;
	v0 =	vsel vm7, s22, v0;
	s5 =	sshrl.u32 s8, $0x1F  }
0x47d: {  	v15 =	vsel vm1, s12, v34;
	v14 =	vsel vm7, s15, v14;
	s22 =	sshra.s32 s11, $0x12;
	s15 =	sshra.s32 s8, $0x12;
	s8 =	sld [smem:$0x5F2];
	v0 =	vsel vm13, s14, v0  }
0x47e: {  	vm4 =	vmmov vm13;
	v15 =	vsel vm2, s18, v15;
	s18 =	sshra.s32 s7, $0x12;
	s7 =	sshra.s32 s6, $0x12;
	s6 =	sld [smem:$0x5F6];
	v0 =	vsel vm6, s17, v0  }
0x47f: {  	v35 =	vmov s1;
	v14 =	vsel vm3, s16, v14;
	s16 =	sshra.s32 s10, $0x12;
	s17 =	sshra.s32 s10, $0x1F;
	s10 =	sld [smem:$0x5F3];
	v0 =	vsel vm14, s20, v0  }
0x480: {  	s14 =	sshra.s32 s11, $0x1F;
	v14 =	vsel vm4, s22, v14;
	s20 =	sld [smem:$0x5F0];
	[tilespmem:$0x1FE40] =	vst v0;
	v0 =	vsel vm1, s0, v35  }
0x481: {  	s12 =	sshra.s32 s9, $0x12;
	v36 =	vmov s7;
	v14 =	vsel vm15, s14, v14;
	s14 =	sld [smem:$0x5F1];
	s9 =	sshrl.u32 s8, $0x1F;
	v0 =	vsel vm2, s3, v0  }
0x482: {  	v14 =	vsel vm6, s16, v14;
	v38 =	vmov s9;
	s9 =	sld [smem:$0x5F7];
	v0 =	vsel vm0, s2, v0  }
0x483: {  	v14 =	vsel vm10, s17, v14;
	s11 =	sshra.s32 s10, $0x12;
	s17 =	sld [smem:$0x5F5];
	[tilespmem:$0x1FE20] =	vst v0;
	v0 =	vsel vm1, s18, v36  }
0x484: {  	s22 =	sshrl.u32 s20, $0x1F;
	s7 =	sshra.s32 s14, $0x1F;
	s0 =	sshra.s32 s20, $0x12;
	v0 =	vsel vm2, s12, v0  }
0x485: {  	s18 =	sshra.s32 s13, $0x12;
	v37 =	vmov s7;
	s13 =	sshra.s32 s10, $0x1F;
	s7 =	sld [smem:$0x5F8];
	v0 =	vsel vm0, s15, v0  }
0x486: {  	s12 =	sshrl.u32 s10, $0x1F;
	s20 =	sshrl.u32 s17, $0x1F;
	s15 =	sld [smem:$0x5F4];
	[tilespmem:$0x1FE30] =	vst v0;
	v0 =	vsel vm14, s18, v14  }
0x487: {  	v15 =	vsel vm0, s5, v15;
	s10 =	sshrl.u32 s9, $0x1F;
	v39 =	vmov s12;
	s12 =	sshra.s32 s9, $0x1F;
	s18 =	sshra.s32 s17, $0x12;
	[tilespmem:$0x1FE50] =	vst v0;
	v0 =	vsel vm5, s11, v37  }
0x488: {  	[tilespmem:$0x1FE10] =	vst v15;
	v14 =	vsel vm1, s22, v38;
	v15 =	vnsel vm5, $0x0, v39;
	s22 =	sshra.s32 s17, $0x1F;
	s11 =	sshra.s32 s9, $0x12;
	s9 =	sld [smem:$0x5FA];
	v0 =	vsel vm11, s13, v0  }
0x489: {  	v15 =	vsel vm1, s20, v15;
	s16 =	sshrl.u32 s15, $0x1F;
	s4 =	sshra.s32 s15, $0x12;
	s15 =	sld [smem:$0x5F9];
	v0 =	vsel vm1, s18, v0  }
0x48a: {  	vm13 =	vmmov vm7;
	v40 =	vsel vm2, s10, v15;
	s13 =	sshrl.u32 s7, $0x1F;
	s10 =	sld [smem:$0x5FC];
	v0 =	vsel vm12, s22, v0  }
0x48b: {  	vm7 =	vcmask $0x1714;
	s1 =	sshra.s32 s8, $0x12;
	v41 =	vmov s13;
	s13 =	sld [smem:$0x5FB];
	v0 =	vsel vm2, s11, v0  }
0x48c: {  	s8 =	sshrl.u32 s6, $0x1F;
	v14 =	vsel vm2, s16, v14;
	s17 =	sshrl.u32 s9, $0x1F;
	v0 =	vsel vm7, s12, v0;
	s12 =	sld [smem:$0x5FD]  }
0x48d: {  	v14 =	vsel vm0, s8, v14;
	s16 =	sshrl.u32 s15, $0x1F;
	s20 =	sshra.s32 s15, $0x12;
	v15 =	vsel vm1, s17, v41;
	s8 =	sshrl.u32 s10, $0x1F  }
0x48e: {  	[tilespmem:$0x1FE60] =	vst v14;
	s22 =	sshra.s32 s15, $0x1F;
	v14 =	vsel vm0, s16, v40;
	s18 =	sshrl.u32 s13, $0x1F;
	v15 =	vsel vm2, s8, v15;
	s8 =	sld [smem:$0x5FE]  }
0x48f: {  	s17 =	sshra.s32 s13, $0x12;
	v14 =	vsel vm13, s18, v14;
	s18 =	sshra.s32 s9, $0x12;
	s11 =	sshrl.u32 s12, $0x1F  }
0x490: {  	v0 =	vsel vm0, s20, v0;
	s20 =	sshra.s32 s13, $0x1F;
	s9 =	sshra.s32 s7, $0x12;
	v14 =	vsel vm4, s11, v14;
	s11 =	sld [smem:$0x5FF]  }
0x491: {  	v42 =	vsel vm9, s22, v0;
	v50 =	vmov s9;
	s15 =	sshrl.u32 s8, $0x1F;
	s7 =	sshra.s32 s8, $0x12;
	s8 =	sld [smem:$0x601]  }
0x492: {  	s22 =	sshrl.u32 s14, $0x1F;
	v48 =	vsel vm13, s17, v42;
	v16 =	vsel vm1, s18, v50;
	s18 =	sshra.s32 s14, $0x12;
	s14 =	sld [smem:$0x604]  }
0x493: {  	s13 =	sshra.s32 s10, $0x12;
	v0 =	vsel vm0, s15, v15;
	v15 =	vsel vm3, s20, v48;
	s20 =	sld [smem:$0x600];
	s16 =	sshrl.u32 s11, $0x1F  }
0x494: {  	v49 =	vmov s1;
	s2 =	sshra.s32 s6, $0x12;
	s15 =	sshra.s32 s12, $0x1F;
	v51 =	vsel vm2, s13, v16;
	s13 =	sld [smem:$0x602];
	v14 =	vsel vm6, s16, v14  }
0x495: {  	[tilespmem:$0x1FE70] =	vst v0;
	s9 =	sshrl.u32 s8, $0x1F;
	s17 =	sshra.s32 s11, $0x1F;
	v0 =	vsel vm14, s22, v14;
	s22 =	sshra.s32 s12, $0x12;
	v14 =	vsel vm1, s0, v49  }
0x496: {  	v54 =	vmov s9;
	s16 =	sshra.s32 s11, $0x12;
	s11 =	sld [smem:$0x603];
	v15 =	vsel vm4, s22, v15;
	v14 =	vsel vm2, s4, v14;
	s22 =	sshrl.u32 s20, $0x1F  }
0x497: {  	s10 =	sshra.s32 s13, $0x1F;
	[tilespmem:$0x1FE90] =	vst v0;
	v15 =	vsel vm15, s15, v15;
	v0 =	vsel vm0, s2, v14;
	v14 =	vsel vm1, s22, v54;
	s22 =	sld [smem:$0x606]  }
0x498: {  	s1 =	sshra.s32 s8, $0x12;
	v53 =	vmov s10;
	s15 =	sshra.s32 s14, $0x12;
	v15 =	vsel vm6, s16, v15  }
0x499: {  	s12 =	sshrl.u32 s11, $0x1F;
	v52 =	vsel vm10, s17, v15;
	v15 =	vsel vm5, s15, v53;
	s17 =	sshra.s32 s14, $0x1F;
	s15 =	sld [smem:$0x609]  }
0x49a: {  	[tilespmem:$0x1FE80] =	vst v0;
	s16 =	sshrl.u32 s14, $0x1F;
	v0 =	vsel vm14, s18, v52;
	v15 =	vsel vm11, s17, v15;
	s18 =	sld [smem:$0x605];
	s8 =	sshra.s32 s22, $0x12  }
0x49b: {  	s2 =	sshra.s32 s11, $0x12;
	s11 =	sld [smem:$0x607];
	v56 =	vmov s16;
	s10 =	sshra.s32 s22, $0x1F;
	v15 =	vsel vm1, s8, v15  }
0x49c: {  	s0 =	sshra.s32 s20, $0x12;
	v16 =	vnsel vm5, $0x0, v56;
	s9 =	sshrl.u32 s22, $0x1F;
	v15 =	vsel vm12, s10, v15;
	s10 =	sld [smem:$0x608]  }
0x49d: {  	v14 =	vsel vm2, s12, v14;
	v57 =	vsel vm1, s9, v16;
	s9 =	sld [smem:$0x60B];
	s16 =	sshrl.u32 s15, $0x1F;
	s20 =	sshrl.u32 s18, $0x1F  }
0x49e: {  	[tilespmem:$0x1FEA0] =	vst v0;
	s17 =	sshra.s32 s15, $0x12;
	s5 =	sshra.s32 s18, $0x12;
	v0 =	vsel vm0, s20, v14;
	s20 =	sld [smem:$0x60A]  }
0x49f: {  	v15 =	vsel vm2, s17, v15;
	s18 =	sshra.s32 s15, $0x1F;
	s15 =	sld [smem:$0x60D];
	s14 =	sshrl.u32 s10, $0x1F  }
0x4a0: {  	s12 =	sshrl.u32 s11, $0x1F;
	v15 =	vsel vm7, s18, v15;
	s18 =	sshra.s32 s10, $0x12;
	s10 =	sld [smem:$0x60F];
	v58 =	vmov s14  }
0x4a1: {  	s3 =	sshra.s32 s11, $0x12;
	v16 =	vsel vm1, s12, v58;
	s12 =	sld [smem:$0x60C];
	s11 =	sshra.s32 s20, $0x12  }
0x4a2: {  	v15 =	vsel vm0, s11, v15;
	s11 =	sld [smem:$0x60E]  }
0x4a3: {  	v59 =	vmov s1;
	v14 =	vsel vm2, s16, v57;
	s6 =	sshrl.u32 s9, $0x1F;
	s16 =	sshrl.u32 s15, $0x1F;
	s22 =	sshrl.u32 s20, $0x1F  }
0x4a4: {  	v31 =	vsel vm0, s7, v51;
	v60 =	vsel vm1, s0, v59;
	s14 =	sshra.s32 s20, $0x1F;
	v14 =	vsel vm0, s22, v14;
	s20 =	sshrl.u32 s10, $0x1F;
	s7 =	sshrl.u32 s12, $0x1F  }
0x4a5: {  	v61 =	vmov s18;
	v15 =	vsel vm9, s14, v15;
	s14 =	sshrl.u32 s13, $0x1F;
	s22 =	sshra.s32 s12, $0x12;
	v14 =	vsel vm13, s7, v14;
	s17 =	sshrl.u32 s11, $0x1F  }
0x4a6: {  	v16 =	vsel vm2, s6, v16;
	s12 =	sshra.s32 s12, $0x1F;
	v15 =	vsel vm13, s22, v15;
	s22 =	sshra.s32 s13, $0x12;
	s13 =	sld [smem:$0x611];
	v14 =	vsel vm4, s17, v14  }
0x4a7: {  	v32 =	vsel vm0, s16, v16;
	s16 =	sshra.s32 s11, $0x12;
	v15 =	vsel vm3, s12, v15;
	s17 =	sshra.s32 s11, $0x1F;
	s11 =	sld [smem:$0x613];
	v14 =	vsel vm6, s20, v14  }
0x4a8: {  	[tilespmem:$0x1FEB0] =	vst v0;
	v15 =	vsel vm4, s16, v15;
	s16 =	sld [smem:$0x614];
	v0 =	vsel vm14, s14, v14;
	v14 =	vsel vm2, s2, v60  }
0x4a9: {  	s9 =	sshra.s32 s9, $0x12;
	v62 =	vsel vm1, s3, v61;
	s18 =	sshra.s32 s10, $0x12;
	v15 =	vsel vm15, s17, v15;
	v39 =	vsel vm0, s5, v14;
	s5 =	sld [smem:$0x610]  }
0x4aa: {  	s15 =	sshra.s32 s15, $0x12;
	s20 =	sshra.s32 s10, $0x1F;
	v14 =	vsel vm2, s9, v62;
	v15 =	vsel vm6, s18, v15;
	s9 =	sld [smem:$0x612]  }
0x4ab: {  	vm13 =	vmmov vm14;
	s7 =	sshra.s32 s13, $0x1F;
	s12 =	sshra.s32 s11, $0x12;
	s18 =	sld [smem:$0x615];
	v19 =	vsel vm10, s20, v15  }
0x4ac: {  	s14 =	sshrl.u32 s11, $0x1F;
	v28 =	vsel vm0, s15, v14;
	s15 =	sshra.s32 s11, $0x1F;
	v40 =	vsel vm13, s22, v19;
	s22 =	sld [smem:$0x616]  }
0x4ad: {  	s17 =	sshrl.u32 s16, $0x1F;
	s1 =	sshra.s32 s16, $0x12;
	v22 =	vmov s14;
	s14 =	sld [smem:$0x617]  }
0x4ae: {  	s16 =	sld [smem:$0x618];
	s3 =	sshrl.u32 s5, $0x1F;
	s10 =	sshrl.u32 s9, $0x1F  }
0x4af: {  	vm8 =	vmmov vm5;
	v63 =	vmov s7;
	s0 =	sshra.s32 s5, $0x12;
	s20 =	sshrl.u32 s18, $0x1F;
	v21 =	vmov s10;
	s10 =	sshra.s32 s22, $0x12  }
0x4b0: {  	v20 =	vsel vm5, s12, v63;
	v16 =	vnsel vm8, $0x0, v22;
	v14 =	vsel vm1, s3, v21;
	s11 =	sshrl.u32 s22, $0x1F;
	s12 =	sshra.s32 s22, $0x1F;
	s22 =	sld [smem:$0x619]  }
0x4b1: {  	s3 =	sshra.s32 s18, $0x12;
	s18 =	sshrl.u32 s16, $0x1F;
	v14 =	vsel vm2, s17, v14;
	v23 =	vsel vm1, s11, v16;
	s11 =	sld [smem:$0x61A]  }
0x4b2: {  	[tilespmem:$0x1FEC0] =	vst v0;
	v15 =	vsel vm11, s15, v20;
	s17 =	sshra.s32 s16, $0x12;
	v0 =	vsel vm0, s20, v14;
	s20 =	sshra.s32 s16, $0x1F;
	s16 =	sld [smem:$0x61B]  }
0x4b3: {  	s2 =	sshra.s32 s9, $0x12;
	s15 =	sshrl.u32 s14, $0x1F;
	v15 =	vsel vm1, s10, v15;
	v14 =	vsel vm2, s18, v23;
	s18 =	sld [smem:$0x61C]  }
0x4b4: {  	vm14 =	vmmov vm4;
	s7 =	sshra.s32 s14, $0x12;
	v15 =	vsel vm12, s12, v15;
	s10 =	sshrl.u32 s22, $0x1F;
	s4 =	sshra.s32 s22, $0x12  }
0x4b5: {  	vm4 =	vmmov vm15;
	v15 =	vsel vm2, s17, v15;
	s22 =	sld [smem:$0x61D];
	v24 =	vmov s10;
	s12 =	sshrl.u32 s11, $0x1F;
	s14 =	sshra.s32 s11, $0x12  }
0x4b6: {  	vm15 =	vmmov vm13;
	v15 =	vsel vm7, s20, v15;
	v16 =	vsel vm1, s15, v24;
	s15 =	sshra.s32 s11, $0x1F;
	s17 =	sshrl.u32 s16, $0x1F;
	s20 =	sshrl.u32 s18, $0x1F  }
0x4b7: {  	vm13 =	vmmov vm11;
	vm11 =	vcmask $0x2320;
	v15 =	vsel vm0, s14, v15;
	s11 =	sld [smem:$0x61E];
	s5 =	sshra.s32 s16, $0x12;
	s16 =	sshra.s32 s18, $0x1F  }
0x4b8: {  	v14 =	vsel vm0, s12, v14;
	v16 =	vsel vm2, s17, v16;
	v15 =	vsel vm9, s15, v15;
	s8 =	sshrl.u32 s22, $0x1F;
	s15 =	sshra.s32 s18, $0x12;
	s17 =	sld [smem:$0x61F]  }
0x4b9: {  	v14 =	vsel vm11, s20, v14;
	s6 =	sshra.s32 s22, $0x12;
	s20 =	sshrl.u32 s13, $0x1F;
	v15 =	vsel vm11, s15, v15;
	s15 =	sshra.s32 s13, $0x12  }
0x4ba: {  	s13 =	sld [smem:$0x626];
	s14 =	sshrl.u32 s11, $0x1F;
	s22 =	sshra.s32 s11, $0x12  }
0x4bb: {  	vm5 =	vmmov vm12;
	v15 =	vsel vm3, s16, v15;
	s9 =	sshra.s32 s11, $0x1F;
	s16 =	sld [smem:$0x620];
	s18 =	sshrl.u32 s17, $0x1F  }
0x4bc: {  	vm12 =	vmmov vm8;
	vm8 =	vmmov vm7;
	v15 =	vsel vm14, s22, v15;
	s11 =	sshra.s32 s17, $0x12;
	s12 =	sshra.s32 s17, $0x1F;
	s17 =	sld [smem:$0x621]  }
0x4bd: {  	vm7 =	vmmov vm6;
	v14 =	vsel vm14, s14, v14;
	s14 =	sld [smem:$0x622];
	v15 =	vsel vm4, s9, v15  }
0x4be: {  	v14 =	vsel vm6, s18, v14;
	v15 =	vsel vm7, s11, v15;
	s11 =	sld [smem:$0x623]  }
0x4bf: {  	v25 =	vmov s2;
	[tilespmem:$0x1FED0] =	vst v0;
	v27 =	vmov s4;
	s4 =	sshrl.u32 s13, $0x1F;
	v0 =	vsel vm15, s20, v14;
	s20 =	sld [smem:$0x624]  }
0x4c0: {  	v26 =	vsel vm1, s0, v25;
	v29 =	vsel vm1, s7, v27;
	s9 =	sshrl.u32 s16, $0x1F;
	s0 =	sshra.s32 s16, $0x12;
	s10 =	sshra.s32 s14, $0x1F  }
0x4c1: {  	v42 =	vsel vm0, s8, v16;
	s18 =	sshrl.u32 s17, $0x1F;
	s2 =	sshra.s32 s17, $0x12;
	v15 =	vsel vm10, s12, v15;
	v30 =	vmov s10;
	s10 =	sld [smem:$0x625]  }
0x4c2: {  	v14 =	vsel vm2, s1, v26;
	v41 =	vsel vm15, s15, v15;
	v37 =	vmov s18;
	s15 =	sld [smem:$0x627];
	s12 =	sshrl.u32 s11, $0x1F;
	s22 =	sshra.s32 s20, $0x12  }
0x4c3: {  	v34 =	vsel vm0, s3, v14;
	v14 =	vsel vm2, s5, v29;
	s7 =	sshrl.u32 s20, $0x1F;
	s8 =	sshra.s32 s20, $0x1F;
	v15 =	vsel vm1, s9, v37;
	s20 =	sld [smem:$0x628]  }
0x4c4: {  	v33 =	vsel vm0, s6, v14;
	s6 =	sshra.s32 s13, $0x12;
	s1 =	sshra.s32 s11, $0x12;
	v38 =	vmov s7;
	v15 =	vsel vm2, s12, v15;
	s12 =	sld [smem:$0x629]  }
0x4c5: {  	v36 =	vsel vm12, s22, v30;
	s11 =	sshrl.u32 s10, $0x1F;
	s3 =	sshra.s32 s10, $0x12;
	v16 =	vnsel vm12, $0x0, v38;
	s17 =	sshrl.u32 s15, $0x1F  }
0x4c6: {  	v14 =	vsel vm13, s8, v36;
	s16 =	sshra.s32 s15, $0x12;
	s18 =	sshra.s32 s15, $0x1F;
	v16 =	vsel vm1, s17, v16;
	s17 =	sld [smem:$0x62A]  }
0x4c7: {  	v14 =	vsel vm1, s16, v14;
	s22 =	sshrl.u32 s20, $0x1F;
	s7 =	sshra.s32 s20, $0x12;
	s20 =	sld [smem:$0x62B]  }
0x4c8: {  	v38 =	vsel vm0, s11, v15;
	s11 =	sld [smem:$0x62F];
	v14 =	vsel vm5, s18, v14;
	s13 =	sshrl.u32 s12, $0x1F;
	s15 =	sshra.s32 s12, $0x12  }
0x4c9: {  	s16 =	sshra.s32 s12, $0x1F;
	v48 =	vsel vm2, s13, v16;
	v14 =	vsel vm2, s15, v14;
	s13 =	sld [smem:$0x62C];
	s18 =	sshrl.u32 s17, $0x1F  }
0x4ca: {  	v14 =	vsel vm8, s16, v14;
	s12 =	sshra.s32 s17, $0x12;
	s15 =	sshra.s32 s17, $0x1F;
	s17 =	sld [smem:$0x62E]  }
0x4cb: {  	s10 =	sshra.s32 s14, $0x12;
	v49 =	vmov s22;
	s22 =	sshrl.u32 s20, $0x1F;
	v14 =	vsel vm0, s12, v14;
	s12 =	sld [smem:$0x62D]  }
0x4cc: {  	v16 =	vsel vm1, s4, v49;
	s4 =	sshra.s32 s20, $0x12;
	s20 =	sshrl.u32 s11, $0x1F;
	s9 =	sshrl.u32 s13, $0x1F  }
0x4cd: {  	v15 =	vsel vm0, s18, v48;
	v16 =	vsel vm2, s22, v16;
	v14 =	vsel vm9, s15, v14;
	s22 =	sshra.s32 s13, $0x12;
	s15 =	sshrl.u32 s14, $0x1F;
	s14 =	sld [smem:$0x630]  }
0x4ce: {  	v15 =	vsel vm11, s9, v15;
	s18 =	sshrl.u32 s17, $0x1F;
	s5 =	sshra.s32 s17, $0x12;
	s16 =	sshrl.u32 s12, $0x1F  }
0x4cf: {  	s17 =	sshra.s32 s12, $0x1F;
	v15 =	vsel vm14, s16, v15;
	s16 =	sshra.s32 s12, $0x12;
	s12 =	sld [smem:$0x634]  }
0x4d0: {  	v50 =	vmov s2;
	s13 =	sshra.s32 s13, $0x1F;
	v14 =	vsel vm11, s22, v14;
	v15 =	vsel vm7, s20, v15;
	s20 =	sld [smem:$0x631]  }
0x4d1: {  	v14 =	vsel vm3, s13, v14;
	v37 =	vsel vm15, s15, v15;
	v15 =	vsel vm1, s0, v50;
	s15 =	sshrl.u32 s14, $0x1F;
	s0 =	sshra.s32 s14, $0x12;
	s14 =	sld [smem:$0x633]  }
0x4d2: {  	v51 =	vmov s7;
	s7 =	sshra.s32 s11, $0x1F;
	v14 =	vsel vm14, s16, v14;
	s16 =	sld [smem:$0x635]  }
0x4d3: {  	s9 =	sld [smem:$0x632];
	v35 =	vsel vm0, s18, v16;
	s18 =	sshra.s32 s11, $0x12;
	v16 =	vsel vm1, s6, v51;
	v14 =	vsel vm4, s17, v14;
	s22 =	sshrl.u32 s20, $0x1F  }
0x4d4: {  	v15 =	vsel vm2, s1, v15;
	v14 =	vsel vm7, s18, v14;
	s13 =	sshrl.u32 s12, $0x1F;
	s11 =	sshra.s32 s14, $0x1F;
	v54 =	vmov s22;
	s22 =	sld [smem:$0x636]  }
0x4d5: {  	s2 =	sshra.s32 s12, $0x12;
	v49 =	vsel vm0, s3, v15;
	v14 =	vsel vm10, s7, v14;
	s17 =	sshra.s32 s16, $0x12;
	v53 =	vmov s11;
	s11 =	sld [smem:$0x637]  }
0x4d6: {  	s8 =	sshra.s32 s20, $0x12;
	s20 =	sshra.s32 s16, $0x1F;
	v48 =	vsel vm15, s10, v14;
	v14 =	vsel vm1, s15, v54;
	s15 =	sld [smem:$0x638];
	v15 =	vsel vm12, s17, v53  }
0x4d7: {  	v52 =	vsel vm2, s4, v16;
	s3 =	sshrl.u32 s9, $0x1F;
	s18 =	sshrl.u32 s16, $0x1F;
	v15 =	vsel vm13, s20, v15;
	s20 =	sld [smem:$0x639]  }
0x4d8: {  	v52 =	vsel vm0, s5, v52;
	s7 =	sshrl.u32 s22, $0x1F;
	s5 =	sshra.s32 s22, $0x12;
	s22 =	sld [smem:$0x63A]  }
0x4d9: {  	v56 =	vmov s18;
	v14 =	vsel vm2, s3, v14;
	s12 =	sshrl.u32 s11, $0x1F;
	s16 =	sshra.s32 s15, $0x12;
	s3 =	sshra.s32 s11, $0x12  }
0x4da: {  	v16 =	vnsel vm12, $0x0, v56;
	s17 =	sshrl.u32 s15, $0x1F;
	s18 =	sshra.s32 s15, $0x1F;
	s11 =	sld [smem:$0x63E];
	v15 =	vsel vm1, s16, v15  }
0x4db: {  	v57 =	vsel vm1, s17, v16;
	v58 =	vmov s12;
	s17 =	sld [smem:$0x63B];
	s12 =	sshra.s32 s14, $0x12;
	v15 =	vsel vm5, s18, v15;
	s15 =	sshra.s32 s22, $0x12  }
0x4dc: {  	v36 =	vsel vm0, s13, v14;
	s4 =	sshrl.u32 s20, $0x1F;
	s13 =	sshrl.u32 s22, $0x1F;
	v15 =	vsel vm2, s15, v15;
	s15 =	sld [smem:$0x63D]  }
0x4dd: {  	s6 =	sshra.s32 s20, $0x12;
	s16 =	sshra.s32 s22, $0x1F;
	v16 =	vsel vm1, s7, v58;
	s7 =	sld [smem:$0x63C]  }
0x4de: {  	v14 =	vsel vm2, s13, v57;
	s22 =	sshrl.u32 s17, $0x1F;
	v15 =	vsel vm8, s16, v15;
	s20 =	sshra.s32 s17, $0x12;
	s16 =	sshrl.u32 s11, $0x1F  }
0x4df: {  	v14 =	vsel vm0, s22, v14;
	v15 =	vsel vm0, s20, v15;
	s22 =	sshra.s32 s17, $0x1F;
	s20 =	sld [smem:$0x63F];
	s18 =	sshrl.u32 s15, $0x1F  }
0x4e0: {  	vm11 =	vmmov vm15;
	vm15 =	vcmask $0x2320;
	v15 =	vsel vm9, s22, v15;
	s17 =	sshra.s32 s15, $0x12;
	s22 =	sshrl.u32 s14, $0x1F;
	s14 =	sld [smem:$0x644]  }
0x4e1: {  	v16 =	vsel vm2, s4, v16;
	s13 =	sshrl.u32 s7, $0x1F;
	v14 =	vsel vm15, s18, v14;
	s18 =	sshra.s32 s15, $0x1F;
	v15 =	vsel vm15, s17, v15;
	s17 =	sld [smem:$0x640]  }
0x4e2: {  	s1 =	sshra.s32 s9, $0x12;
	v51 =	vsel vm0, s13, v16;
	v14 =	vsel vm14, s16, v14;
	s13 =	sshrl.u32 s20, $0x1F;
	v15 =	vsel vm3, s18, v15;
	s18 =	sld [smem:$0x641]  }
0x4e3: {  	s4 =	sshra.s32 s7, $0x12;
	s15 =	sshra.s32 s11, $0x12;
	v14 =	vsel vm7, s13, v14;
	s13 =	sld [smem:$0x643]  }
0x4e4: {  	s16 =	sshra.s32 s11, $0x1F;
	s10 =	sshra.s32 s20, $0x12;
	v15 =	vsel vm14, s15, v15;
	s15 =	sld [smem:$0x645]  }
0x4e5: {  	v59 =	vmov s8;
	v61 =	vmov s3;
	s11 =	sshra.s32 s20, $0x1F;
	s3 =	sshra.s32 s14, $0x12;
	v50 =	vsel vm11, s22, v14;
	s22 =	sld [smem:$0x642]  }
0x4e6: {  	v60 =	vsel vm1, s0, v59;
	s7 =	sshrl.u32 s17, $0x1F;
	s0 =	sshra.s32 s17, $0x12;
	s20 =	sshrl.u32 s18, $0x1F  }
0x4e7: {  	v15 =	vsel vm4, s16, v15;
	s8 =	sshra.s32 s13, $0x1F;
	s16 =	sshra.s32 s15, $0x12;
	v20 =	vmov s20;
	s20 =	sld [smem:$0x646]  }
0x4e8: {  	v62 =	vsel vm1, s5, v61;
	v14 =	vsel vm2, s1, v60;
	s5 =	sshrl.u32 s22, $0x1F;
	v63 =	vmov s8;
	s1 =	sshra.s32 s22, $0x12;
	s22 =	sld [smem:$0x647]  }
0x4e9: {  	v53 =	vsel vm0, s2, v14;
	s2 =	sshra.s32 s18, $0x12;
	v15 =	vsel vm7, s10, v15;
	s18 =	sshra.s32 s15, $0x1F;
	v19 =	vsel vm12, s16, v63;
	s16 =	sld [smem:$0x648]  }
0x4ea: {  	v14 =	vsel vm2, s6, v62;
	s6 =	sshrl.u32 s14, $0x1F;
	v18 =	vsel vm10, s11, v15;
	s17 =	sshrl.u32 s15, $0x1F;
	v15 =	vsel vm13, s18, v19;
	s18 =	sld [smem:$0x649]  }
0x4eb: {  	v56 =	vsel vm0, s4, v14;
	v14 =	vsel vm1, s7, v20;
	s9 =	sshrl.u32 s20, $0x1F;
	s4 =	sshra.s32 s20, $0x12;
	s20 =	sld [smem:$0x64A]  }
0x4ec: {  	v54 =	vsel vm11, s12, v18;
	v21 =	vmov s17;
	v14 =	vsel vm2, s5, v14;
	s12 =	sshra.s32 s22, $0x12;
	s14 =	sshrl.u32 s22, $0x1F;
	s17 =	sshrl.u32 s16, $0x1F  }
0x4ed: {  	v16 =	vnsel vm12, $0x0, v21;
	s15 =	sshra.s32 s22, $0x1F;
	v15 =	vsel vm1, s12, v15;
	s8 =	sshrl.u32 s18, $0x1F;
	v23 =	vmov s17;
	s17 =	sld [smem:$0x64B]  }
0x4ee: {  	v57 =	vsel vm0, s6, v14;
	v22 =	vsel vm1, s14, v16;
	v15 =	vsel vm5, s15, v15;
	s6 =	sshra.s32 s18, $0x12;
	s15 =	sshrl.u32 s20, $0x1F;
	s18 =	sld [smem:$0x64C]  }
0x4ef: {  	v14 =	vsel vm2, s15, v22;
	s15 =	sld [smem:$0x64D]  }
0x4f0: {  	v24 =	vmov s2;
	s2 =	sld [smem:$0x650];
	s5 =	sshra.s32 s16, $0x12;
	s22 =	sshra.s32 s20, $0x12  }
0x4f1: {  	s16 =	sshra.s32 s20, $0x1F;
	v15 =	vsel vm2, s22, v15;
	s7 =	sshrl.u32 s17, $0x1F;
	s20 =	sshrl.u32 s18, $0x1F  }
0x4f2: {  	v16 =	vsel vm1, s9, v23;
	v15 =	vsel vm8, s16, v15;
	s22 =	sshra.s32 s18, $0x12;
	v14 =	vsel vm0, s20, v14;
	s16 =	sshrl.u32 s15, $0x1F;
	s20 =	sld [smem:$0x64E]  }
0x4f3: {  	v16 =	vsel vm2, s8, v16;
	s9 =	sshra.s32 s17, $0x12;
	s14 =	sshra.s32 s18, $0x1F;
	v15 =	vsel vm0, s22, v15;
	v14 =	vsel vm15, s16, v14;
	s16 =	sld [smem:$0x64F]  }
0x4f4: {  	s17 =	sshra.s32 s15, $0x12;
	s18 =	sshra.s32 s15, $0x1F;
	v61 =	vsel vm0, s7, v16;
	s7 =	sshra.s32 s13, $0x12;
	v15 =	vsel vm9, s14, v15  }
0x4f5: {  	v15 =	vsel vm15, s17, v15;
	s22 =	sshrl.u32 s20, $0x1F;
	s14 =	sshra.s32 s20, $0x12;
	s15 =	sshra.s32 s20, $0x1F  }
0x4f6: {  	v15 =	vsel vm3, s18, v15;
	v14 =	vsel vm14, s22, v14;
	s17 =	sshrl.u32 s16, $0x1F;
	s22 =	sshrl.u32 s13, $0x1F;
	s13 =	sld [smem:$0x651]  }
0x4f7: {  	vm6 =	vmmov vm4;
	s18 =	sshra.s32 s16, $0x12;
	s20 =	sshra.s32 s16, $0x1F;
	v15 =	vsel vm14, s14, v15;
	s16 =	sld [smem:$0x653]  }
0x4f8: {  	v15 =	vsel vm6, s15, v15;
	s15 =	sld [smem:$0x652]  }
0x4f9: {  	v25 =	vsel vm1, s0, v24;
	s0 =	sshra.s32 s2, $0x12;
	s12 =	sshrl.u32 s2, $0x1F;
	v15 =	vsel vm7, s18, v15;
	s18 =	sld [smem:$0x655]  }
0x4fa: {  	v14 =	vsel vm7, s17, v14;
	s14 =	sshrl.u32 s13, $0x1F;
	s2 =	sshra.s32 s13, $0x12;
	v15 =	vsel vm10, s20, v15;
	s20 =	sld [smem:$0x656]  }
0x4fb: {  	v26 =	vmov s5;
	v58 =	vsel vm11, s22, v14;
	v14 =	vsel vm2, s1, v25;
	s13 =	sshrl.u32 s15, $0x1F;
	s1 =	sshra.s32 s15, $0x12;
	s15 =	sld [smem:$0x654]  }
0x4fc: {  	v27 =	vsel vm1, s4, v26;
	v60 =	vsel vm0, s3, v14;
	s3 =	sshrl.u32 s16, $0x1F;
	s4 =	sshra.s32 s16, $0x12;
	s16 =	sld [smem:$0x658]  }
0x4fd: {  	v63 =	vmov s14;
	s14 =	sld [smem:$0x657];
	s22 =	sshra.s32 s20, $0x12;
	s10 =	sshrl.u32 s20, $0x1F  }
0x4fe: {  	v59 =	vsel vm11, s7, v15;
	v15 =	vsel vm1, s12, v63;
	s11 =	sshra.s32 s20, $0x1F;
	s20 =	sld [smem:$0x659];
	s17 =	sshra.s32 s15, $0x1F  }
0x4ff: {  	v14 =	vsel vm2, s6, v27;
	s6 =	sshrl.u32 s18, $0x1F;
	s5 =	sshra.s32 s18, $0x12;
	v15 =	vsel vm2, s13, v15;
	s13 =	sld [smem:$0x65D];
	v29 =	vmov s17  }
0x500: {  	s18 =	sshrl.u32 s16, $0x1F;
	v20 =	vmov s10;
	s8 =	sshra.s32 s14, $0x12;
	v30 =	vsel vm12, s22, v29;
	s22 =	sld [smem:$0x65A]  }
0x501: {  	v62 =	vsel vm0, s9, v14;
	v16 =	vnsel vm12, $0x0, v20;
	s9 =	sshra.s32 s20, $0x12;
	v14 =	vsel vm13, s11, v30;
	s11 =	sshrl.u32 s20, $0x1F;
	s20 =	sld [smem:$0x65C]  }
0x502: {  	s7 =	sshrl.u32 s14, $0x1F;
	s17 =	sshra.s32 s16, $0x12;
	v27 =	vmov s8;
	v16 =	vsel vm1, s18, v16;
	s18 =	sld [smem:$0x65B]  }
0x503: {  	s10 =	sshra.s32 s16, $0x1F;
	v17 =	vsel vm1, s5, v27;
	s5 =	sld [smem:$0x663];
	v14 =	vsel vm1, s17, v14;
	s14 =	sshrl.u32 s22, $0x1F  }
0x504: {  	v14 =	vsel vm5, s10, v14;
	s16 =	sshra.s32 s22, $0x12;
	s17 =	sshra.s32 s22, $0x1F;
	v21 =	vsel vm2, s14, v16;
	s22 =	sshrl.u32 s20, $0x1F  }
0x505: {  	v63 =	vsel vm0, s3, v15;
	v14 =	vsel vm2, s16, v14;
	s16 =	sshrl.u32 s13, $0x1F;
	s14 =	sld [smem:$0x65E];
	v15 =	vsel vm0, s22, v21  }
0x506: {  	v22 =	vmov s7;
	s10 =	sshrl.u32 s18, $0x1F;
	v15 =	vsel vm15, s16, v15;
	s16 =	sld [smem:$0x65F]  }
0x507: {  	s7 =	sshra.s32 s18, $0x12;
	v16 =	vsel vm1, s6, v22;
	s18 =	sshra.s32 s20, $0x1F;
	v14 =	vsel vm8, s17, v14;
	s17 =	sshra.s32 s20, $0x12  }
0x508: {  	s22 =	sshra.s32 s13, $0x12;
	v16 =	vsel vm2, s11, v16;
	v21 =	vsel vm2, s9, v17;
	s9 =	sld [smem:$0x664];
	v14 =	vsel vm0, s17, v14;
	s20 =	sshrl.u32 s14, $0x1F  }
0x509: {  	s13 =	sshra.s32 s13, $0x1F;
	v29 =	vsel vm0, s10, v16;
	s10 =	sld [smem:$0x665];
	v14 =	vsel vm9, s18, v14;
	v15 =	vsel vm14, s20, v15;
	s17 =	sshrl.u32 s16, $0x1F  }
0x50a: {  	vm4 =	vmmov vm3;
	v23 =	vld [tilespmem:$0xF7];
	s18 =	sshra.s32 s14, $0x12;
	v14 =	vsel vm15, s22, v14;
	s20 =	sshra.s32 s14, $0x1F;
	v15 =	vsel vm7, s17, v15;
	s17 =	sld [smem:$0x661]  }
0x50b: {  	s22 =	sshrl.u32 s15, $0x1F;
	s14 =	sshra.s32 s15, $0x12;
	s15 =	sld [smem:$0x660];
	v14 =	vsel vm4, s13, v14  }
0x50c: {  	s11 =	sld [smem:$0x666];
	s12 =	sshra.s32 s16, $0x12;
	v14 =	vsel vm14, s18, v14  }
0x50d: {  	s13 =	sshra.s32 s16, $0x1F;
	v14 =	vsel vm6, s20, v14;
	s20 =	sld [smem:$0x662];
	s18 =	sshrl.u32 s17, $0x1F  }
0x50e: {  	v18 =	vld [tilespmem:$0xF8];
	v26 =	vmov s2;
	s8 =	sshrl.u32 s10, $0x1F;
	s16 =	sshrl.u32 s15, $0x1F;
	v14 =	vsel vm7, s12, v14;
	v17 =	vmov s18;
	s18 =	sld [smem:$0x668]  }
0x50f: {  	v16 =	vmul.u32 $0x1F, v23;
	v30 =	vsel vm11, s22, v15;
	s2 =	sshra.s32 s15, $0x12;
	s15 =	sshrl.u32 s5, $0x1F;
	s3 =	sshra.s32 s17, $0x12;
	v14 =	vsel vm10, s13, v14  }
0x510: {  	v15 =	vsel vm1, s0, v26;
	s17 =	sshra.s32 s19, $0x1F;
	s22 =	sshrl.u32 s20, $0x1F;
	v26 =	vsel vm11, s14, v14;
	s14 =	sld [smem:$0x669];
	v22 =	vsel vm1, s16, v17  }
0x511: {  	s0 =	sshra.s32 s5, $0x12;
	v15 =	vsel vm2, s1, v15;
	s1 =	sshra.s32 s20, $0x12;
	v27 =	vmov s17;
	v25 =	vsel vm2, s22, v22;
	s22 =	sshra.s32 s18, $0x12  }
0x512: {  	v23 =	vsel vm0, s7, v21;
	s16 =	sld [smem:$0x667];
	s20 =	sshrl.u32 s18, $0x1F;
	s13 =	sshra.s32 s18, $0x1F;
	v17 =	vsel vm12, s22, v27  }
0x513: {  	s5 =	sshra.s32 s10, $0x12;
	v14 =	vadd.s32 v18, v16;
	s18 =	sshra.s32 s14, $0x12;
	v20 =	vmov s20;
	s20 =	sld [smem:$0x66A];
	v21 =	vsel vm13, s13, v17  }
0x514: {  	s12 =	sshrl.u32 s11, $0x1F;
	s11 =	sshra.s32 s11, $0x12;
	v24 =	vsel vm0, s4, v15;
	(v2sf) =	vpush v14, $0xD;
	v15 =	vsel vm1, s18, v21;
	s18 =	sld [smem:$0x66B]  }
0x515: {  	vm3 =	vmmov vm5;
	s4 =	sshrl.u32 s9, $0x1F;
	v22 =	vmov s8;
	(v2sf) =	vpush v14, $0xC;
	s17 =	sshrl.u32 s14, $0x1F;
	s6 =	sshra.s32 s14, $0x1F  }
0x516: {  	(v2sf) =	vpush v14, $0xE;
	s7 =	sshrl.u32 s16, $0x1F;
	s10 =	sshra.s32 s16, $0x12;
	v16 =	vnsel vm12, $0x0, v20;
	s16 =	sshra.s32 s20, $0x12;
	v15 =	vsel vm3, s6, v15  }
0x517: {  	v27 =	vsel vm0, s15, v25;
	v16 =	vsel vm1, s17, v16;
	s22 =	sshrl.u32 s20, $0x1F;
	s8 =	sshra.s32 s20, $0x1F;
	v15 =	vsel vm2, s16, v15;
	s20 =	sshrl.u32 s18, $0x1F  }
0x518: {  	[tilespmem:$0x1FEE0] =	vst v0;
	v17 =	vsel vm1, s4, v22;
	v16 =	vsel vm2, s22, v16;
	s14 =	sshra.s32 s18, $0x12;
	s4 =	sshra.s32 s18, $0x1F;
	v15 =	vsel vm8, s8, v15;
	s18 =	sshra.s32 s21, $0x12  }
0x519: {  	v25 =	vmov s3;
	v16 =	vsel vm0, s20, v16;
	s20 =	sshrl.u32 s21, $0x1F;
	v15 =	vsel vm0, s14, v15;
	s14 =	sshra.s32 s21, $0x1F;
	s21 =	sld [smem:$0x66C]  }
0x51a: {  	s9 =	sshra.s32 s9, $0x12;
	s15 =	sshra.s32 s25, $0x12;
	v25 =	vsel vm1, s2, v25;
	s2 =	rddreg [dreg:$0x1e]  }
0x51b: {  	s13 =	sshra.s32 s25, $0x1F;
	s22 =	sshrl.u32 s25, $0x1F;
	s3 =	rddreg [dreg:$0x1d]  }
0x51c: {  	s17 =	sshra.s32 s23, $0x12;
	v17 =	vsel vm2, s12, v17;
	s12 =	sshra.s32 s23, $0x1F;
	v16 =	vsel vm15, s22, v16;
	s22 =	sld [smem:$0x66D]  }
0x51d: {  	vm5 =	vmmov vm4;
	s25 =	sshrl.u32 s23, $0x1F;
	s16 =	sshrl.u32 s19, $0x1F;
	v15 =	vsel vm9, s4, v15;
	s23 =	sld [smem:$0x66E]  }
0x51e: {  	v21 =	vsel vm0, s7, v17;
	s19 =	sshra.s32 s19, $0x12;
	s7 =	sshra.s32 s2, $0x12;
	v16 =	vsel vm14, s25, v16;
	v15 =	vsel vm15, s15, v15;
	s15 =	rddreg [dreg:$0x1c]  }
0x51f: {  	v16 =	vsel vm7, s20, v16;
	s20 =	sshrl.u32 s21, $0x1F;
	s4 =	sshra.s32 s21, $0x12;
	v15 =	vsel vm5, s13, v15;
	s13 =	sshrl.u32 s2, $0x1F  }
0x520: {  	v20 =	vmov s5;
	s5 =	sshra.s32 s15, $0x12;
	s21 =	sshrl.u32 s22, $0x1F;
	s8 =	sshra.s32 s22, $0x12  }
0x521: {  	v1 =	vcombine.low v43, v1;
	vm4 =	vmmov vm6;
	v43 =	vld [tilespmem:$0x1FE00];
	s22 =	sshrl.u32 s23, $0x1F;
	s6 =	sshra.s32 s23, $0x12;
	s23 =	rddreg [dreg:$0x1a]  }
0x522: {  	v17 =	vsel vm1, s9, v20;
	v22 =	vsel vm11, s16, v16;
	s16 =	sshrl.u32 s3, $0x1F;
	v15 =	vsel vm14, s17, v15;
	s17 =	sshrl.u32 s15, $0x1F;
	s15 =	rddreg [dreg:$0x18]  }
0x523: {  	v16 =	vsel vm2, s1, v25;
	v25 =	vsel vm2, s11, v17;
	s1 =	sshra.s32 s24, $0x12;
	v15 =	vsel vm4, s12, v15;
	s12 =	sshrl.u32 s24, $0x1F;
	s24 =	rddreg [dreg:$0x19]  }
0x524: {  	s9 =	sshrl.u32 s23, $0x1F;
	s2 =	sshra.s32 s23, $0x12;
	v17 =	vsel vm0, s0, v16;
	v16 =	vsel vm0, s10, v25;
	s25 =	sshrl.u32 s24, $0x1F  }
0x525: {  	s10 =	sshrl.u32 s15, $0x1F;
	v18 =	vmov s21;
	s11 =	sshra.s32 s15, $0x1F;
	v15 =	vsel vm7, s18, v15;
	s23 =	sshra.s32 s24, $0x12;
	v25 =	vmov s25  }
0x526: {  	v45 =	vcombine.low v43, v45;
	s0 =	sshra.s32 s24, $0x1F;
	s24 =	sshra.s32 s15, $0x12;
	s18 =	rddreg [dreg:$0x16];
	v15 =	vsel vm10, s14, v15;
	v25 =	vnsel vm12, $0x0, v25  }
0x527: {  	s21 =	sshrl.u32 s18, $0x1F;
	s25 =	sshra.s32 s18, $0x12;
	v19 =	vsel vm11, s19, v15;
	v15 =	vsel vm1, s20, v18;
	s20 =	spop (v2sf);
	v18 =	vsel vm1, s10, v25  }
0x528: {  	(v2sf) =	vpush v14, $0xF;
	s15 =	sshra.s32 s18, $0x1F;
	s19 =	sshrl.u32 s31, $0x1F;
	v15 =	vsel vm2, s22, v15;
	s22 =	smulhi.u32 $0x431BDE83, s20;
	v18 =	vsel vm2, s21, v18  }
0x529: {  	v43 =	vperm.xlane v45, v55;
	s10 =	sshra.s32 s20, $0x1F;
	s20 =	sshrl.u32 s30, $0x1F;
	v25 =	vsel vm0, s13, v15;
	s21 =	sshra.s32 s28, $0x1F;
	v18 =	vsel vm0, s19, v18  }
0x52a: {  	s18 =	sshra.s32 s31, $0x12;
	s14 =	sshra.s32 s31, $0x1F;
	v45 =	vld [tilespmem:$0x1FFF0];
	s31 =	sshrl.u32 s29, $0x1F;
	v15 =	vmov s17;
	v20 =	vmov s21;
	v18 =	vsel vm15, s20, v18  }
0x52b: {  	v15 =	vsel vm1, s16, v15;
	s19 =	sshrl.u32 s26, $0x1F;
	v20 =	vsel vm12, s23, v20;
	v0 =	vsel vm14, s31, v18  }
0x52c: {  	v15 =	vsel vm2, s9, v15;
	s31 =	sshrl.u32 s28, $0x1F;
	v20 =	vsel vm13, s0, v20;
	v0 =	vsel vm7, s19, v0  }
0x52d: {  	v18 =	vsel vm0, s12, v15;
	v15 =	vsel vm1, s24, v20;
	v20 =	vsel vm11, s31, v0  }
0x52e: {  	v0 =	vsel vm3, s11, v15;
	v15 =	vperm.xlane v44, v2;
	v44 =	vperm.xlane v46, v2  }
0x52f: {  	v1 =	vperm.xlane v1, v55;
	vm6 =	vmmov vm8;
	vm8 =	vnez.u8 v45;
	v46 =	vld [tilespmem:$0x1FE10]  }
0x530: {  	(v2sf) =	vpush v14, $0x9;
	v45 =	vmov s8;
	v43 =	vsel vm8, v44, v43;
	v44 =	vld [tilespmem:$0x1FE20]  }
0x531: {  	v1 =	vsel vm8, v15, v1;
	v15 =	vsel vm1, s4, v45;
	v45 =	vld [tilespmem:$0x1FE30]  }
0x532: {  	(v2sf) =	vpush v14, $0x8;
	_ =	sdelay $0x1  }
0x533: {  	(v2sf) =	vpush v14, $0xA  }
0x534: {  	v28 =	vcombine.low v28, v39;
	v1 =	vadd.s32 v1, v43;
	v43 =	vcombine.low v46, v47;
	v46 =	vld [tilespmem:$0x1FE50]  }
0x535: {  	v35 =	vcombine.low v35, v38;
	(v2sf) =	vpush v14, $0xB;
	v44 =	vcombine.low v45, v44;
	v45 =	vld [tilespmem:$0x1FE40]  }
0x536: {  	v40 =	vperm.xlane v40, v2;
	v33 =	vcombine.low v33, v34  }
0x537: {  	v35 =	vperm.xlane v35, v55;
	v37 =	vperm.xlane v37, v2;
	(v2sf) =	vpush v14, $0x0;
	s17 =	sshra.s32 s30, $0x12  }
0x538: {  	v48 =	vperm.xlane v48, v2;
	v62 =	vcombine.low v62, v60;
	(v2sf) =	vpush v14, $0x1;
	s16 =	sshra.s32 s30, $0x1F;
	s30 =	spop (v2sf);
	s9 =	smul.u32 $0x431BDE83, s10  }
0x539: {  	(v2sf) =	vpush v14, $0x2;
	s20 =	smulhi.u32 $0x431BDE83, s30;
	s10 =	sshra.s32 s30, $0x1F;
	s30 =	spop (v2sf);
	v43 =	vperm.xlane v43, v55;
	v44 =	vperm.xlane v44, v55  }
0x53a: {  	s3 =	sshra.s32 s3, $0x12;
	s23 =	smulhi.u32 $0x431BDE83, s30;
	v1 =	vmul.u32 $0xF4240, v1;
	v46 =	vperm.xlane v46, v2;
	v45 =	vperm.xlane v45, v2  }
0x53b: {  	v29 =	vcombine.low v29, v63;
	v23 =	vcombine.low v23, v24;
	s13 =	sshra.s32 s29, $0x1F;
	(v2sf) =	vpush v14, $0x3;
	s0 =	sshra.s32 s30, $0x1F;
	s19 =	smul.u32 $0x431BDE83, s10  }
0x53c: {  	s12 =	sshra.s32 s29, $0x12;
	s21 =	smul.u32 $0x431BDE83, s0;
	s31 =	spop (v2sf);
	v1 =	vsub.s32 v3, v1;
	v3 =	vsel vm8, v45, v43;
	v43 =	vsel vm8, v46, v44;
	v44 =	vld [tilespmem:$0x1FE60]  }
0x53d: {  	v26 =	vperm.xlane v26, v2;
	v23 =	vperm.xlane v23, v55;
	(v2sf) =	vpush v14, $0x4;
	s10 =	sshra.s32 s26, $0x1F;
	s24 =	smulhi.u32 $0x431BDE83, s31;
	s29 =	sshra.s32 s31, $0x1F;
	v45 =	vld [tilespmem:$0x1FE70]  }
0x53e: {  	v27 =	vcombine.low v21, v27;
	v16 =	vcombine.low v16, v17;
	s0 =	sadd.s32 s9, s22;
	s30 =	spop (v2sf);
	s22 =	smul.u32 $0x431BDE83, s29  }
0x53f: {  	v22 =	vperm.xlane v22, v2;
	s9 =	sshra.s32 s28, $0x12;
	v0 =	vsel vm2, s25, v0;
	(v2sf) =	vpush v14, $0x5;
	s8 =	smulhi.u32 $0x431BDE83, s30;
	s25 =	sshra.s32 s30, $0x1F  }
0x540: {  	v16 =	vperm.xlane v16, v55;
	vm13 =	vmmov vm6;
	v37 =	vsel vm8, v37, v35;
	s11 =	sshra.s32 s26, $0x12;
	s31 =	spop (v2sf);
	s25 =	smul.u32 $0x431BDE83, s25  }
0x541: {  	v0 =	vsel vm6, s15, v0;
	s4 =	sadd.s32 s19, s20;
	(v2sf) =	vpush v14, $0x6;
	s20 =	smulhi.u32 $0x431BDE83, s31;
	s26 =	sshra.s32 s31, $0x1F;
	v3 =	vadd.s32 v3, v43  }
0x542: {  	s15 =	sshrl.u32 s0, $0x1F;
	s28 =	spop (v2sf);
	s26 =	smul.u32 $0x431BDE83, s26;
	v47 =	vld [tilespmem:$0x1FE90];
	v3 =	vmul.u32 $0xF4240, v3;
	v44 =	vcombine.low v45, v44;
	v45 =	vmov s5  }
0x543: {  	v15 =	vsel vm2, s6, v15;
	v0 =	vsel vm0, s18, v0;
	s6 =	sadd.s32 s21, s23;
	s21 =	smulhi.u32 $0x431BDE83, s28;
	s18 =	sshra.s32 s28, $0x1F;
	v43 =	vsel vm1, s3, v45;
	v45 =	vld [tilespmem:$0x1FE80]  }
0x544: {  	v23 =	vsel vm8, v26, v23;
	s19 =	sshrl.u32 s4, $0x1F;
	s29 =	spop (v2sf);
	v0 =	vsel vm9, s14, v0;
	s23 =	smul.u32 $0x431BDE83, s18;
	v4 =	vsub.s32 v4, v3;
	v3 =	vld [tilespmem:$0x1FEA0]  }
0x545: {  	v15 =	vsel vm0, s7, v15;
	s7 =	sadd.s32 s22, s24;
	(v2sf) =	vpush v14, $0x7;
	s22 =	smulhi.u32 $0x431BDE83, s29;
	s30 =	sshra.s32 s29, $0x1F;
	v0 =	vsel vm15, s17, v0  }
0x546: {  	v18 =	vcombine.low v18, v25;
	vm6 =	vmmov vm9;
	s8 =	sadd.s32 s25, s8;
	s31 =	spop (v2sf);
	s24 =	smul.u32 $0x431BDE83, s30;
	v0 =	vsel vm5, s16, v0;
	v46 =	vld [tilespmem:$0x107]  }
0x547: {  	s17 =	smulhi.u32 $0x431BDE83, s31;
	s25 =	sshra.s32 s31, $0x1F;
	s28 =	spop (v2sf);
	vm5 =	vcmask $0x3734;
	v0 =	vsel vm14, s12, v0;
	vm9 =	vlt.s32 v1, $0x0  }
0x548: {  	s18 =	sshrl.u32 s6, $0x1F;
	s25 =	smul.u32 $0x431BDE83, s25;
	s16 =	sshra.s32 s28, $0x1F;
	v47 =	vperm.xlane v47, v2;
	v43 =	vsel vm2, s2, v43;
	v31 =	vcombine.low v31, v45;
	v45 =	vld [tilespmem:$0x108]  }
0x549: {  	s29 =	spop (v2sf);
	s5 =	sadd.s32 s26, s20;
	s20 =	smulhi.u32 $0x431BDE83, s28;
	v44 =	vperm.xlane v44, v55;
	v43 =	vsel vm0, s1, v43;
	v3 =	vperm.xlane v3, v2  }
0x54a: {  	s14 =	sshrl.u32 s7, $0x1F;
	v0 =	vsel vm4, s13, v0;
	s30 =	sshra.s32 s29, $0x1F;
	s26 =	smul.u32 $0x431BDE83, s16;
	v15 =	vcombine.low v43, v15;
	v31 =	vperm.xlane v31, v55  }
0x54b: {  	s31 =	spop (v2sf);
	s16 =	sadd.s32 s23, s21;
	s21 =	smulhi.u32 $0x431BDE83, s29;
	v46 =	vmul.u32 $0x1F, v46;
	vm10 =	vlt.s32 v4, $0x0;
	v44 =	vsel vm8, v47, v44  }
0x54c: {  	s13 =	sshra.s32 s31, $0x1F;
	s23 =	smul.u32 $0x431BDE83, s30;
	s28 =	spop (v2sf);
	v47 =	vperm.xlane v28, v55;
	v15 =	vperm.xlane v15, v55;
	v3 =	vsel vm8, v3, v31  }
0x54d: {  	s3 =	sshrl.u32 s8, $0x1F;
	s1 =	sadd.s32 s24, s22;
	s22 =	smulhi.u32 $0x431BDE83, s31;
	v31 =	vsel vm7, s11, v0;
	v0 =	vadd.s32 v45, v46;
	v45 =	vmov s19;
	v46 =	vld [tilespmem:$0x1FEB0]  }
0x54e: {  	s12 =	sshrl.u32 s5, $0x1F;
	s29 =	spop (v2sf);
	s19 =	smul.u32 $0x431BDE83, s13;
	v3 =	vadd.s32 v44, v3;
	v44 =	vadd.s32 $0xF4240, v1;
	v45 =	vsel vm1, s15, v45  }
0x54f: {  	s2 =	sshrl.u32 s16, $0x1F;
	s13 =	sadd.s32 s25, s17;
	s17 =	smulhi.u32 $0x431BDE83, s28;
	v31 =	vsel vm5, s10, v31;
	(v2sf) =	vpush v0, $0xD;
	v39 =	vsel vm2, s18, v45;
	v45 =	vld [tilespmem:$0x1FEC0]  }
0x550: {  	s20 =	sadd.s32 s26, s20;
	s24 =	sshra.s32 s28, $0x1F;
	s25 =	smulhi.u32 $0x431BDE83, s29;
	v31 =	vsel vm11, s9, v31;
	v3 =	vmul.u32 $0xF4240, v3;
	(v2sf) =	vpush v0, $0xC  }
0x551: {  	s26 =	sshrl.u32 s20, $0x1F;
	s15 =	smul.u32 $0x431BDE83, s24;
	s24 =	sshra.s32 s29, $0x1F;
	v28 =	vsel vm9, v44, v1;
	v44 =	vsel vm8, v40, v47;
	(v2sf) =	vpush v0, $0xE  }
0x552: {  	s31 =	spop (v2sf);
	s11 =	sshrl.u32 s1, $0x1F;
	s30 =	smul.u32 $0x431BDE83, s24;
	v1 =	vsub.s32 v5, v3;
	(v2sf) =	vpush v0, $0xF;
	v32 =	vcombine.low v32, v46  }
0x553: {  	s18 =	sadd.s32 s23, s21;
	s23 =	smulhi.u32 $0x431BDE83, s31;
	s24 =	sshra.s32 s31, $0x1F;
	vm4 =	vlt.s32 v1, $0x0;
	v46 =	vadd.s32 $0xF4240, v4;
	(v2sf) =	vpush v0, $0x9  }
0x554: {  	s28 =	spop (v2sf);
	s10 =	sshrl.u32 s13, $0x1F;
	s24 =	smul.u32 $0x431BDE83, s24;
	(v2sf) =	vpush v0, $0x8;
	v32 =	vperm.xlane v32, v55;
	v45 =	vperm.xlane v45, v2  }
0x555: {  	s29 =	sshra.s32 s28, $0x1F;
	v40 =	vld [tilespmem:$0x1FED0];
	s21 =	sadd.s32 s15, s17;
	s15 =	smulhi.u32 $0x431BDE83, s28;
	v47 =	vadd.s32 $0xF4240, v1;
	v4 =	vsel vm10, v46, v4;
	(v2sf) =	vpush v0, $0xA  }
0x556: {  	s1 =	sshra.s32 s1, $0x12;
	s22 =	sadd.s32 s19, s22;
	s17 =	smul.u32 $0x431BDE83, s29;
	(v2sf) =	vpush v0, $0xB;
	v3 =	vsel vm8, v45, v32;
	v45 =	vmov s10  }
0x557: {  	s31 =	sshrl.u32 s22, $0x1F;
	s28 =	sshra.s32 s20, $0x12;
	s19 =	sadd.s32 s30, s25;
	v32 =	vsel vm0, s14, v39;
	(v2sf) =	vpush v0, $0x0;
	v3 =	vadd.s32 v3, v44  }
0x558: {  	s30 =	sshrl.u32 s18, $0x1F;
	s25 =	sshra.s32 s13, $0x1F;
	s9 =	sadd.s32 s24, s23;
	v5 =	vnsel vm12, $0x0, v45;
	v44 =	vmov s12;
	v3 =	vmul.u32 $0xF4240, v3  }
0x559: {  	s23 =	sshrl.u32 s21, $0x1F;
	s24 =	sshrl.u32 s19, $0x1F;
	s17 =	sadd.s32 s17, s15;
	(v2sf) =	vpush v0, $0x1;
	v46 =	vsel vm1, s26, v5;
	v5 =	vsel vm4, v47, v1  }
0x55a: {  	s15 =	sshra.s32 s6, $0x12;
	s6 =	sshra.s32 s8, $0x12;
	s8 =	sshra.s32 s13, $0x12;
	v39 =	vsel vm2, s30, v46;
	v46 =	vld [tilespmem:$0x1FEE0];
	v3 =	vsub.s32 v6, v3;
	v6 =	vcombine.low v42, v40  }
0x55b: {  	s29 =	sshrl.u32 s9, $0x1F;
	s14 =	sshra.s32 s0, $0x12;
	s0 =	sshra.s32 s4, $0x12;
	vm4 =	vmmov vm6;
	v39 =	vsel vm0, s31, v39;
	v42 =	vperm.xlane v33, v55  }
0x55c: {  	s10 =	sshra.s32 s7, $0x12;
	s7 =	sshra.s32 s5, $0x12;
	s4 =	sshra.s32 s16, $0x12;
	vm9 =	vlt.s32 v3, $0x0;
	v45 =	vsel vm15, s23, v39;
	v1 =	vperm.xlane v6, v55  }
0x55d: {  	s16 =	sshra.s32 s17, $0x1F;
	s5 =	sshra.s32 s22, $0x1F;
	s26 =	sshrl.u32 s17, $0x1F;
	v6 =	vsel vm1, s3, v44;
	v47 =	vsel vm14, s24, v45;
	v45 =	vperm.xlane v41, v2  }
0x55e: {  	s31 =	sshra.s32 s18, $0x12;
	s3 =	sshra.s32 s22, $0x12;
	v41 =	vperm.xlane v31, v2;
	v6 =	vsel vm2, s2, v6;
	s23 =	spop (v2sf);
	v44 =	vsel vm7, s29, v47  }
0x55f: {  	s2 =	sshra.s32 s18, $0x1F;
	(v2sf) =	vpush v0, $0x2;
	v39 =	vperm.xlane v46, v2;
	s22 =	smulhi.u32 $0x431BDE83, s23;
	s13 =	sshra.s32 s23, $0x1F;
	v34 =	vsel vm0, s11, v6  }
0x560: {  	s18 =	sshra.s32 s21, $0x12;
	s24 =	spop (v2sf);
	v46 =	vmov s16;
	v33 =	vsel vm11, s26, v44;
	v42 =	vsel vm8, v45, v42;
	s23 =	smul.u32 $0x431BDE83, s13  }
0x561: {  	s16 =	sshra.s32 s21, $0x1F;
	v44 =	vmov s0;
	v45 =	vadd.s32 $0xF4240, v3;
	v43 =	vsel vm8, v41, v15;
	s21 =	smulhi.u32 $0x431BDE83, s24;
	s11 =	sshra.s32 s24, $0x1F  }
0x562: {  	s20 =	sshra.s32 s20, $0x1F;
	v47 =	vsel vm12, s8, v46;
	s26 =	spop (v2sf);
	vm12 =	vcmask $0x704;
	(v2sf) =	vpush v0, $0x3;
	s24 =	smul.u32 $0x431BDE83, s11  }
0x563: {  	s12 =	sshra.s32 s19, $0x1F;
	v46 =	vcombine.low v52, v49;
	v52 =	vmov s7;
	v6 =	vsel vm12, s25, v47;
	s25 =	smulhi.u32 $0x431BDE83, s26;
	s8 =	sshra.s32 s26, $0x1F  }
0x564: {  	s13 =	sshra.s32 s19, $0x12;
	v1 =	vsel vm8, v39, v1;
	s29 =	spop (v2sf);
	v47 =	vsel vm1, s14, v44;
	v6 =	vsel vm1, s28, v6;
	s26 =	smul.u32 $0x431BDE83, s8  }
0x565: {  	s11 =	sshra.s32 s9, $0x12;
	v1 =	vadd.s32 v1, v42;
	s0 =	sshra.s32 s29, $0x1F;
	v38 =	vsel vm2, s15, v47;
	v6 =	vsel vm3, s20, v6;
	s20 =	smulhi.u32 $0x431BDE83, s29  }
0x566: {  	s8 =	sshra.s32 s17, $0x12;
	v47 =	vcombine.low v56, v53;
	v1 =	vmul.u32 $0xF4240, v1;
	s28 =	smul.u32 $0x431BDE83, s0;
	v6 =	vsel vm2, s31, v6;
	s31 =	spop (v2sf)  }
0x567: {  	(v2sf) =	vpush v0, $0x4;
	s0 =	sadd.s32 s23, s22;
	v35 =	vsel vm0, s10, v38;
	vm3 =	vcmask $0x2724;
	s22 =	smulhi.u32 $0x431BDE83, s31;
	s17 =	sshra.s32 s31, $0x1F  }
0x568: {  	s9 =	sshra.s32 s9, $0x1F;
	(v2sf) =	vpush v0, $0x5;
	v38 =	vperm.xlane v47, v55;
	v1 =	vsub.s32 v7, v1;
	s19 =	spop (v2sf);
	s23 =	smul.u32 $0x431BDE83, s17  }
0x569: {  	v6 =	vsel vm13, s2, v6;
	v7 =	vperm.xlane v46, v55;
	s2 =	sadd.s32 s24, s21;
	(v2sf) =	vpush v0, $0x6;
	s21 =	smulhi.u32 $0x431BDE83, s19;
	s17 =	sshra.s32 s19, $0x1F  }
0x56a: {  	s14 =	sshrl.u32 s0, $0x1F;
	v6 =	vsel vm0, s3, v6;
	s29 =	spop (v2sf);
	vm10 =	vlt.s32 v1, $0x0;
	v49 =	vadd.s32 $0xF4240, v1;
	s24 =	smul.u32 $0x431BDE83, s17  }
0x56b: {  	s3 =	sadd.s32 s26, s25;
	(v2sf) =	vpush v0, $0x7;
	s25 =	smulhi.u32 $0x431BDE83, s29;
	s15 =	sshra.s32 s29, $0x1F;
	v7 =	vsel vm8, v48, v7;
	v6 =	vsel vm6, s5, v6  }
0x56c: {  	s19 =	sshrl.u32 s2, $0x1F;
	s30 =	spop (v2sf);
	vm6 =	vmmov vm15;
	v48 =	vperm.xlane v50, v2;
	s26 =	smul.u32 $0x431BDE83, s15;
	v7 =	vadd.s32 v37, v7  }
0x56d: {  	s5 =	sadd.s32 s28, s20;
	s20 =	smulhi.u32 $0x431BDE83, s30;
	s10 =	sshra.s32 s30, $0x1F;
	v44 =	vsel vm15, s18, v6;
	v6 =	vsel vm10, v49, v1;
	v1 =	vcombine.low v51, v36  }
0x56e: {  	s17 =	sshrl.u32 s3, $0x1F;
	s31 =	spop (v2sf);
	vm15 =	vcmask $0x2F2C;
	v37 =	vmul.u32 $0xF4240, v7;
	s18 =	smul.u32 $0x431BDE83, s10;
	v7 =	vsel vm9, v45, v3  }
0x56f: {  	s10 =	sadd.s32 s23, s22;
	s22 =	smulhi.u32 $0x431BDE83, s31;
	s28 =	sshra.s32 s31, $0x1F;
	v45 =	vsel vm1, s6, v52;
	v46 =	vsel vm3, s16, v44;
	v52 =	vperm.xlane v54, v2  }
0x570: {  	s7 =	sshrl.u32 s5, $0x1F;
	s29 =	spop (v2sf);
	v54 =	vcombine.low v61, v57;
	v57 =	vmov s19;
	s23 =	smul.u32 $0x431BDE83, s28;
	v3 =	vsub.s32 v8, v37;
	v37 =	vld [tilespmem:$0x117]  }
0x571: {  	s6 =	sadd.s32 s24, s21;
	v44 =	vperm.xlane v59, v2;
	v1 =	vperm.xlane v1, v55;
	s21 =	smulhi.u32 $0x431BDE83, s29;
	s16 =	sshra.s32 s29, $0x1F;
	v49 =	vsel vm14, s13, v46  }
0x572: {  	v50 =	vld [tilespmem:$0x118];
	s15 =	sshrl.u32 s10, $0x1F;
	s13 =	sshrl.u32 s6, $0x1F;
	v40 =	vsel vm1, s14, v57;
	v46 =	vperm.xlane v30, v2;
	v8 =	vsel vm2, s4, v45;
	s24 =	smul.u32 $0x431BDE83, s16  }
0x573: {  	s4 =	sadd.s32 s26, s25;
	v53 =	vsel vm15, s12, v49;
	v38 =	vsel vm8, v52, v38;
	v47 =	vmov s13;
	s13 =	sshra.s32 s3, $0x12;
	s30 =	spop (v2sf)  }
0x574: {  	v39 =	vperm.xlane v54, v55;
	v40 =	vsel vm2, s17, v40;
	v1 =	vsel vm8, v48, v1;
	s14 =	sadd.s32 s24, s21;
	s25 =	smulhi.u32 $0x431BDE83, s30;
	s16 =	sshra.s32 s30, $0x1F  }
0x575: {  	v36 =	vsel vm0, s1, v8;
	s1 =	sshrl.u32 s4, $0x1F;
	v1 =	vadd.s32 v1, v38;
	s17 =	sshrl.u32 s14, $0x1F;
	s26 =	smul.u32 $0x431BDE83, s16;
	v37 =	vmul.u32 $0x1F, v37  }
0x576: {  	v45 =	vperm.xlane v29, v55;
	vm9 =	vlt.s32 v3, $0x0;
	v1 =	vmul.u32 $0xF4240, v1;
	s31 =	spop (v2sf);
	s16 =	sadd.s32 s18, s20;
	s18 =	sadd.s32 s23, s22  }
0x577: {  	v51 =	vadd.s32 $0xF4240, v3;
	v56 =	vsel vm7, s11, v53;
	s28 =	smulhi.u32 $0x431BDE83, s31;
	s20 =	sshra.s32 s31, $0x1F;
	s12 =	sshrl.u32 s16, $0x1F;
	v8 =	vadd.s32 v50, v37  }
0x578: {  	v61 =	vsel vm5, s9, v56;
	s29 =	spop (v2sf);
	s9 =	sshrl.u32 s18, $0x1F;
	v38 =	vsub.s32 v9, v1;
	s11 =	smul.u32 $0x431BDE83, s20;
	(v2sf) =	vpush v8, $0xD  }
0x579: {  	v1 =	vperm.xlane v58, v2;
	v9 =	vsel vm9, v51, v3;
	v3 =	vperm.xlane v62, v55;
	s3 =	sshra.s32 s18, $0x1F;
	s22 =	smulhi.u32 $0x431BDE83, s29;
	s19 =	sshra.s32 s29, $0x1F  }
0x57a: {  	v30 =	vsel vm1, s15, v47;
	s19 =	smul.u32 $0x431BDE83, s19;
	v37 =	vsel vm11, s8, v61;
	s8 =	sshra.s32 s10, $0x12;
	s10 =	sshra.s32 s6, $0x12;
	(v2sf) =	vpush v8, $0xC  }
0x57b: {  	v1 =	vsel vm8, v1, v39;
	v3 =	vsel vm8, v44, v3;
	s6 =	sshra.s32 s4, $0x12;
	v50 =	vsel vm2, s1, v30;
	s1 =	sshra.s32 s18, $0x12;
	s30 =	spop (v2sf)  }
0x57c: {  	s4 =	sshra.s32 s14, $0x12;
	v1 =	vadd.s32 v1, v3;
	v3 =	vsel vm8, v46, v45;
	s21 =	smulhi.u32 $0x431BDE83, s30;
	s20 =	sshra.s32 s30, $0x1F;
	(v2sf) =	vpush v8, $0xE  }
0x57d: {  	s24 =	spop (v2sf);
	v3 =	vadd.s32 v3, v23;
	v23 =	vsel vm0, s7, v40;
	s7 =	sshra.s32 s14, $0x1F;
	s31 =	smul.u32 $0x431BDE83, s20;
	(v2sf) =	vpush v8, $0xF  }
0x57e: {  	vm10 =	vmmov vm14;
	vm3 =	vmmov vm0;
	s20 =	sadd.s32 s26, s25;
	s26 =	smulhi.u32 $0x431BDE83, s24;
	s23 =	sshra.s32 s24, $0x1F;
	(v2sf) =	vpush v8, $0x9  }
0x57f: {  	vm14 =	vmmov vm11;
	v56 =	vperm.xlane v27, v55;
	s25 =	sadd.s32 s11, s28;
	s29 =	spop (v2sf);
	s11 =	smul.u32 $0x431BDE83, s23;
	(v2sf) =	vpush v8, $0x8  }
0x580: {  	v48 =	vmov s9;
	vm11 =	vcmask $0x300;
	s28 =	sadd.s32 s19, s22;
	s19 =	smulhi.u32 $0x431BDE83, s29;
	s30 =	sshra.s32 s29, $0x1F;
	(v2sf) =	vpush v8, $0xA  }
0x581: {  	v51 =	vnsel vm11, $0x0, v48;
	v52 =	vsel vm0, s12, v50;
	s29 =	sshrl.u32 s20, $0x1F;
	s12 =	sshra.s32 s20, $0x12;
	s18 =	sshra.s32 s28, $0x1F;
	(v2sf) =	vpush v8, $0xB  }
0x582: {  	vm5 =	vcmask $0xF0C;
	v61 =	vperm.xlane v19, v2;
	v53 =	vsel vm1, s17, v51;
	s24 =	sadd.s32 s31, s21;
	s31 =	smul.u32 $0x431BDE83, s30;
	s30 =	sshrl.u32 s25, $0x1F  }
0x583: {  	v22 =	vsel vm8, v22, v56;
	v1 =	vmul.u32 $0xF4240, v1;
	v54 =	vsel vm2, s29, v53;
	s29 =	sshra.s32 s20, $0x1F;
	s20 =	sshra.s32 s28, $0x12;
	s22 =	sadd.s32 s11, s26  }
0x584: {  	vm9 =	vlt.s32 v38, $0x0;
	v49 =	vadd.s32 $0xF4240, v38;
	v16 =	vsel vm8, v61, v16;
	s26 =	sshrl.u32 s28, $0x1F;
	s15 =	sshrl.u32 s24, $0x1F;
	s11 =	sshra.s32 s5, $0x12  }
0x585: {  	v3 =	vmul.u32 $0xF4240, v3;
	v16 =	vadd.s32 v22, v16;
	v1 =	vsub.s32 v10, v1;
	s5 =	sshra.s32 s16, $0x12;
	s17 =	sshra.s32 s24, $0x12;
	s21 =	sadd.s32 s31, s19  }
0x586: {  	v30 =	vperm.xlane v18, v55;
	v16 =	vmul.u32 $0xF4240, v16;
	v29 =	vadd.s32 $0xF4240, v1;
	s14 =	sshra.s32 s24, $0x1F;
	s23 =	sshrl.u32 s22, $0x1F;
	s16 =	sshra.s32 s21, $0x1F  }
0x587: {  	v3 =	vsub.s32 v11, v3;
	v11 =	vsel vm9, v49, v38;
	s19 =	sshra.s32 s0, $0x12;
	s0 =	sshra.s32 s2, $0x12;
	v57 =	vmov s16;
	s16 =	spop (v2sf)  }
0x588: {  	v38 =	vperm.xlane v20, v2;
	v10 =	vsel vm0, s30, v54;
	s31 =	sshra.s32 s25, $0x12;
	v27 =	vsel vm11, s1, v57;
	s1 =	smulhi.u32 $0x431BDE83, s16;
	s2 =	sshra.s32 s16, $0x1F  }
0x589: {  	s25 =	sshra.s32 s25, $0x1F;
	v10 =	vsel vm6, s26, v10;
	(v2sf) =	vpush v8, $0x0;
	v58 =	vsel vm12, s3, v27;
	s24 =	spop (v2sf);
	s2 =	smul.u32 $0x431BDE83, s2  }
0x58a: {  	v10 =	vsel vm10, s15, v10;
	s15 =	sshra.s32 s22, $0x12;
	(v2sf) =	vpush v8, $0x1;
	v17 =	vsel vm1, s4, v58;
	s4 =	smulhi.u32 $0x431BDE83, s24;
	s3 =	sshra.s32 s24, $0x1F  }
0x58b: {  	vm9 =	vlt.s32 v3, $0x0;
	v12 =	vsub.s32 v12, v16;
	(v2sf) =	vpush v8, $0x2;
	s16 =	sshra.s32 s22, $0x1F;
	s26 =	spop (v2sf);
	s3 =	smul.u32 $0x431BDE83, s3  }
0x58c: {  	v16 =	vsel vm8, v38, v30;
	v17 =	vsel vm5, s7, v17;
	(v2sf) =	vpush v8, $0x3;
	s22 =	smulhi.u32 $0x431BDE83, s26;
	s7 =	sshra.s32 s26, $0x1F;
	s28 =	spop (v2sf)  }
0x58d: {  	s9 =	sshrl.u32 s21, $0x1F;
	v62 =	vmov s0;
	v60 =	vsel vm2, s12, v17;
	(v2sf) =	vpush v8, $0x4;
	s7 =	smul.u32 $0x431BDE83, s7;
	s30 =	spop (v2sf)  }
0x58e: {  	v59 =	vsel vm7, s23, v10;
	v10 =	vsel vm13, s29, v60;
	(v2sf) =	vpush v8, $0x5;
	s24 =	smulhi.u32 $0x431BDE83, s28;
	s23 =	sshra.s32 s28, $0x1F;
	s26 =	spop (v2sf)  }
0x58f: {  	vm12 =	vmmov vm13;
	v10 =	vsel vm3, s31, v10;
	s0 =	sadd.s32 s2, s1;
	s1 =	smul.u32 $0x431BDE83, s23;
	s28 =	spop (v2sf);
	(v2sf) =	vpush v8, $0x6  }
0x590: {  	s12 =	sshra.s32 s21, $0x12;
	vm13 =	vlt.s32 v1, $0x0;
	v26 =	vsel vm4, s25, v10;
	s25 =	smulhi.u32 $0x431BDE83, s30;
	s29 =	spop (v2sf);
	(v2sf) =	vpush v8, $0x7  }
0x591: {  	v63 =	vsel vm1, s19, v62;
	v10 =	vsel vm13, v29, v1;
	v1 =	vadd.s32 $0xF4240, v3;
	s23 =	sshra.s32 s30, $0x1F;
	s3 =	sadd.s32 s3, s4;
	s19 =	sshrl.u32 s0, $0x1F  }
0x592: {  	v45 =	vsel vm9, v1, v3;
	v1 =	vadd.s32 v16, v43;
	s0 =	sshra.s32 s0, $0x12;
	s30 =	smul.u32 $0x431BDE83, s23;
	s2 =	sadd.s32 s7, s22  }
0x593: {  	v3 =	vcombine.low v34, v32;
	v1 =	vmul.u32 $0xF4240, v1;
	s31 =	smulhi.u32 $0x431BDE83, s26;
	s22 =	sshra.s32 s26, $0x1F;
	s23 =	sshrl.u32 s3, $0x1F  }
0x594: {  	v48 =	vcombine.low v36, v35;
	s3 =	sshra.s32 s3, $0x12;
	s1 =	sadd.s32 s1, s24;
	s21 =	smul.u32 $0x431BDE83, s22  }
0x595: {  	v3 =	vperm.xlane v3, v55;
	v13 =	vsub.s32 v13, v1;
	v1 =	vperm.xlane v33, v2;
	s26 =	smulhi.u32 $0x431BDE83, s28;
	s28 =	sshra.s32 s28, $0x1F;
	s22 =	sshrl.u32 s2, $0x1F  }
0x596: {  	v44 =	vmov s10;
	v51 =	vperm.xlane v37, v2;
	vm13 =	vcmask $0x2724;
	s2 =	sshra.s32 s2, $0x12;
	s4 =	sadd.s32 s30, s25;
	s25 =	smul.u32 $0x431BDE83, s28  }
0x597: {  	v19 =	vsel vm6, s20, v26;
	v1 =	vsel vm8, v1, v3;
	v3 =	vperm.xlane v48, v55;
	s30 =	smulhi.u32 $0x431BDE83, s29;
	s7 =	sadd.s32 s21, s31;
	s31 =	sshra.s32 s29, $0x1F  }
0x598: {  	vm0 =	vmmov vm10;
	v39 =	vsel vm14, s9, v59;
	v42 =	vsel vm13, s18, v19;
	s28 =	spop (v2sf);
	s9 =	sadd.s32 s25, s26;
	s26 =	smul.u32 $0x431BDE83, s31  }
0x599: {  	v21 =	vcombine.low v52, v23;
	v18 =	vsel vm0, s17, v42;
	s17 =	smulhi.u32 $0x431BDE83, s28;
	s29 =	spop (v2sf);
	v22 =	vsel vm8, v51, v3;
	v3 =	vld [tilespmem:$0x127];
	s25 =	sshra.s32 s28, $0x1F  }
0x59a: {  	v46 =	vsel vm1, s8, v44;
	v40 =	vadd.s32 $0xF4240, v12;
	vm10 =	vlt.s32 v12, $0x0;
	s31 =	smulhi.u32 $0x431BDE83, s29;
	s10 =	sadd.s32 s26, s30;
	s30 =	spop (v2sf)  }
0x59b: {  	v21 =	vperm.xlane v21, v55;
	v12 =	vsel vm10, v40, v12;
	v57 =	vld [tilespmem:$0x128];
	v18 =	vsel vm15, s14, v18;
	s18 =	smul.u32 $0x431BDE83, s25;
	s26 =	sshra.s32 s29, $0x1F;
	s25 =	spop (v2sf)  }
0x59c: {  	vm10 =	vcmask $0x3734;
	v17 =	vsel vm2, s13, v63;
	v18 =	vsel vm7, s15, v18;
	s20 =	sshrl.u32 s1, $0x1F;
	s14 =	smul.u32 $0x431BDE83, s26;
	s15 =	spop (v2sf)  }
0x59d: {  	vm11 =	vmmov vm4;
	v20 =	vperm.xlane v39, v2;
	v17 =	vsel vm3, s11, v17;
	s28 =	smulhi.u32 $0x431BDE83, s30;
	s29 =	sshra.s32 s30, $0x1F;
	s24 =	spop (v2sf)  }
0x59e: {  	v16 =	vsel vm2, s6, v46;
	v18 =	vsel vm10, s16, v18;
	s17 =	sadd.s32 s18, s17;
	v3 =	vmul.u32 $0x1F, v3;
	s16 =	smul.u32 $0x431BDE83, s29;
	s18 =	spop (v2sf)  }
0x59f: {  	vm4 =	vcmask $0x300;
	v47 =	vsel vm3, s5, v16;
	v50 =	vmov s23;
	s14 =	sadd.s32 s14, s31;
	s23 =	smulhi.u32 $0x431BDE83, s25;
	s30 =	spop (v2sf)  }
0x5a0: {  	vm6 =	vmmov vm0;
	v17 =	vcombine.low v47, v17;
	v3 =	vadd.s32 v57, v3;
	s8 =	sadd.s32 s16, s28;
	s31 =	smulhi.u32 $0x431BDE83, s30;
	s28 =	sshra.s32 s30, $0x1F  }
0x5a1: {  	vm0 =	vcmask $0x704;
	v33 =	vsel vm8, v20, v21;
	s1 =	sshra.s32 s1, $0x12;
	s25 =	sshra.s32 s25, $0x1F;
	(v2sf) =	vpush v3, $0xD;
	s16 =	smul.u32 $0x431BDE83, s28  }
0x5a2: {  	v17 =	vperm.xlane v17, v55;
	v52 =	vsel vm1, s19, v50;
	s13 =	sshrl.u32 s4, $0x1F;
	s21 =	sshrl.u32 s7, $0x1F;
	s25 =	smul.u32 $0x431BDE83, s25;
	(v2sf) =	vpush v3, $0xC  }
0x5a3: {  	v19 =	vsel vm2, s22, v52;
	s11 =	sshrl.u32 s9, $0x1F;
	v53 =	vmov s21;
	s6 =	sshrl.u32 s10, $0x1F;
	(v2sf) =	vpush v3, $0xE;
	s5 =	sadd.s32 s16, s31  }
0x5a4: {  	v19 =	vsel vm3, s20, v19;
	v23 =	vsel vm1, s13, v53;
	s29 =	sshrl.u32 s17, $0x1F;
	s20 =	sadd.s32 s25, s23;
	(v2sf) =	vpush v3, $0xF;
	s23 =	sshra.s32 s5, $0x1F  }
0x5a5: {  	v54 =	vmov s29;
	s13 =	smulhi.u32 $0x431BDE83, s24;
	s24 =	sshra.s32 s24, $0x1F;
	s25 =	sshra.s32 s17, $0x12;
	(v2sf) =	vpush v3, $0x9;
	v56 =	vmov s23  }
0x5a6: {  	v60 =	vmov s3;
	v24 =	vnsel vm4, $0x0, v54;
	s22 =	sshrl.u32 s8, $0x1F;
	s17 =	sshra.s32 s17, $0x1F;
	s30 =	sshrl.u32 s14, $0x1F;
	v25 =	vsel vm4, s25, v56  }
0x5a7: {  	s19 =	smul.u32 $0x431BDE83, s24;
	s29 =	sshra.s32 s18, $0x1F;
	(v2sf) =	vpush v3, $0x8;
	v24 =	vsel vm1, s30, v24;
	s30 =	sshra.s32 s14, $0x12;
	v25 =	vsel vm0, s17, v25  }
0x5a8: {  	v18 =	vsel vm14, s12, v18;
	v23 =	vsel vm2, s11, v23;
	s26 =	sshrl.u32 s20, $0x1F;
	s12 =	smul.u32 $0x431BDE83, s29;
	s14 =	sshra.s32 s14, $0x1F;
	v25 =	vsel vm1, s30, v25  }
0x5a9: {  	v23 =	vsel vm3, s6, v23;
	v24 =	vsel vm2, s22, v24;
	s31 =	smulhi.u32 $0x431BDE83, s15;
	s15 =	sshra.s32 s15, $0x1F;
	s16 =	sshra.s32 s8, $0x12;
	v59 =	vsel vm5, s14, v25  }
0x5aa: {  	s4 =	sshra.s32 s4, $0x12;
	v19 =	vcombine.low v23, v19;
	v58 =	vsel vm3, s26, v24;
	s8 =	sshra.s32 s8, $0x1F;
	s15 =	smul.u32 $0x431BDE83, s15;
	v24 =	vsel vm2, s16, v59  }
0x5ab: {  	v18 =	vperm.xlane v18, v2;
	v1 =	vadd.s32 v1, v22;
	s13 =	sadd.s32 s19, s13;
	s19 =	sshra.s32 s20, $0x12;
	s28 =	smulhi.u32 $0x431BDE83, s18;
	v24 =	vsel vm12, s8, v24  }
0x5ac: {  	v1 =	vmul.u32 $0xF4240, v1;
	v30 =	vperm.xlane v19, v55;
	s21 =	sshra.s32 s20, $0x1F;
	s23 =	sshra.s32 s7, $0x12;
	s15 =	sadd.s32 s15, s31;
	v24 =	vsel vm3, s19, v24  }
0x5ad: {  	s29 =	sshra.s32 s10, $0x12;
	s6 =	sadd.s32 s12, s28;
	v61 =	vmov s23;
	s22 =	sshra.s32 s15, $0x12;
	vm5 =	vcmask $0x2320;
	v24 =	vsel vm11, s21, v24  }
0x5ae: {  	(v2sf) =	vpush v3, $0xA;
	s26 =	sshra.s32 s9, $0x12;
	s28 =	sshra.s32 s13, $0x1F;
	s24 =	sshra.s32 s15, $0x1F;
	v26 =	vsel vm1, s4, v61;
	v24 =	vsel vm5, s22, v24  }
0x5af: {  	s25 =	sshra.s32 s13, $0x12;
	s31 =	sshrl.u32 s15, $0x1F;
	s17 =	sshrl.u32 s13, $0x1F;
	v26 =	vsel vm2, s26, v26;
	v25 =	vsel vm1, s0, v60;
	v24 =	vsel vm13, s24, v24  }
0x5b0: {  	s4 =	sshra.s32 s5, $0x12;
	v63 =	vsel vm3, s29, v26;
	v23 =	vsel vm5, s31, v58;
	s31 =	sshrl.u32 s5, $0x1F;
	s5 =	spop (v2sf);
	v24 =	vsel vm6, s25, v24  }
0x5b1: {  	s18 =	sshrl.u32 s6, $0x1F;
	s30 =	sshra.s32 s6, $0x12;
	v25 =	vsel vm2, s2, v25;
	v23 =	vsel vm6, s17, v23;
	s7 =	spop (v2sf);
	v24 =	vsel vm15, s28, v24  }
0x5b2: {  	[tilespmem:$0x248] =	vst v28;
	s2 =	sshra.s32 s6, $0x1F;
	v62 =	vsel vm3, s1, v25;
	v23 =	vsel vm7, s18, v23;
	s8 =	spop (v2sf);
	v24 =	vsel vm7, s30, v24  }
0x5b3: {  	[tilespmem:$0x258] =	vst v4;
	v4 =	vcombine.low v63, v62;
	v28 =	vsel vm14, s31, v23;
	s9 =	spop (v2sf);
	v29 =	vsel vm10, s2, v24  }
0x5b4: {  	[tilespmem:$0x268] =	vst v5;
	v5 =	vperm.xlane v28, v2;
	s10 =	spop (v2sf);
	(v2sf) =	vpush v3, $0xB;
	v31 =	vsel vm14, s4, v29  }
0x5b5: {  	v17 =	vsel vm8, v18, v17;
	s0 =	sshra.s32 s5, $0x1F;
	v4 =	vperm.xlane v4, v55;
	v32 =	vperm.xlane v31, v2  }
0x5b6: {  	[tilespmem:$0x298] =	vst v9;
	v9 =	vadd.s32 v33, v17;
	v1 =	vsub.s32 v14, v1;
	s16 =	smul.u32 $0x431BDE83, s0;
	s11 =	spop (v2sf);
	(v2sf) =	vpush v3, $0x0  }
0x5b7: {  	v34 =	vmul.u32 $0xF4240, v9;
	s12 =	smulhi.u32 $0x431BDE83, s7;
	v5 =	vsel vm8, v5, v30;
	v4 =	vsel vm8, v32, v4  }
0x5b8: {  	v35 =	vadd.s32 $0xF4240, v1;
	s21 =	smulhi.u32 $0x431BDE83, s5;
	(v2sf) =	vpush v3, $0x1;
	v4 =	vadd.s32 v5, v4  }
0x5b9: {  	v0 =	vsub.s32 v0, v34;
	s13 =	smulhi.u32 $0x431BDE83, s8;
	s23 =	sshra.s32 s8, $0x1F;
	vm15 =	vlt.s32 v1, $0x0;
	v4 =	vmul.u32 $0xF4240, v4  }
0x5ba: {  	v37 =	vadd.s32 $0xF4240, v0;
	s19 =	smul.u32 $0x431BDE83, s23;
	(v2sf) =	vpush v3, $0x2;
	v1 =	vsel vm15, v35, v1  }
0x5bb: {  	s22 =	sshra.s32 s7, $0x1F;
	s14 =	smulhi.u32 $0x431BDE83, s9;
	vm15 =	vlt.s32 v0, $0x0;
	(v2sf) =	vpush v3, $0x3;
	v4 =	vsub.s32 v8, v4  }
0x5bc: {  	s17 =	smul.u32 $0x431BDE83, s22;
	[tilespmem:$0x2F8] =	vst v1;
	v0 =	vsel vm15, v37, v0;
	vm15 =	vlt.s32 v4, $0x0;
	v1 =	vadd.s32 $0xF4240, v4  }
0x5bd: {  	s24 =	sshra.s32 s9, $0x1F;
	s15 =	smulhi.u32 $0x431BDE83, s10;
	[tilespmem:$0x308] =	vst v0;
	v0 =	vsel vm15, v1, v4  }
0x5be: {  	s20 =	smul.u32 $0x431BDE83, s24;
	(v2sf) =	vpush v3, $0x4;
	[tilespmem:$0x318] =	vst v0;
	v0 =	vld [tilespmem:$0x137]  }
0x5bf: {  	s25 =	sshra.s32 s10, $0x1F;
	s18 =	smulhi.u32 $0x431BDE83, s11  }
0x5c0: {  	[smem:$0x66F] =	sst s21;
	s26 =	sshra.s32 s11, $0x1F;
	s21 =	smul.u32 $0x431BDE83, s25;
	(v2sf) =	vpush v3, $0x5;
	v1 =	vld [tilespmem:$0x138]  }
0x5c1: {  	s23 =	smul.u32 $0x431BDE83, s26;
	s28 =	spop (v2sf)  }
0x5c2: {  	s22 =	smulhi.u32 $0x431BDE83, s28;
	s0 =	sshra.s32 s28, $0x1F;
	(v2sf) =	vpush v3, $0x6  }
0x5c3: {  	s25 =	smul.u32 $0x431BDE83, s0;
	s29 =	spop (v2sf);
	v0 =	vmul.u32 $0x1F, v0  }
0x5c4: {  	(v2sf) =	vpush v3, $0x7;
	s24 =	smulhi.u32 $0x431BDE83, s29;
	s0 =	sshra.s32 s29, $0x1F  }
0x5c5: {  	s30 =	spop (v2sf);
	s26 =	smul.u32 $0x431BDE83, s0;
	v4 =	vadd.s32 v1, v0  }
0x5c6: {  	s28 =	smulhi.u32 $0x431BDE83, s30;
	s0 =	sshra.s32 s30, $0x1F;
	(v2sf) =	vpush v4, $0xD  }
0x5c7: {  	s31 =	spop (v2sf);
	s5 =	smul.u32 $0x431BDE83, s0  }
0x5c8: {  	s29 =	smulhi.u32 $0x431BDE83, s31;
	s0 =	sshra.s32 s31, $0x1F  }
0x5c9: {  	s1 =	spop (v2sf);
	s8 =	smul.u32 $0x431BDE83, s0;
	(v2sf) =	vpush v4, $0xC  }
0x5ca: {  	s30 =	smulhi.u32 $0x431BDE83, s1;
	s0 =	sshra.s32 s1, $0x1F  }
0x5cb: {  	s2 =	spop (v2sf);
	s4 =	smul.u32 $0x431BDE83, s0  }
0x5cc: {  	s31 =	smulhi.u32 $0x431BDE83, s2;
	s0 =	sshra.s32 s2, $0x1F;
	(v2sf) =	vpush v4, $0xE  }
0x5cd: {  	s3 =	spop (v2sf);
	s6 =	smul.u32 $0x431BDE83, s0  }
0x5ce: {  	s7 =	smulhi.u32 $0x431BDE83, s3;
	s0 =	sshra.s32 s3, $0x1F  }
0x5cf: {  	s9 =	spop (v2sf);
	s3 =	smul.u32 $0x431BDE83, s0;
	(v2sf) =	vpush v4, $0xF  }
0x5d0: {  	s10 =	smulhi.u32 $0x431BDE83, s9;
	s0 =	sshra.s32 s9, $0x1F  }
0x5d1: {  	s11 =	spop (v2sf);
	s1 =	smul.u32 $0x431BDE83, s0  }
0x5d2: {  	[smem:$0x670] =	sst s7;
	s7 =	smulhi.u32 $0x431BDE83, s11;
	(v2sf) =	vpush v4, $0x9  }
0x5d3: {  	[smem:$0x671] =	sst s10;
	s9 =	spop (v2sf)  }
0x5d4: {  	s0 =	sshra.s32 s11, $0x1F;
	[smem:$0x672] =	sst s7;
	s10 =	smulhi.u32 $0x431BDE83, s9  }
0x5d5: {  	s7 =	smul.u32 $0x431BDE83, s0;
	(v2sf) =	vpush v4, $0x8;
	s11 =	spop (v2sf)  }
0x5d6: {  	[smem:$0x673] =	sst s10;
	s10 =	smulhi.u32 $0x431BDE83, s11;
	s2 =	sshra.s32 s11, $0x1F  }
0x5d7: {  	s2 =	smul.u32 $0x431BDE83, s2  }
0x5d8: {  	(v2sf) =	vpush v4, $0xA;
	s11 =	spop (v2sf);
	[smem:$0x674] =	sst s10  }
0x5d9: {  	s10 =	smulhi.u32 $0x431BDE83, s11;
	[smem:$0x675] =	sst s2;
	s2 =	sshra.s32 s11, $0x1F  }
0x5da: {  	s2 =	smul.u32 $0x431BDE83, s2  }
0x5db: {  	(v2sf) =	vpush v4, $0xB;
	s11 =	spop (v2sf);
	[smem:$0x676] =	sst s10  }
0x5dc: {  	s10 =	smulhi.u32 $0x431BDE83, s11;
	[smem:$0x677] =	sst s2;
	s2 =	sshra.s32 s11, $0x1F  }
0x5dd: {  	s2 =	smul.u32 $0x431BDE83, s2  }
0x5de: {  	(v2sf) =	vpush v4, $0x0;
	[smem:$0x678] =	sst s10;
	s11 =	spop (v2sf)  }
0x5df: {  	s10 =	smulhi.u32 $0x431BDE83, s11;
	[smem:$0x679] =	sst s2;
	s2 =	sshra.s32 s11, $0x1F  }
0x5e0: {  	(v2sf) =	vpush v4, $0x1;
	s2 =	smul.u32 $0x431BDE83, s2  }
0x5e1: {  	[smem:$0x67A] =	sst s10;
	s11 =	spop (v2sf)  }
0x5e2: {  	s10 =	smulhi.u32 $0x431BDE83, s11;
	[smem:$0x67B] =	sst s2;
	s2 =	sshra.s32 s11, $0x1F  }
0x5e3: {  	s2 =	smul.u32 $0x431BDE83, s2  }
0x5e4: {  	(v2sf) =	vpush v4, $0x2;
	[smem:$0x67C] =	sst s10;
	s11 =	spop (v2sf)  }
0x5e5: {  	s10 =	smulhi.u32 $0x431BDE83, s11;
	[smem:$0x67D] =	sst s2;
	s2 =	sshra.s32 s11, $0x1F  }
0x5e6: {  	s2 =	smul.u32 $0x431BDE83, s2  }
0x5e7: {  	[smem:$0x67E] =	sst s10;
	s11 =	spop (v2sf)  }
0x5e8: {  	(v2sf) =	vpush v4, $0x3;
	s10 =	smulhi.u32 $0x431BDE83, s11;
	[smem:$0x67F] =	sst s2;
	s2 =	sshra.s32 s11, $0x1F  }
0x5e9: {  	s2 =	smul.u32 $0x431BDE83, s2  }
0x5ea: {  	(v2sf) =	vpush v4, $0x4;
	[smem:$0x680] =	sst s10;
	s11 =	spop (v2sf)  }
0x5eb: {  	s10 =	smulhi.u32 $0x431BDE83, s11;
	[smem:$0x681] =	sst s2;
	s2 =	sshra.s32 s11, $0x1F  }
0x5ec: {  	s2 =	smul.u32 $0x431BDE83, s2  }
0x5ed: {  	[smem:$0x682] =	sst s10;
	s11 =	spop (v2sf)  }
0x5ee: {  	(v2sf) =	vpush v4, $0x5;
	s10 =	smulhi.u32 $0x431BDE83, s11;
	[smem:$0x683] =	sst s2;
	s2 =	sshra.s32 s11, $0x1F  }
0x5ef: {  	s0 =	sshra.s32 s9, $0x1F;
	s9 =	smul.u32 $0x431BDE83, s2;
	s2 =	spop (v2sf)  }
0x5f0: {  	s11 =	smulhi.u32 $0x431BDE83, s2;
	s2 =	sshra.s32 s2, $0x1F  }
0x5f1: {  	s2 =	smul.u32 $0x431BDE83, s2  }
0x5f2: {  	v0 =	vld [tilespmem:$0x147];
	(v2sf) =	vpush v4, $0x6  }
0x5f3: {  	[smem:$0x686] =	sst s2;
	s2 =	spop (v2sf)  }
0x5f4: {  	v1 =	vld [tilespmem:$0x148];
	[smem:$0x685] =	sst s11;
	s11 =	smulhi.u32 $0x431BDE83, s2;
	s2 =	sshra.s32 s2, $0x1F  }
0x5f5: {  	s2 =	smul.u32 $0x431BDE83, s2  }
0x5f6: {  	(v2sf) =	vpush v4, $0x7  }
0x5f7: {  	v0 =	vmul.u32 $0x1F, v0;
	[smem:$0x688] =	sst s2;
	s2 =	spop (v2sf)  }
0x5f8: {  	[smem:$0x687] =	sst s11;
	s11 =	smulhi.u32 $0x431BDE83, s2  }
0x5f9: {  	[tilespmem:$0x278] =	vst v7;
	v7 =	vadd.s32 v1, v0;
	[smem:$0x684] =	sst s10;
	s10 =	spop (v2sf)  }
0x5fa: {  	(v2sf) =	vpush v7, $0xD;
	[smem:$0x689] =	sst s11;
	s11 =	smulhi.u32 $0x431BDE83, s10;
	s10 =	sshra.s32 s10, $0x1F  }
0x5fb: {  	s10 =	smul.u32 $0x431BDE83, s10;
	_ =	sdelay $0x1  }
0x5fc: {  	[smem:$0x68B] =	sst s10;
	s10 =	spop (v2sf)  }
0x5fd: {  	(v2sf) =	vpush v7, $0xC;
	[smem:$0x68A] =	sst s11;
	s11 =	smulhi.u32 $0x431BDE83, s10;
	s10 =	sshra.s32 s10, $0x1F  }
0x5fe: {  	s10 =	smul.u32 $0x431BDE83, s10;
	_ =	sdelay $0x1  }
0x5ff: {  	[smem:$0x68D] =	sst s10;
	s10 =	spop (v2sf)  }
0x600: {  	(v2sf) =	vpush v7, $0xE;
	[smem:$0x68C] =	sst s11;
	s11 =	smulhi.u32 $0x431BDE83, s10;
	s10 =	sshra.s32 s10, $0x1F  }
0x601: {  	s10 =	smul.u32 $0x431BDE83, s10;
	_ =	sdelay $0x1  }
0x602: {  	[smem:$0x68F] =	sst s10;
	s10 =	spop (v2sf)  }
0x603: {  	(v2sf) =	vpush v7, $0xF;
	[smem:$0x68E] =	sst s11;
	s11 =	smulhi.u32 $0x431BDE83, s10;
	s10 =	sshra.s32 s10, $0x1F  }
0x604: {  	s10 =	smul.u32 $0x431BDE83, s10;
	_ =	sdelay $0x1  }
0x605: {  	[smem:$0x691] =	sst s10;
	s10 =	spop (v2sf)  }
0x606: {  	(v2sf) =	vpush v7, $0x9;
	[smem:$0x690] =	sst s11;
	s11 =	smulhi.u32 $0x431BDE83, s10;
	s10 =	sshra.s32 s10, $0x1F  }
0x607: {  	s10 =	smul.u32 $0x431BDE83, s10;
	_ =	sdelay $0x1  }
0x608: {  	[smem:$0x693] =	sst s10;
	s10 =	spop (v2sf)  }
0x609: {  	(v2sf) =	vpush v7, $0x8;
	[smem:$0x692] =	sst s11;
	s11 =	smulhi.u32 $0x431BDE83, s10;
	s10 =	sshra.s32 s10, $0x1F  }
0x60a: {  	s10 =	smul.u32 $0x431BDE83, s10;
	_ =	sdelay $0x1  }
0x60b: {  	[smem:$0x695] =	sst s10;
	s10 =	spop (v2sf)  }
0x60c: {  	(v2sf) =	vpush v7, $0xA;
	[smem:$0x694] =	sst s11;
	s11 =	smulhi.u32 $0x431BDE83, s10;
	s10 =	sshra.s32 s10, $0x1F  }
0x60d: {  	s10 =	smul.u32 $0x431BDE83, s10;
	_ =	sdelay $0x1  }
0x60e: {  	[smem:$0x697] =	sst s10;
	s10 =	spop (v2sf)  }
0x60f: {  	(v2sf) =	vpush v7, $0xB;
	[smem:$0x696] =	sst s11;
	s11 =	smulhi.u32 $0x431BDE83, s10;
	s10 =	sshra.s32 s10, $0x1F  }
0x610: {  	s10 =	smul.u32 $0x431BDE83, s10;
	_ =	sdelay $0x1  }
0x611: {  	[smem:$0x699] =	sst s10;
	s10 =	spop (v2sf)  }
0x612: {  	(v2sf) =	vpush v7, $0x0;
	[smem:$0x698] =	sst s11;
	s11 =	smulhi.u32 $0x431BDE83, s10;
	s10 =	sshra.s32 s10, $0x1F  }
0x613: {  	s10 =	smul.u32 $0x431BDE83, s10;
	_ =	sdelay $0x1  }
0x614: {  	[smem:$0x69B] =	sst s10;
	s10 =	spop (v2sf)  }
0x615: {  	(v2sf) =	vpush v7, $0x1;
	[smem:$0x69A] =	sst s11;
	s11 =	smulhi.u32 $0x431BDE83, s10;
	s10 =	sshra.s32 s10, $0x1F  }
0x616: {  	s10 =	smul.u32 $0x431BDE83, s10;
	_ =	sdelay $0x1  }
0x617: {  	[smem:$0x69D] =	sst s10;
	s10 =	spop (v2sf)  }
0x618: {  	(v2sf) =	vpush v7, $0x2;
	[smem:$0x69C] =	sst s11;
	s11 =	smulhi.u32 $0x431BDE83, s10;
	s10 =	sshra.s32 s10, $0x1F  }
0x619: {  	s10 =	smul.u32 $0x431BDE83, s10;
	_ =	sdelay $0x1  }
0x61a: {  	[smem:$0x69F] =	sst s10;
	s10 =	spop (v2sf)  }
0x61b: {  	(v2sf) =	vpush v7, $0x3;
	[smem:$0x69E] =	sst s11;
	s11 =	smulhi.u32 $0x431BDE83, s10;
	s10 =	sshra.s32 s10, $0x1F  }
0x61c: {  	s10 =	smul.u32 $0x431BDE83, s10;
	_ =	sdelay $0x1  }
0x61d: {  	[smem:$0x6A1] =	sst s10;
	s10 =	spop (v2sf)  }
0x61e: {  	(v2sf) =	vpush v7, $0x4;
	[smem:$0x6A0] =	sst s11;
	s11 =	smulhi.u32 $0x431BDE83, s10;
	s10 =	sshra.s32 s10, $0x1F  }
0x61f: {  	s10 =	smul.u32 $0x431BDE83, s10;
	_ =	sdelay $0x1  }
0x620: {  	[smem:$0x6A3] =	sst s10;
	s10 =	spop (v2sf)  }
0x621: {  	(v2sf) =	vpush v7, $0x5;
	[smem:$0x6A2] =	sst s11;
	s11 =	smulhi.u32 $0x431BDE83, s10;
	s10 =	sshra.s32 s10, $0x1F  }
0x622: {  	s10 =	smul.u32 $0x431BDE83, s10;
	_ =	sdelay $0x1  }
0x623: {  	[smem:$0x6A5] =	sst s10;
	s10 =	spop (v2sf)  }
0x624: {  	v0 =	vld [tilespmem:$0x157];
	(v2sf) =	vpush v7, $0x6;
	[smem:$0x6A4] =	sst s11;
	s11 =	smulhi.u32 $0x431BDE83, s10;
	s10 =	sshra.s32 s10, $0x1F  }
0x625: {  	s10 =	smul.u32 $0x431BDE83, s10  }
0x626: {  	v1 =	vld [tilespmem:$0x158]  }
0x627: {  	[smem:$0x6A7] =	sst s10;
	s10 =	spop (v2sf)  }
0x628: {  	(v2sf) =	vpush v7, $0x7;
	[smem:$0x6A6] =	sst s11;
	s11 =	smulhi.u32 $0x431BDE83, s10;
	s10 =	sshra.s32 s10, $0x1F  }
0x629: {  	v0 =	vmul.u32 $0x1F, v0;
	s10 =	smul.u32 $0x431BDE83, s10;
	_ =	sdelay $0x1  }
0x62a: {  	v5 =	vadd.s32 v1, v0;
	[smem:$0x6A9] =	sst s10;
	s10 =	spop (v2sf)  }
0x62b: {  	(v2sf) =	vpush v5, $0xD;
	[smem:$0x6A8] =	sst s11;
	s11 =	smulhi.u32 $0x431BDE83, s10;
	s10 =	sshra.s32 s10, $0x1F  }
0x62c: {  	s10 =	smul.u32 $0x431BDE83, s10;
	_ =	sdelay $0x1  }
0x62d: {  	[smem:$0x6AB] =	sst s10;
	s10 =	spop (v2sf)  }
0x62e: {  	(v2sf) =	vpush v5, $0xC;
	[smem:$0x6AA] =	sst s11;
	s11 =	smulhi.u32 $0x431BDE83, s10;
	s10 =	sshra.s32 s10, $0x1F  }
0x62f: {  	s10 =	smul.u32 $0x431BDE83, s10;
	_ =	sdelay $0x1  }
0x630: {  	[smem:$0x6AD] =	sst s10;
	s10 =	spop (v2sf)  }
0x631: {  	(v2sf) =	vpush v5, $0xE;
	[smem:$0x6AC] =	sst s11;
	s11 =	smulhi.u32 $0x431BDE83, s10;
	s10 =	sshra.s32 s10, $0x1F  }
0x632: {  	s10 =	smul.u32 $0x431BDE83, s10;
	_ =	sdelay $0x1  }
0x633: {  	[smem:$0x6AF] =	sst s10;
	s10 =	spop (v2sf)  }
0x634: {  	(v2sf) =	vpush v5, $0xF;
	[smem:$0x6AE] =	sst s11;
	s11 =	smulhi.u32 $0x431BDE83, s10;
	s10 =	sshra.s32 s10, $0x1F  }
0x635: {  	s10 =	smul.u32 $0x431BDE83, s10;
	_ =	sdelay $0x1  }
0x636: {  	[smem:$0x6B1] =	sst s10;
	s10 =	spop (v2sf)  }
0x637: {  	(v2sf) =	vpush v5, $0x9;
	[smem:$0x6B0] =	sst s11;
	s11 =	smulhi.u32 $0x431BDE83, s10;
	s10 =	sshra.s32 s10, $0x1F  }
0x638: {  	s10 =	smul.u32 $0x431BDE83, s10;
	_ =	sdelay $0x1  }
0x639: {  	[smem:$0x6B3] =	sst s10;
	s10 =	spop (v2sf)  }
0x63a: {  	(v2sf) =	vpush v5, $0x8;
	[smem:$0x6B2] =	sst s11;
	s11 =	smulhi.u32 $0x431BDE83, s10;
	s10 =	sshra.s32 s10, $0x1F  }
0x63b: {  	s10 =	smul.u32 $0x431BDE83, s10;
	_ =	sdelay $0x1  }
0x63c: {  	[smem:$0x6B5] =	sst s10;
	s10 =	spop (v2sf)  }
0x63d: {  	(v2sf) =	vpush v5, $0xA;
	[smem:$0x6B4] =	sst s11;
	s11 =	smulhi.u32 $0x431BDE83, s10;
	s10 =	sshra.s32 s10, $0x1F  }
0x63e: {  	s10 =	smul.u32 $0x431BDE83, s10;
	_ =	sdelay $0x1  }
0x63f: {  	[smem:$0x6B7] =	sst s10;
	s10 =	spop (v2sf)  }
0x640: {  	(v2sf) =	vpush v5, $0xB;
	[smem:$0x6B6] =	sst s11;
	s11 =	smulhi.u32 $0x431BDE83, s10;
	s10 =	sshra.s32 s10, $0x1F  }
0x641: {  	s10 =	smul.u32 $0x431BDE83, s10;
	_ =	sdelay $0x1  }
0x642: {  	[smem:$0x6B9] =	sst s10;
	s10 =	spop (v2sf)  }
0x643: {  	(v2sf) =	vpush v5, $0x0;
	[smem:$0x6B8] =	sst s11;
	s11 =	smulhi.u32 $0x431BDE83, s10;
	s10 =	sshra.s32 s10, $0x1F  }
0x644: {  	s10 =	smul.u32 $0x431BDE83, s10;
	_ =	sdelay $0x1  }
0x645: {  	[smem:$0x6BB] =	sst s10;
	s10 =	spop (v2sf)  }
0x646: {  	(v2sf) =	vpush v5, $0x1;
	[smem:$0x6BA] =	sst s11;
	s11 =	smulhi.u32 $0x431BDE83, s10;
	s10 =	sshra.s32 s10, $0x1F  }
0x647: {  	s10 =	smul.u32 $0x431BDE83, s10;
	_ =	sdelay $0x1  }
0x648: {  	[smem:$0x6BD] =	sst s10;
	s10 =	spop (v2sf)  }
0x649: {  	(v2sf) =	vpush v5, $0x2;
	[smem:$0x6BC] =	sst s11;
	s11 =	smulhi.u32 $0x431BDE83, s10;
	s10 =	sshra.s32 s10, $0x1F  }
0x64a: {  	s10 =	smul.u32 $0x431BDE83, s10;
	_ =	sdelay $0x1  }
0x64b: {  	[smem:$0x6BF] =	sst s10;
	s10 =	spop (v2sf)  }
0x64c: {  	(v2sf) =	vpush v5, $0x3;
	[smem:$0x6BE] =	sst s11;
	s11 =	smulhi.u32 $0x431BDE83, s10;
	s10 =	sshra.s32 s10, $0x1F  }
0x64d: {  	s10 =	smul.u32 $0x431BDE83, s10;
	_ =	sdelay $0x1  }
0x64e: {  	[smem:$0x6C1] =	sst s10;
	s10 =	spop (v2sf)  }
0x64f: {  	(v2sf) =	vpush v5, $0x4;
	[smem:$0x6C0] =	sst s11;
	s11 =	smulhi.u32 $0x431BDE83, s10;
	s10 =	sshra.s32 s10, $0x1F  }
0x650: {  	s10 =	smul.u32 $0x431BDE83, s10;
	_ =	sdelay $0x1  }
0x651: {  	[smem:$0x6C3] =	sst s10;
	s10 =	spop (v2sf)  }
0x652: {  	(v2sf) =	vpush v5, $0x5;
	[smem:$0x6C2] =	sst s11;
	s11 =	smulhi.u32 $0x431BDE83, s10;
	s10 =	sshra.s32 s10, $0x1F  }
0x653: {  	s10 =	smul.u32 $0x431BDE83, s10;
	_ =	sdelay $0x1  }
0x654: {  	[smem:$0x6C5] =	sst s10;
	s10 =	spop (v2sf)  }
0x655: {  	v0 =	vld [tilespmem:$0x167];
	(v2sf) =	vpush v5, $0x6;
	[smem:$0x6C4] =	sst s11;
	s11 =	smulhi.u32 $0x431BDE83, s10;
	s10 =	sshra.s32 s10, $0x1F  }
0x656: {  	s10 =	smul.u32 $0x431BDE83, s10  }
0x657: {  	v1 =	vld [tilespmem:$0x168]  }
0x658: {  	[smem:$0x6C7] =	sst s10;
	s10 =	spop (v2sf)  }
0x659: {  	(v2sf) =	vpush v5, $0x7;
	[smem:$0x6C6] =	sst s11;
	s11 =	smulhi.u32 $0x431BDE83, s10;
	s10 =	sshra.s32 s10, $0x1F  }
0x65a: {  	v0 =	vmul.u32 $0x1F, v0;
	s10 =	smul.u32 $0x431BDE83, s10;
	_ =	sdelay $0x1  }
0x65b: {  	[tilespmem:$0x288] =	vst v6;
	v6 =	vadd.s32 v1, v0;
	[smem:$0x6C9] =	sst s10;
	s10 =	spop (v2sf)  }
0x65c: {  	(v2sf) =	vpush v6, $0xD;
	[smem:$0x6C8] =	sst s11;
	s11 =	smulhi.u32 $0x431BDE83, s10;
	s10 =	sshra.s32 s10, $0x1F  }
0x65d: {  	s10 =	smul.u32 $0x431BDE83, s10;
	_ =	sdelay $0x1  }
0x65e: {  	[smem:$0x6CB] =	sst s10;
	s10 =	spop (v2sf)  }
0x65f: {  	(v2sf) =	vpush v6, $0xC;
	[smem:$0x6CA] =	sst s11;
	s11 =	smulhi.u32 $0x431BDE83, s10;
	s10 =	sshra.s32 s10, $0x1F  }
0x660: {  	s10 =	smul.u32 $0x431BDE83, s10;
	_ =	sdelay $0x1  }
0x661: {  	[smem:$0x6CD] =	sst s10;
	s10 =	spop (v2sf)  }
0x662: {  	(v2sf) =	vpush v6, $0xE;
	[smem:$0x6CC] =	sst s11;
	s11 =	smulhi.u32 $0x431BDE83, s10;
	s10 =	sshra.s32 s10, $0x1F  }
0x663: {  	s10 =	smul.u32 $0x431BDE83, s10;
	_ =	sdelay $0x1  }
0x664: {  	[smem:$0x6CF] =	sst s10;
	s10 =	spop (v2sf)  }
0x665: {  	(v2sf) =	vpush v6, $0xF;
	[smem:$0x6CE] =	sst s11;
	s11 =	smulhi.u32 $0x431BDE83, s10;
	s10 =	sshra.s32 s10, $0x1F  }
0x666: {  	s10 =	smul.u32 $0x431BDE83, s10;
	_ =	sdelay $0x1  }
0x667: {  	[smem:$0x6D1] =	sst s10;
	s10 =	spop (v2sf)  }
0x668: {  	(v2sf) =	vpush v6, $0x9;
	[smem:$0x6D0] =	sst s11;
	s11 =	smulhi.u32 $0x431BDE83, s10;
	s10 =	sshra.s32 s10, $0x1F  }
0x669: {  	s10 =	smul.u32 $0x431BDE83, s10;
	_ =	sdelay $0x1  }
0x66a: {  	[smem:$0x6D3] =	sst s10;
	s10 =	spop (v2sf)  }
0x66b: {  	(v2sf) =	vpush v6, $0x8;
	[smem:$0x6D2] =	sst s11;
	s11 =	smulhi.u32 $0x431BDE83, s10;
	s10 =	sshra.s32 s10, $0x1F  }
0x66c: {  	s10 =	smul.u32 $0x431BDE83, s10;
	_ =	sdelay $0x1  }
0x66d: {  	[smem:$0x6D5] =	sst s10;
	s10 =	spop (v2sf)  }
0x66e: {  	(v2sf) =	vpush v6, $0xA;
	[smem:$0x6D4] =	sst s11;
	s11 =	smulhi.u32 $0x431BDE83, s10;
	s10 =	sshra.s32 s10, $0x1F  }
0x66f: {  	s10 =	smul.u32 $0x431BDE83, s10;
	_ =	sdelay $0x1  }
0x670: {  	[smem:$0x6D7] =	sst s10;
	s10 =	spop (v2sf)  }
0x671: {  	(v2sf) =	vpush v6, $0xB;
	[smem:$0x6D6] =	sst s11;
	s11 =	smulhi.u32 $0x431BDE83, s10;
	s10 =	sshra.s32 s10, $0x1F  }
0x672: {  	s10 =	smul.u32 $0x431BDE83, s10;
	_ =	sdelay $0x1  }
0x673: {  	[smem:$0x6D9] =	sst s10;
	s10 =	spop (v2sf)  }
0x674: {  	(v2sf) =	vpush v6, $0x0;
	[smem:$0x6D8] =	sst s11;
	s11 =	smulhi.u32 $0x431BDE83, s10;
	s10 =	sshra.s32 s10, $0x1F  }
0x675: {  	s10 =	smul.u32 $0x431BDE83, s10;
	_ =	sdelay $0x1  }
0x676: {  	[smem:$0x6DB] =	sst s10;
	s10 =	spop (v2sf)  }
0x677: {  	(v2sf) =	vpush v6, $0x1;
	[smem:$0x6DA] =	sst s11;
	s11 =	smulhi.u32 $0x431BDE83, s10;
	s10 =	sshra.s32 s10, $0x1F  }
0x678: {  	s10 =	smul.u32 $0x431BDE83, s10;
	_ =	sdelay $0x1  }
0x679: {  	[smem:$0x6DD] =	sst s10;
	s10 =	spop (v2sf)  }
0x67a: {  	(v2sf) =	vpush v6, $0x2;
	[smem:$0x6DC] =	sst s11;
	s11 =	smulhi.u32 $0x431BDE83, s10;
	s10 =	sshra.s32 s10, $0x1F  }
0x67b: {  	s10 =	smul.u32 $0x431BDE83, s10;
	_ =	sdelay $0x1  }
0x67c: {  	[smem:$0x6DF] =	sst s10;
	s10 =	spop (v2sf)  }
0x67d: {  	(v2sf) =	vpush v6, $0x3;
	[smem:$0x6DE] =	sst s11;
	s11 =	smulhi.u32 $0x431BDE83, s10;
	s10 =	sshra.s32 s10, $0x1F  }
0x67e: {  	s10 =	smul.u32 $0x431BDE83, s10;
	_ =	sdelay $0x1  }
0x67f: {  	[smem:$0x6E1] =	sst s10;
	s10 =	spop (v2sf)  }
0x680: {  	(v2sf) =	vpush v6, $0x4;
	[smem:$0x6E0] =	sst s11;
	s11 =	smulhi.u32 $0x431BDE83, s10;
	s10 =	sshra.s32 s10, $0x1F  }
0x681: {  	s10 =	smul.u32 $0x431BDE83, s10;
	_ =	sdelay $0x1  }
0x682: {  	[smem:$0x6E3] =	sst s10;
	s10 =	spop (v2sf)  }
0x683: {  	(v2sf) =	vpush v6, $0x5;
	[smem:$0x6E2] =	sst s11;
	s11 =	smulhi.u32 $0x431BDE83, s10;
	s10 =	sshra.s32 s10, $0x1F  }
0x684: {  	s10 =	smul.u32 $0x431BDE83, s10;
	_ =	sdelay $0x1  }
0x685: {  	[smem:$0x6E5] =	sst s10;
	s10 =	spop (v2sf)  }
0x686: {  	v0 =	vld [tilespmem:$0x177];
	(v2sf) =	vpush v6, $0x6;
	[smem:$0x6E4] =	sst s11;
	s11 =	smulhi.u32 $0x431BDE83, s10;
	s10 =	sshra.s32 s10, $0x1F  }
0x687: {  	s10 =	smul.u32 $0x431BDE83, s10  }
0x688: {  	v1 =	vld [tilespmem:$0x178]  }
0x689: {  	[smem:$0x6E7] =	sst s10;
	s10 =	spop (v2sf)  }
0x68a: {  	(v2sf) =	vpush v6, $0x7;
	[smem:$0x6E6] =	sst s11;
	s11 =	smulhi.u32 $0x431BDE83, s10;
	s10 =	sshra.s32 s10, $0x1F  }
0x68b: {  	v0 =	vmul.u32 $0x1F, v0;
	s10 =	smul.u32 $0x431BDE83, s10;
	_ =	sdelay $0x1  }
0x68c: {  	v9 =	vadd.s32 v1, v0;
	[smem:$0x6E9] =	sst s10;
	s10 =	spop (v2sf)  }
0x68d: {  	(v2sf) =	vpush v9, $0xD;
	[smem:$0x6E8] =	sst s11;
	s11 =	smulhi.u32 $0x431BDE83, s10;
	s10 =	sshra.s32 s10, $0x1F  }
0x68e: {  	s10 =	smul.u32 $0x431BDE83, s10;
	_ =	sdelay $0x1  }
0x68f: {  	[smem:$0x6EB] =	sst s10;
	s10 =	spop (v2sf)  }
0x690: {  	(v2sf) =	vpush v9, $0xC;
	[smem:$0x6EA] =	sst s11;
	s11 =	smulhi.u32 $0x431BDE83, s10;
	s10 =	sshra.s32 s10, $0x1F  }
0x691: {  	s10 =	smul.u32 $0x431BDE83, s10;
	_ =	sdelay $0x1  }
0x692: {  	[smem:$0x6ED] =	sst s10;
	s10 =	spop (v2sf)  }
0x693: {  	(v2sf) =	vpush v9, $0xE;
	[smem:$0x6EC] =	sst s11;
	s11 =	smulhi.u32 $0x431BDE83, s10;
	s10 =	sshra.s32 s10, $0x1F  }
0x694: {  	s10 =	smul.u32 $0x431BDE83, s10;
	_ =	sdelay $0x1  }
0x695: {  	[smem:$0x6EF] =	sst s10;
	s10 =	spop (v2sf)  }
0x696: {  	(v2sf) =	vpush v9, $0xF;
	[smem:$0x6EE] =	sst s11;
	s11 =	smulhi.u32 $0x431BDE83, s10;
	s10 =	sshra.s32 s10, $0x1F  }
0x697: {  	s10 =	smul.u32 $0x431BDE83, s10;
	_ =	sdelay $0x1  }
0x698: {  	[smem:$0x6F1] =	sst s10;
	s10 =	spop (v2sf)  }
0x699: {  	(v2sf) =	vpush v9, $0x9;
	[smem:$0x6F0] =	sst s11;
	s11 =	smulhi.u32 $0x431BDE83, s10;
	s10 =	sshra.s32 s10, $0x1F  }
0x69a: {  	s10 =	smul.u32 $0x431BDE83, s10;
	_ =	sdelay $0x1  }
0x69b: {  	[smem:$0x6F3] =	sst s10;
	s10 =	spop (v2sf)  }
0x69c: {  	(v2sf) =	vpush v9, $0x8;
	[smem:$0x6F2] =	sst s11;
	s11 =	smulhi.u32 $0x431BDE83, s10;
	s10 =	sshra.s32 s10, $0x1F  }
0x69d: {  	s10 =	smul.u32 $0x431BDE83, s10;
	_ =	sdelay $0x1  }
0x69e: {  	[smem:$0x6F5] =	sst s10;
	s10 =	spop (v2sf)  }
0x69f: {  	(v2sf) =	vpush v9, $0xA;
	[smem:$0x6F4] =	sst s11;
	s11 =	smulhi.u32 $0x431BDE83, s10;
	s10 =	sshra.s32 s10, $0x1F  }
0x6a0: {  	s10 =	smul.u32 $0x431BDE83, s10;
	_ =	sdelay $0x1  }
0x6a1: {  	[smem:$0x6F7] =	sst s10;
	s10 =	spop (v2sf)  }
0x6a2: {  	(v2sf) =	vpush v9, $0xB;
	[smem:$0x6F6] =	sst s11;
	s11 =	smulhi.u32 $0x431BDE83, s10;
	s10 =	sshra.s32 s10, $0x1F  }
0x6a3: {  	s10 =	smul.u32 $0x431BDE83, s10;
	_ =	sdelay $0x1  }
0x6a4: {  	[smem:$0x6F9] =	sst s10;
	s10 =	spop (v2sf)  }
0x6a5: {  	(v2sf) =	vpush v9, $0x0;
	[smem:$0x6F8] =	sst s11;
	s11 =	smulhi.u32 $0x431BDE83, s10;
	s10 =	sshra.s32 s10, $0x1F  }
0x6a6: {  	s10 =	smul.u32 $0x431BDE83, s10;
	_ =	sdelay $0x1  }
0x6a7: {  	[smem:$0x6FB] =	sst s10;
	s10 =	spop (v2sf)  }
0x6a8: {  	(v2sf) =	vpush v9, $0x1;
	[smem:$0x6FA] =	sst s11;
	s11 =	smulhi.u32 $0x431BDE83, s10;
	s10 =	sshra.s32 s10, $0x1F  }
0x6a9: {  	s10 =	smul.u32 $0x431BDE83, s10;
	_ =	sdelay $0x1  }
0x6aa: {  	[smem:$0x6FD] =	sst s10;
	s10 =	spop (v2sf)  }
0x6ab: {  	(v2sf) =	vpush v9, $0x2;
	[smem:$0x6FC] =	sst s11;
	s11 =	smulhi.u32 $0x431BDE83, s10;
	s10 =	sshra.s32 s10, $0x1F  }
0x6ac: {  	s10 =	smul.u32 $0x431BDE83, s10;
	_ =	sdelay $0x1  }
0x6ad: {  	[smem:$0x6FF] =	sst s10;
	s10 =	spop (v2sf)  }
0x6ae: {  	[smem:$0x6FE] =	sst s11;
	s11 =	smulhi.u32 $0x431BDE83, s10;
	s10 =	sshra.s32 s10, $0x1F  }
0x6af: {  	s10 =	smul.u32 $0x431BDE83, s10  }
0x6b0: {  	(v2sf) =	vpush v9, $0x3  }
0x6b1: {  	[smem:$0x701] =	sst s10;
	s10 =	spop (v2sf)  }
0x6b2: {  	[smem:$0x700] =	sst s11;
	s11 =	smulhi.u32 $0x431BDE83, s10;
	s10 =	sshra.s32 s10, $0x1F  }
0x6b3: {  	(v2sf) =	vpush v9, $0x4;
	s10 =	smul.u32 $0x431BDE83, s10;
	_ =	sdelay $0x1  }
0x6b4: {  	[smem:$0x703] =	sst s10;
	s10 =	spop (v2sf)  }
0x6b5: {  	[smem:$0x702] =	sst s11;
	s11 =	smulhi.u32 $0x431BDE83, s10;
	s10 =	sshra.s32 s10, $0x1F  }
0x6b6: {  	v0 =	vld [tilespmem:$0x187];
	s10 =	smul.u32 $0x431BDE83, s10;
	_ =	sdelay $0x1  }
0x6b7: {  	v1 =	vld [tilespmem:$0x188];
	(v2sf) =	vpush v9, $0x5;
	[smem:$0x705] =	sst s10;
	s10 =	spop (v2sf)  }
0x6b8: {  	[smem:$0x704] =	sst s11;
	s11 =	smulhi.u32 $0x431BDE83, s10  }
0x6b9: {  	_ = 	snop  }
0x6ba: {  	v0 =	vmul.u32 $0x1F, v0;
	s10 =	sshra.s32 s10, $0x1F;
	[smem:$0x706] =	sst s11  }
0x6bb: {  	s12 =	sadd.s32 s17, s12;
	(v2sf) =	vpush v9, $0x6;
	s10 =	smul.u32 $0x431BDE83, s10;
	s11 =	sld [smem:$0x66F]  }
0x6bc: {  	[tilespmem:$0x2A8] =	vst v11;
	[smem:$0x75E] =	sst s12;
	v8 =	vadd.s32 v1, v0;
	(v2sf) =	vpush v9, $0x7  }
0x6bd: {  	[tilespmem:$0x2D8] =	vst v12;
	(v2sf) =	vpush v8, $0xD;
	[smem:$0x707] =	sst s10;
	s10 =	spop (v2sf)  }
0x6be: {  	[tilespmem:$0x2B8] =	vst v10;
	vm9 =	vlt.s32 v13, $0x0;
	v49 =	vadd.s32 $0xF4240, v13;
	(v2sf) =	vpush v8, $0xC;
	s11 =	sadd.s32 s16, s11;
	s16 =	smulhi.u32 $0x431BDE83, s10;
	s10 =	sshra.s32 s10, $0x1F  }
0x6bf: {  	[tilespmem:$0x2C8] =	vst v45;
	v36 =	vsel vm9, v49, v13;
	s17 =	sadd.s32 s19, s13;
	(v2sf) =	vpush v8, $0xE;
	[smem:$0x75D] =	sst s11;
	s12 =	smul.u32 $0x431BDE83, s10  }
0x6c0: {  	[tilespmem:$0x2E8] =	vst v36;
	s19 =	sadd.s32 s20, s14;
	(v2sf) =	vpush v8, $0xF;
	s10 =	spop (v2sf);
	[smem:$0x760] =	sst s17  }
0x6c1: {  	s5 =	sadd.s32 s5, s28;
	[smem:$0x762] =	sst s19  }
0x6c2: {  	s8 =	sadd.s32 s8, s29;
	[smem:$0x761] =	sst s5  }
0x6c3: {  	s4 =	sadd.s32 s4, s30;
	[smem:$0x764] =	sst s8  }
0x6c4: {  	s0 =	smul.u32 $0x431BDE83, s0;
	s19 =	sadd.s32 s21, s15;
	[smem:$0x766] =	sst s4  }
0x6c5: {  	s13 =	smulhi.u32 $0x431BDE83, s10;
	[smem:$0x763] =	sst s19  }
0x6c6: {  	s10 =	sshra.s32 s10, $0x1F;
	s20 =	spop (v2sf);
	s29 =	sld [smem:$0x672]  }
0x6c7: {  	s30 =	sld [smem:$0x673];
	s17 =	smul.u32 $0x431BDE83, s10  }
0x6c8: {  	s14 =	smulhi.u32 $0x431BDE83, s20;
	s10 =	sshra.s32 s20, $0x1F;
	s20 =	sadd.s32 s23, s18  }
0x6c9: {  	s23 =	sadd.s32 s25, s22;
	s25 =	sadd.s32 s26, s24;
	s24 =	sld [smem:$0x670]  }
0x6ca: {  	s21 =	spop (v2sf);
	[smem:$0x765] =	sst s20  }
0x6cb: {  	s15 =	smul.u32 $0x431BDE83, s10;
	[smem:$0x767] =	sst s23  }
0x6cc: {  	s22 =	sadd.s32 s6, s31;
	s18 =	smulhi.u32 $0x431BDE83, s21;
	[smem:$0x769] =	sst s25  }
0x6cd: {  	s10 =	sshra.s32 s21, $0x1F;
	s26 =	spop (v2sf);
	[smem:$0x768] =	sst s22  }
0x6ce: {  	s22 =	sld [smem:$0x675];
	s19 =	smul.u32 $0x431BDE83, s10  }
0x6cf: {  	s11 =	smulhi.u32 $0x431BDE83, s26;
	s10 =	sshra.s32 s26, $0x1F;
	s26 =	sld [smem:$0x671]  }
0x6d0: {  	s20 =	spop (v2sf);
	s0 =	sadd.s32 s0, s30;
	s30 =	sld [smem:$0x67B]  }
0x6d1: {  	s8 =	smul.u32 $0x431BDE83, s10;
	[smem:$0x75F] =	sst s0  }
0x6d2: {  	s10 =	smulhi.u32 $0x431BDE83, s20;
	s21 =	sshra.s32 s20, $0x1F;
	s20 =	sld [smem:$0x674]  }
0x6d3: {  	s3 =	sadd.s32 s3, s24;
	s24 =	sld [smem:$0x677]  }
0x6d4: {  	s23 =	spop (v2sf);
	[smem:$0x76A] =	sst s3  }
0x6d5: {  	s5 =	smulhi.u32 $0x431BDE83, s23;
	s25 =	sshra.s32 s23, $0x1F;
	s23 =	sld [smem:$0x676]  }
0x6d6: {  	s3 =	sadd.s32 s7, s29;
	s29 =	sld [smem:$0x67A]  }
0x6d7: {  	[smem:$0x76C] =	sst s3  }
0x6d8: {  	(v2sf) =	vpush v8, $0x9;
	s6 =	smul.u32 $0x431BDE83, s21;
	s1 =	sadd.s32 s1, s26;
	s26 =	sld [smem:$0x678]  }
0x6d9: {  	(v2sf) =	vpush v8, $0x8;
	s3 =	sld [smem:$0x680];
	s28 =	spop (v2sf)  }
0x6da: {  	[smem:$0x76B] =	sst s1;
	s7 =	smulhi.u32 $0x431BDE83, s28;
	s1 =	sshra.s32 s28, $0x1F  }
0x6db: {  	(v2sf) =	vpush v8, $0xA;
	s28 =	sld [smem:$0x679];
	s21 =	smul.u32 $0x431BDE83, s1;
	s1 =	sadd.s32 s22, s20  }
0x6dc: {  	[smem:$0x76D] =	sst s1;
	s1 =	sadd.s32 s24, s23  }
0x6dd: {  	[smem:$0x76E] =	sst s1  }
0x6de: {  	(v2sf) =	vpush v8, $0xB;
	s1 =	sadd.s32 s28, s26;
	s26 =	sld [smem:$0x67C]  }
0x6df: {  	s28 =	sld [smem:$0x67D]  }
0x6e0: {  	[smem:$0x76F] =	sst s1  }
0x6e1: {  	s1 =	sadd.s32 s30, s29;
	s29 =	sld [smem:$0x67E]  }
0x6e2: {  	s30 =	sld [smem:$0x67F]  }
0x6e3: {  	s4 =	smul.u32 $0x431BDE83, s25;
	[smem:$0x771] =	sst s1  }
0x6e4: {  	s31 =	spop (v2sf);
	s1 =	sadd.s32 s28, s26;
	s28 =	sld [smem:$0x681]  }
0x6e5: {  	s20 =	smulhi.u32 $0x431BDE83, s31;
	s0 =	sshra.s32 s31, $0x1F;
	[smem:$0x773] =	sst s1  }
0x6e6: {  	s22 =	smul.u32 $0x431BDE83, s0;
	s1 =	sadd.s32 s30, s29;
	s29 =	sld [smem:$0x682]  }
0x6e7: {  	s25 =	spop (v2sf);
	s30 =	sld [smem:$0x683]  }
0x6e8: {  	s23 =	smulhi.u32 $0x431BDE83, s25;
	s0 =	sshra.s32 s25, $0x1F;
	s31 =	spop (v2sf)  }
0x6e9: {  	[smem:$0x774] =	sst s1;
	s25 =	smul.u32 $0x431BDE83, s0  }
0x6ea: {  	s24 =	smulhi.u32 $0x431BDE83, s31;
	s0 =	sshra.s32 s31, $0x1F;
	s31 =	spop (v2sf)  }
0x6eb: {  	s1 =	sadd.s32 s28, s3;
	s3 =	sld [smem:$0x684];
	s26 =	smul.u32 $0x431BDE83, s0  }
0x6ec: {  	[smem:$0x776] =	sst s1;
	s28 =	smulhi.u32 $0x431BDE83, s31;
	s0 =	sshra.s32 s31, $0x1F  }
0x6ed: {  	(v2sf) =	vpush v8, $0x0;
	s1 =	sadd.s32 s30, s29;
	s31 =	spop (v2sf);
	s30 =	sld [smem:$0x685]  }
0x6ee: {  	[smem:$0x779] =	sst s1;
	s29 =	smul.u32 $0x431BDE83, s0;
	s0 =	sshra.s32 s31, $0x1F  }
0x6ef: {  	s1 =	sadd.s32 s9, s3;
	s9 =	smulhi.u32 $0x431BDE83, s31;
	s31 =	sld [smem:$0x686]  }
0x6f0: {  	s3 =	sld [smem:$0x687]  }
0x6f1: {  	[smem:$0x772] =	sst s1  }
0x6f2: {  	s1 =	sadd.s32 s31, s30;
	s31 =	sld [smem:$0x688]  }
0x6f3: {  	(v2sf) =	vpush v8, $0x1  }
0x6f4: {  	[smem:$0x775] =	sst s1  }
0x6f5: {  	s2 =	sshra.s32 s2, $0x1F;
	s1 =	sadd.s32 s31, s3;
	s31 =	sld [smem:$0x689]  }
0x6f6: {  	s2 =	smul.u32 $0x431BDE83, s2  }
0x6f7: {  	(v2sf) =	vpush v8, $0x2;
	[smem:$0x777] =	sst s1  }
0x6f8: {  	s1 =	sadd.s32 s2, s31;
	s2 =	sld [smem:$0x68A]  }
0x6f9: {  	s31 =	sld [smem:$0x68B];
	_ =	sdelay $0x1  }
0x6fa: {  	s30 =	smul.u32 $0x431BDE83, s0;
	[smem:$0x778] =	sst s1  }
0x6fb: {  	s0 =	spop (v2sf);
	s1 =	sadd.s32 s31, s2;
	s2 =	sld [smem:$0x68D]  }
0x6fc: {  	s3 =	smulhi.u32 $0x431BDE83, s0;
	s0 =	sshra.s32 s0, $0x1F;
	[smem:$0x77A] =	sst s1  }
0x6fd: {  	s0 =	smul.u32 $0x431BDE83, s0;
	s1 =	sld [smem:$0x68C]  }
0x6fe: {  	_ = 	snop  }
0x6ff: {  	[smem:$0x708] =	sst s0  }
0x700: {  	s1 =	sadd.s32 s2, s1;
	s2 =	sld [smem:$0x68F]  }
0x701: {  	s0 =	spop (v2sf);
	[smem:$0x77B] =	sst s1  }
0x702: {  	(v2sf) =	vpush v8, $0x3;
	s31 =	smulhi.u32 $0x431BDE83, s0;
	s0 =	sshra.s32 s0, $0x1F;
	s1 =	sld [smem:$0x68E]  }
0x703: {  	s0 =	smul.u32 $0x431BDE83, s0;
	_ =	sdelay $0x1  }
0x704: {  	[smem:$0x709] =	sst s0;
	s0 =	spop (v2sf);
	s1 =	sadd.s32 s2, s1  }
0x705: {  	s2 =	smulhi.u32 $0x431BDE83, s0;
	[smem:$0x77C] =	sst s1  }
0x706: {  	s1 =	sld [smem:$0x690]  }
0x707: {  	[smem:$0x70A] =	sst s2  }
0x708: {  	s2 =	sld [smem:$0x691];
	_ =	sdelay $0x2  }
0x709: {  	s1 =	sadd.s32 s2, s1;
	s2 =	sld [smem:$0x693]  }
0x70a: {  	[smem:$0x770] =	sst s1  }
0x70b: {  	(v2sf) =	vpush v8, $0x4;
	s0 =	sshra.s32 s0, $0x1F;
	s1 =	sld [smem:$0x692]  }
0x70c: {  	s0 =	smul.u32 $0x431BDE83, s0;
	_ =	sdelay $0x1  }
0x70d: {  	[smem:$0x70B] =	sst s0;
	s0 =	spop (v2sf);
	s1 =	sadd.s32 s2, s1  }
0x70e: {  	s2 =	smulhi.u32 $0x431BDE83, s0;
	[smem:$0x77D] =	sst s1  }
0x70f: {  	s1 =	sld [smem:$0x694]  }
0x710: {  	[smem:$0x70C] =	sst s2  }
0x711: {  	s2 =	sld [smem:$0x695];
	_ =	sdelay $0x2  }
0x712: {  	s1 =	sadd.s32 s2, s1;
	s2 =	sld [smem:$0x697]  }
0x713: {  	[smem:$0x77E] =	sst s1  }
0x714: {  	(v2sf) =	vpush v8, $0x5;
	s0 =	sshra.s32 s0, $0x1F;
	s1 =	sld [smem:$0x696]  }
0x715: {  	s0 =	smul.u32 $0x431BDE83, s0;
	_ =	sdelay $0x1  }
0x716: {  	[smem:$0x70D] =	sst s0;
	s0 =	spop (v2sf);
	s1 =	sadd.s32 s2, s1  }
0x717: {  	s2 =	smulhi.u32 $0x431BDE83, s0;
	[smem:$0x77F] =	sst s1  }
0x718: {  	s1 =	sld [smem:$0x698]  }
0x719: {  	[smem:$0x70E] =	sst s2  }
0x71a: {  	s2 =	sld [smem:$0x699];
	_ =	sdelay $0x2  }
0x71b: {  	s1 =	sadd.s32 s2, s1;
	s2 =	sld [smem:$0x69B]  }
0x71c: {  	[smem:$0x780] =	sst s1  }
0x71d: {  	(v2sf) =	vpush v8, $0x6;
	s0 =	sshra.s32 s0, $0x1F;
	s1 =	sld [smem:$0x69A]  }
0x71e: {  	s0 =	smul.u32 $0x431BDE83, s0;
	_ =	sdelay $0x1  }
0x71f: {  	[smem:$0x70F] =	sst s0;
	s0 =	spop (v2sf);
	s1 =	sadd.s32 s2, s1  }
0x720: {  	s2 =	smulhi.u32 $0x431BDE83, s0;
	[smem:$0x782] =	sst s1  }
0x721: {  	s1 =	sld [smem:$0x69C]  }
0x722: {  	[smem:$0x710] =	sst s2  }
0x723: {  	s2 =	sld [smem:$0x69D];
	_ =	sdelay $0x2  }
0x724: {  	s1 =	sadd.s32 s2, s1;
	s2 =	sld [smem:$0x69F]  }
0x725: {  	[smem:$0x784] =	sst s1  }
0x726: {  	(v2sf) =	vpush v8, $0x7;
	s0 =	sshra.s32 s0, $0x1F;
	s1 =	sld [smem:$0x69E]  }
0x727: {  	s0 =	smul.u32 $0x431BDE83, s0;
	_ =	sdelay $0x1  }
0x728: {  	[smem:$0x711] =	sst s0;
	s0 =	spop (v2sf);
	s1 =	sadd.s32 s2, s1  }
0x729: {  	v0 =	vld [tilespmem:$0x197];
	s2 =	smulhi.u32 $0x431BDE83, s0;
	[smem:$0x785] =	sst s1  }
0x72a: {  	s1 =	sld [smem:$0x6A0]  }
0x72b: {  	v1 =	vld [tilespmem:$0x198];
	[smem:$0x712] =	sst s2  }
0x72c: {  	s2 =	sld [smem:$0x6A1];
	_ =	sdelay $0x1  }
0x72d: {  	v0 =	vmul.u32 $0x1F, v0  }
0x72e: {  	s1 =	sadd.s32 s2, s1;
	s2 =	sld [smem:$0x6A3]  }
0x72f: {  	v10 =	vadd.s32 v1, v0;
	[smem:$0x787] =	sst s1  }
0x730: {  	(v2sf) =	vpush v10, $0xD;
	s0 =	sshra.s32 s0, $0x1F;
	s1 =	sld [smem:$0x6A2]  }
0x731: {  	s0 =	smul.u32 $0x431BDE83, s0;
	_ =	sdelay $0x1  }
0x732: {  	[smem:$0x713] =	sst s0;
	s0 =	spop (v2sf);
	s1 =	sadd.s32 s2, s1  }
0x733: {  	s2 =	smulhi.u32 $0x431BDE83, s0;
	[smem:$0x783] =	sst s1  }
0x734: {  	s1 =	sld [smem:$0x6A4]  }
0x735: {  	[smem:$0x714] =	sst s2  }
0x736: {  	s2 =	sld [smem:$0x6A5];
	_ =	sdelay $0x2  }
0x737: {  	s1 =	sadd.s32 s2, s1;
	s2 =	sld [smem:$0x6A7]  }
0x738: {  	[smem:$0x786] =	sst s1  }
0x739: {  	(v2sf) =	vpush v10, $0xC;
	s0 =	sshra.s32 s0, $0x1F;
	s1 =	sld [smem:$0x6A6]  }
0x73a: {  	s0 =	smul.u32 $0x431BDE83, s0;
	_ =	sdelay $0x1  }
0x73b: {  	[smem:$0x715] =	sst s0;
	s0 =	spop (v2sf);
	s1 =	sadd.s32 s2, s1  }
0x73c: {  	s2 =	smulhi.u32 $0x431BDE83, s0;
	[smem:$0x788] =	sst s1  }
0x73d: {  	s1 =	sld [smem:$0x6A8]  }
0x73e: {  	[smem:$0x716] =	sst s2  }
0x73f: {  	s2 =	sld [smem:$0x6A9];
	_ =	sdelay $0x2  }
0x740: {  	s1 =	sadd.s32 s2, s1;
	s2 =	sld [smem:$0x6AB]  }
0x741: {  	[smem:$0x789] =	sst s1  }
0x742: {  	(v2sf) =	vpush v10, $0xE;
	s0 =	sshra.s32 s0, $0x1F;
	s1 =	sld [smem:$0x6AA]  }
0x743: {  	s0 =	smul.u32 $0x431BDE83, s0;
	_ =	sdelay $0x1  }
0x744: {  	[smem:$0x717] =	sst s0;
	s0 =	spop (v2sf);
	s1 =	sadd.s32 s2, s1  }
0x745: {  	s2 =	smulhi.u32 $0x431BDE83, s0;
	[smem:$0x78A] =	sst s1  }
0x746: {  	s1 =	sld [smem:$0x6AC]  }
0x747: {  	[smem:$0x718] =	sst s2  }
0x748: {  	s2 =	sld [smem:$0x6AD];
	_ =	sdelay $0x2  }
0x749: {  	s1 =	sadd.s32 s2, s1;
	s2 =	sld [smem:$0x6AF]  }
0x74a: {  	[smem:$0x78B] =	sst s1  }
0x74b: {  	(v2sf) =	vpush v10, $0xF;
	s0 =	sshra.s32 s0, $0x1F;
	s1 =	sld [smem:$0x6AE]  }
0x74c: {  	s0 =	smul.u32 $0x431BDE83, s0;
	_ =	sdelay $0x1  }
0x74d: {  	[smem:$0x719] =	sst s0;
	s0 =	spop (v2sf);
	s1 =	sadd.s32 s2, s1  }
0x74e: {  	s2 =	smulhi.u32 $0x431BDE83, s0;
	[smem:$0x78C] =	sst s1  }
0x74f: {  	s1 =	sld [smem:$0x6B0]  }
0x750: {  	[smem:$0x71A] =	sst s2  }
0x751: {  	s2 =	sld [smem:$0x6B1];
	_ =	sdelay $0x2  }
0x752: {  	s1 =	sadd.s32 s2, s1;
	s2 =	sld [smem:$0x6B3]  }
0x753: {  	[smem:$0x781] =	sst s1  }
0x754: {  	(v2sf) =	vpush v10, $0x9;
	s0 =	sshra.s32 s0, $0x1F;
	s1 =	sld [smem:$0x6B2]  }
0x755: {  	s0 =	smul.u32 $0x431BDE83, s0;
	_ =	sdelay $0x1  }
0x756: {  	[smem:$0x71B] =	sst s0;
	s0 =	spop (v2sf);
	s1 =	sadd.s32 s2, s1  }
0x757: {  	s2 =	smulhi.u32 $0x431BDE83, s0;
	[smem:$0x78D] =	sst s1  }
0x758: {  	s1 =	sld [smem:$0x6B4]  }
0x759: {  	[smem:$0x71C] =	sst s2  }
0x75a: {  	s2 =	sld [smem:$0x6B5];
	_ =	sdelay $0x2  }
0x75b: {  	s1 =	sadd.s32 s2, s1;
	s2 =	sld [smem:$0x6B7]  }
0x75c: {  	[smem:$0x78E] =	sst s1  }
0x75d: {  	(v2sf) =	vpush v10, $0x8;
	s0 =	sshra.s32 s0, $0x1F;
	s1 =	sld [smem:$0x6B6]  }
0x75e: {  	s0 =	smul.u32 $0x431BDE83, s0;
	_ =	sdelay $0x1  }
0x75f: {  	[smem:$0x71D] =	sst s0;
	s0 =	spop (v2sf);
	s1 =	sadd.s32 s2, s1  }
0x760: {  	s2 =	smulhi.u32 $0x431BDE83, s0;
	[smem:$0x78F] =	sst s1  }
0x761: {  	s1 =	sld [smem:$0x6B8]  }
0x762: {  	[smem:$0x71E] =	sst s2  }
0x763: {  	s2 =	sld [smem:$0x6B9];
	_ =	sdelay $0x2  }
0x764: {  	s1 =	sadd.s32 s2, s1;
	s2 =	sld [smem:$0x6BB]  }
0x765: {  	[smem:$0x790] =	sst s1  }
0x766: {  	(v2sf) =	vpush v10, $0xA;
	s0 =	sshra.s32 s0, $0x1F;
	s1 =	sld [smem:$0x6BA]  }
0x767: {  	s0 =	smul.u32 $0x431BDE83, s0;
	_ =	sdelay $0x1  }
0x768: {  	[smem:$0x71F] =	sst s0;
	s0 =	spop (v2sf);
	s1 =	sadd.s32 s2, s1  }
0x769: {  	s2 =	smulhi.u32 $0x431BDE83, s0;
	[smem:$0x792] =	sst s1  }
0x76a: {  	s1 =	sld [smem:$0x6BC]  }
0x76b: {  	[smem:$0x720] =	sst s2  }
0x76c: {  	s2 =	sld [smem:$0x6BD];
	_ =	sdelay $0x2  }
0x76d: {  	s1 =	sadd.s32 s2, s1;
	s2 =	sld [smem:$0x6BF]  }
0x76e: {  	[smem:$0x794] =	sst s1  }
0x76f: {  	(v2sf) =	vpush v10, $0xB;
	s0 =	sshra.s32 s0, $0x1F;
	s1 =	sld [smem:$0x6BE]  }
0x770: {  	s0 =	smul.u32 $0x431BDE83, s0;
	_ =	sdelay $0x1  }
0x771: {  	[smem:$0x721] =	sst s0;
	s0 =	spop (v2sf);
	s1 =	sadd.s32 s2, s1  }
0x772: {  	s2 =	smulhi.u32 $0x431BDE83, s0;
	[smem:$0x796] =	sst s1  }
0x773: {  	s1 =	sld [smem:$0x6C0]  }
0x774: {  	[smem:$0x722] =	sst s2  }
0x775: {  	s2 =	sld [smem:$0x6C1];
	_ =	sdelay $0x2  }
0x776: {  	s1 =	sadd.s32 s2, s1;
	s2 =	sld [smem:$0x6C3]  }
0x777: {  	[smem:$0x797] =	sst s1  }
0x778: {  	(v2sf) =	vpush v10, $0x0;
	s0 =	sshra.s32 s0, $0x1F;
	s1 =	sld [smem:$0x6C2]  }
0x779: {  	s0 =	smul.u32 $0x431BDE83, s0;
	_ =	sdelay $0x1  }
0x77a: {  	[smem:$0x723] =	sst s0;
	s0 =	spop (v2sf);
	s1 =	sadd.s32 s2, s1  }
0x77b: {  	s2 =	smulhi.u32 $0x431BDE83, s0;
	[smem:$0x793] =	sst s1  }
0x77c: {  	s1 =	sld [smem:$0x6C4]  }
0x77d: {  	[smem:$0x724] =	sst s2  }
0x77e: {  	s2 =	sld [smem:$0x6C5];
	_ =	sdelay $0x2  }
0x77f: {  	s1 =	sadd.s32 s2, s1;
	s2 =	sld [smem:$0x6C7]  }
0x780: {  	[smem:$0x795] =	sst s1  }
0x781: {  	(v2sf) =	vpush v10, $0x1;
	s0 =	sshra.s32 s0, $0x1F;
	s1 =	sld [smem:$0x6C6]  }
0x782: {  	s0 =	smul.u32 $0x431BDE83, s0;
	_ =	sdelay $0x1  }
0x783: {  	[smem:$0x725] =	sst s0;
	s0 =	spop (v2sf);
	s1 =	sadd.s32 s2, s1  }
0x784: {  	s2 =	smulhi.u32 $0x431BDE83, s0;
	[smem:$0x798] =	sst s1  }
0x785: {  	s1 =	sld [smem:$0x6C8]  }
0x786: {  	[smem:$0x726] =	sst s2  }
0x787: {  	s2 =	sld [smem:$0x6C9];
	_ =	sdelay $0x2  }
0x788: {  	s1 =	sadd.s32 s2, s1;
	s2 =	sld [smem:$0x6CB]  }
0x789: {  	[smem:$0x799] =	sst s1  }
0x78a: {  	(v2sf) =	vpush v10, $0x2;
	s0 =	sshra.s32 s0, $0x1F;
	s1 =	sld [smem:$0x6CA]  }
0x78b: {  	s0 =	smul.u32 $0x431BDE83, s0;
	_ =	sdelay $0x1  }
0x78c: {  	[smem:$0x727] =	sst s0;
	s0 =	spop (v2sf);
	s1 =	sadd.s32 s2, s1  }
0x78d: {  	s2 =	smulhi.u32 $0x431BDE83, s0;
	[smem:$0x79A] =	sst s1  }
0x78e: {  	s1 =	sld [smem:$0x6CC]  }
0x78f: {  	[smem:$0x728] =	sst s2  }
0x790: {  	s2 =	sld [smem:$0x6CD];
	_ =	sdelay $0x2  }
0x791: {  	s1 =	sadd.s32 s2, s1;
	s2 =	sld [smem:$0x6CF]  }
0x792: {  	[smem:$0x79B] =	sst s1  }
0x793: {  	(v2sf) =	vpush v10, $0x3;
	s0 =	sshra.s32 s0, $0x1F;
	s1 =	sld [smem:$0x6CE]  }
0x794: {  	s0 =	smul.u32 $0x431BDE83, s0;
	_ =	sdelay $0x1  }
0x795: {  	[smem:$0x729] =	sst s0;
	s0 =	spop (v2sf);
	s1 =	sadd.s32 s2, s1  }
0x796: {  	s2 =	smulhi.u32 $0x431BDE83, s0;
	[smem:$0x79C] =	sst s1  }
0x797: {  	s1 =	sld [smem:$0x6D0]  }
0x798: {  	[smem:$0x72A] =	sst s2  }
0x799: {  	s2 =	sld [smem:$0x6D1];
	_ =	sdelay $0x2  }
0x79a: {  	s1 =	sadd.s32 s2, s1;
	s2 =	sld [smem:$0x6D3]  }
0x79b: {  	[smem:$0x791] =	sst s1  }
0x79c: {  	(v2sf) =	vpush v10, $0x4;
	s0 =	sshra.s32 s0, $0x1F;
	s1 =	sld [smem:$0x6D2]  }
0x79d: {  	s0 =	smul.u32 $0x431BDE83, s0;
	_ =	sdelay $0x1  }
0x79e: {  	[smem:$0x72B] =	sst s0;
	s0 =	spop (v2sf);
	s1 =	sadd.s32 s2, s1  }
0x79f: {  	s2 =	smulhi.u32 $0x431BDE83, s0;
	[smem:$0x79D] =	sst s1  }
0x7a0: {  	s1 =	sld [smem:$0x6D4]  }
0x7a1: {  	[smem:$0x72C] =	sst s2  }
0x7a2: {  	s2 =	sld [smem:$0x6D5];
	_ =	sdelay $0x2  }
0x7a3: {  	s1 =	sadd.s32 s2, s1;
	s2 =	sld [smem:$0x6D7]  }
0x7a4: {  	[smem:$0x79E] =	sst s1  }
0x7a5: {  	(v2sf) =	vpush v10, $0x5;
	s0 =	sshra.s32 s0, $0x1F;
	s1 =	sld [smem:$0x6D6]  }
0x7a6: {  	s0 =	smul.u32 $0x431BDE83, s0;
	_ =	sdelay $0x1  }
0x7a7: {  	[smem:$0x72D] =	sst s0;
	s0 =	spop (v2sf);
	s1 =	sadd.s32 s2, s1  }
0x7a8: {  	s2 =	smulhi.u32 $0x431BDE83, s0;
	[smem:$0x79F] =	sst s1  }
0x7a9: {  	s1 =	sld [smem:$0x6D8]  }
0x7aa: {  	[smem:$0x72E] =	sst s2  }
0x7ab: {  	s2 =	sld [smem:$0x6D9];
	_ =	sdelay $0x2  }
0x7ac: {  	s1 =	sadd.s32 s2, s1;
	s2 =	sld [smem:$0x6DB]  }
0x7ad: {  	[smem:$0x7A0] =	sst s1  }
0x7ae: {  	(v2sf) =	vpush v10, $0x6;
	s0 =	sshra.s32 s0, $0x1F;
	s1 =	sld [smem:$0x6DA]  }
0x7af: {  	s0 =	smul.u32 $0x431BDE83, s0;
	_ =	sdelay $0x1  }
0x7b0: {  	[smem:$0x72F] =	sst s0;
	s0 =	spop (v2sf);
	s1 =	sadd.s32 s2, s1  }
0x7b1: {  	s2 =	smulhi.u32 $0x431BDE83, s0;
	[smem:$0x7A1] =	sst s1  }
0x7b2: {  	s1 =	sld [smem:$0x6DC]  }
0x7b3: {  	[smem:$0x730] =	sst s2  }
0x7b4: {  	s2 =	sld [smem:$0x6DD];
	_ =	sdelay $0x2  }
0x7b5: {  	s1 =	sadd.s32 s2, s1;
	s2 =	sld [smem:$0x6DF]  }
0x7b6: {  	[smem:$0x7A3] =	sst s1  }
0x7b7: {  	(v2sf) =	vpush v10, $0x7;
	s0 =	sshra.s32 s0, $0x1F;
	s1 =	sld [smem:$0x6DE]  }
0x7b8: {  	s0 =	smul.u32 $0x431BDE83, s0;
	_ =	sdelay $0x1  }
0x7b9: {  	[smem:$0x731] =	sst s0;
	s0 =	spop (v2sf);
	s1 =	sadd.s32 s2, s1  }
0x7ba: {  	v0 =	vld [tilespmem:$0x1A7];
	s2 =	smulhi.u32 $0x431BDE83, s0;
	[smem:$0x7A5] =	sst s1  }
0x7bb: {  	s1 =	sld [smem:$0x6E0]  }
0x7bc: {  	v1 =	vld [tilespmem:$0x1A8];
	[smem:$0x732] =	sst s2  }
0x7bd: {  	s2 =	sld [smem:$0x6E1];
	_ =	sdelay $0x1  }
0x7be: {  	v0 =	vmul.u32 $0x1F, v0  }
0x7bf: {  	s1 =	sadd.s32 s2, s1;
	s2 =	sld [smem:$0x6E3]  }
0x7c0: {  	v11 =	vadd.s32 v1, v0;
	[smem:$0x7A7] =	sst s1  }
0x7c1: {  	(v2sf) =	vpush v11, $0xD;
	s0 =	sshra.s32 s0, $0x1F;
	s1 =	sld [smem:$0x6E2]  }
0x7c2: {  	s0 =	smul.u32 $0x431BDE83, s0;
	_ =	sdelay $0x1  }
0x7c3: {  	[smem:$0x733] =	sst s0;
	s0 =	spop (v2sf);
	s1 =	sadd.s32 s2, s1  }
0x7c4: {  	s2 =	smulhi.u32 $0x431BDE83, s0;
	[smem:$0x7A4] =	sst s1  }
0x7c5: {  	s1 =	sld [smem:$0x6E4]  }
0x7c6: {  	[smem:$0x734] =	sst s2  }
0x7c7: {  	s2 =	sld [smem:$0x6E5];
	_ =	sdelay $0x2  }
0x7c8: {  	s1 =	sadd.s32 s2, s1;
	s2 =	sld [smem:$0x6E7]  }
0x7c9: {  	[smem:$0x7A6] =	sst s1  }
0x7ca: {  	(v2sf) =	vpush v11, $0xC;
	s0 =	sshra.s32 s0, $0x1F;
	s1 =	sld [smem:$0x6E6]  }
0x7cb: {  	s0 =	smul.u32 $0x431BDE83, s0;
	_ =	sdelay $0x1  }
0x7cc: {  	[smem:$0x735] =	sst s0;
	s0 =	spop (v2sf);
	s1 =	sadd.s32 s2, s1  }
0x7cd: {  	s2 =	smulhi.u32 $0x431BDE83, s0;
	[smem:$0x7A8] =	sst s1  }
0x7ce: {  	s1 =	sld [smem:$0x6E8]  }
0x7cf: {  	[smem:$0x736] =	sst s2  }
0x7d0: {  	s2 =	sld [smem:$0x6E9];
	_ =	sdelay $0x2  }
0x7d1: {  	s1 =	sadd.s32 s2, s1;
	s2 =	sld [smem:$0x6EB]  }
0x7d2: {  	[smem:$0x7A9] =	sst s1  }
0x7d3: {  	(v2sf) =	vpush v11, $0xE;
	s0 =	sshra.s32 s0, $0x1F;
	s1 =	sld [smem:$0x6EA]  }
0x7d4: {  	s0 =	smul.u32 $0x431BDE83, s0;
	_ =	sdelay $0x1  }
0x7d5: {  	[smem:$0x737] =	sst s0;
	s0 =	spop (v2sf);
	s1 =	sadd.s32 s2, s1  }
0x7d6: {  	s2 =	smulhi.u32 $0x431BDE83, s0;
	[smem:$0x7AA] =	sst s1  }
0x7d7: {  	s1 =	sld [smem:$0x6EC]  }
0x7d8: {  	[smem:$0x738] =	sst s2  }
0x7d9: {  	s2 =	sld [smem:$0x6ED];
	_ =	sdelay $0x2  }
0x7da: {  	s1 =	sadd.s32 s2, s1;
	s2 =	sld [smem:$0x6EF]  }
0x7db: {  	[smem:$0x7AB] =	sst s1  }
0x7dc: {  	(v2sf) =	vpush v11, $0xF;
	s0 =	sshra.s32 s0, $0x1F;
	s1 =	sld [smem:$0x6EE]  }
0x7dd: {  	s0 =	smul.u32 $0x431BDE83, s0;
	_ =	sdelay $0x1  }
0x7de: {  	[smem:$0x739] =	sst s0;
	s0 =	spop (v2sf);
	s1 =	sadd.s32 s2, s1  }
0x7df: {  	s2 =	smulhi.u32 $0x431BDE83, s0;
	[smem:$0x7AC] =	sst s1  }
0x7e0: {  	s1 =	sld [smem:$0x6F0]  }
0x7e1: {  	[smem:$0x73A] =	sst s2  }
0x7e2: {  	s2 =	sld [smem:$0x6F1];
	_ =	sdelay $0x2  }
0x7e3: {  	s1 =	sadd.s32 s2, s1;
	s2 =	sld [smem:$0x6F3]  }
0x7e4: {  	[smem:$0x7A2] =	sst s1  }
0x7e5: {  	(v2sf) =	vpush v11, $0x9;
	s0 =	sshra.s32 s0, $0x1F;
	s1 =	sld [smem:$0x6F2]  }
0x7e6: {  	s0 =	smul.u32 $0x431BDE83, s0;
	_ =	sdelay $0x1  }
0x7e7: {  	[smem:$0x73B] =	sst s0;
	s0 =	spop (v2sf);
	s1 =	sadd.s32 s2, s1  }
0x7e8: {  	s2 =	smulhi.u32 $0x431BDE83, s0;
	[smem:$0x7AD] =	sst s1  }
0x7e9: {  	s1 =	sld [smem:$0x6F4]  }
0x7ea: {  	[smem:$0x73C] =	sst s2  }
0x7eb: {  	s2 =	sld [smem:$0x6F5]  }
0x7ec: {  	s16 =	sadd.s32 s12, s16  }
0x7ed: {  	[smem:$0x7B9] =	sst s16  }
0x7ee: {  	s1 =	sadd.s32 s2, s1;
	s2 =	sld [smem:$0x6F7]  }
0x7ef: {  	[smem:$0x7AE] =	sst s1  }
0x7f0: {  	s13 =	sadd.s32 s17, s13;
	(v2sf) =	vpush v11, $0x8;
	s0 =	sshra.s32 s0, $0x1F;
	s1 =	sld [smem:$0x6F6]  }
0x7f1: {  	[smem:$0x7BA] =	sst s13;
	s16 =	sadd.s32 s15, s14;
	s0 =	smul.u32 $0x431BDE83, s0  }
0x7f2: {  	[smem:$0x7BB] =	sst s16  }
0x7f3: {  	[smem:$0x73D] =	sst s0;
	s0 =	spop (v2sf);
	s1 =	sadd.s32 s2, s1  }
0x7f4: {  	s2 =	smulhi.u32 $0x431BDE83, s0;
	[smem:$0x7AF] =	sst s1  }
0x7f5: {  	s1 =	sld [smem:$0x6F8]  }
0x7f6: {  	[smem:$0x73E] =	sst s2  }
0x7f7: {  	s19 =	sadd.s32 s19, s18;
	s2 =	sld [smem:$0x6F9]  }
0x7f8: {  	[smem:$0x7BC] =	sst s19;
	s14 =	sadd.s32 s8, s11  }
0x7f9: {  	[smem:$0x7B3] =	sst s14  }
0x7fa: {  	s1 =	sadd.s32 s2, s1;
	s2 =	sld [smem:$0x6FB]  }
0x7fb: {  	[smem:$0x7B0] =	sst s1  }
0x7fc: {  	s16 =	sadd.s32 s6, s10;
	(v2sf) =	vpush v11, $0xA;
	s0 =	sshra.s32 s0, $0x1F;
	s1 =	sld [smem:$0x6FA]  }
0x7fd: {  	[smem:$0x7BD] =	sst s16;
	s19 =	sadd.s32 s21, s7;
	s0 =	smul.u32 $0x431BDE83, s0  }
0x7fe: {  	[smem:$0x7BF] =	sst s19  }
0x7ff: {  	[smem:$0x73F] =	sst s0;
	s0 =	spop (v2sf);
	s1 =	sadd.s32 s2, s1  }
0x800: {  	s2 =	smulhi.u32 $0x431BDE83, s0;
	[smem:$0x7B1] =	sst s1  }
0x801: {  	s1 =	sld [smem:$0x6FC]  }
0x802: {  	[smem:$0x740] =	sst s2  }
0x803: {  	s21 =	sadd.s32 s22, s20;
	s2 =	sld [smem:$0x6FD]  }
0x804: {  	[smem:$0x7C0] =	sst s21;
	s23 =	sadd.s32 s25, s23  }
0x805: {  	[smem:$0x7C1] =	sst s23  }
0x806: {  	s1 =	sadd.s32 s2, s1;
	s2 =	sld [smem:$0x6FF]  }
0x807: {  	[smem:$0x7B2] =	sst s1  }
0x808: {  	s25 =	sadd.s32 s26, s24;
	(v2sf) =	vpush v11, $0xB;
	s0 =	sshra.s32 s0, $0x1F;
	s1 =	sld [smem:$0x6FE]  }
0x809: {  	[smem:$0x7C3] =	sst s25;
	s29 =	sadd.s32 s29, s28;
	s0 =	smul.u32 $0x431BDE83, s0  }
0x80a: {  	[smem:$0x7C5] =	sst s29  }
0x80b: {  	[smem:$0x741] =	sst s0;
	s0 =	spop (v2sf);
	s1 =	sadd.s32 s2, s1  }
0x80c: {  	s2 =	smulhi.u32 $0x431BDE83, s0;
	[smem:$0x7B4] =	sst s1  }
0x80d: {  	s1 =	sld [smem:$0x700]  }
0x80e: {  	[smem:$0x742] =	sst s2  }
0x80f: {  	s9 =	sadd.s32 s30, s9;
	s2 =	sld [smem:$0x701]  }
0x810: {  	[smem:$0x7C6] =	sst s9  }
0x811: {  	s14 =	sld [smem:$0x708]  }
0x812: {  	s1 =	sadd.s32 s2, s1;
	s2 =	sld [smem:$0x703]  }
0x813: {  	[smem:$0x7B6] =	sst s1  }
0x814: {  	(v2sf) =	vpush v11, $0x0;
	s0 =	sshra.s32 s0, $0x1F;
	s1 =	sld [smem:$0x702]  }
0x815: {  	s20 =	sld [smem:$0x70C];
	s0 =	smul.u32 $0x431BDE83, s0  }
0x816: {  	s21 =	sld [smem:$0x70D]  }
0x817: {  	(v2sf) =	vpush v11, $0x1;
	[smem:$0x743] =	sst s0;
	s0 =	spop (v2sf);
	s1 =	sadd.s32 s2, s1  }
0x818: {  	s2 =	smulhi.u32 $0x431BDE83, s0;
	[smem:$0x7B5] =	sst s1  }
0x819: {  	(v2sf) =	vpush v11, $0x2;
	s1 =	sld [smem:$0x704]  }
0x81a: {  	[smem:$0x744] =	sst s2  }
0x81b: {  	(v2sf) =	vpush v11, $0x3;
	s2 =	sld [smem:$0x705]  }
0x81c: {  	s23 =	sld [smem:$0x70E]  }
0x81d: {  	s24 =	sld [smem:$0x70F]  }
0x81e: {  	(v2sf) =	vpush v11, $0x4;
	s1 =	sadd.s32 s2, s1;
	s2 =	sld [smem:$0x707]  }
0x81f: {  	[smem:$0x7B7] =	sst s1  }
0x820: {  	s0 =	sshra.s32 s0, $0x1F;
	s1 =	sld [smem:$0x706]  }
0x821: {  	s28 =	sld [smem:$0x711];
	(v2sf) =	vpush v11, $0x5;
	s0 =	smul.u32 $0x431BDE83, s0  }
0x822: {  	s30 =	sld [smem:$0x712]  }
0x823: {  	(v2sf) =	vpush v11, $0x6;
	[smem:$0x745] =	sst s0;
	s0 =	spop (v2sf);
	s1 =	sadd.s32 s2, s1  }
0x824: {  	v0 =	vld [tilespmem:$0x1B7];
	s2 =	smulhi.u32 $0x431BDE83, s0;
	s0 =	sshra.s32 s0, $0x1F;
	[smem:$0x7B8] =	sst s1  }
0x825: {  	s0 =	smul.u32 $0x431BDE83, s0;
	s1 =	sadd.s32 s14, s3;
	s14 =	sld [smem:$0x714]  }
0x826: {  	v1 =	vld [tilespmem:$0x1B8];
	[smem:$0x746] =	sst s2;
	s2 =	spop (v2sf)  }
0x827: {  	[smem:$0x747] =	sst s0;
	s12 =	smulhi.u32 $0x431BDE83, s2;
	s0 =	sshra.s32 s2, $0x1F  }
0x828: {  	s17 =	spop (v2sf);
	s13 =	smul.u32 $0x431BDE83, s0  }
0x829: {  	v0 =	vmul.u32 $0x1F, v0;
	[smem:$0x7C4] =	sst s1;
	s2 =	smulhi.u32 $0x431BDE83, s17  }
0x82a: {  	s0 =	sshra.s32 s17, $0x1F;
	s15 =	spop (v2sf);
	s17 =	sadd.s32 s4, s5  }
0x82b: {  	v13 =	vadd.s32 v1, v0;
	(v2sf) =	vpush v11, $0x7;
	s8 =	smul.u32 $0x431BDE83, s0;
	[smem:$0x7BE] =	sst s17  }
0x82c: {  	(v2sf) =	vpush v13, $0xD;
	s6 =	smulhi.u32 $0x431BDE83, s15;
	s0 =	sshra.s32 s15, $0x1F;
	s15 =	sld [smem:$0x709]  }
0x82d: {  	s18 =	spop (v2sf);
	s17 =	sld [smem:$0x70A]  }
0x82e: {  	[smem:$0x748] =	sst s2;
	s4 =	smul.u32 $0x431BDE83, s0  }
0x82f: {  	s5 =	smulhi.u32 $0x431BDE83, s18;
	s0 =	sshra.s32 s18, $0x1F;
	s18 =	sld [smem:$0x70B]  }
0x830: {  	s22 =	spop (v2sf);
	s1 =	sadd.s32 s15, s31;
	s31 =	sld [smem:$0x713]  }
0x831: {  	s11 =	smul.u32 $0x431BDE83, s0;
	s15 =	sld [smem:$0x715]  }
0x832: {  	s0 =	sshra.s32 s22, $0x1F;
	s26 =	spop (v2sf);
	[smem:$0x7C7] =	sst s1  }
0x833: {  	s0 =	smul.u32 $0x431BDE83, s0;
	s1 =	sadd.s32 s18, s17;
	s17 =	sld [smem:$0x716]  }
0x834: {  	s2 =	smulhi.u32 $0x431BDE83, s26;
	s18 =	sld [smem:$0x717]  }
0x835: {  	[smem:$0x749] =	sst s0  }
0x836: {  	[smem:$0x74A] =	sst s2  }
0x837: {  	[smem:$0x7C8] =	sst s1  }
0x838: {  	s0 =	sshra.s32 s26, $0x1F;
	s26 =	sld [smem:$0x710]  }
0x839: {  	s1 =	sadd.s32 s21, s20;
	s20 =	sld [smem:$0x718]  }
0x83a: {  	s10 =	spop (v2sf);
	s21 =	sld [smem:$0x719]  }
0x83b: {  	s16 =	spop (v2sf);
	[smem:$0x7C9] =	sst s1  }
0x83c: {  	(v2sf) =	vpush v13, $0xC;
	s19 =	smulhi.u32 $0x431BDE83, s16;
	s1 =	sadd.s32 s24, s23;
	s23 =	sld [smem:$0x71A]  }
0x83d: {  	s24 =	sld [smem:$0x71B]  }
0x83e: {  	(v2sf) =	vpush v13, $0xE;
	[smem:$0x74C] =	sst s19  }
0x83f: {  	s9 =	smul.u32 $0x431BDE83, s0;
	s0 =	sshra.s32 s10, $0x1F;
	[smem:$0x7CA] =	sst s1  }
0x840: {  	s0 =	smul.u32 $0x431BDE83, s0;
	s1 =	sadd.s32 s28, s26;
	s26 =	sld [smem:$0x71C]  }
0x841: {  	(v2sf) =	vpush v13, $0xF;
	s28 =	sld [smem:$0x71D]  }
0x842: {  	[smem:$0x74B] =	sst s0  }
0x843: {  	[smem:$0x7CB] =	sst s1  }
0x844: {  	(v2sf) =	vpush v13, $0x9;
	s1 =	sadd.s32 s31, s30;
	s30 =	sld [smem:$0x71E]  }
0x845: {  	s31 =	sld [smem:$0x71F]  }
0x846: {  	[smem:$0x7CC] =	sst s1  }
0x847: {  	(v2sf) =	vpush v13, $0x8;
	s0 =	sshra.s32 s16, $0x1F;
	s1 =	sadd.s32 s15, s14;
	s14 =	sld [smem:$0x721]  }
0x848: {  	s0 =	smul.u32 $0x431BDE83, s0;
	[smem:$0x7C2] =	sst s1  }
0x849: {  	s7 =	smulhi.u32 $0x431BDE83, s22;
	s1 =	sadd.s32 s18, s17;
	s17 =	sld [smem:$0x723]  }
0x84a: {  	s3 =	smulhi.u32 $0x431BDE83, s10;
	[smem:$0x74D] =	sst s0  }
0x84b: {  	s22 =	spop (v2sf);
	[smem:$0x7CD] =	sst s1;
	s1 =	sadd.s32 s21, s20  }
0x84c: {  	(v2sf) =	vpush v13, $0xA;
	s25 =	smulhi.u32 $0x431BDE83, s22;
	[smem:$0x7CE] =	sst s1;
	s1 =	sadd.s32 s24, s23  }
0x84d: {  	s0 =	sshra.s32 s22, $0x1F;
	s29 =	spop (v2sf);
	[smem:$0x7CF] =	sst s1  }
0x84e: {  	s0 =	smul.u32 $0x431BDE83, s0;
	s1 =	sadd.s32 s28, s26;
	[smem:$0x74E] =	sst s25  }
0x84f: {  	s10 =	smulhi.u32 $0x431BDE83, s29;
	[smem:$0x7D0] =	sst s1  }
0x850: {  	s16 =	spop (v2sf);
	[smem:$0x74F] =	sst s0;
	s0 =	sshra.s32 s29, $0x1F  }
0x851: {  	s1 =	sadd.s32 s31, s30;
	[smem:$0x750] =	sst s10;
	s0 =	smul.u32 $0x431BDE83, s0  }
0x852: {  	s19 =	smulhi.u32 $0x431BDE83, s16;
	[smem:$0x7D1] =	sst s1  }
0x853: {  	s22 =	spop (v2sf);
	[smem:$0x751] =	sst s0;
	s0 =	sshra.s32 s16, $0x1F  }
0x854: {  	s10 =	sld [smem:$0x720];
	s0 =	smul.u32 $0x431BDE83, s0  }
0x855: {  	s25 =	smulhi.u32 $0x431BDE83, s22;
	[smem:$0x752] =	sst s19  }
0x856: {  	s29 =	spop (v2sf);
	[smem:$0x753] =	sst s0;
	s0 =	sshra.s32 s22, $0x1F  }
0x857: {  	(v2sf) =	vpush v13, $0xB;
	[smem:$0x754] =	sst s25;
	s0 =	smul.u32 $0x431BDE83, s0  }
0x858: {  	(v2sf) =	vpush v13, $0x0;
	s2 =	smulhi.u32 $0x431BDE83, s29;
	s16 =	sld [smem:$0x722]  }
0x859: {  	(v2sf) =	vpush v13, $0x1;
	[smem:$0x755] =	sst s0;
	s0 =	sshra.s32 s29, $0x1F  }
0x85a: {  	(v2sf) =	vpush v13, $0x2;
	[smem:$0x756] =	sst s2;
	s1 =	sadd.s32 s14, s10;
	s0 =	smul.u32 $0x431BDE83, s0  }
0x85b: {  	(v2sf) =	vpush v13, $0x3;
	s15 =	spop (v2sf);
	[smem:$0x7D2] =	sst s1  }
0x85c: {  	v0 =	vld [tilespmem:$0x1C7];
	(v2sf) =	vpush v13, $0x4;
	s18 =	smulhi.u32 $0x431BDE83, s15;
	s1 =	sadd.s32 s17, s16;
	[smem:$0x757] =	sst s0  }
0x85d: {  	v1 =	vld [tilespmem:$0x1C8];
	(v2sf) =	vpush v13, $0x5;
	[smem:$0x7D4] =	sst s1  }
0x85e: {  	s6 =	sadd.s32 s4, s6;
	[smem:$0x758] =	sst s18  }
0x85f: {  	s11 =	sadd.s32 s11, s5;
	[smem:$0x7E9] =	sst s6  }
0x860: {  	[smem:$0x7EA] =	sst s11  }
0x861: {  	s19 =	sld [smem:$0x724]  }
0x862: {  	s20 =	sld [smem:$0x725]  }
0x863: {  	s22 =	sld [smem:$0x726]  }
0x864: {  	s23 =	sld [smem:$0x727]  }
0x865: {  	s25 =	sld [smem:$0x728]  }
0x866: {  	s26 =	sld [smem:$0x729]  }
0x867: {  	s29 =	sld [smem:$0x72A]  }
0x868: {  	s30 =	sld [smem:$0x72B]  }
0x869: {  	s2 =	sld [smem:$0x72C]  }
0x86a: {  	s10 =	sld [smem:$0x72D]  }
0x86b: {  	s0 =	sshra.s32 s15, $0x1F;
	s15 =	sld [smem:$0x72E]  }
0x86c: {  	s16 =	sld [smem:$0x72F]  }
0x86d: {  	s17 =	sld [smem:$0x730]  }
0x86e: {  	s0 =	smul.u32 $0x431BDE83, s0;
	s18 =	sld [smem:$0x731]  }
0x86f: {  	s21 =	spop (v2sf);
	s5 =	sld [smem:$0x74C]  }
0x870: {  	s24 =	smulhi.u32 $0x431BDE83, s21;
	[smem:$0x759] =	sst s0  }
0x871: {  	s0 =	sshra.s32 s21, $0x1F;
	s21 =	sld [smem:$0x733]  }
0x872: {  	s28 =	spop (v2sf);
	[smem:$0x75A] =	sst s24  }
0x873: {  	s31 =	smulhi.u32 $0x431BDE83, s28;
	s1 =	sadd.s32 s20, s19;
	s20 =	sld [smem:$0x732]  }
0x874: {  	[smem:$0x7D6] =	sst s1  }
0x875: {  	[smem:$0x75C] =	sst s31  }
0x876: {  	s1 =	sadd.s32 s23, s22;
	s22 =	sld [smem:$0x734]  }
0x877: {  	s23 =	sld [smem:$0x735]  }
0x878: {  	s0 =	smul.u32 $0x431BDE83, s0;
	s31 =	sld [smem:$0x737]  }
0x879: {  	[smem:$0x7D5] =	sst s1  }
0x87a: {  	s1 =	sadd.s32 s26, s25;
	[smem:$0x75B] =	sst s0  }
0x87b: {  	s14 =	spop (v2sf);
	s0 =	sshra.s32 s28, $0x1F;
	[smem:$0x7D7] =	sst s1  }
0x87c: {  	s28 =	smulhi.u32 $0x431BDE83, s14;
	s1 =	sadd.s32 s30, s29;
	s30 =	sld [smem:$0x736]  }
0x87d: {  	s26 =	smul.u32 $0x431BDE83, s0;
	s0 =	sshra.s32 s14, $0x1F;
	s14 =	sld [smem:$0x739]  }
0x87e: {  	s19 =	spop (v2sf);
	[smem:$0x7D8] =	sst s1  }
0x87f: {  	s25 =	smulhi.u32 $0x431BDE83, s19;
	s1 =	sadd.s32 s10, s2;
	s10 =	sld [smem:$0x738]  }
0x880: {  	s24 =	smul.u32 $0x431BDE83, s0;
	s0 =	sshra.s32 s19, $0x1F;
	s19 =	sld [smem:$0x73D]  }
0x881: {  	s2 =	sld [smem:$0x748]  }
0x882: {  	[smem:$0x7D9] =	sst s1  }
0x883: {  	s1 =	sadd.s32 s16, s15;
	s16 =	sld [smem:$0x73A]  }
0x884: {  	[smem:$0x7DA] =	sst s1  }
0x885: {  	s1 =	sadd.s32 s18, s17;
	s17 =	sld [smem:$0x73B]  }
0x886: {  	s18 =	sld [smem:$0x73C]  }
0x887: {  	s24 =	sadd.s32 s24, s28;
	[smem:$0x7DB] =	sst s1  }
0x888: {  	(v2sf) =	vpush v13, $0x6;
	s1 =	sadd.s32 s21, s20;
	[smem:$0x7F6] =	sst s24  }
0x889: {  	[smem:$0x7DC] =	sst s1;
	s1 =	sadd.s32 s23, s22  }
0x88a: {  	[smem:$0x7D3] =	sst s1  }
0x88b: {  	s29 =	spop (v2sf);
	s1 =	sadd.s32 s31, s30;
	s30 =	sld [smem:$0x73E]  }
0x88c: {  	s15 =	spop (v2sf);
	s31 =	sld [smem:$0x73F]  }
0x88d: {  	v0 =	vmul.u32 $0x1F, v0;
	(v2sf) =	vpush v13, $0x7;
	s22 =	smul.u32 $0x431BDE83, s0;
	[smem:$0x7DD] =	sst s1  }
0x88e: {  	s23 =	smulhi.u32 $0x431BDE83, s29;
	s1 =	sadd.s32 s14, s10;
	s10 =	sld [smem:$0x740]  }
0x88f: {  	v12 =	vadd.s32 v1, v0;
	s0 =	sshra.s32 s29, $0x1F;
	s29 =	spop (v2sf);
	s14 =	sld [smem:$0x741]  }
0x890: {  	(v2sf) =	vpush v12, $0xD;
	s20 =	smul.u32 $0x431BDE83, s0;
	[smem:$0x7DE] =	sst s1  }
0x891: {  	s22 =	sadd.s32 s22, s25;
	s1 =	sadd.s32 s17, s16;
	s17 =	sld [smem:$0x742]  }
0x892: {  	s0 =	sshra.s32 s15, $0x1F;
	[smem:$0x7F7] =	sst s22;
	s20 =	sadd.s32 s20, s23  }
0x893: {  	[smem:$0x7DF] =	sst s1;
	s1 =	sadd.s32 s19, s18;
	s18 =	smul.u32 $0x431BDE83, s0  }
0x894: {  	s19 =	smulhi.u32 $0x431BDE83, s29;
	s0 =	sshra.s32 s29, $0x1F;
	s29 =	sld [smem:$0x743]  }
0x895: {  	(v2sf) =	vpush v12, $0xC;
	[smem:$0x7F8] =	sst s20  }
0x896: {  	s21 =	smulhi.u32 $0x431BDE83, s15;
	[smem:$0x7E0] =	sst s1  }
0x897: {  	(v2sf) =	vpush v12, $0xE;
	s15 =	spop (v2sf);
	s1 =	sadd.s32 s31, s30;
	s30 =	sld [smem:$0x744]  }
0x898: {  	s16 =	smul.u32 $0x431BDE83, s0;
	s31 =	sld [smem:$0x745]  }
0x899: {  	s0 =	sshra.s32 s15, $0x1F;
	[smem:$0x7E1] =	sst s1;
	s1 =	sadd.s32 s14, s10  }
0x89a: {  	s14 =	smul.u32 $0x431BDE83, s0;
	[smem:$0x7E2] =	sst s1  }
0x89b: {  	s1 =	sadd.s32 s29, s17;
	s17 =	smulhi.u32 $0x431BDE83, s15;
	s15 =	sld [smem:$0x746]  }
0x89c: {  	(v2sf) =	vpush v12, $0xF;
	s10 =	spop (v2sf);
	s29 =	sld [smem:$0x747]  }
0x89d: {  	s0 =	sshra.s32 s10, $0x1F;
	[smem:$0x7E3] =	sst s1;
	s1 =	sadd.s32 s31, s30  }
0x89e: {  	s30 =	sadd.s32 s13, s12;
	s12 =	smul.u32 $0x431BDE83, s0;
	[smem:$0x7E5] =	sst s1  }
0x89f: {  	s31 =	spop (v2sf);
	[smem:$0x7E7] =	sst s30  }
0x8a0: {  	s13 =	smulhi.u32 $0x431BDE83, s31;
	s0 =	sshra.s32 s31, $0x1F;
	s31 =	sld [smem:$0x74A]  }
0x8a1: {  	s1 =	sadd.s32 s29, s15;
	s29 =	sld [smem:$0x749]  }
0x8a2: {  	s15 =	smulhi.u32 $0x431BDE83, s10;
	[smem:$0x7E6] =	sst s1  }
0x8a3: {  	(v2sf) =	vpush v12, $0x9;
	s10 =	smul.u32 $0x431BDE83, s0;
	s1 =	sadd.s32 s8, s2;
	s2 =	sld [smem:$0x74B]  }
0x8a4: {  	s8 =	spop (v2sf);
	[smem:$0x7E8] =	sst s1  }
0x8a5: {  	s11 =	smulhi.u32 $0x431BDE83, s8;
	s1 =	sadd.s32 s29, s7;
	s7 =	sld [smem:$0x74D]  }
0x8a6: {  	s0 =	sshra.s32 s8, $0x1F;
	s30 =	spop (v2sf);
	s29 =	sld [smem:$0x74E]  }
0x8a7: {  	(v2sf) =	vpush v12, $0x8;
	s8 =	smul.u32 $0x431BDE83, s0;
	s0 =	sshra.s32 s30, $0x1F;
	[smem:$0x7EB] =	sst s1  }
0x8a8: {  	s1 =	sadd.s32 s9, s31;
	s9 =	smulhi.u32 $0x431BDE83, s30;
	s30 =	sld [smem:$0x74F]  }
0x8a9: {  	[smem:$0x7EC] =	sst s1  }
0x8aa: {  	s1 =	sadd.s32 s2, s3;
	s3 =	sld [smem:$0x750]  }
0x8ab: {  	s4 =	spop (v2sf);
	s2 =	sld [smem:$0x754]  }
0x8ac: {  	s6 =	smul.u32 $0x431BDE83, s0;
	s0 =	sshra.s32 s4, $0x1F;
	[smem:$0x7E4] =	sst s1  }
0x8ad: {  	s1 =	sadd.s32 s7, s5;
	s7 =	smulhi.u32 $0x431BDE83, s4;
	s4 =	sld [smem:$0x751]  }
0x8ae: {  	[smem:$0x7ED] =	sst s1  }
0x8af: {  	s1 =	sadd.s32 s30, s29;
	s29 =	sld [smem:$0x752]  }
0x8b0: {  	(v2sf) =	vpush v12, $0xA;
	s30 =	sld [smem:$0x753]  }
0x8b1: {  	[smem:$0x7EE] =	sst s1;
	s1 =	sadd.s32 s4, s3  }
0x8b2: {  	s31 =	spop (v2sf);
	[smem:$0x7EF] =	sst s1  }
0x8b3: {  	(v2sf) =	vpush v12, $0xB;
	s5 =	smul.u32 $0x431BDE83, s0;
	s1 =	sadd.s32 s30, s29;
	s29 =	sld [smem:$0x755]  }
0x8b4: {  	s0 =	sshra.s32 s31, $0x1F;
	s4 =	smulhi.u32 $0x431BDE83, s31;
	s30 =	sld [smem:$0x756]  }
0x8b5: {  	(v2sf) =	vpush v12, $0x0;
	s3 =	smul.u32 $0x431BDE83, s0;
	[smem:$0x7F0] =	sst s1  }
0x8b6: {  	s31 =	spop (v2sf);
	s1 =	sadd.s32 s29, s2;
	s29 =	sld [smem:$0x757]  }
0x8b7: {  	(v2sf) =	vpush v12, $0x1;
	s0 =	sshra.s32 s31, $0x1F;
	s2 =	smulhi.u32 $0x431BDE83, s31;
	s31 =	sld [smem:$0x758]  }
0x8b8: {  	[smem:$0x7F1] =	sst s1  }
0x8b9: {  	s18 =	sadd.s32 s18, s21;
	(v2sf) =	vpush v12, $0x2;
	s1 =	sadd.s32 s29, s30;
	s30 =	sld [smem:$0x759]  }
0x8ba: {  	[smem:$0x7F9] =	sst s18  }
0x8bb: {  	(v2sf) =	vpush v12, $0x3;
	s29 =	sld [smem:$0x75A]  }
0x8bc: {  	s16 =	sadd.s32 s16, s19;
	s31 =	sadd.s32 s30, s31;
	s30 =	sld [smem:$0x75B]  }
0x8bd: {  	[smem:$0x7FA] =	sst s16;
	(v2sf) =	vpush v12, $0x4  }
0x8be: {  	[smem:$0x7F2] =	sst s1;
	s1 =	smul.u32 $0x431BDE83, s0  }
0x8bf: {  	(v2sf) =	vpush v12, $0x5;
	s0 =	spop (v2sf);
	s29 =	sadd.s32 s30, s29;
	s30 =	sld [smem:$0x75C]  }
0x8c0: {  	[smem:$0x7F3] =	sst s31;
	s31 =	smulhi.u32 $0x431BDE83, s0;
	s0 =	sshra.s32 s0, $0x1F  }
0x8c1: {  	s23 =	sadd.s32 s14, s17;
	s25 =	sadd.s32 s12, s15;
	s0 =	smul.u32 $0x431BDE83, s0  }
0x8c2: {  	[smem:$0x7F4] =	sst s29;
	s29 =	spop (v2sf);
	s26 =	sadd.s32 s26, s30  }
0x8c3: {  	[smem:$0x7F5] =	sst s26;
	s26 =	smulhi.u32 $0x431BDE83, s29;
	s29 =	sshra.s32 s29, $0x1F  }
0x8c4: {  	s10 =	sadd.s32 s10, s13;
	s24 =	smul.u32 $0x431BDE83, s29;
	s29 =	spop (v2sf)  }
0x8c5: {  	v0 =	vld [tilespmem:$0x1D7];
	[smem:$0x7FB] =	sst s10;
	s22 =	smulhi.u32 $0x431BDE83, s29;
	s30 =	sshra.s32 s29, $0x1F  }
0x8c6: {  	s8 =	sadd.s32 s8, s11;
	(v2sf) =	vpush v12, $0x6;
	s28 =	spop (v2sf);
	s20 =	smul.u32 $0x431BDE83, s30  }
0x8c7: {  	v1 =	vld [tilespmem:$0x1D8];
	[smem:$0x7FC] =	sst s8;
	s18 =	smulhi.u32 $0x431BDE83, s28;
	s29 =	sshra.s32 s28, $0x1F  }
0x8c8: {  	s3 =	sadd.s32 s3, s4;
	s30 =	spop (v2sf);
	s16 =	smul.u32 $0x431BDE83, s29  }
0x8c9: {  	[smem:$0x7FD] =	sst s3;
	s14 =	smulhi.u32 $0x431BDE83, s30;
	s19 =	sshra.s32 s30, $0x1F  }
0x8ca: {  	v0 =	vmul.u32 $0x1F, v0;
	s1 =	sadd.s32 s1, s2;
	s21 =	spop (v2sf);
	s12 =	smul.u32 $0x431BDE83, s19  }
0x8cb: {  	[dreg:$0x1f] =	wrdreg s1;
	s10 =	smulhi.u32 $0x431BDE83, s21;
	s28 =	sshra.s32 s21, $0x1F  }
0x8cc: {  	v14 =	vadd.s32 v1, v0;
	(v2sf) =	vpush v12, $0x7;
	s29 =	spop (v2sf);
	s21 =	sadd.s32 s20, s22;
	s8 =	smul.u32 $0x431BDE83, s28  }
0x8cd: {  	(v2sf) =	vpush v14, $0xD;
	s20 =	sld [smem:$0x75E];
	s28 =	sadd.s32 s6, s9;
	s6 =	smulhi.u32 $0x431BDE83, s29  }
0x8ce: {  	s30 =	sshra.s32 s29, $0x1F;
	s29 =	sadd.s32 s5, s7;
	s11 =	spop (v2sf)  }
0x8cf: {  	[dreg:$0x1b] =	wrdreg s21;
	s5 =	smul.u32 $0x431BDE83, s30;
	s30 =	sadd.s32 s0, s31  }
0x8d0: {  	s31 =	sadd.s32 s24, s26;
	s24 =	sadd.s32 s16, s18;
	s18 =	sld [smem:$0x75D]  }
0x8d1: {  	s3 =	smulhi.u32 $0x431BDE83, s11;
	s13 =	sshra.s32 s11, $0x1F;
	s11 =	sld [smem:$0x762]  }
0x8d2: {  	[dreg:$0x17] =	wrdreg s24  }
0x8d3: {  	s1 =	smul.u32 $0x431BDE83, s13;
	s13 =	sadd.s32 s12, s14;
	s24 =	sld [smem:$0x760]  }
0x8d4: {  	s8 =	sadd.s32 s8, s10;
	[dreg:$0x15] =	wrdreg s13  }
0x8d5: {  	s15 =	spop (v2sf);
	[dreg:$0x14] =	wrdreg s8  }
0x8d6: {  	s17 =	smulhi.u32 $0x431BDE83, s15;
	s8 =	sld [smem:$0x761]  }
0x8d7: {  	s2 =	sshra.s32 s15, $0x1F;
	s21 =	sshrl.u32 s20, $0x1F;
	s13 =	sld [smem:$0x763]  }
0x8d8: {  	s2 =	smul.u32 $0x431BDE83, s2;
	s5 =	sadd.s32 s5, s6;
	v1 =	vmov s21;
	s21 =	sld [smem:$0x766]  }
0x8d9: {  	[dreg:$0x13] =	wrdreg s5;
	s1 =	sadd.s32 s1, s3  }
0x8da: {  	s12 =	sshrl.u32 s11, $0x1F;
	[dreg:$0x12] =	wrdreg s1;
	s0 =	sadd.s32 s2, s17  }
0x8db: {  	s1 =	sshra.s32 s24, $0x12;
	s19 =	spop (v2sf);
	[dreg:$0x10] =	wrdreg s0  }
0x8dc: {  	s22 =	smulhi.u32 $0x431BDE83, s19;
	s4 =	sshra.s32 s19, $0x1F;
	s26 =	spop (v2sf)  }
0x8dd: {  	s19 =	sshrl.u32 s18, $0x1F;
	s14 =	smulhi.u32 $0x431BDE83, s26;
	s9 =	sshra.s32 s26, $0x1F  }
0x8de: {  	s10 =	sshrl.u32 s8, $0x1F;
	v1 =	vsel vm1, s19, v1;
	s19 =	sld [smem:$0x765];
	s15 =	smul.u32 $0x431BDE83, s9  }
0x8df: {  	s2 =	sshra.s32 s11, $0x12;
	v38 =	vmov s10;
	s10 =	sld [smem:$0x767];
	s4 =	smul.u32 $0x431BDE83, s4  }
0x8e0: {  	s0 =	sshra.s32 s18, $0x12;
	s17 =	sadd.s32 s15, s14;
	s14 =	sld [smem:$0x75F]  }
0x8e1: {  	s16 =	sadd.s32 s4, s22;
	s4 =	sshra.s32 s20, $0x12;
	s20 =	sshrl.u32 s19, $0x1F  }
0x8e2: {  	s7 =	sshra.s32 s8, $0x1F;
	s6 =	sshra.s32 s13, $0x12;
	v39 =	vmov s20;
	s20 =	sld [smem:$0x76A]  }
0x8e3: {  	s26 =	sshrl.u32 s24, $0x1F;
	s15 =	sld [smem:$0x764];
	s22 =	sshra.s32 s14, $0x1F  }
0x8e4: {  	vm0 =	vmmov vm3;
	s5 =	sshra.s32 s10, $0x12;
	[dreg:$0x11] =	wrdreg s16;
	s9 =	sshra.s32 s8, $0x12;
	v1 =	vsel vm2, s26, v1;
	v0 =	vmov s22  }
0x8e5: {  	vm15 =	vcmask $0x704;
	s24 =	sshrl.u32 s21, $0x1F;
	s26 =	sshra.s32 s21, $0x1F;
	v49 =	vsel vm0, s12, v1;
	s12 =	sshrl.u32 s10, $0x1F;
	v0 =	vsel vm4, s9, v0  }
0x8e6: {  	[dreg:$0xf] =	wrdreg s17;
	s11 =	sshra.s32 s20, $0x1F;
	s16 =	sshra.s32 s15, $0x12;
	v0 =	vsel vm15, s7, v0  }
0x8e7: {  	vm3 =	vcmask $0xF0C;
	s18 =	sshra.s32 s15, $0x1F;
	s7 =	sshrl.u32 s13, $0x1F;
	s13 =	sld [smem:$0x768];
	v0 =	vsel vm1, s16, v0  }
0x8e8: {  	v15 =	vnsel vm4, $0x0, v38;
	s17 =	sshrl.u32 s15, $0x1F;
	s22 =	sshra.s32 s21, $0x12;
	v0 =	vsel vm3, s18, v0;
	s18 =	sld [smem:$0x769]  }
0x8e9: {  	v1 =	vsel vm1, s17, v15;
	s21 =	sshrl.u32 s20, $0x1F;
	s9 =	sshra.s32 s19, $0x12;
	v15 =	vsel vm1, s7, v39;
	v0 =	vsel vm2, s22, v0;
	s22 =	sld [smem:$0x76B]  }
0x8ea: {  	v15 =	vsel vm2, s12, v15;
	s12 =	sld [smem:$0x76F];
	s15 =	sshrl.u32 s13, $0x1F;
	s16 =	sshra.s32 s13, $0x12  }
0x8eb: {  	v1 =	vsel vm2, s24, v1;
	s17 =	sshra.s32 s13, $0x1F;
	s13 =	sld [smem:$0x76C];
	v0 =	vsel vm12, s26, v0;
	s26 =	sshra.s32 s20, $0x12  }
0x8ec: {  	vm11 =	vcmask $0x1F1C;
	v1 =	vsel vm0, s15, v1;
	v0 =	vsel vm0, s16, v0;
	s19 =	sshrl.u32 s18, $0x1F;
	s8 =	sshra.s32 s18, $0x12;
	s24 =	sshrl.u32 s22, $0x1F  }
0x8ed: {  	vm9 =	vmmov vm12;
	v1 =	vsel vm5, s21, v1;
	v0 =	vsel vm11, s17, v0;
	s16 =	sshra.s32 s22, $0x12;
	s17 =	sshra.s32 s22, $0x1F;
	s22 =	sld [smem:$0x76D]  }
0x8ee: {  	vm10 =	vcmask $0x3734;
	s18 =	sshrl.u32 s14, $0x1F;
	s15 =	sshrl.u32 s13, $0x1F;
	v1 =	vsel vm6, s24, v1;
	v0 =	vsel vm5, s26, v0;
	s24 =	sld [smem:$0x76E]  }
0x8ef: {  	s21 =	sshra.s32 s14, $0x12;
	v50 =	vsel vm0, s19, v15;
	s19 =	sshra.s32 s13, $0x12;
	v1 =	vsel vm7, s15, v1;
	v0 =	vsel vm13, s11, v0;
	s15 =	sld [smem:$0x770]  }
0x8f0: {  	v40 =	vmov s4;
	vm12 =	vcmask $0x2F2C;
	s20 =	sshra.s32 s13, $0x1F;
	s13 =	sshrl.u32 s12, $0x1F;
	v0 =	vsel vm6, s16, v0;
	s16 =	sld [smem:$0x771]  }
0x8f1: {  	v51 =	vsel vm14, s18, v1;
	v1 =	vsel vm1, s0, v40;
	s11 =	sshrl.u32 s22, $0x1F;
	s0 =	sshra.s32 s22, $0x12;
	v0 =	vsel vm12, s17, v0;
	s17 =	sld [smem:$0x772]  }
0x8f2: {  	v41 =	vmov s9;
	v1 =	vsel vm2, s1, v1;
	s26 =	sshrl.u32 s24, $0x1F;
	s3 =	sshra.s32 s24, $0x12;
	s24 =	sld [smem:$0x775];
	v0 =	vsel vm7, s19, v0  }
0x8f3: {  	s1 =	sshra.s32 s12, $0x12;
	v52 =	vsel vm0, s2, v1;
	v1 =	vsel vm1, s6, v41;
	s14 =	sshra.s32 s15, $0x1F;
	v0 =	vsel vm10, s20, v0;
	s20 =	sld [smem:$0x773]  }
0x8f4: {  	v1 =	vsel vm2, s5, v1;
	v42 =	vmov s14;
	s4 =	sshrl.u32 s16, $0x1F;
	s2 =	sshra.s32 s16, $0x12;
	s14 =	sld [smem:$0x777]  }
0x8f5: {  	s18 =	sshra.s32 s17, $0x12;
	v54 =	vsel vm0, s8, v1;
	v53 =	vsel vm14, s21, v0;
	s19 =	sshrl.u32 s17, $0x1F;
	v1 =	vmov s26;
	s21 =	sld [smem:$0x774]  }
0x8f6: {  	s7 =	sshra.s32 s17, $0x1F;
	s26 =	sshra.s32 s24, $0x12;
	v43 =	vmov s19;
	v1 =	vsel vm1, s11, v1;
	s19 =	sld [smem:$0x778]  }
0x8f7: {  	s11 =	sshrl.u32 s24, $0x1F;
	v1 =	vsel vm2, s13, v1;
	s13 =	sld [smem:$0x776];
	s16 =	sshrl.u32 s14, $0x1F  }
0x8f8: {  	v0 =	vsel vm4, s18, v42;
	s17 =	sshra.s32 s14, $0x12;
	s18 =	sshra.s32 s14, $0x1F;
	s14 =	sld [smem:$0x781]  }
0x8f9: {  	v0 =	vsel vm15, s7, v0;
	v15 =	vnsel vm4, $0x0, v43;
	s22 =	sshrl.u32 s21, $0x1F;
	s9 =	sshra.s32 s21, $0x12;
	s21 =	sld [smem:$0x779]  }
0x8fa: {  	s12 =	sshra.s32 s24, $0x1F;
	s8 =	sshrl.u32 s20, $0x1F;
	v15 =	vsel vm1, s11, v15;
	v1 =	vsel vm0, s4, v1;
	v44 =	vmov s22;
	s22 =	sld [smem:$0x77A]  }
0x8fb: {  	s5 =	sshra.s32 s20, $0x12;
	v0 =	vsel vm1, s26, v0;
	[tilespmem:$0x1FEF0] =	vst v1;
	v1 =	vsel vm2, s16, v15;
	s20 =	sshrl.u32 s19, $0x1F;
	s16 =	sld [smem:$0x77B]  }
0x8fc: {  	v0 =	vsel vm3, s12, v0;
	s26 =	sshra.s32 s19, $0x12;
	s6 =	sshrl.u32 s13, $0x1F;
	s10 =	sshra.s32 s13, $0x12  }
0x8fd: {  	v0 =	vsel vm2, s17, v0;
	v1 =	vsel vm0, s20, v1;
	s13 =	sshra.s32 s19, $0x1F;
	s20 =	sld [smem:$0x77C];
	s4 =	sshrl.u32 s21, $0x1F  }
0x8fe: {  	v0 =	vsel vm9, s18, v0;
	s7 =	sshra.s32 s21, $0x12;
	s24 =	sshrl.u32 s22, $0x1F;
	s17 =	sshrl.u32 s16, $0x1F  }
0x8ff: {  	v0 =	vsel vm0, s26, v0;
	s18 =	sshra.s32 s22, $0x12;
	s19 =	sshra.s32 s22, $0x1F;
	s26 =	sshrl.u32 s15, $0x1F;
	v1 =	vsel vm5, s24, v1  }
0x900: {  	v0 =	vsel vm11, s13, v0;
	s21 =	sshrl.u32 s20, $0x1F;
	s13 =	sshra.s32 s15, $0x12;
	s15 =	sld [smem:$0x77D];
	v1 =	vsel vm6, s17, v1  }
0x901: {  	s22 =	sshra.s32 s16, $0x12;
	s24 =	sshra.s32 s16, $0x1F;
	s16 =	sld [smem:$0x77E];
	v0 =	vsel vm5, s18, v0;
	v1 =	vsel vm7, s21, v1  }
0x902: {  	v45 =	vmov s9;
	s11 =	sshra.s32 s20, $0x12;
	s12 =	sshra.s32 s20, $0x1F;
	s20 =	sld [smem:$0x780];
	v0 =	vsel vm13, s19, v0;
	v1 =	vsel vm14, s26, v1  }
0x903: {  	v15 =	vsel vm1, s8, v44;
	s18 =	sld [smem:$0x77F];
	v0 =	vsel vm6, s22, v0;
	[tilespmem:$0x1FF20] =	vst v1;
	v1 =	vmov s3  }
0x904: {  	v15 =	vsel vm2, s6, v15;
	s9 =	sshrl.u32 s15, $0x1F;
	s17 =	sshrl.u32 s16, $0x1F;
	v0 =	vsel vm12, s24, v0;
	v1 =	vsel vm1, s0, v1  }
0x905: {  	v15 =	vsel vm0, s4, v15;
	s4 =	sshra.s32 s16, $0x12;
	s21 =	sshrl.u32 s20, $0x1F;
	s26 =	sld [smem:$0x783];
	v0 =	vsel vm7, s11, v0;
	v1 =	vsel vm2, s1, v1  }
0x906: {  	[tilespmem:$0x1FF00] =	vst v15;
	s22 =	sshra.s32 s14, $0x1F;
	s16 =	sld [smem:$0x785];
	s19 =	sshrl.u32 s18, $0x1F;
	v0 =	vsel vm10, s12, v0;
	v1 =	vsel vm0, s2, v1  }
0x907: {  	v15 =	vsel vm1, s5, v45;
	s3 =	sshra.s32 s18, $0x12;
	s24 =	sld [smem:$0x782];
	s0 =	sshra.s32 s15, $0x12;
	v0 =	vsel vm14, s13, v0;
	[tilespmem:$0x1FF10] =	vst v1  }
0x908: {  	s1 =	sshra.s32 s20, $0x12;
	s11 =	sshra.s32 s26, $0x12;
	v1 =	vsel vm2, s10, v15;
	[tilespmem:$0x1FF30] =	vst v0;
	v0 =	vmov s17;
	s17 =	sld [smem:$0x786]  }
0x909: {  	s12 =	sshrl.u32 s26, $0x1F;
	s5 =	sshra.s32 s16, $0x12;
	s13 =	sld [smem:$0x784];
	v15 =	vsel vm0, s7, v1;
	v1 =	vmov s22  }
0x90a: {  	s2 =	sshra.s32 s24, $0x12;
	s10 =	sshra.s32 s26, $0x1F;
	s22 =	sld [smem:$0x788];
	v1 =	vsel vm4, s11, v1  }
0x90b: {  	s7 =	sshrl.u32 s24, $0x1F;
	v0 =	vsel vm1, s9, v0;
	s9 =	sshrl.u32 s16, $0x1F;
	v1 =	vsel vm15, s10, v1;
	s18 =	sshra.s32 s17, $0x12  }
0x90c: {  	s16 =	sld [smem:$0x789];
	s15 =	sshrl.u32 s13, $0x1F;
	v0 =	vsel vm2, s19, v0;
	s20 =	sshra.s32 s17, $0x1F;
	v1 =	vsel vm1, s18, v1  }
0x90d: {  	v46 =	vmov s12;
	s19 =	sshrl.u32 s17, $0x1F;
	v31 =	vsel vm0, s21, v0;
	s21 =	sld [smem:$0x787];
	s26 =	sshra.s32 s22, $0x12;
	v1 =	vsel vm3, s20, v1  }
0x90e: {  	v16 =	vnsel vm4, $0x0, v46;
	v47 =	vmov s15;
	s24 =	sshrl.u32 s22, $0x1F;
	s15 =	sshra.s32 s22, $0x1F;
	s20 =	sld [smem:$0x78A];
	v1 =	vsel vm2, s26, v1  }
0x90f: {  	v0 =	vsel vm1, s19, v16;
	s17 =	sshrl.u32 s16, $0x1F;
	s18 =	sshra.s32 s16, $0x12;
	s26 =	sld [smem:$0x78B];
	v1 =	vsel vm9, s15, v1  }
0x910: {  	s19 =	sshra.s32 s16, $0x1F;
	v0 =	vsel vm2, s24, v0;
	s6 =	sshrl.u32 s21, $0x1F;
	s10 =	sshra.s32 s21, $0x12;
	v1 =	vsel vm0, s18, v1  }
0x911: {  	v0 =	vsel vm0, s17, v0;
	s21 =	sshrl.u32 s20, $0x1F;
	s22 =	sshra.s32 s20, $0x12;
	s18 =	sld [smem:$0x78C];
	v1 =	vsel vm11, s19, v1  }
0x912: {  	s8 =	sshra.s32 s13, $0x12;
	v16 =	vsel vm1, s7, v47;
	v0 =	vsel vm5, s21, v0;
	s15 =	sshrl.u32 s26, $0x1F;
	v1 =	vsel vm5, s22, v1;
	s22 =	sld [smem:$0x78D]  }
0x913: {  	v16 =	vsel vm2, s9, v16;
	s9 =	sshra.s32 s14, $0x12;
	s24 =	sshra.s32 s20, $0x1F;
	v0 =	vsel vm6, s15, v0;
	s15 =	sld [smem:$0x78F]  }
0x914: {  	s16 =	sshra.s32 s26, $0x12;
	s19 =	sshrl.u32 s18, $0x1F;
	v1 =	vsel vm13, s24, v1;
	s24 =	sld [smem:$0x78E]  }
0x915: {  	s20 =	sshra.s32 s18, $0x12;
	s7 =	sshra.s32 s18, $0x1F;
	s18 =	sld [smem:$0x792]  }
0x916: {  	s17 =	sshra.s32 s26, $0x1F;
	s21 =	sshrl.u32 s14, $0x1F;
	v0 =	vsel vm7, s19, v0;
	v1 =	vsel vm6, s16, v1;
	s16 =	sld [smem:$0x790]  }
0x917: {  	v48 =	vmov s4;
	v56 =	vmov s8;
	s19 =	sld [smem:$0x793];
	v0 =	vsel vm14, s21, v0;
	s12 =	sshrl.u32 s22, $0x1F;
	s8 =	sshrl.u32 s15, $0x1F  }
0x918: {  	[tilespmem:$0x1FF40] =	vst v0;
	v0 =	vsel vm1, s0, v48;
	s0 =	sshra.s32 s22, $0x12;
	s26 =	sshrl.u32 s24, $0x1F;
	s4 =	sshrl.u32 s18, $0x1F  }
0x919: {  	v0 =	vsel vm2, s3, v0;
	s3 =	sshra.s32 s24, $0x12;
	s11 =	sshrl.u32 s16, $0x1F;
	s24 =	sld [smem:$0x794]  }
0x91a: {  	v1 =	vsel vm12, s17, v1;
	s21 =	sshrl.u32 s19, $0x1F;
	v44 =	vsel vm0, s1, v0;
	v0 =	vsel vm1, s2, v56;
	s1 =	sshra.s32 s15, $0x12;
	s15 =	sld [smem:$0x791]  }
0x91b: {  	v1 =	vsel vm7, s20, v1;
	s20 =	sshra.s32 s19, $0x12;
	s22 =	sshra.s32 s19, $0x1F;
	v58 =	vmov s21;
	s21 =	sld [smem:$0x798];
	v0 =	vsel vm2, s5, v0  }
0x91c: {  	s2 =	sshra.s32 s16, $0x12;
	s5 =	sshra.s32 s18, $0x12;
	s18 =	sld [smem:$0x796];
	v47 =	vsel vm0, s10, v0;
	v0 =	vsel vm10, s7, v1  }
0x91d: {  	v40 =	vsel vm0, s6, v16;
	s6 =	sshrl.u32 s24, $0x1F;
	s17 =	sshra.s32 s15, $0x1F;
	v32 =	vsel vm14, s9, v0;
	v0 =	vmov s26;
	s26 =	sld [smem:$0x795]  }
0x91e: {  	s9 =	sshra.s32 s24, $0x12;
	s24 =	sshrl.u32 s21, $0x1F;
	v59 =	vmov s6;
	s6 =	sld [smem:$0x799];
	v57 =	vmov s17;
	v0 =	vsel vm1, s12, v0  }
0x91f: {  	s19 =	sshrl.u32 s18, $0x1F;
	v1 =	vsel vm4, s20, v57;
	v0 =	vsel vm2, s8, v0;
	s8 =	sshra.s32 s18, $0x12;
	s20 =	sld [smem:$0x797]  }
0x920: {  	v16 =	vnsel vm4, $0x0, v58;
	v1 =	vsel vm15, s22, v1;
	s14 =	sshra.s32 s26, $0x12;
	s16 =	sshrl.u32 s26, $0x1F;
	s17 =	sshra.s32 s26, $0x1F;
	v0 =	vsel vm0, s11, v0  }
0x921: {  	s22 =	sshra.s32 s21, $0x12;
	s26 =	sshra.s32 s21, $0x1F;
	v1 =	vsel vm1, s14, v1;
	[tilespmem:$0x1FF50] =	vst v0;
	v0 =	vsel vm1, s16, v16;
	v16 =	vsel vm1, s4, v59;
	s16 =	sld [smem:$0x79A]  }
0x922: {  	s11 =	sshrl.u32 s6, $0x1F;
	s13 =	sshra.s32 s6, $0x1F;
	v1 =	vsel vm3, s17, v1;
	v16 =	vsel vm2, s19, v16;
	s19 =	sld [smem:$0x79B]  }
0x923: {  	s14 =	sshra.s32 s6, $0x12;
	s10 =	sshrl.u32 s20, $0x1F;
	s7 =	sshra.s32 s20, $0x12;
	v1 =	vsel vm2, s22, v1  }
0x924: {  	v0 =	vsel vm2, s24, v0;
	s22 =	sld [smem:$0x79C];
	v1 =	vsel vm9, s26, v1;
	s17 =	sshrl.u32 s16, $0x1F;
	s18 =	sshra.s32 s16, $0x12  }
0x925: {  	v0 =	vsel vm0, s11, v0;
	s11 =	sshra.s32 s16, $0x1F;
	s16 =	sld [smem:$0x79E];
	v1 =	vsel vm0, s14, v1;
	s20 =	sshrl.u32 s19, $0x1F  }
0x926: {  	v0 =	vsel vm5, s17, v0;
	s21 =	sshra.s32 s19, $0x12;
	v1 =	vsel vm11, s13, v1;
	s13 =	sshra.s32 s19, $0x1F;
	s19 =	sld [smem:$0x7A0]  }
0x927: {  	v0 =	vsel vm6, s20, v0;
	s24 =	sshrl.u32 s22, $0x1F;
	s20 =	sld [smem:$0x7A1]  }
0x928: {  	v37 =	vsel vm0, s10, v16;
	s26 =	sshra.s32 s22, $0x12;
	s10 =	sshra.s32 s22, $0x1F;
	s22 =	sld [smem:$0x7A3]  }
0x929: {  	v1 =	vsel vm5, s18, v1;
	s18 =	sld [smem:$0x79F]  }
0x92a: {  	s4 =	sshrl.u32 s15, $0x1F;
	v0 =	vsel vm7, s24, v0;
	s17 =	sshrl.u32 s16, $0x1F;
	s24 =	sld [smem:$0x7A4]  }
0x92b: {  	v60 =	vmov s3;
	v1 =	vsel vm13, s11, v1;
	s11 =	sshra.s32 s15, $0x12;
	s15 =	sld [smem:$0x79D];
	v0 =	vsel vm14, s4, v0;
	s4 =	sshra.s32 s16, $0x12  }
0x92c: {  	v61 =	vmov s9;
	s16 =	sld [smem:$0x7A2];
	[tilespmem:$0x1FF60] =	vst v0;
	v0 =	vsel vm1, s0, v60;
	v1 =	vsel vm6, s21, v1;
	s6 =	sshrl.u32 s22, $0x1F;
	s9 =	sshrl.u32 s18, $0x1F  }
0x92d: {  	v0 =	vsel vm2, s1, v0;
	v1 =	vsel vm12, s13, v1;
	s3 =	sshra.s32 s18, $0x12;
	s13 =	sshrl.u32 s19, $0x1F;
	s18 =	sld [smem:$0x7A6]  }
0x92e: {  	s1 =	sshra.s32 s19, $0x12;
	v20 =	vmov s6;
	s6 =	sld [smem:$0x7AE];
	s14 =	sshrl.u32 s15, $0x1F;
	v33 =	vsel vm0, s2, v0;
	v0 =	vsel vm1, s5, v61  }
0x92f: {  	s0 =	sshra.s32 s15, $0x12;
	v1 =	vsel vm7, s26, v1;
	s2 =	sshrl.u32 s20, $0x1F;
	s21 =	sshra.s32 s16, $0x1F;
	v0 =	vsel vm2, s8, v0  }
0x930: {  	s26 =	sshra.s32 s24, $0x12;
	v1 =	vsel vm10, s10, v1;
	v62 =	vmov s21;
	s8 =	sshra.s32 s22, $0x12;
	s22 =	sld [smem:$0x7A8];
	v30 =	vsel vm0, s7, v0  }
0x931: {  	s5 =	sshra.s32 s20, $0x12;
	s15 =	sshra.s32 s24, $0x1F;
	v35 =	vsel vm14, s11, v1;
	v0 =	vsel vm4, s26, v62;
	v1 =	vmov s17;
	s17 =	sld [smem:$0x7A5]  }
0x932: {  	s21 =	sld [smem:$0x7A7];
	s11 =	sshrl.u32 s24, $0x1F;
	s19 =	sshra.s32 s18, $0x12;
	v0 =	vsel vm15, s15, v0  }
0x933: {  	s20 =	sshrl.u32 s18, $0x1F;
	s12 =	sshra.s32 s18, $0x1F;
	s18 =	sld [smem:$0x7A9];
	v0 =	vsel vm1, s19, v0  }
0x934: {  	v63 =	vmov s11;
	v1 =	vsel vm1, s14, v1;
	s24 =	sshrl.u32 s22, $0x1F;
	s26 =	sshra.s32 s22, $0x12;
	s10 =	sshrl.u32 s17, $0x1F;
	v0 =	vsel vm3, s12, v0  }
0x935: {  	v16 =	vnsel vm4, $0x0, v63;
	v1 =	vsel vm2, s9, v1;
	s7 =	sshra.s32 s17, $0x12;
	s17 =	sshra.s32 s22, $0x1F;
	s22 =	sld [smem:$0x7AA];
	v0 =	vsel vm2, s26, v0  }
0x936: {  	v16 =	vsel vm1, s20, v16;
	v1 =	vsel vm0, s13, v1;
	s20 =	sshra.s32 s18, $0x12;
	s13 =	sld [smem:$0x7AB];
	v0 =	vsel vm9, s17, v0  }
0x937: {  	s14 =	sshrl.u32 s21, $0x1F;
	s19 =	sshrl.u32 s18, $0x1F;
	[tilespmem:$0x1FF70] =	vst v1;
	v1 =	vsel vm2, s24, v16;
	v0 =	vsel vm0, s20, v0;
	s20 =	sld [smem:$0x7AC]  }
0x938: {  	s9 =	sshra.s32 s21, $0x12;
	s21 =	sshra.s32 s18, $0x1F;
	v1 =	vsel vm0, s19, v1;
	s24 =	sshrl.u32 s22, $0x1F  }
0x939: {  	v16 =	vsel vm1, s2, v20;
	s26 =	sshra.s32 s22, $0x12;
	s2 =	sshra.s32 s22, $0x1F;
	s17 =	sshrl.u32 s13, $0x1F;
	v1 =	vsel vm5, s24, v1;
	v0 =	vsel vm11, s21, v0  }
0x93a: {  	s18 =	sshra.s32 s13, $0x12;
	v1 =	vsel vm6, s17, v1;
	v0 =	vsel vm5, s26, v0;
	s17 =	sld [smem:$0x7AF];
	s21 =	sshrl.u32 s20, $0x1F  }
0x93b: {  	s22 =	sshra.s32 s20, $0x12;
	s24 =	sshra.s32 s20, $0x1F;
	v0 =	vsel vm13, s2, v0;
	s20 =	sld [smem:$0x7B2]  }
0x93c: {  	s19 =	sshra.s32 s13, $0x1F;
	s26 =	sshrl.u32 s16, $0x1F;
	v1 =	vsel vm7, s21, v1;
	v0 =	vsel vm6, s18, v0;
	s18 =	sld [smem:$0x7B0]  }
0x93d: {  	v1 =	vsel vm14, s26, v1;
	v0 =	vsel vm12, s19, v0;
	s19 =	sld [smem:$0x7B1]  }
0x93e: {  	[tilespmem:$0x1FFC0] =	vst v1;
	v1 =	vmov s4;
	s4 =	sld [smem:$0x7AD]  }
0x93f: {  	v16 =	vsel vm2, s10, v16;
	v0 =	vsel vm7, s22, v0;
	s22 =	sld [smem:$0x7B4]  }
0x940: {  	v21 =	vmov s8;
	v16 =	vsel vm0, s14, v16;
	v1 =	vsel vm1, s0, v1;
	s10 =	sshrl.u32 s18, $0x1F;
	s0 =	sshra.s32 s18, $0x12;
	s18 =	sld [smem:$0x7B3]  }
0x941: {  	s14 =	sshra.s32 s16, $0x12;
	[tilespmem:$0x1FF80] =	vst v16;
	v16 =	vsel vm1, s5, v21;
	s5 =	sshra.s32 s20, $0x12;
	v0 =	vsel vm10, s24, v0;
	s24 =	sld [smem:$0x7B5]  }
0x942: {  	s16 =	sshrl.u32 s6, $0x1F;
	s6 =	sshra.s32 s6, $0x12;
	v27 =	vmov s5;
	s5 =	sld [smem:$0x7C0];
	v1 =	vsel vm2, s3, v1;
	v0 =	vsel vm14, s14, v0  }
0x943: {  	s13 =	sshrl.u32 s17, $0x1F;
	s3 =	sshra.s32 s19, $0x12;
	s14 =	sld [smem:$0x7B6];
	v1 =	vsel vm0, s1, v1;
	[tilespmem:$0x1FFD0] =	vst v0  }
0x944: {  	s15 =	sshrl.u32 s4, $0x1F;
	s2 =	sshra.s32 s4, $0x12;
	s4 =	sshra.s32 s17, $0x12;
	v0 =	vmov s16;
	[tilespmem:$0x1FF90] =	vst v1;
	v1 =	vsel vm2, s7, v16  }
0x945: {  	s17 =	sshrl.u32 s19, $0x1F;
	s21 =	sshra.s32 s18, $0x1F;
	v0 =	vsel vm1, s15, v0;
	s15 =	sld [smem:$0x7B7];
	v1 =	vsel vm0, s9, v1  }
0x946: {  	s1 =	sshrl.u32 s20, $0x1F;
	s26 =	sshra.s32 s24, $0x12;
	s7 =	sshra.s32 s22, $0x12;
	[tilespmem:$0x1FFA0] =	vst v1;
	v1 =	vmov s21  }
0x947: {  	s12 =	sshrl.u32 s24, $0x1F;
	s11 =	sshra.s32 s24, $0x1F;
	v0 =	vsel vm2, s13, v0;
	s13 =	sld [smem:$0x7B9];
	v1 =	vsel vm4, s26, v1  }
0x948: {  	v25 =	vmov s1;
	s9 =	sshrl.u32 s22, $0x1F;
	s21 =	sld [smem:$0x7B8];
	s16 =	sshra.s32 s15, $0x12;
	v1 =	vsel vm15, s11, v1  }
0x949: {  	v22 =	vmov s12;
	s8 =	sshra.s32 s14, $0x12;
	v17 =	vsel vm1, s17, v25;
	s17 =	sld [smem:$0x7BC];
	s20 =	sshra.s32 s15, $0x1F;
	v23 =	vsel vm1, s16, v1  }
0x94a: {  	v16 =	vnsel vm4, $0x0, v22;
	v0 =	vsel vm0, s10, v0;
	s19 =	sshrl.u32 s15, $0x1F;
	s11 =	sshrl.u32 s14, $0x1F;
	v24 =	vsel vm3, s20, v23;
	s20 =	sld [smem:$0x7BA]  }
0x94b: {  	[tilespmem:$0x1FFB0] =	vst v0;
	v0 =	vsel vm1, s19, v16;
	s19 =	sshra.s32 s13, $0x12;
	s10 =	sshra.s32 s13, $0x1F;
	s24 =	sshra.s32 s21, $0x12  }
0x94c: {  	v17 =	vsel vm2, s9, v17;
	s22 =	sshrl.u32 s21, $0x1F;
	s26 =	sshra.s32 s21, $0x1F;
	v16 =	vsel vm2, s24, v24;
	s24 =	sld [smem:$0x7BB]  }
0x94d: {  	s16 =	sshrl.u32 s13, $0x1F;
	v36 =	vsel vm0, s11, v17;
	s11 =	sshra.s32 s17, $0x1F;
	v0 =	vsel vm2, s22, v0;
	v16 =	vsel vm9, s26, v16;
	s21 =	sshrl.u32 s20, $0x1F  }
0x94e: {  	v0 =	vsel vm0, s16, v0;
	s22 =	sshra.s32 s20, $0x12;
	s13 =	sshra.s32 s20, $0x1F;
	v16 =	vsel vm0, s19, v16;
	s19 =	sshrl.u32 s17, $0x1F  }
0x94f: {  	s20 =	sshra.s32 s17, $0x12;
	s17 =	sld [smem:$0x7C1];
	s26 =	sshrl.u32 s24, $0x1F;
	v0 =	vsel vm5, s21, v0  }
0x950: {  	s9 =	sshra.s32 s24, $0x12;
	s14 =	sshra.s32 s24, $0x1F;
	v16 =	vsel vm11, s10, v16;
	s24 =	sld [smem:$0x7BE];
	v0 =	vsel vm6, s26, v0  }
0x951: {  	v26 =	vmov s6;
	s21 =	sshrl.u32 s18, $0x1F;
	v16 =	vsel vm5, s22, v16;
	s22 =	sld [smem:$0x7BD];
	v0 =	vsel vm7, s19, v0  }
0x952: {  	s12 =	sshra.s32 s18, $0x12;
	s26 =	sld [smem:$0x7BF];
	v16 =	vsel vm13, s13, v16;
	v45 =	vsel vm14, s21, v0;
	v0 =	vsel vm1, s2, v26  }
0x953: {  	s19 =	sld [smem:$0x7C3];
	v16 =	vsel vm6, s9, v16;
	s9 =	sshrl.u32 s5, $0x1F;
	s2 =	sshra.s32 s5, $0x12;
	v0 =	vsel vm2, s4, v0  }
0x954: {  	s5 =	sshra.s32 s17, $0x12;
	v16 =	vsel vm12, s14, v16;
	v57 =	vsel vm0, s0, v0;
	s0 =	sshrl.u32 s17, $0x1F;
	s17 =	sld [smem:$0x7C2]  }
0x955: {  	s13 =	sshrl.u32 s24, $0x1F;
	s6 =	sshra.s32 s24, $0x12;
	v16 =	vsel vm7, s20, v16;
	s20 =	sld [smem:$0x7C4]  }
0x956: {  	s16 =	sshrl.u32 s22, $0x1F;
	s15 =	sshrl.u32 s26, $0x1F;
	v0 =	vsel vm1, s3, v27;
	s3 =	sshrl.u32 s19, $0x1F  }
0x957: {  	v0 =	vsel vm2, s7, v0;
	s7 =	sshra.s32 s19, $0x12;
	s19 =	sld [smem:$0x7C7];
	s18 =	sshra.s32 s17, $0x1F  }
0x958: {  	s4 =	sshra.s32 s26, $0x12;
	s26 =	sld [smem:$0x7C5];
	s21 =	sshra.s32 s20, $0x12;
	v28 =	vmov s18  }
0x959: {  	s1 =	sshra.s32 s22, $0x12;
	v62 =	vsel vm0, s8, v0;
	v0 =	vsel vm10, s11, v16;
	s24 =	sshra.s32 s20, $0x1F;
	s18 =	sld [smem:$0x7C6];
	v29 =	vsel vm4, s21, v28  }
0x95a: {  	s22 =	sshrl.u32 s20, $0x1F;
	v34 =	vsel vm14, s12, v0;
	v0 =	vmov s13;
	s20 =	sshra.s32 s19, $0x12;
	v16 =	vsel vm15, s24, v29;
	s24 =	sld [smem:$0x7C8]  }
0x95b: {  	v41 =	vmov s6;
	v0 =	vsel vm1, s16, v0;
	v38 =	vmov s22;
	s22 =	sshra.s32 s19, $0x1F;
	s21 =	sshrl.u32 s19, $0x1F;
	s19 =	sld [smem:$0x7C9]  }
0x95c: {  	s6 =	sld [smem:$0x7CE];
	s11 =	sshrl.u32 s26, $0x1F;
	v0 =	vsel vm2, s15, v0;
	v17 =	vnsel vm4, $0x0, v38;
	v16 =	vsel vm1, s20, v16  }
0x95d: {  	s8 =	sshra.s32 s26, $0x12;
	v43 =	vsel vm0, s9, v0;
	v0 =	vsel vm1, s21, v17;
	v16 =	vsel vm3, s22, v16;
	s22 =	sld [smem:$0x7CA];
	s26 =	sshrl.u32 s24, $0x1F  }
0x95e: {  	s9 =	sld [smem:$0x7CB];
	s12 =	sshrl.u32 s18, $0x1F;
	s20 =	sshrl.u32 s19, $0x1F;
	v0 =	vsel vm2, s26, v0  }
0x95f: {  	s10 =	sshra.s32 s18, $0x12;
	s18 =	sshra.s32 s24, $0x12;
	v0 =	vsel vm0, s20, v0;
	s20 =	sld [smem:$0x7CC]  }
0x960: {  	s21 =	sshra.s32 s19, $0x12;
	s16 =	sshra.s32 s24, $0x1F;
	v16 =	vsel vm2, s18, v16;
	s24 =	sshrl.u32 s22, $0x1F  }
0x961: {  	s15 =	sshra.s32 s19, $0x1F;
	s18 =	sshrl.u32 s9, $0x1F;
	v16 =	vsel vm9, s16, v16;
	s26 =	sshra.s32 s22, $0x12;
	v0 =	vsel vm5, s24, v0  }
0x962: {  	v39 =	vmov s3;
	s16 =	sshra.s32 s22, $0x1F;
	v16 =	vsel vm0, s21, v16;
	s24 =	sshrl.u32 s17, $0x1F;
	v0 =	vsel vm6, s18, v0;
	s21 =	sshrl.u32 s20, $0x1F  }
0x963: {  	v17 =	vsel vm1, s0, v39;
	v16 =	vsel vm11, s15, v16;
	s22 =	sshra.s32 s20, $0x12;
	s15 =	sshra.s32 s20, $0x1F;
	s20 =	sld [smem:$0x7D2];
	v0 =	vsel vm7, s21, v0  }
0x964: {  	v17 =	vsel vm2, s11, v17;
	s19 =	sshra.s32 s9, $0x12;
	s13 =	sshra.s32 s9, $0x1F;
	s9 =	sld [smem:$0x7CF];
	v46 =	vsel vm14, s24, v0;
	v0 =	vsel vm1, s1, v41  }
0x965: {  	v42 =	vmov s7;
	s14 =	sshra.s32 s17, $0x12;
	v39 =	vsel vm0, s12, v17;
	s12 =	sld [smem:$0x7D0];
	v0 =	vsel vm2, s4, v0  }
0x966: {  	v16 =	vsel vm5, s26, v16;
	v1 =	vsel vm0, s2, v0;
	v0 =	vsel vm1, s5, v42;
	s2 =	sshrl.u32 s20, $0x1F;
	s5 =	sshra.s32 s20, $0x12;
	s20 =	sld [smem:$0x7D3]  }
0x967: {  	s18 =	sshrl.u32 s9, $0x1F;
	s3 =	sshra.s32 s9, $0x12;
	s26 =	sld [smem:$0x7CD];
	v16 =	vsel vm13, s16, v16  }
0x968: {  	s16 =	sshrl.u32 s6, $0x1F;
	v16 =	vsel vm6, s19, v16;
	s19 =	sshrl.u32 s12, $0x1F;
	s24 =	sld [smem:$0x7D5]  }
0x969: {  	s1 =	sshra.s32 s12, $0x12;
	v16 =	vsel vm12, s13, v16;
	s13 =	sld [smem:$0x7D1];
	s21 =	sshra.s32 s20, $0x1F  }
0x96a: {  	s17 =	sshrl.u32 s26, $0x1F;
	s0 =	sshra.s32 s26, $0x12;
	v16 =	vsel vm7, s22, v16;
	v48 =	vmov s21;
	s21 =	sld [smem:$0x7D7]  }
0x96b: {  	s22 =	sld [smem:$0x7D4];
	v0 =	vsel vm2, s8, v0;
	v16 =	vsel vm10, s15, v16;
	s26 =	sshra.s32 s24, $0x12;
	s11 =	sshrl.u32 s24, $0x1F  }
0x96c: {  	s15 =	sld [smem:$0x7D6];
	s7 =	sshrl.u32 s13, $0x1F;
	v58 =	vsel vm0, s10, v0;
	v38 =	vsel vm14, s14, v16;
	s14 =	sshra.s32 s24, $0x1F;
	v0 =	vsel vm4, s26, v48  }
0x96d: {  	v59 =	vmov s16;
	s4 =	sshra.s32 s13, $0x12;
	v0 =	vsel vm15, s14, v0;
	s14 =	sld [smem:$0x7D8];
	s24 =	sshra.s32 s21, $0x12  }
0x96e: {  	v16 =	vsel vm1, s17, v59;
	s8 =	sshrl.u32 s22, $0x1F;
	s9 =	sshra.s32 s22, $0x12;
	v0 =	vsel vm1, s24, v0;
	s24 =	sld [smem:$0x7D9]  }
0x96f: {  	v60 =	vmov s11;
	v16 =	vsel vm2, s18, v16;
	s13 =	sshrl.u32 s15, $0x1F;
	s12 =	sshra.s32 s15, $0x12;
	s26 =	sshra.s32 s21, $0x1F  }
0x970: {  	v17 =	vnsel vm4, $0x0, v60;
	v42 =	vsel vm0, s19, v16;
	s19 =	sld [smem:$0x7DA];
	s22 =	sshrl.u32 s21, $0x1F;
	s17 =	sshra.s32 s14, $0x12;
	v0 =	vsel vm3, s26, v0  }
0x971: {  	v17 =	vsel vm1, s22, v17;
	s15 =	sshrl.u32 s14, $0x1F;
	s18 =	sshra.s32 s14, $0x1F;
	v0 =	vsel vm2, s17, v0;
	s26 =	sshrl.u32 s24, $0x1F  }
0x972: {  	v61 =	vsel vm2, s15, v17;
	s16 =	sshra.s32 s24, $0x12;
	s17 =	sshra.s32 s24, $0x1F;
	v0 =	vsel vm9, s18, v0;
	s24 =	sld [smem:$0x7DB]  }
0x973: {  	s21 =	sshrl.u32 s19, $0x1F;
	s22 =	sshra.s32 s19, $0x12;
	s15 =	sld [smem:$0x7DC];
	v16 =	vsel vm0, s26, v61;
	v0 =	vsel vm0, s16, v0  }
0x974: {  	s18 =	sshra.s32 s20, $0x12;
	v16 =	vsel vm5, s21, v16;
	v0 =	vsel vm11, s17, v0;
	s21 =	sshrl.u32 s20, $0x1F;
	s20 =	sld [smem:$0x7E2]  }
0x975: {  	v63 =	vmov s2;
	s10 =	sshra.s32 s19, $0x1F;
	s26 =	sshrl.u32 s24, $0x1F;
	v0 =	vsel vm5, s22, v0;
	s22 =	sld [smem:$0x7DD]  }
0x976: {  	v17 =	vsel vm1, s7, v63;
	s11 =	sshra.s32 s24, $0x12;
	s7 =	sshra.s32 s24, $0x1F;
	s24 =	sld [smem:$0x7DE];
	v0 =	vsel vm13, s10, v0  }
0x977: {  	s6 =	sshra.s32 s6, $0x12;
	s19 =	sshrl.u32 s15, $0x1F;
	v16 =	vsel vm6, s26, v16;
	v0 =	vsel vm6, s11, v0;
	s11 =	sld [smem:$0x7E1]  }
0x978: {  	v20 =	vmov s6;
	v17 =	vsel vm2, s8, v17;
	s16 =	sshra.s32 s15, $0x12;
	s14 =	sshra.s32 s15, $0x1F;
	s26 =	sld [smem:$0x7DF];
	v16 =	vsel vm7, s19, v16  }
0x979: {  	v56 =	vsel vm0, s13, v17;
	s10 =	sld [smem:$0x7E0];
	s13 =	sshrl.u32 s22, $0x1F;
	s2 =	sshra.s32 s22, $0x12;
	v41 =	vsel vm14, s21, v16;
	v16 =	vsel vm1, s0, v20  }
0x97a: {  	s21 =	sld [smem:$0x7E3];
	v16 =	vsel vm2, s3, v16;
	s3 =	sshrl.u32 s20, $0x1F;
	s19 =	sshrl.u32 s11, $0x1F  }
0x97b: {  	v0 =	vsel vm12, s7, v0;
	s7 =	sshra.s32 s11, $0x12;
	s11 =	sshra.s32 s20, $0x12;
	s20 =	sld [smem:$0x7E4]  }
0x97c: {  	s15 =	sshrl.u32 s24, $0x1F;
	s8 =	sshra.s32 s24, $0x12;
	s24 =	sld [smem:$0x7E5]  }
0x97d: {  	v21 =	vmov s5;
	s17 =	sshrl.u32 s26, $0x1F;
	s6 =	sshra.s32 s26, $0x12;
	s26 =	sld [smem:$0x7E6]  }
0x97e: {  	v17 =	vsel vm1, s4, v21;
	s0 =	sshrl.u32 s10, $0x1F;
	v26 =	vmov s8;
	s8 =	sld [smem:$0x7F0];
	s22 =	sshra.s32 s20, $0x1F  }
0x97f: {  	s5 =	sshra.s32 s10, $0x12;
	v0 =	vsel vm7, s16, v0;
	v59 =	vsel vm0, s1, v16;
	s1 =	sshrl.u32 s21, $0x1F;
	v23 =	vmov s22;
	s22 =	sld [smem:$0x7E7]  }
0x980: {  	v22 =	vsel vm2, s9, v17;
	v0 =	vsel vm10, s14, v0;
	s10 =	sshra.s32 s21, $0x12;
	s4 =	sshrl.u32 s24, $0x1F;
	s16 =	sshra.s32 s26, $0x12  }
0x981: {  	v63 =	vsel vm0, s12, v22;
	s12 =	sshra.s32 s24, $0x12;
	v60 =	vsel vm14, s18, v0;
	s18 =	sld [smem:$0x7E8];
	s14 =	sshra.s32 s26, $0x1F;
	v16 =	vsel vm4, s16, v23  }
0x982: {  	v0 =	vmov s15;
	v48 =	vmov s11;
	s11 =	sld [smem:$0x7F2];
	s21 =	sshrl.u32 s26, $0x1F;
	v16 =	vsel vm15, s14, v16;
	s24 =	sshra.s32 s22, $0x12  }
0x983: {  	v0 =	vsel vm1, s13, v0;
	v24 =	vmov s21;
	s15 =	sshrl.u32 s22, $0x1F;
	s26 =	sshra.s32 s22, $0x1F;
	s22 =	sld [smem:$0x7E9];
	v16 =	vsel vm1, s24, v16  }
0x984: {  	v0 =	vsel vm2, s17, v0;
	v17 =	vnsel vm4, $0x0, v24;
	s21 =	sshra.s32 s18, $0x12;
	v16 =	vsel vm3, s26, v16;
	s26 =	sld [smem:$0x7EA]  }
0x985: {  	v61 =	vsel vm0, s0, v0;
	s16 =	sshra.s32 s18, $0x1F;
	s14 =	sshrl.u32 s18, $0x1F;
	v0 =	vsel vm1, s15, v17;
	v16 =	vsel vm2, s21, v16;
	s21 =	sld [smem:$0x7EB]  }
0x986: {  	v0 =	vsel vm2, s14, v0;
	s24 =	sshrl.u32 s22, $0x1F;
	s0 =	sshra.s32 s22, $0x12;
	s13 =	sshra.s32 s22, $0x1F  }
0x987: {  	v25 =	vmov s3;
	v0 =	vsel vm0, s24, v0;
	v16 =	vsel vm9, s16, v16;
	s24 =	sld [smem:$0x7EC];
	s15 =	sshrl.u32 s26, $0x1F;
	s3 =	sshra.s32 s26, $0x12  }
0x988: {  	s9 =	sshra.s32 s26, $0x1F;
	v16 =	vsel vm0, s0, v16;
	s0 =	sshrl.u32 s20, $0x1F;
	s22 =	sshrl.u32 s21, $0x1F  }
0x989: {  	s16 =	sshra.s32 s21, $0x12;
	s17 =	sshra.s32 s21, $0x1F;
	v0 =	vsel vm5, s15, v0;
	s21 =	sld [smem:$0x7ED]  }
0x98a: {  	v16 =	vsel vm11, s13, v16;
	s13 =	sshra.s32 s20, $0x12;
	s26 =	sshrl.u32 s24, $0x1F;
	v0 =	vsel vm6, s22, v0;
	s22 =	sld [smem:$0x7EE]  }
0x98b: {  	v17 =	vsel vm1, s19, v25;
	s15 =	sshra.s32 s24, $0x12;
	s19 =	sshra.s32 s24, $0x1F;
	v16 =	vsel vm5, s3, v16;
	v0 =	vsel vm7, s26, v0;
	s26 =	sld [smem:$0x7EF]  }
0x98c: {  	v17 =	vsel vm2, s1, v17;
	v16 =	vsel vm13, s9, v16;
	s9 =	sld [smem:$0x7F1];
	s14 =	sshrl.u32 s21, $0x1F;
	s1 =	sshra.s32 s21, $0x12  }
0x98d: {  	v29 =	vsel vm14, s0, v0;
	v0 =	vsel vm1, s2, v26;
	s2 =	sshrl.u32 s8, $0x1F;
	s0 =	sshra.s32 s8, $0x12;
	v16 =	vsel vm6, s16, v16;
	s21 =	sld [smem:$0x7F4]  }
0x98e: {  	s16 =	sshrl.u32 s11, $0x1F;
	s11 =	sshra.s32 s11, $0x12;
	v16 =	vsel vm12, s17, v16;
	s17 =	sld [smem:$0x7F3]  }
0x98f: {  	(v2sf) =	vpush v14, $0xC;
	v28 =	vsel vm0, s4, v17;
	s24 =	sshrl.u32 s22, $0x1F;
	s4 =	sshra.s32 s22, $0x12;
	v0 =	vsel vm2, s6, v0;
	s22 =	sld [smem:$0x7F5]  }
0x990: {  	v23 =	vmov s16;
	s20 =	sshrl.u32 s26, $0x1F;
	s3 =	sshra.s32 s26, $0x12;
	s6 =	sshrl.u32 s9, $0x1F;
	v26 =	vsel vm0, s5, v0;
	v0 =	vsel vm1, s7, v48  }
0x991: {  	v16 =	vsel vm7, s15, v16;
	v48 =	vmov s11;
	s11 =	rddreg [dreg:$0x17];
	v0 =	vsel vm2, s10, v0;
	s7 =	sshrl.u32 s21, $0x1F;
	s10 =	sshra.s32 s21, $0x12  }
0x992: {  	v20 =	vmov s24;
	s21 =	sshra.s32 s25, $0x1F;
	s24 =	sshrl.u32 s22, $0x1F;
	v25 =	vsel vm0, s12, v0;
	v0 =	vsel vm10, s19, v16;
	s19 =	sld [smem:$0x7F6]  }
0x993: {  	v21 =	vsel vm1, s14, v20;
	v17 =	vsel vm1, s6, v23;
	s26 =	sshra.s32 s22, $0x12;
	s14 =	sshra.s32 s22, $0x1F;
	v22 =	vmov s21;
	s22 =	sld [smem:$0x7F7]  }
0x994: {  	s8 =	sshra.s32 s9, $0x12;
	s5 =	sshrl.u32 s17, $0x1F;
	v27 =	vsel vm14, s13, v0;
	v0 =	vsel vm2, s20, v21;
	v16 =	vsel vm4, s26, v22;
	s26 =	sld [smem:$0x7F8]  }
0x995: {  	s9 =	sshra.s32 s17, $0x12;
	v17 =	vsel vm2, s5, v17;
	s5 =	rddreg [dreg:$0x1f];
	v24 =	vsel vm0, s2, v0;
	v0 =	vmov s24;
	s17 =	sshrl.u32 s19, $0x1F  }
0x996: {  	s13 =	sshra.s32 s19, $0x12;
	s18 =	sshra.s32 s19, $0x1F;
	s24 =	sshrl.u32 s22, $0x1F;
	v0 =	vnsel vm4, $0x0, v0  }
0x997: {  	v16 =	vsel vm15, s14, v16;
	s15 =	sshra.s32 s22, $0x12;
	s19 =	sshra.s32 s22, $0x1F;
	s22 =	sld [smem:$0x7F9];
	v0 =	vsel vm1, s17, v0  }
0x998: {  	s6 =	sshrl.u32 s23, $0x1F;
	s2 =	sshra.s32 s28, $0x12;
	v16 =	vsel vm1, s13, v16;
	v0 =	vsel vm2, s24, v0;
	s24 =	sld [smem:$0x7FA]  }
0x999: {  	s12 =	sshrl.u32 s26, $0x1F;
	s20 =	sshra.s32 s26, $0x12;
	s21 =	sshra.s32 s26, $0x1F;
	v16 =	vsel vm3, s18, v16  }
0x99a: {  	(v2sf) =	vpush v14, $0xE;
	s18 =	sshra.s32 s23, $0x12;
	s14 =	sshrl.u32 s22, $0x1F;
	v0 =	vsel vm0, s12, v0;
	v16 =	vsel vm2, s15, v16;
	s15 =	sshrl.u32 s25, $0x1F  }
0x99b: {  	s12 =	sshra.s32 s25, $0x12;
	s25 =	sld [smem:$0x7FB];
	v0 =	vsel vm5, s14, v0;
	s26 =	sshrl.u32 s24, $0x1F  }
0x99c: {  	s23 =	sshra.s32 s23, $0x1F;
	s16 =	sshra.s32 s22, $0x12;
	v16 =	vsel vm9, s19, v16;
	v0 =	vsel vm6, s26, v0;
	s26 =	sld [smem:$0x7FC]  }
0x99d: {  	(v2sf) =	vpush v14, $0xF;
	s17 =	sshra.s32 s22, $0x1F;
	s13 =	sshra.s32 s24, $0x12;
	s22 =	sshra.s32 s24, $0x1F;
	v16 =	vsel vm0, s20, v16  }
0x99e: {  	v20 =	vsel vm0, s7, v17;
	s24 =	sshrl.u32 s25, $0x1F;
	s7 =	sshra.s32 s25, $0x12;
	v16 =	vsel vm11, s21, v16;
	v0 =	vsel vm7, s6, v0;
	s6 =	sshra.s32 s29, $0x12  }
0x99f: {  	(v2sf) =	vpush v14, $0x9;
	v16 =	vsel vm5, s16, v16;
	s16 =	sshrl.u32 s5, $0x1F;
	v21 =	vsel vm14, s15, v0;
	s15 =	rddreg [dreg:$0x1b];
	s25 =	sshrl.u32 s26, $0x1F  }
0x9a0: {  	(v2sf) =	vpush v14, $0x8;
	v0 =	vmov s4;
	s14 =	sshra.s32 s26, $0x12;
	s26 =	sshrl.u32 s28, $0x1F;
	s28 =	sshrl.u32 s29, $0x1F  }
0x9a1: {  	(v2sf) =	vpush v14, $0xA;
	v16 =	vsel vm13, s17, v16;
	s29 =	sld [smem:$0x7FD];
	v0 =	vsel vm1, s1, v0;
	s1 =	sshra.s32 s31, $0x12;
	s17 =	sshrl.u32 s15, $0x1F  }
0x9a2: {  	v49 =	vcombine.low v50, v49;
	v16 =	vsel vm6, s13, v16;
	s20 =	sshra.s32 s15, $0x1F;
	s13 =	rddreg [dreg:$0x15];
	v0 =	vsel vm2, s3, v0;
	s3 =	sshra.s32 s30, $0x12  }
0x9a3: {  	v17 =	vsel vm1, s8, v48;
	v16 =	vsel vm12, s22, v16;
	s22 =	sshra.s32 s11, $0x12;
	s19 =	sshra.s32 s13, $0x1F;
	v23 =	vmov s17;
	s17 =	rddreg [dreg:$0x14]  }
0x9a4: {  	v22 =	vmov s25;
	s25 =	spop (v2sf);
	v19 =	vsel vm0, s0, v0;
	v0 =	vsel vm2, s9, v17;
	s9 =	sshrl.u32 s11, $0x1F;
	s0 =	sshra.s32 s11, $0x1F  }
0x9a5: {  	(v2sf) =	vpush v14, $0xB;
	v49 =	vperm.xlane v49, v55;
	v54 =	vcombine.low v54, v52;
	s8 =	sshrl.u32 s17, $0x1F;
	s11 =	sshra.s32 s25, $0x1F;
	s21 =	sshrl.u32 s29, $0x1F  }
0x9a6: {  	v51 =	vperm.xlane v51, v2;
	s4 =	sshra.s32 s29, $0x12;
	s29 =	sshrl.u32 s30, $0x1F;
	s30 =	sshrl.u32 s31, $0x1F;
	v18 =	vsel vm0, s10, v0;
	v0 =	vsel vm7, s18, v16  }
0x9a7: {  	v53 =	vperm.xlane v53, v2;
	v50 =	vperm.xlane v54, v55;
	s31 =	sshra.s32 s15, $0x12;
	s10 =	sshrl.u32 s13, $0x1F;
	v0 =	vsel vm10, s23, v0;
	s23 =	smov.u32 s17  }
0x9a8: {  	v48 =	vnsel vm4, $0x0, v23;
	s18 =	sshra.s32 s17, $0x12;
	v16 =	vsel vm1, s24, v22;
	s17 =	sshra.s32 s23, $0x1F;
	s23 =	smulhi.u32 $0x431BDE83, s25;
	v17 =	vsel vm14, s12, v0  }
0x9a9: {  	s15 =	sshra.s32 s13, $0x12;
	v0 =	vsel vm2, s26, v16;
	v16 =	vsel vm1, s9, v48;
	s25 =	rddreg [dreg:$0x13];
	s26 =	spop (v2sf);
	v48 =	vmov s16  }
0x9aa: {  	s9 =	sshrl.u32 s25, $0x1F;
	v16 =	vsel vm2, s10, v16;
	s16 =	sshra.s32 s25, $0x12;
	v23 =	vsel vm0, s28, v0;
	v0 =	vsel vm1, s21, v48;
	s21 =	rddreg [dreg:$0x12]  }
0x9ab: {  	v49 =	vsel vm8, v51, v49;
	v50 =	vsel vm8, v53, v50;
	s13 =	sshra.s32 s25, $0x1F;
	s25 =	smulhi.u32 $0x431BDE83, s26;
	s28 =	rddreg [dreg:$0x11];
	v16 =	vsel vm0, s8, v16  }
0x9ac: {  	v49 =	vadd.s32 v49, v50;
	v50 =	vld [tilespmem:$0x1FEF0];
	s10 =	sshra.s32 s26, $0x1F;
	s26 =	sshrl.u32 s21, $0x1F;
	v0 =	vsel vm2, s29, v0;
	v16 =	vsel vm5, s9, v16;
	s9 =	sshra.s32 s28, $0x1F  }
0x9ad: {  	v51 =	vld [tilespmem:$0x1FF00];
	v22 =	vsel vm0, s30, v0;
	v0 =	vsel vm6, s26, v16;
	v16 =	vmov s9  }
0x9ae: {  	(v2sf) =	vpush v14, $0x0;
	v16 =	vsel vm4, s31, v16  }
0x9af: {  	(v2sf) =	vpush v14, $0x1;
	v16 =	vsel vm15, s20, v16  }
0x9b0: {  	s24 =	smul.u32 $0x431BDE83, s11;
	v16 =	vsel vm1, s22, v16  }
0x9b1: {  	(v2sf) =	vpush v14, $0x2;
	s12 =	sshra.s32 s21, $0x12;
	s11 =	sshra.s32 s21, $0x1F;
	s21 =	smul.u32 $0x431BDE83, s10;
	v16 =	vsel vm3, s0, v16  }
0x9b2: {  	v52 =	vld [tilespmem:$0x1E7];
	v50 =	vcombine.low v51, v50;
	s5 =	sshra.s32 s5, $0x12;
	v48 =	vmov s14;
	s30 =	spop (v2sf);
	s26 =	rddreg [dreg:$0x10];
	v16 =	vsel vm2, s15, v16  }
0x9b3: {  	v51 =	vld [tilespmem:$0x1FF10];
	(v2sf) =	vpush v14, $0x3;
	v48 =	vsel vm1, s7, v48;
	s14 =	smulhi.u32 $0x431BDE83, s30;
	s29 =	sshrl.u32 s26, $0x1F;
	s10 =	sshra.s32 s26, $0x12;
	v16 =	vsel vm9, s19, v16  }
0x9b4: {  	v48 =	vsel vm2, s2, v48;
	s8 =	sshra.s32 s26, $0x1F;
	s26 =	sshra.s32 s30, $0x1F;
	v0 =	vsel vm7, s29, v0;
	s20 =	sshrl.u32 s28, $0x1F;
	v54 =	vsel vm0, s18, v16  }
0x9b5: {  	s9 =	sshra.s32 s28, $0x12;
	s7 =	smul.u32 $0x431BDE83, s26;
	s29 =	spop (v2sf);
	v16 =	vsel vm14, s20, v0;
	v0 =	vsel vm0, s6, v48;
	v48 =	vsel vm11, s17, v54;
	v54 =	vld [tilespmem:$0x1E8]  }
0x9b6: {  	(v2sf) =	vpush v14, $0x4;
	s2 =	sadd.s32 s21, s25;
	s22 =	smulhi.u32 $0x431BDE83, s29;
	s26 =	sshra.s32 s29, $0x1F  }
0x9b7: {  	s30 =	spop (v2sf);
	s0 =	sadd.s32 s24, s23;
	s23 =	smul.u32 $0x431BDE83, s26  }
0x9b8: {  	v52 =	vmul.u32 $0x1F, v52;
	v51 =	vcombine.low v15, v51;
	v40 =	vcombine.low v40, v31;
	s29 =	rddreg [dreg:$0xf];
	s24 =	smulhi.u32 $0x431BDE83, s30;
	s31 =	sshra.s32 s30, $0x1F  }
0x9b9: {  	(v2sf) =	vpush v14, $0x5;
	s30 =	spop (v2sf);
	s15 =	sshrl.u32 s29, $0x1F;
	s28 =	smul.u32 $0x431BDE83, s31;
	v15 =	vsel vm5, s16, v48;
	v48 =	vmov s5  }
0x9ba: {  	s25 =	smulhi.u32 $0x431BDE83, s30;
	s21 =	sshra.s32 s30, $0x1F;
	s31 =	spop (v2sf);
	v31 =	vsel vm1, s4, v48;
	v48 =	vsel vm13, s13, v15;
	v15 =	vadd.s32 v54, v52;
	v52 =	vld [tilespmem:$0x1FF20]  }
0x9bb: {  	v40 =	vperm.xlane v40, v55;
	v44 =	vcombine.low v47, v44;
	(v2sf) =	vpush v14, $0x6;
	s18 =	sshrl.u32 s0, $0x1F;
	s20 =	smul.u32 $0x431BDE83, s21;
	s6 =	sadd.s32 s7, s14  }
0x9bc: {  	v32 =	vperm.xlane v32, v2;
	v30 =	vcombine.low v30, v33;
	s14 =	smulhi.u32 $0x431BDE83, s31;
	s21 =	sshra.s32 s31, $0x1F;
	s7 =	sadd.s32 s23, s22  }
0x9bd: {  	v53 =	vmul.u32 $0xF4240, v49;
	v44 =	vperm.xlane v44, v55;
	v35 =	vperm.xlane v35, v2;
	s23 =	spop (v2sf);
	s17 =	sshrl.u32 s2, $0x1F;
	s21 =	smul.u32 $0x431BDE83, s21  }
0x9be: {  	v30 =	vperm.xlane v30, v55;
	v45 =	vperm.xlane v45, v2;
	(v2sf) =	vpush v14, $0x7;
	s26 =	smulhi.u32 $0x431BDE83, s23;
	s30 =	sshra.s32 s23, $0x1F;
	s31 =	spop (v2sf)  }
0x9bf: {  	v3 =	vsub.s32 v3, v53;
	s16 =	sshrl.u32 s6, $0x1F;
	s22 =	smul.u32 $0x431BDE83, s30;
	s5 =	sadd.s32 s28, s24;
	v54 =	vperm.xlane v50, v55;
	v49 =	vperm.xlane v52, v2  }
0x9c0: {  	v44 =	vsel vm8, v32, v44;
	v34 =	vperm.xlane v34, v2;
	v1 =	vcombine.low v58, v1;
	s24 =	smulhi.u32 $0x431BDE83, s31;
	s30 =	spop (v2sf);
	s13 =	sshra.s32 s31, $0x1F  }
0x9c1: {  	v39 =	vcombine.low v39, v43;
	s4 =	sshrl.u32 s7, $0x1F;
	v31 =	vsel vm2, s3, v31;
	s3 =	sshrl.u32 s5, $0x1F;
	s28 =	smul.u32 $0x431BDE83, s13;
	v47 =	vsel vm8, v49, v54;
	v54 =	vld [tilespmem:$0x1FF40]  }
0x9c2: {  	v46 =	vperm.xlane v46, v2;
	v1 =	vperm.xlane v1, v55;
	v48 =	vsel vm6, s12, v48;
	s12 =	sadd.s32 s20, s25;
	s20 =	smulhi.u32 $0x431BDE83, s30;
	s13 =	sshra.s32 s30, $0x1F  }
0x9c3: {  	v53 =	vld [tilespmem:$0x1FF30];
	v28 =	vcombine.low v28, v61;
	v27 =	vperm.xlane v27, v2;
	s31 =	spop (v2sf);
	s5 =	sshra.s32 s5, $0x12;
	v31 =	vsel vm0, s1, v31;
	s1 =	smul.u32 $0x431BDE83, s13  }
0x9c4: {  	vm15 =	vmmov vm13;
	v48 =	vsel vm12, s11, v48;
	s13 =	sadd.s32 s21, s14;
	s21 =	smulhi.u32 $0x431BDE83, s31;
	s25 =	sshra.s32 s31, $0x1F;
	(v2sf) =	vpush v15, $0xD  }
0x9c5: {  	s14 =	sadd.s32 s22, s26;
	v50 =	vperm.xlane v51, v55;
	s22 =	smul.u32 $0x431BDE83, s25;
	s25 =	spop (v2sf);
	v48 =	vsel vm7, s10, v48;
	(v2sf) =	vpush v15, $0xC  }
0x9c6: {  	s11 =	sshrl.u32 s12, $0x1F;
	s10 =	sshrl.u32 s13, $0x1F;
	s23 =	sshra.s32 s25, $0x1F;
	v48 =	vsel vm10, s8, v48;
	(v2sf) =	vpush v15, $0xE;
	v51 =	vperm.xlane v54, v2  }
0x9c7: {  	s8 =	sshrl.u32 s14, $0x1F;
	s23 =	smul.u32 $0x431BDE83, s23;
	v32 =	vsel vm14, s9, v48;
	s21 =	sadd.s32 s22, s21;
	(v2sf) =	vpush v15, $0xF;
	v52 =	vmov s18  }
0x9c8: {  	s22 =	sshra.s32 s29, $0x12;
	s29 =	sshra.s32 s0, $0x12;
	s26 =	spop (v2sf);
	(v2sf) =	vpush v15, $0x9;
	v49 =	vperm.xlane v53, v2;
	v40 =	vsel vm8, v51, v40  }
0x9c9: {  	s19 =	smulhi.u32 $0x431BDE83, s26;
	(v2sf) =	vpush v15, $0x8;
	v53 =	vsel vm1, s15, v52;
	s15 =	sadd.s32 s28, s24;
	s28 =	sshra.s32 s26, $0x1F;
	v40 =	vadd.s32 v40, v44  }
0x9ca: {  	s0 =	sshra.s32 s13, $0x12;
	s30 =	spop (v2sf);
	s9 =	smul.u32 $0x431BDE83, s28;
	v49 =	vsel vm8, v49, v50;
	v54 =	vsel vm2, s17, v53;
	v53 =	vmul.u32 $0xF4240, v40  }
0x9cb: {  	vm3 =	vcmask $0x704;
	s13 =	sshra.s32 s14, $0x1F;
	s18 =	smulhi.u32 $0x431BDE83, s25;
	s31 =	sshra.s32 s30, $0x1F;
	(v2sf) =	vpush v15, $0xA;
	v47 =	vadd.s32 v47, v49  }
0x9cc: {  	s26 =	smul.u32 $0x431BDE83, s31;
	s25 =	sshrl.u32 s15, $0x1F;
	s9 =	sadd.s32 s9, s19;
	v52 =	vmul.u32 $0xF4240, v47;
	v47 =	vmov s3;
	v7 =	vsub.s32 v7, v53;
	v53 =	vld [tilespmem:$0x1FF50]  }
0x9cd: {  	vm11 =	vcmask $0xF0C;
	(v2sf) =	vpush v15, $0xB;
	s17 =	sadd.s32 s1, s20;
	s1 =	smulhi.u32 $0x431BDE83, s30;
	s30 =	spop (v2sf);
	v47 =	vsel vm1, s4, v47  }
0x9ce: {  	vm13 =	vlt.s32 v3, $0x0;
	s20 =	sadd.s32 s23, s18;
	(v2sf) =	vpush v15, $0x0;
	s31 =	smulhi.u32 $0x431BDE83, s30;
	s28 =	sshra.s32 s30, $0x1F;
	v47 =	vsel vm2, s11, v47  }
0x9cf: {  	s23 =	sshrl.u32 s21, $0x1F;
	s24 =	sshrl.u32 s17, $0x1F;
	s30 =	smul.u32 $0x431BDE83, s28;
	v33 =	vsel vm0, s10, v47;
	v40 =	vsel vm0, s16, v54;
	v54 =	vmov s8  }
0x9d0: {  	s19 =	sshrl.u32 s20, $0x1F;
	s10 =	sshra.s32 s21, $0x12;
	v44 =	vsub.s32 v4, v52;
	v52 =	vadd.s32 $0xF4240, v3;
	s8 =	sadd.s32 s26, s1;
	v48 =	vnsel vm4, $0x0, v54  }
0x9d1: {  	vm12 =	vlt.s32 v44, $0x0;
	s26 =	sshrl.u32 s9, $0x1F;
	s3 =	sadd.s32 s30, s31;
	s30 =	sshra.s32 s2, $0x12;
	v48 =	vsel vm1, s25, v48;
	v37 =	vcombine.low v37, v53;
	v53 =	vld [tilespmem:$0x1FF60]  }
0x9d2: {  	v4 =	vsel vm13, v52, v3;
	s16 =	sshra.s32 s6, $0x12;
	s2 =	sshra.s32 s7, $0x12;
	s1 =	sshra.s32 s12, $0x12;
	v54 =	vadd.s32 $0xF4240, v44;
	v48 =	vsel vm2, s24, v48  }
0x9d3: {  	s31 =	sshra.s32 s14, $0x12;
	s7 =	sshra.s32 s3, $0x1F;
	s25 =	spop (v2sf);
	v3 =	vsel vm12, v54, v44;
	(v2sf) =	vpush v15, $0x1;
	v48 =	vsel vm0, s23, v48  }
0x9d4: {  	s12 =	sshra.s32 s15, $0x12;
	s14 =	sshra.s32 s15, $0x1F;
	s15 =	sshra.s32 s17, $0x12;
	v51 =	vmov s7;
	vm13 =	vlt.s32 v7, $0x0;
	v48 =	vsel vm5, s19, v48  }
0x9d5: {  	s17 =	sshra.s32 s17, $0x1F;
	s28 =	sshrl.u32 s8, $0x1F;
	v52 =	vadd.s32 $0xF4240, v7;
	s24 =	spop (v2sf);
	v54 =	vsel vm6, s26, v48;
	v48 =	vsel vm8, v35, v30  }
0x9d6: {  	s7 =	sshra.s32 s20, $0x1F;
	s11 =	smulhi.u32 $0x431BDE83, s24;
	s19 =	sshra.s32 s21, $0x1F;
	v30 =	vsel vm4, s31, v51;
	v37 =	vperm.xlane v37, v55;
	v44 =	vperm.xlane v53, v2  }
0x9d7: {  	(v2sf) =	vpush v15, $0x2;
	v7 =	vsel vm13, v52, v7;
	s21 =	sshra.s32 s20, $0x12;
	s20 =	smulhi.u32 $0x431BDE83, s25;
	s26 =	sshra.s32 s25, $0x1F;
	v30 =	vsel vm3, s13, v30  }
0x9d8: {  	s18 =	sshrl.u32 s3, $0x1F;
	v52 =	vsel vm7, s28, v54;
	s4 =	smul.u32 $0x431BDE83, s26;
	s28 =	spop (v2sf);
	v30 =	vsel vm1, s12, v30;
	v44 =	vsel vm8, v44, v37;
	v37 =	vld [tilespmem:$0x1F7]  }
0x9d9: {  	v19 =	vcombine.low v18, v19;
	s6 =	sshra.s32 s9, $0x12;
	v35 =	vsel vm14, s18, v52;
	s18 =	smulhi.u32 $0x431BDE83, s28;
	s23 =	sshra.s32 s28, $0x1F;
	v30 =	vsel vm11, s14, v30  }
0x9da: {  	vm13 =	vcmask $0x1714;
	(v2sf) =	vpush v15, $0x3;
	v54 =	vld [tilespmem:$0x1F8];
	s13 =	sshra.s32 s9, $0x1F;
	s31 =	spop (v2sf);
	s23 =	smul.u32 $0x431BDE83, s23;
	v30 =	vsel vm2, s15, v30  }
0x9db: {  	(v2sf) =	vpush v15, $0x4;
	s26 =	spop (v2sf);
	v30 =	vsel vm13, s17, v30;
	s17 =	smulhi.u32 $0x431BDE83, s31;
	v53 =	vmov s29;
	s29 =	sshra.s32 s24, $0x1F  }
0x9dc: {  	v19 =	vperm.xlane v19, v55;
	v17 =	vperm.xlane v17, v2;
	s28 =	spop (v2sf);
	v47 =	vsel vm1, s22, v53;
	s24 =	smul.u32 $0x431BDE83, s29;
	s29 =	sshra.s32 s31, $0x1F  }
0x9dd: {  	(v2sf) =	vpush v15, $0x5;
	s4 =	sadd.s32 s4, s20;
	v47 =	vsel vm2, s30, v47;
	s30 =	spop (v2sf);
	s31 =	smul.u32 $0x431BDE83, s29;
	v52 =	vmul.u32 $0x1F, v37  }
0x9de: {  	v21 =	vperm.xlane v21, v2;
	v50 =	vld [tilespmem:$0x1FF70];
	v49 =	vmov s5;
	(v2sf) =	vpush v15, $0x6;
	s5 =	sadd.s32 s23, s18;
	s23 =	smulhi.u32 $0x431BDE83, s30;
	s30 =	sshra.s32 s30, $0x1F  }
0x9df: {  	v17 =	vsel vm8, v17, v19;
	v53 =	vsel vm0, s10, v30;
	s20 =	spop (v2sf);
	s9 =	sadd.s32 s31, s17;
	s31 =	smul.u32 $0x431BDE83, s30;
	v30 =	vadd.s32 v54, v52;
	v54 =	vld [tilespmem:$0x1FF80]  }
0x9e0: {  	v16 =	vperm.xlane v16, v2;
	v0 =	vcombine.low v31, v0;
	vm12 =	vcmask $0x1F1C;
	s25 =	smulhi.u32 $0x431BDE83, s20;
	s20 =	sshra.s32 s20, $0x1F  }
0x9e1: {  	v51 =	vld [tilespmem:$0x1FF90];
	s12 =	sshra.s32 s8, $0x1F;
	(v2sf) =	vpush v15, $0x7;
	v44 =	vadd.s32 v44, v48;
	v48 =	vcombine.low v62, v57;
	s20 =	smul.u32 $0x431BDE83, s20  }
0x9e2: {  	v0 =	vperm.xlane v0, v55;
	s14 =	sshra.s32 s8, $0x12;
	s8 =	sshra.s32 s26, $0x1F;
	v57 =	vld [tilespmem:$0x1FFC0];
	v37 =	vsel vm0, s16, v47;
	v47 =	vsel vm12, s19, v53;
	s19 =	smulhi.u32 $0x431BDE83, s26  }
0x9e3: {  	s15 =	sshra.s32 s3, $0x12;
	s22 =	spop (v2sf);
	v44 =	vmul.u32 $0xF4240, v44;
	v48 =	vperm.xlane v48, v55;
	s26 =	smulhi.u32 $0x431BDE83, s28;
	v52 =	vld [tilespmem:$0x1FFA0];
	(v2sf) =	vpush v30, $0xD  }
0x9e4: {  	v49 =	vsel vm1, s2, v49;
	s2 =	sshrl.u32 s5, $0x1F;
	s28 =	sshra.s32 s28, $0x1F;
	v47 =	vsel vm5, s21, v47;
	s21 =	smul.u32 $0x431BDE83, s8;
	v50 =	vcombine.low v54, v50;
	v54 =	vld [tilespmem:$0x1FFB0]  }
0x9e5: {  	v49 =	vsel vm2, s1, v49;
	s3 =	sshrl.u32 s9, $0x1F;
	v5 =	vsub.s32 v5, v44;
	v34 =	vsel vm8, v34, v48;
	s8 =	sadd.s32 s24, s11;
	s29 =	smul.u32 $0x431BDE83, s28  }
0x9e6: {  	vm9 =	vlt.s32 v5, $0x0;
	s24 =	spop (v2sf);
	s28 =	sshra.s32 s22, $0x1F;
	s11 =	sadd.s32 s31, s23;
	v47 =	vsel vm15, s7, v47;
	(v2sf) =	vpush v30, $0xC  }
0x9e7: {  	s18 =	sshrl.u32 s8, $0x1F;
	vm15 =	vcmask $0x2F2C;
	s10 =	sadd.s32 s29, s26;
	v47 =	vsel vm6, s6, v47;
	s29 =	spop (v2sf);
	(v2sf) =	vpush v30, $0xE  }
0x9e8: {  	s30 =	smul.u32 $0x431BDE83, s28;
	s8 =	sshra.s32 s8, $0x12;
	s7 =	sadd.s32 s21, s19;
	(v2sf) =	vpush v30, $0xF;
	v51 =	vcombine.low v52, v51;
	v52 =	vperm.xlane v57, v2  }
0x9e9: {  	s26 =	smulhi.u32 $0x431BDE83, s22;
	s6 =	sadd.s32 s20, s25;
	s31 =	spop (v2sf);
	v57 =	vsel vm15, s13, v47;
	(v2sf) =	vpush v30, $0x9;
	v36 =	vcombine.low v36, v54;
	v54 =	vld [tilespmem:$0x1FFD0]  }
0x9ea: {  	s20 =	smulhi.u32 $0x431BDE83, s24;
	s24 =	sshra.s32 s24, $0x1F;
	s19 =	spop (v2sf);
	v47 =	vadd.s32 $0xF4240, v5;
	vm15 =	vcmask $0x3734;
	(v2sf) =	vpush v30, $0x8  }
0x9eb: {  	s25 =	smul.u32 $0x431BDE83, s24;
	s13 =	sadd.s32 s30, s26;
	s26 =	sshra.s32 s29, $0x1F;
	v5 =	vsel vm9, v47, v5;
	v50 =	vperm.xlane v50, v55;
	v36 =	vperm.xlane v36, v55  }
0x9ec: {  	s16 =	sshrl.u32 s4, $0x1F;
	s17 =	spop (v2sf);
	s28 =	smul.u32 $0x431BDE83, s26;
	v47 =	vmov s8;
	v62 =	vperm.xlane v51, v55;
	(v2sf) =	vpush v30, $0xA  }
0x9ed: {  	s4 =	sshra.s32 s4, $0x12;
	s24 =	spop (v2sf);
	s26 =	smulhi.u32 $0x431BDE83, s19;
	(v2sf) =	vpush v30, $0xB;
	v50 =	vsel vm8, v52, v50;
	v36 =	vsel vm8, v45, v36  }
0x9ee: {  	s23 =	sshrl.u32 s7, $0x1F;
	s30 =	sshra.s32 s31, $0x1F;
	s1 =	smulhi.u32 $0x431BDE83, s24;
	v45 =	vsel vm7, s14, v57;
	v51 =	vperm.xlane v54, v2;
	v36 =	vadd.s32 v36, v34  }
0x9ef: {  	v34 =	vsel vm0, s0, v49;
	s0 =	sshrl.u32 s13, $0x1F;
	v45 =	vsel vm15, s12, v45;
	s12 =	sadd.s32 s25, s20;
	s25 =	smul.u32 $0x431BDE83, s30;
	v52 =	vmul.u32 $0xF4240, v36  }
0x9f0: {  	s20 =	spop (v2sf);
	s30 =	sshra.s32 s17, $0x1F;
	v57 =	vmov s0;
	v44 =	vsel vm8, v51, v62;
	v62 =	vmov s18;
	s18 =	smulhi.u32 $0x431BDE83, s29  }
0x9f1: {  	v36 =	vsel vm14, s15, v45;
	s22 =	sshrl.u32 s12, $0x1F;
	v37 =	vcombine.low v34, v37;
	s29 =	smulhi.u32 $0x431BDE83, s31;
	s31 =	sshrl.u32 s10, $0x1F;
	v48 =	vnsel vm4, $0x0, v57  }
0x9f2: {  	s0 =	smulhi.u32 $0x431BDE83, s17;
	v44 =	vadd.s32 v50, v44;
	v53 =	vsel vm1, s16, v62;
	s16 =	spop (v2sf);
	v49 =	vmov s31;
	s31 =	sshrl.u32 s11, $0x1F  }
0x9f3: {  	(v2sf) =	vpush v30, $0x0;
	v62 =	vperm.xlane v39, v55;
	s15 =	sadd.s32 s28, s18;
	s28 =	sshra.s32 s19, $0x1F;
	v45 =	vsel vm1, s23, v49;
	s23 =	smul.u32 $0x431BDE83, s30  }
0x9f4: {  	v39 =	vsel vm1, s22, v48;
	v50 =	vperm.xlane v38, v2;
	v48 =	vsel vm1, s4, v47;
	s14 =	sadd.s32 s25, s29;
	s30 =	sshra.s32 s20, $0x1F;
	s18 =	smul.u32 $0x431BDE83, s28  }
0x9f5: {  	v44 =	vmul.u32 $0xF4240, v44;
	v54 =	vsel vm2, s2, v53;
	s21 =	spop (v2sf);
	s29 =	sshrl.u32 s15, $0x1F;
	v51 =	vsel vm2, s31, v45;
	s31 =	smul.u32 $0x431BDE83, s30  }
0x9f6: {  	(v2sf) =	vpush v30, $0x1;
	s25 =	sshra.s32 s24, $0x1F;
	v49 =	vcombine.low v63, v59;
	s22 =	sshrl.u32 s14, $0x1F;
	v39 =	vsel vm2, s29, v39;
	s29 =	smulhi.u32 $0x431BDE83, s20  }
0x9f7: {  	v38 =	vsel vm0, s3, v54;
	(v2sf) =	vpush v30, $0x2;
	v54 =	vsel vm8, v46, v62;
	s3 =	sadd.s32 s23, s0;
	s23 =	sshra.s32 s13, $0x12;
	s2 =	sadd.s32 s18, s26  }
0x9f8: {  	v6 =	vsub.s32 v6, v44;
	v44 =	vsub.s32 v9, v52;
	s26 =	sshrl.u32 s6, $0x1F;
	v52 =	vsel vm0, s22, v39;
	s18 =	smul.u32 $0x431BDE83, s25;
	s22 =	spop (v2sf)  }
0x9f9: {  	v1 =	vsel vm8, v50, v1;
	v62 =	vcombine.low v56, v42;
	v50 =	vperm.xlane v41, v2;
	s24 =	sshrl.u32 s3, $0x1F;
	s28 =	sshrl.u32 s2, $0x1F;
	s20 =	spop (v2sf)  }
0x9fa: {  	v56 =	vcombine.low v25, v26;
	(v2sf) =	vpush v30, $0x3;
	v1 =	vadd.s32 v54, v1;
	s0 =	sadd.s32 s31, s29;
	s29 =	sshra.s32 s9, $0x12;
	s9 =	sshra.s32 s7, $0x12  }
0x9fb: {  	vm9 =	vlt.s32 v6, $0x0;
	v57 =	vadd.s32 $0xF4240, v6;
	vm15 =	vlt.s32 v44, $0x0;
	s31 =	sshra.s32 s10, $0x12;
	s10 =	sshra.s32 s11, $0x12;
	s11 =	smulhi.u32 $0x431BDE83, s16  }
0x9fc: {  	v58 =	vadd.s32 $0xF4240, v44;
	v59 =	vperm.xlane v56, v55;
	v39 =	vsel vm0, s26, v51;
	s1 =	sadd.s32 s18, s1;
	s19 =	spop (v2sf);
	s26 =	sshrl.u32 s0, $0x1F  }
0x9fd: {  	v9 =	vsel vm9, v57, v6;
	v53 =	vsel vm5, s28, v52;
	s28 =	sshra.s32 s5, $0x12;
	s30 =	sshra.s32 s0, $0x1F;
	v54 =	vmov s31;
	s31 =	sshra.s32 s6, $0x12  }
0x9fe: {  	v6 =	vsel vm15, v58, v44;
	v44 =	vperm.xlane v62, v55;
	v43 =	vsel vm6, s24, v53;
	s18 =	spop (v2sf);
	s25 =	sshrl.u32 s1, $0x1F;
	s24 =	sshra.s32 s13, $0x1F  }
0x9ff: {  	v51 =	vperm.xlane v60, v2;
	v57 =	vperm.xlane v28, v55;
	v45 =	vsel vm2, s28, v48;
	s28 =	sshra.s32 s21, $0x1F;
	s13 =	smulhi.u32 $0x431BDE83, s22;
	s17 =	spop (v2sf)  }
0xa00: {  	v52 =	vmov s30;
	v43 =	vsel vm7, s25, v43;
	v41 =	vsel vm0, s29, v45;
	s25 =	sshra.s32 s12, $0x12;
	s29 =	sshra.s32 s16, $0x1F;
	s30 =	smul.u32 $0x431BDE83, s28  }
0xa01: {  	v58 =	vperm.xlane v29, v2;
	v53 =	vsel vm4, s23, v52;
	s12 =	sshra.s32 s12, $0x1F;
	s23 =	sshra.s32 s22, $0x1F;
	v42 =	vsel vm14, s26, v43;
	s26 =	smulhi.u32 $0x431BDE83, s21  }
0xa02: {  	v1 =	vmul.u32 $0xF4240, v1;
	v60 =	vcombine.low v20, v24;
	v29 =	vcombine.low v33, v40;
	s28 =	sshra.s32 s14, $0x12;
	s14 =	sshra.s32 s14, $0x1F;
	s4 =	smul.u32 $0x431BDE83, s29  }
0xa03: {  	(v2sf) =	vpush v30, $0x4;
	v62 =	vsel vm1, s9, v54;
	s8 =	spop (v2sf);
	v46 =	vsel vm3, s24, v53;
	s24 =	sshra.s32 s15, $0x12;
	s16 =	smul.u32 $0x431BDE83, s23  }
0xa04: {  	v44 =	vsel vm8, v50, v44;
	(v2sf) =	vpush v30, $0x5;
	v48 =	vsel vm2, s10, v62;
	s15 =	sshra.s32 s15, $0x1F;
	s23 =	smulhi.u32 $0x431BDE83, s17;
	s5 =	spop (v2sf)  }
0xa05: {  	v50 =	vsel vm0, s31, v48;
	s31 =	sshra.s32 s2, $0x12;
	v46 =	vsel vm1, s25, v46;
	s25 =	smulhi.u32 $0x431BDE83, s20;
	s7 =	spop (v2sf);
	(v2sf) =	vpush v30, $0x6  }
0xa06: {  	v33 =	vperm.xlane v32, v2;
	v40 =	vperm.xlane v36, v2;
	s6 =	sadd.s32 s30, s26;
	s26 =	sshra.s32 s20, $0x1F;
	s30 =	smulhi.u32 $0x431BDE83, s18;
	(v2sf) =	vpush v30, $0x7  }
0xa07: {  	v1 =	vsub.s32 v8, v1;
	v56 =	vsel vm8, v27, v59;
	v38 =	vcombine.low v39, v38;
	s17 =	sshra.s32 s17, $0x1F;
	s18 =	sshra.s32 s18, $0x1F;
	s20 =	smul.u32 $0x431BDE83, s26  }
0xa08: {  	v39 =	vperm.xlane v35, v2;
	vm15 =	vlt.s32 v1, $0x0;
	v61 =	vsel vm11, s12, v46;
	s12 =	sadd.s32 s4, s11;
	s16 =	sadd.s32 s16, s13;
	s18 =	smul.u32 $0x431BDE83, s18  }
0xa09: {  	v63 =	vperm.xlane v60, v55;
	v0 =	vsel vm8, v33, v0;
	v20 =	vsel vm2, s24, v61;
	s29 =	sshrl.u32 s6, $0x1F;
	s11 =	sshrl.u32 s12, $0x1F;
	s26 =	smulhi.u32 $0x431BDE83, s8  }
0xa0a: {  	v43 =	vperm.xlane v49, v55;
	s24 =	sshrl.u32 s16, $0x1F;
	v47 =	vsel vm13, s15, v20;
	s15 =	smulhi.u32 $0x431BDE83, s19;
	s19 =	sshra.s32 s19, $0x1F;
	v52 =	vmov s29  }
0xa0b: {  	v49 =	vadd.s32 $0xF4240, v1;
	v21 =	vsel vm8, v21, v63;
	s6 =	sshra.s32 s6, $0x12;
	s19 =	smul.u32 $0x431BDE83, s19;
	v53 =	vsel vm1, s11, v52;
	s11 =	sadd.s32 s20, s25  }
0xa0c: {  	v17 =	vadd.s32 v21, v17;
	v43 =	vsel vm8, v51, v43;
	v8 =	vsel vm0, s28, v47;
	s25 =	smul.u32 $0x431BDE83, s17;
	s13 =	sadd.s32 s18, s30;
	s28 =	sshra.s32 s8, $0x1F  }
0xa0d: {  	v18 =	vcombine.low v50, v41;
	v43 =	vadd.s32 v44, v43;
	s12 =	sshra.s32 s12, $0x12;
	v51 =	vsel vm12, s14, v8;
	s29 =	sshrl.u32 s13, $0x1F;
	s18 =	smul.u32 $0x431BDE83, s28  }
0xa0e: {  	v8 =	vsel vm15, v49, v1;
	v1 =	vsel vm8, v58, v57;
	s8 =	sadd.s32 s19, s15;
	v57 =	vsel vm5, s31, v51;
	s19 =	smulhi.u32 $0x431BDE83, s5;
	s31 =	sshra.s32 s5, $0x1F  }
0xa0f: {  	v17 =	vmul.u32 $0xF4240, v17;
	v46 =	vperm.xlane v42, v2;
	v54 =	vmul.u32 $0xF4240, v43;
	s21 =	sshrl.u32 s11, $0x1F;
	s15 =	sadd.s32 s25, s23;
	s22 =	smul.u32 $0x431BDE83, s31  }
0xa10: {  	v44 =	vperm.xlane v38, v55;
	v58 =	vsel vm2, s24, v53;
	v1 =	vadd.s32 v1, v56;
	s9 =	spop (v2sf);
	s30 =	sshrl.u32 s8, $0x1F;
	s24 =	smulhi.u32 $0x431BDE83, s7  }
0xa11: {  	v18 =	vperm.xlane v18, v55;
	v10 =	vsub.s32 v10, v54;
	v1 =	vmul.u32 $0xF4240, v1;
	s7 =	sshra.s32 s7, $0x1F;
	s14 =	sadd.s32 s18, s26;
	s10 =	spop (v2sf)  }
0xa12: {  	v13 =	vsub.s32 v13, v17;
	v31 =	vmov s6;
	vm9 =	vlt.s32 v10, $0x0;
	s25 =	sshrl.u32 s15, $0x1F;
	s26 =	smul.u32 $0x431BDE83, s7;
	s4 =	spop (v2sf)  }
0xa13: {  	v59 =	vmov s29;
	v63 =	vsel vm0, s21, v58;
	s29 =	smulhi.u32 $0x431BDE83, s9;
	s9 =	sshra.s32 s9, $0x1F;
	v1 =	vsub.s32 v11, v1;
	s5 =	spop (v2sf)  }
0xa14: {  	v21 =	vsel vm1, s30, v59;
	s28 =	sshrl.u32 s14, $0x1F;
	s9 =	smul.u32 $0x431BDE83, s9;
	vm15 =	vlt.s32 v1, $0x0;
	v61 =	vadd.s32 $0xF4240, v1;
	s7 =	spop (v2sf)  }
0xa15: {  	s30 =	smulhi.u32 $0x431BDE83, s10;
	s10 =	sshra.s32 s10, $0x1F;
	v62 =	vsel vm15, v61, v1;
	vm15 =	vlt.s32 v13, $0x0;
	v1 =	vadd.s32 $0xF4240, v13;
	s31 =	spop (v2sf)  }
0xa16: {  	s21 =	sadd.s32 s22, s19;
	v13 =	vsel vm15, v1, v13;
	v1 =	vcombine.low v22, v23;
	v22 =	vsel vm1, s12, v31;
	s18 =	smulhi.u32 $0x431BDE83, s31;
	s12 =	sshra.s32 s31, $0x1F  }
0xa17: {  	v60 =	vadd.s32 $0xF4240, v10;
	v28 =	vsel vm2, s25, v21;
	v21 =	vperm.xlane v29, v55;
	s22 =	sadd.s32 s26, s24;
	s24 =	sshra.s32 s13, $0x12;
	s12 =	smul.u32 $0x431BDE83, s12  }
0xa18: {  	s16 =	sshra.s32 s16, $0x12;
	s8 =	sshra.s32 s8, $0x12;
	v11 =	vsel vm9, v60, v10;
	v20 =	vsel vm0, s28, v28;
	s10 =	smul.u32 $0x431BDE83, s10;
	v43 =	vmov s24  }
0xa19: {  	s28 =	sshra.s32 s15, $0x12;
	s17 =	sadd.s32 s9, s29;
	v21 =	vsel vm8, v39, v21;
	v17 =	vcombine.low v20, v63;
	v23 =	vsel vm1, s8, v43;
	s6 =	sadd.s32 s12, s18  }
0xa1a: {  	s9 =	sadd.s32 s10, s30;
	s30 =	sshrl.u32 s21, $0x1F;
	vm15 =	vcmask $0x2724;
	v22 =	vsel vm2, s16, v22;
	v1 =	vperm.xlane v1, v55;
	s25 =	sshra.s32 s6, $0x1F  }
0xa1b: {  	s2 =	sshra.s32 s2, $0x1F;
	s26 =	sshra.s32 s21, $0x12;
	v47 =	vsel vm2, s28, v23;
	v51 =	vmov s30;
	v45 =	vmov s25  }
0xa1c: {  	s23 =	sshra.s32 s11, $0x12;
	s29 =	sshra.s32 s21, $0x1F;
	v19 =	vsel vm15, s2, v57;
	v1 =	vsel vm8, v16, v1;
	v24 =	vsel vm4, s26, v45  }
0xa1d: {  	s20 =	smulhi.u32 $0x431BDE83, s4;
	s4 =	sshra.s32 s4, $0x1F;
	s16 =	sshra.s32 s22, $0x12;
	v0 =	vadd.s32 v1, v0;
	v1 =	vperm.xlane v37, v55;
	v48 =	vsel vm3, s29, v24  }
0xa1e: {  	s14 =	sshra.s32 s14, $0x12;
	s19 =	sshra.s32 s22, $0x1F;
	s4 =	smul.u32 $0x431BDE83, s4;
	v58 =	vperm.xlane v17, v55;
	v22 =	vsel vm0, s23, v22;
	v23 =	vsel vm1, s16, v48  }
0xa1f: {  	s10 =	sshra.s32 s3, $0x12;
	s21 =	sshra.s32 s17, $0x12;
	s24 =	smulhi.u32 $0x431BDE83, s5;
	v49 =	vsel vm0, s14, v47;
	v1 =	vsel vm8, v40, v1;
	v50 =	vsel vm11, s19, v23  }
0xa20: {  	s5 =	sshra.s32 s5, $0x1F;
	s23 =	sshra.s32 s17, $0x1F;
	v20 =	vcombine.low v49, v22;
	s4 =	sadd.s32 s4, s20;
	v1 =	vadd.s32 v21, v1;
	v21 =	vsel vm2, s21, v50  }
0xa21: {  	s5 =	smul.u32 $0x431BDE83, s5;
	v19 =	vsel vm6, s10, v19;
	v22 =	vnsel vm4, $0x0, v51;
	s28 =	sshra.s32 s4, $0x12;
	s25 =	sshra.s32 s9, $0x12;
	v21 =	vsel vm13, s23, v21  }
0xa22: {  	v16 =	vsel vm8, v46, v44;
	v59 =	vperm.xlane v20, v55;
	s31 =	sshrl.u32 s22, $0x1F;
	s22 =	sshrl.u32 s9, $0x1F;
	s9 =	sshra.s32 s9, $0x1F;
	v21 =	vsel vm0, s25, v21  }
0xa23: {  	v0 =	vmul.u32 $0xF4240, v0;
	v22 =	vsel vm1, s31, v22;
	s18 =	sshrl.u32 s17, $0x1F;
	s26 =	smulhi.u32 $0x431BDE83, s7;
	s7 =	sshra.s32 s7, $0x1F;
	v21 =	vsel vm12, s9, v21  }
0xa24: {  	s5 =	sadd.s32 s5, s24;
	v1 =	vmul.u32 $0xF4240, v1;
	v22 =	vsel vm2, s18, v22;
	s7 =	smul.u32 $0x431BDE83, s7;
	s29 =	sshra.s32 s4, $0x1F;
	v21 =	vsel vm5, s28, v21  }
0xa25: {  	s3 =	sshra.s32 s3, $0x1F;
	s30 =	sshrl.u32 s4, $0x1F;
	s31 =	sshra.s32 s5, $0x12;
	v22 =	vsel vm0, s22, v22;
	vm4 =	vcmask $0x2F2C;
	v21 =	vsel vm15, s29, v21  }
0xa26: {  	s8 =	sshra.s32 s1, $0x12;
	s10 =	sshra.s32 s5, $0x1F;
	v22 =	vsel vm5, s30, v22;
	v19 =	vsel vm4, s3, v19;
	s2 =	sadd.s32 s7, s26;
	v21 =	vsel vm6, s31, v21  }
0xa27: {  	[tilespmem:$0x328] =	vst v4;
	s1 =	sshra.s32 s1, $0x1F;
	v19 =	vsel vm7, s8, v19;
	s12 =	sshra.s32 s2, $0x12;
	s9 =	sshrl.u32 s5, $0x1F;
	vm5 =	vcmask $0x3734;
	v21 =	vsel vm4, s10, v21  }
0xa28: {  	[tilespmem:$0x338] =	vst v3;
	s0 =	sshra.s32 s0, $0x12;
	s11 =	sshrl.u32 s2, $0x1F;
	s14 =	sshra.s32 s2, $0x1F;
	v53 =	vsel vm6, s9, v22;
	v52 =	vsel vm5, s1, v19;
	v56 =	vsel vm7, s12, v21  }
0xa29: {  	[tilespmem:$0x348] =	vst v7;
	s13 =	sshrl.u32 s6, $0x1F;
	s15 =	sshra.s32 s6, $0x12;
	v54 =	vsel vm7, s11, v53;
	v3 =	vsel vm14, s0, v52;
	v57 =	vsel vm5, s14, v56  }
0xa2a: {  	[tilespmem:$0x358] =	vst v5;
	v4 =	vsel vm14, s13, v54;
	v3 =	vperm.xlane v3, v2;
	v7 =	vsel vm14, s15, v57  }
0xa2b: {  	[tilespmem:$0x368] =	vst v9;
	v0 =	vsub.s32 v12, v0;
	v4 =	vperm.xlane v4, v2;
	v7 =	vperm.xlane v7, v2  }
0xa2c: {  	[tilespmem:$0x378] =	vst v6;
	v61 =	vadd.s32 $0xF4240, v0;
	v1 =	vsub.s32 v14, v1;
	v3 =	vsel vm8, v3, v18  }
0xa2d: {  	[tilespmem:$0x388] =	vst v8;
	v4 =	vsel vm8, v4, v58;
	v3 =	vadd.s32 v16, v3;
	v60 =	vsel vm8, v7, v59  }
0xa2e: {  	[tilespmem:$0x3A8] =	vst v62;
	v62 =	vadd.s32 $0xF4240, v1;
	v3 =	vmul.u32 $0xF4240, v3;
	v4 =	vadd.s32 v4, v60  }
0xa2f: {  	[tilespmem:$0x398] =	vst v11;
	vm13 =	vlt.s32 v1, $0x0;
	vm12 =	vlt.s32 v0, $0x0;
	v4 =	vmul.u32 $0xF4240, v4  }
0xa30: {  	[tilespmem:$0x3B8] =	vst v13;
	s24 =	rddreg [dreg:$0x9];
	v1 =	vsel vm13, v62, v1;
	v0 =	vsel vm12, v61, v0;
	v3 =	vsub.s32 v15, v3  }
0xa31: {  	s17 =	rddreg [dreg:$0x5];
	[tilespmem:$0x3C8] =	vst v0;
	vm14 =	vlt.s32 v3, $0x0;
	v63 =	vadd.s32 $0xF4240, v3;
	v0 =	vsub.s32 v30, v4  }
0xa32: {  	s18 =	rddreg [dreg:$0x6];
	[tilespmem:$0x3D8] =	vst v1;
	v1 =	vsel vm14, v63, v3;
	vm15 =	vlt.s32 v0, $0x0;
	v3 =	vadd.s32 $0xF4240, v0  }
0xa33: {  	s16 =	rddreg [dreg:$0x4];
	[tilespmem:$0x3E8] =	vst v1;
	v0 =	vsel vm15, v3, v0  }
0xa34: {  	s20 =	simm.s32 $0x80;
	s19 =	rddreg [dreg:$0xd];
	s21 =	simm.s32 $0x408;
	[tilespmem:$0x3F8] =	vst v0  }
0xa35: {  	[tilespmem:s21], [sflag:$0x1] =	stream.indirect.gather [hbm4b:s19+s20], $0x20, s16, s20, $0xb8;
	[tilespmem:$0x4408] =	vst v63  }
0xa36: {  	s22 =	rddreg [dreg:$0x7]  }
0xa37: {  	[tilespmem:s17], [sflag:$0x1] =	stream.indirect.gather [hbm4b:s19+s20], $0x20, s18, s20, $0xb8;
	[tilespmem:$0x4408] =	vst v63  }
0xa38: {  	s23 =	rddreg [dreg:$0x8]  }
0xa39: {  	[tilespmem:s22], [sflag:$0x1] =	stream.indirect.gather [hbm4b:s19+s20], $0x20, s23, s20, $0xb8;
	[tilespmem:$0x4408] =	vst v63  }
0xa3a: {  	s25 =	rddreg [dreg:$0xa];
	s28 =	simm.s32 $0x1  }
0xa3b: {  	[tilespmem:s24], [sflag:$0x1] =	stream.indirect.gather [hbm4b:s19+s20], $0x20, s25, s20, $0xb8;
	[tilespmem:$0x4408] =	vst v63  }
0xa3c: {  	s26 =	rddreg [dreg:$0xe];
	_ =	swait.ge [sflag:s28], $0x1000  }
0xa3d: {  	[sflag:s28] =	ssyncset.done $0x0  }
0xa3e: {  	[sflag:s28] =	ssyncadd.s32 $0xFFFFF000  }
0xa3f: {  	_ =	swait.ge [sflag:s28], $0x1000  }
0xa40: {  	[sflag:s28] =	ssyncset.done $0x0  }
0xa41: {  	[sflag:s28] =	ssyncadd.s32 $0xFFFFF000  }
0xa42: {  	_ =	swait.ge [sflag:s28], $0x1000  }
0xa43: {  	[sflag:s28] =	ssyncset.done $0x0  }
0xa44: {  	[sflag:s28] =	ssyncadd.s32 $0xFFFFF000  }
0xa45: {  	s30 =	simm.s32 $0x0;
	s3 =	sadd.s32 $0xFFFFFFFF, s26;
	_ =	swait.ge [sflag:s28], $0x1000  }
0xa46: {  	p1 =	sne.s32 s3, $0x0;
	s31 =	simm.s32 $0x2;
	[sflag:s28] =	ssyncset.done $0x0  }
.Ltmp0:
0xa47: {  	s29 =	rddreg [dreg:$0xb];
	[sflag:s28] =	ssyncadd.s32 $0xFFFFF000;
	(pc) =	sbr.rel @p1 .LBB2_1-.Ltmp0, $4  }
0xa48: {  	[hbm4b:s29+s30] =	stream.linear.scatter [tilespmem:s21], [sflag:$0x2], $0x4000, $0x38;
	[tilespmem:$0x4408] =	vst v63  }
0xa49: {  	_ =	swait.ge [sflag:s31], $0x4000  }
0xa4a: {  	[sflag:s31] =	ssyncset.done $0x0  }
0xa4b: {  	[sflag:s31] =	ssyncadd.s32 $0xFFFFC000  }
0xa4c: {  	_ =	sfence.sel $0x180000  }
0xa4d: {  	[bflag:$0x0] =	sbarrier.arrive $0xFFFF  }
0xa4e: {  	_ =	strace $0x90000047  }
0xa4f: {  	s0 =	stileid.u32;
	[bflag:$0x2] =	sbarrier.arrive $0xFFFF  }
0xa50: {  	p0 =	sne.s32 s0, $0x0;
	s0 =	rddreg [dreg:$0x2]  }
0xa51: {  	s0 =	sadd.s32 @!p0 $0x100000, s0  }
0xa52: {  	[sflag:s0] =	ssyncadd.tile.s32 @!p0 $0x1;
	_ =	shalt  }
.Lfunc_end2:
_tile_overlayer_lowered:
.L_overlay_start_2:
0xa53: {  	(tag) =	ssettag $0x2  }
0xa54: {  	s0 =	rddreg [dreg:$0x0];
	s2 =	stileid.u32  }
0xa55: {  	s1 =	rddreg [dreg:$0x1];
	p0 =	sne.s32 s2, $0x0  }
0xa56: {  	s3 =	rddreg [dreg:$0x2];
	[bflag:$0x3] =	sbarrier.arrive $0xFFFF;
	s2 =	simm.s32 @!p0 $0x1C02  }
0xa57: {  	[timem:s3], [sflag:s2] =	dma.local @!p0 [hbm:s0], s1  }
0xa58: {  	s0 =	simm.s32 @!p0 $0x2  }
0xa59: {  	_ =	swait.ge @!p0 [sflag:s0], s1  }
0xa5a: {  	s1 =	ssub.s32 @!p0 $0x0, s1;
	[sflag:s0] =	ssyncset.done @!p0 $0x0  }
0xa5b: {  	[sflag:s0] =	ssyncadd.s32 @!p0 s1  }
0xa5c: {  	[bflag:$0x3] =	sbarrier.arrive $0xFFFF  }
0xa5d: {  	_ =	shalt  }

</sc_bundles>
